<compile_context>
chip_gen: v7x
topology: tpu7x:2x2x1
jax: 0.10.2.dev20260603
libtpu: 0.0.44.dev20260713+nightly
codegen_flags: <defaults>
</compile_context>

<pallas_src>
import functools

import jax
import jax.numpy as jnp
from jax import lax
from jax.experimental import pallas as pl
from jax.experimental.pallas import tpu as pltpu
from jax.experimental.pallas import tpu_sc as plsc

E = 800000
T = 1600000
EDGE_DIM = 16
HIDDEN = 64


_NC, _NS, _L = 2, 16, 16
_NW = _NC * _NS


def _gather_body(table_hbm, ei_hbm, ek_hbm, g1_hbm, g2_hbm, idx_v, rows_v, sem):
    per_w = T // _NW
    blk = 2000
    n_blk = per_w // blk
    wid = lax.axis_index("s") * _NC + lax.axis_index("c")
    base = wid * per_w

    def body(i, carry):
        off = base + i * blk
        pltpu.sync_copy(ei_hbm.at[pl.ds(off, blk)], idx_v)
        pltpu.async_copy(table_hbm.at[idx_v], rows_v, sem).wait()
        pltpu.sync_copy(rows_v, g1_hbm.at[pl.ds(off, blk)])
        pltpu.sync_copy(ek_hbm.at[pl.ds(off, blk)], idx_v)
        pltpu.async_copy(table_hbm.at[idx_v], rows_v, sem).wait()
        pltpu.sync_copy(rows_v, g2_hbm.at[pl.ds(off, blk)])
        return carry

    lax.fori_loop(0, n_blk, body, 0)


def _sc_gather(table, eij, ekj):
    mesh = plsc.VectorSubcoreMesh(core_axis_name="c", subcore_axis_name="s")
    blk = 2000
    f = pl.kernel(
        _gather_body,
        out_type=(jax.ShapeDtypeStruct((T, EDGE_DIM), jnp.float32),
                  jax.ShapeDtypeStruct((T, EDGE_DIM), jnp.float32)),
        mesh=mesh,
        scratch_types=[
            pltpu.VMEM((blk,), jnp.int32),
            pltpu.VMEM((blk, EDGE_DIM), jnp.float32),
            pltpu.SemaphoreType.DMA,
        ],
        compiler_params=pltpu.CompilerParams(use_tc_tiling_on_sc=False),
    )
    return f(table, eij, ekj)



def _count_body(eij_hbm, out_hbm, idx_v, ones_v, zeros_v, cnt_sh, sem):
    del sem
    c = lax.axis_index("c")
    s = lax.axis_index("s")
    w = s * _NC + c

    def fill1(i, _):
        ones_v[pl.ds(i * 16, 16)] = jnp.full((16,), 1.0, jnp.float32)
        return 0

    def fill0(i, _):
        zeros_v[pl.ds(i * 16, 16)] = jnp.zeros((16,), jnp.float32)
        return 0

    lax.fori_loop(0, 125, fill1, 0)
    lax.fori_loop(0, 625, fill0, 0)
    for z in range(5):
        pltpu.sync_copy(zeros_v, cnt_sh.at[pl.ds(s * 50000 + z * 10000, 10000)])
    plsc.subcore_barrier()
    per_w = T // _NW
    for chunk in range(per_w // 2000):
        pltpu.sync_copy(eij_hbm.at[pl.ds(w * per_w + chunk * 2000, 2000)], idx_v)
        pltpu.sync_copy(ones_v, cnt_sh.at[idx_v], add=True)
    plsc.subcore_barrier()
    pltpu.sync_copy(cnt_sh.at[pl.ds(s * 50000, 50000)],
                    out_hbm.at[c, pl.ds(s * 50000, 50000)])


def _sc_count(eij):
    mesh = plsc.VectorSubcoreMesh(core_axis_name="c", subcore_axis_name="s")
    f = pl.kernel(
        _count_body,
        out_type=jax.ShapeDtypeStruct((2, E), jnp.float32),
        mesh=mesh,
        scratch_types=[
            pltpu.VMEM((2000,), jnp.int32),
            pltpu.VMEM((2000,), jnp.float32),
            pltpu.VMEM((10000,), jnp.float32),
            pltpu.VMEM_SHARED((E,), jnp.float32),
            pltpu.SemaphoreType.DMA,
        ],
        compiler_params=pltpu.CompilerParams(use_tc_tiling_on_sc=False),
    )
    return f(eij)



_CB = 100000
_NPASS = 4
_ACC = 102400
_DUMMY = 100000
_GRP = 5
_LF = 64
_LCAP = _LF + _GRP
_CAPB = 16 * _LCAP
_SIB = 2000


def _scatter_body(eij_hbm, hw_hbm, out_hbm, accum, idx_v, offs_v, ids_v,
                  rows_v, zeros_v, sem):
    c = lax.axis_index("c")
    s = lax.axis_index("s")
    iota = lax.iota(jnp.int32, 16)

    def zfill(i, _):
        zeros_v[i] = jnp.zeros((16,), jnp.float32)
        return 0

    lax.fori_loop(0, 400, zfill, 0)

    def _refill_one(i, _):
        offs_v[pl.ds(i * 16, 16)] = jnp.full((16,), _DUMMY, jnp.int32)
        ids_v[pl.ds(i * 16, 16)] = jnp.zeros((16,), jnp.int32)
        return 0

    def refill():
        lax.fori_loop(0, _CAPB // 16, _refill_one, 0)

    lane_base = iota * _LCAP

    def flush():
        pltpu.async_copy(hw_hbm.at[ids_v], rows_v, sem).wait()
        pltpu.sync_copy(rows_v, accum.at[offs_v], add=True)
        refill()

    for p in range(_NPASS):
        lo = (c * _NPASS + p) * _CB
        for z in range(16):
            pltpu.sync_copy(zeros_v, accum.at[pl.ds(s * 6400 + z * 400, 400)])
        refill()
        plsc.subcore_barrier()

        zero16 = jnp.zeros((16,), jnp.int32)
        one16 = jnp.full((16,), 1, jnp.int32)
        cb_v = jnp.full((16,), _CB, jnp.int32)
        lf_v = jnp.full((16,), _LF, jnp.int32)
        dummy_v = jnp.full((16,), _DUMMY, jnp.int32)
        lo_v = jnp.full((16,), lo, jnp.int32)

        def chunk_body(chunk, cnt_v):
            pltpu.sync_copy(
                eij_hbm.at[pl.ds(s * (T // _NS) + chunk * _SIB, _SIB)], idx_v)

            def group_body(g, cnt_v):
                for u in range(_GRP):
                    iv = idx_v[pl.ds((g * _GRP + u) * 16, 16)]
                    off = iv - lo_v
                    m = (off >= zero16) & (off < cb_v)
                    tid0 = s * (T // _NS) + chunk * _SIB + (g * _GRP + u) * 16
                    tids = jnp.full((16,), tid0, jnp.int32) + iota
                    pos = lane_base + cnt_v
                    plsc.store_scatter(offs_v, [pos], jnp.where(m, off, dummy_v))
                    plsc.store_scatter(ids_v, [pos], jnp.where(m, tids, zero16))
                    cnt_v = cnt_v + jnp.where(m, one16, zero16)

                anyfull = plsc.all_reduce_population_count(cnt_v >= lf_v)[0]

                def do_flush(c):
                    flush()
                    return zero16

                return lax.cond(anyfull > 0, do_flush, lambda c: c, cnt_v)

            return lax.fori_loop(0, _SIB // (16 * _GRP), group_body, cnt_v)

        cnt_v = lax.fori_loop(0, (T // _NS) // _SIB, chunk_body, zero16)
        del cnt_v
        flush()
        plsc.subcore_barrier()

        @pl.when(s < 15)
        def _():
            pltpu.sync_copy(accum.at[pl.ds(s * 6256, 6256)],
                            out_hbm.at[pl.ds(lo + s * 6256, 6256)])

        @pl.when(s == 15)
        def _():
            pltpu.sync_copy(accum.at[pl.ds(15 * 6256, _CB - 15 * 6256)],
                            out_hbm.at[pl.ds(lo + 15 * 6256, _CB - 15 * 6256)])

        plsc.subcore_barrier()


def _sc_scatter(eij, hw):
    mesh = plsc.VectorSubcoreMesh(core_axis_name="c", subcore_axis_name="s")
    f = pl.kernel(
        _scatter_body,
        out_type=jax.ShapeDtypeStruct((E, EDGE_DIM), jnp.float32),
        mesh=mesh,
        scratch_types=[
            pltpu.VMEM_SHARED((_ACC, EDGE_DIM), jnp.float32),
            pltpu.VMEM((_SIB,), jnp.int32),
            pltpu.VMEM((_CAPB,), jnp.int32),
            pltpu.VMEM((_CAPB,), jnp.int32),
            pltpu.VMEM((_CAPB, EDGE_DIM), jnp.float32),
            pltpu.VMEM((400, EDGE_DIM), jnp.float32),
            pltpu.SemaphoreType.DMA,
        ],
        compiler_params=pltpu.CompilerParams(use_tc_tiling_on_sc=False,
                                             needs_layout_passes=False),
    )
    return f(eij, hw)



def _silu(x):
    return x * jax.nn.sigmoid(x)


def _ln_mm(x, w, b, eps=1e-5):
    n = x.shape[-1]
    ones_n = jnp.full((n, n), 1.0 / n, jnp.float32)
    m = jnp.dot(x, ones_n, preferred_element_type=jnp.float32)
    d = x - m
    v = jnp.dot(d * d, ones_n, preferred_element_type=jnp.float32)
    return d * jax.lax.rsqrt(v + eps) * w + b


def _ln_mm_bf(x, w, b, eps=1e-5):
    n = x.shape[-1]
    ones_n = jnp.full((n, n), 1.0 / n, jnp.bfloat16)
    xb = x.astype(jnp.bfloat16)
    m = jnp.dot(xb, ones_n, preferred_element_type=jnp.float32)
    d = x - m
    db = d.astype(jnp.bfloat16)
    v = jnp.dot(db * db, ones_n, preferred_element_type=jnp.float32)
    return d * jax.lax.rsqrt(v + eps) * w + b


def _mlp_body(g1_ref, g2_ref, t4_ref, w1a_ref, w1b_ref, w1c_ref, b1_ref,
              ln1w_ref, ln1b_ref, w2_ref, b2_ref, ln2w_ref, ln2b_ref,
              wpsi_ref, o_ref):
    h = (jnp.dot(g1_ref[...].astype(jnp.bfloat16), w1a_ref[...],
                 preferred_element_type=jnp.float32)
         + jnp.dot(g2_ref[...].astype(jnp.bfloat16), w1b_ref[...],
                   preferred_element_type=jnp.float32)
         + jnp.dot(t4_ref[...].astype(jnp.bfloat16), w1c_ref[...],
                   preferred_element_type=jnp.float32)
         + b1_ref[...])
    h = _ln_mm_bf(_silu(h), ln1w_ref[...], ln1b_ref[...])
    h = jnp.dot(h.astype(jnp.bfloat16), w2_ref[...],
                preferred_element_type=jnp.float32) + b2_ref[...]
    h = _ln_mm_bf(_silu(h), ln2w_ref[...], ln2b_ref[...])
    o_ref[...] = jnp.dot(h.astype(jnp.bfloat16), wpsi_ref[...],
                         preferred_element_type=jnp.float32)


def _tc_mlp(g1, g2, t4, W1, b1, ln1_w, ln1_b, W2, b2, ln2_w, ln2_b, Wpsi):
    BT = 4000
    grid = (T // BT,)
    w1a = W1[:EDGE_DIM]
    w1b = W1[EDGE_DIM:2 * EDGE_DIM]
    w1c = W1[2 * EDGE_DIM:]
    row = lambda i: (i, 0)
    full = lambda i: (0, 0)
    return pl.pallas_call(
        _mlp_body,
        grid=grid,
        in_specs=[
            pl.BlockSpec((BT, EDGE_DIM), row),
            pl.BlockSpec((BT, EDGE_DIM), row),
            pl.BlockSpec((BT, 4), row),
            pl.BlockSpec((EDGE_DIM, HIDDEN), full),
            pl.BlockSpec((EDGE_DIM, HIDDEN), full),
            pl.BlockSpec((4, HIDDEN), full),
            pl.BlockSpec((1, HIDDEN), full),
            pl.BlockSpec((1, HIDDEN), full),
            pl.BlockSpec((1, HIDDEN), full),
            pl.BlockSpec((HIDDEN, HIDDEN), full),
            pl.BlockSpec((1, HIDDEN), full),
            pl.BlockSpec((1, HIDDEN), full),
            pl.BlockSpec((1, HIDDEN), full),
            pl.BlockSpec((HIDDEN, EDGE_DIM), full),
        ],
        out_specs=pl.BlockSpec((BT, EDGE_DIM), row),
        out_shape=jax.ShapeDtypeStruct((T, EDGE_DIM), jnp.float32),
    )(g1, g2, t4, w1a.astype(jnp.bfloat16), w1b.astype(jnp.bfloat16),
      w1c.astype(jnp.bfloat16), b1[None], ln1_w[None], ln1_b[None],
      W2.astype(jnp.bfloat16), b2[None], ln2_w[None], ln2_b[None],
      Wpsi.astype(jnp.bfloat16))



def _final_body(ef_ref, sc_ref, c0_ref, c1_ref, bpsi_ref, nw_ref, nb_ref, o_ref):
    cnt = jnp.maximum(c0_ref[...] + c1_ref[...], 1.0)
    x = ef_ref[...] + sc_ref[...] / cnt + bpsi_ref[...]
    o_ref[...] = _ln_mm(x, nw_ref[...], nb_ref[...])


def _tc_final(edge_feat, scat, cnt0, cnt1, bpsi, norm_w, norm_b):
    BE = 4000
    grid = (E // BE,)
    row = lambda i: (i, 0)
    full = lambda i: (0, 0)
    return pl.pallas_call(
        _final_body,
        grid=grid,
        in_specs=[
            pl.BlockSpec((BE, EDGE_DIM), row),
            pl.BlockSpec((BE, EDGE_DIM), row),
            pl.BlockSpec((BE, 1), row),
            pl.BlockSpec((BE, 1), row),
            pl.BlockSpec((1, EDGE_DIM), full),
            pl.BlockSpec((1, EDGE_DIM), full),
            pl.BlockSpec((1, EDGE_DIM), full),
        ],
        out_specs=pl.BlockSpec((BE, EDGE_DIM), row),
        out_shape=jax.ShapeDtypeStruct((E, EDGE_DIM), jnp.float32),
    )(edge_feat, scat, cnt0[:, None], cnt1[:, None], bpsi[None],
      norm_w[None], norm_b[None])



def kernel(edge_feat, triplets, W1, b1, ln1_w, ln1_b, W2, b2, ln2_w, ln2_b,
           Wpsi, bpsi, norm_w, norm_b):
    e_ij = triplets[:, 0].astype(jnp.int32)
    e_kj = triplets[:, 1].astype(jnp.int32)
    t4 = triplets[:, 2:6]

    g1, g2 = _sc_gather(edge_feat, e_ij, e_kj)

    hw = _tc_mlp(g1, g2, t4, W1, b1, ln1_w, ln1_b, W2, b2, ln2_w, ln2_b, Wpsi)

    cnt2 = _sc_count(e_ij)
    scat = _sc_scatter(e_ij, hw)

    return _tc_final(edge_feat, scat, cnt2[0], cnt2[1], bpsi, norm_w, norm_b)

# --- scband reference (transcript-rebuilt; emitter-appended) ---
"""Pipeline reference for scband-angle-block-1245540516166 (READ-ONLY COPY).

The authoritative reference and input builder live on the scoring server;
editing this copy changes nothing except your own understanding.
"""

import jax, jax.numpy as jnp
import numpy as np

E = 800000
T = 1600000
EDGE_DIM = 16
HIDDEN = 64
IN_DIM = 2 * EDGE_DIM + 4


def _silu(x):
    return x * jax.nn.sigmoid(x)


def _layernorm(x, w, b, eps=1e-5):
    m = jnp.mean(x, axis=-1, keepdims=True)
    v = jnp.mean((x - m) ** 2, axis=-1, keepdims=True)
    return (x - m) / jnp.sqrt(v + eps) * w + b


def setup_inputs(seed: int = 0) -> dict:
    key = jax.random.key(seed)
    ks = jax.random.split(key, 12)
    edge_feat = jax.random.normal(ks[0], (E, EDGE_DIM), dtype=jnp.float32)
    idx = jax.random.randint(ks[1], (T, 2), 0, E).astype(jnp.float32)
    ang = jax.random.uniform(ks[2], (T, 1), minval=-np.pi, maxval=np.pi)
    cos = jnp.cos(ang)
    sin = jnp.sin(ang)
    d_ij = jax.random.uniform(ks[3], (T, 1), minval=0.5, maxval=5.0)
    d_kj = jax.random.uniform(ks[4], (T, 1), minval=0.5, maxval=5.0)
    triplets = jnp.concatenate([idx, cos, sin, d_ij, d_kj], axis=1).astype(jnp.float32)
    W1 = jax.random.normal(ks[5], (IN_DIM, HIDDEN), dtype=jnp.float32) / np.sqrt(IN_DIM)
    b1 = jnp.zeros((HIDDEN,), dtype=jnp.float32)
    ln1_w = jnp.ones((HIDDEN,), dtype=jnp.float32)
    ln1_b = jnp.zeros((HIDDEN,), dtype=jnp.float32)
    W2 = jax.random.normal(ks[6], (HIDDEN, HIDDEN), dtype=jnp.float32) / np.sqrt(HIDDEN)
    b2 = jnp.zeros((HIDDEN,), dtype=jnp.float32)
    ln2_w = jnp.ones((HIDDEN,), dtype=jnp.float32)
    ln2_b = jnp.zeros((HIDDEN,), dtype=jnp.float32)
    Wpsi = jax.random.normal(ks[7], (HIDDEN, EDGE_DIM), dtype=jnp.float32) / np.sqrt(HIDDEN)
    bpsi = jnp.zeros((EDGE_DIM,), dtype=jnp.float32)
    norm_w = jnp.ones((EDGE_DIM,), dtype=jnp.float32)
    norm_b = jnp.zeros((EDGE_DIM,), dtype=jnp.float32)
    return {"edge_feat": edge_feat, "triplets": triplets, "W1": W1, "b1": b1,
            "ln1_w": ln1_w, "ln1_b": ln1_b, "W2": W2, "b2": b2,
            "ln2_w": ln2_w, "ln2_b": ln2_b, "Wpsi": Wpsi, "bpsi": bpsi,
            "norm_w": norm_w, "norm_b": norm_b}


def reference(edge_feat, triplets, W1, b1, ln1_w, ln1_b, W2, b2, ln2_w, ln2_b, Wpsi, bpsi, norm_w, norm_b):
    e_ij = triplets[:, 0].astype(jnp.int32)
    e_kj = triplets[:, 1].astype(jnp.int32)
    cos = triplets[:, 2:3]
    sin = triplets[:, 3:4]
    d_ij = triplets[:, 4:5]
    d_kj = triplets[:, 5:6]
    f_ij = jnp.take(edge_feat, e_ij, axis=0)
    f_kj = jnp.take(edge_feat, e_kj, axis=0)
    h = jnp.concatenate([f_ij, f_kj, cos, sin, d_ij, d_kj], axis=1)
    h = _silu(h @ W1 + b1)
    h = _layernorm(h, ln1_w, ln1_b)
    h = _silu(h @ W2 + b2)
    h = _layernorm(h, ln2_w, ln2_b)
    agg_sum = jax.ops.segment_sum(h, e_ij, num_segments=E)
    cnt = jax.ops.segment_sum(jnp.ones((h.shape[0],), dtype=h.dtype), e_ij, num_segments=E)
    cnt = jnp.clip(cnt, 1.0, None)
    agg = agg_sum / cnt[:, None]
    out = edge_feat + (agg @ Wpsi + bpsi)
    return _layernorm(out, norm_w, norm_b)

if __name__ == "__main__":
    import jax
    _d = setup_inputs()
    print(jax.jit(kernel)(*tuple(_d.values())))

</pallas_src>

<mosaic_0001>
#map = affine_map<(d0, d1) -> (0)>
#map1 = affine_map<(d0, d1) -> (0, 0)>
module attributes {stable_mosaic.version = 14 : i64} {
  func.func @_count_body(%arg0: i32, %arg1: i32, %arg2: memref<1600000xi32, #tpu.memory_space<hbm>>, %arg3: memref<2x800000xf32, #tpu.memory_space<hbm>>, %arg4: memref<2000xi32, #tpu.memory_space<vmem>>, %arg5: memref<2000xf32, #tpu.memory_space<vmem>>, %arg6: memref<10000xf32, #tpu.memory_space<vmem>>, %arg7: memref<800000xf32, #tpu.memory_space<vmem_shared>>, %arg8: memref<!tpu.dma_semaphore, #tpu.memory_space<semaphore_mem>>) attributes {dimension_semantics = [#tpu.dimension_semantics<core_parallel>, #tpu.dimension_semantics<subcore_parallel>], iteration_bounds = array<i64: 2, 16>, scalar_prefetch = 0 : i64, scratch_operands = 5 : i64, tpu.core_type = #tpu.core_type<sc_vector_subcore>, window_params = [{transform_indices = #map}, {transform_indices = #map1}]} {
    %mul3A = arith.constant 2 : i32
    %mul3A_0 = arith.muli %arg1, %mul3A : i32
    %add3A = arith.addi %mul3A_0, %arg0 : i32
    %scan3A = arith.constant 0 : i32
    %scan3A_1 = arith.constant 0 : i32
    %scan3A_2 = arith.constant 125 : i32
    %scan3A_3 = arith.addi %scan3A_1, %scan3A_2 : i32
    %scan3A_4 = arith.constant 1 : i32
    %scan3A_5 = scf.for %scan3A_139 = %scan3A_1 to %scan3A_3 step %scan3A_4 iter_args(%scan3A_140 = %scan3A) -> (i32)  : i32 {
      %broadcast_in_dim3A = arith.constant 1.000000e+00 : f32
      %broadcast_in_dim3A_141 = vector.broadcast %broadcast_in_dim3A : f32 to vector<16xf32>
      %mul3A_142 = arith.constant 16 : i32
      %mul3A_143 = arith.muli %scan3A_139, %mul3A_142 : i32
      %swap3A = arith.index_cast %mul3A_143 : i32 to index
      %swap3A_144 = tpu.vector_load %arg5[%swap3A] {strides = array<i32>} : memref<2000xf32, #tpu.memory_space<vmem>>, vector<16xf32>,
      %swap3A_145 = vector.shape_cast %swap3A_144 : vector<16xf32> to vector<16xf32>
      %swap3A_146 = vector.shape_cast %broadcast_in_dim3A_141 : vector<16xf32> to vector<16xf32>
      tpu.vector_store %arg5[%swap3A], %swap3A_146 {strides = array<i32>} : memref<2000xf32, #tpu.memory_space<vmem>>, vector<16xf32>,
      %scan3A_147 = arith.constant 0 : i32
      scf.yield %scan3A_147 : i32
    }
    %scan3A_6 = arith.constant 125 : i32
    %scan3A_7 = arith.constant 0 : i32
    %scan3A_8 = arith.constant 0 : i32
    %scan3A_9 = arith.constant 625 : i32
    %scan3A_10 = arith.addi %scan3A_8, %scan3A_9 : i32
    %scan3A_11 = arith.constant 1 : i32
    %scan3A_12 = scf.for %scan3A_139 = %scan3A_8 to %scan3A_10 step %scan3A_11 iter_args(%scan3A_140 = %scan3A_7) -> (i32)  : i32 {
      %broadcast_in_dim3A = arith.constant 0.000000e+00 : f32
      %broadcast_in_dim3A_141 = vector.broadcast %broadcast_in_dim3A : f32 to vector<16xf32>
      %mul3A_142 = arith.constant 16 : i32
      %mul3A_143 = arith.muli %scan3A_139, %mul3A_142 : i32
      %swap3A = arith.index_cast %mul3A_143 : i32 to index
      %swap3A_144 = tpu.vector_load %arg6[%swap3A] {strides = array<i32>} : memref<10000xf32, #tpu.memory_space<vmem>>, vector<16xf32>,
      %swap3A_145 = vector.shape_cast %swap3A_144 : vector<16xf32> to vector<16xf32>
      %swap3A_146 = vector.shape_cast %broadcast_in_dim3A_141 : vector<16xf32> to vector<16xf32>
      tpu.vector_store %arg6[%swap3A], %swap3A_146 {strides = array<i32>} : memref<10000xf32, #tpu.memory_space<vmem>>, vector<16xf32>,
      %scan3A_147 = arith.constant 0 : i32
      scf.yield %scan3A_147 : i32
    }
    %scan3A_13 = arith.constant 625 : i32
    %mul3A_14 = arith.constant 50000 : i32
    %mul3A_15 = arith.muli %arg1, %mul3A_14 : i32
    %add3A_16 = arith.constant 0 : i32
    %add3A_17 = arith.addi %mul3A_15, %add3A_16 : i32
    "tpu.region"() ({
      %run_scoped3A = tpu.sem_alloc : memref<!tpu.dma_semaphore, #tpu.memory_space<semaphore_mem>>
      %dma_start3A = tpu.memref_slice %arg7[%add3A_17] : memref<800000xf32, #tpu.memory_space<vmem_shared>> -> memref<10000xf32, #tpu.memory_space<vmem_shared>>
      %dma_start3A_139 = tpu.memref_slice %arg7[%add3A_17] : memref<800000xf32, #tpu.memory_space<vmem_shared>> -> memref<10000xf32, #tpu.memory_space<vmem_shared>>
      tpu.enqueue_dma source(%arg6 : memref<10000xf32, #tpu.memory_space<vmem>>) target(%dma_start3A_139 : memref<10000xf32, #tpu.memory_space<vmem_shared>>) target_semaphore(%run_scoped3A : memref<!tpu.dma_semaphore, #tpu.memory_space<semaphore_mem>>)
      %dma_wait3A = tpu.memref_slice %arg7[%add3A_17] : memref<800000xf32, #tpu.memory_space<vmem_shared>> -> memref<10000xf32, #tpu.memory_space<vmem_shared>>
      %dma_wait3A_140 = tpu.memref_slice %arg7[%add3A_17] : memref<800000xf32, #tpu.memory_space<vmem_shared>> -> memref<10000xf32, #tpu.memory_space<vmem_shared>>
      tpu.wait_dma2 semaphore(%run_scoped3A : memref<!tpu.dma_semaphore, #tpu.memory_space<semaphore_mem>>) src(%arg6 : memref<10000xf32, #tpu.memory_space<vmem>>) dst(%dma_wait3A_140 : memref<10000xf32, #tpu.memory_space<vmem_shared>>)
      tpu.yield
    }) : () -> ()
    %mul3A_18 = arith.constant 50000 : i32
    %mul3A_19 = arith.muli %arg1, %mul3A_18 : i32
    %add3A_20 = arith.constant 10000 : i32
    %add3A_21 = arith.addi %mul3A_19, %add3A_20 : i32
    "tpu.region"() ({
      %run_scoped3A = tpu.sem_alloc : memref<!tpu.dma_semaphore, #tpu.memory_space<semaphore_mem>>
      %dma_start3A = tpu.memref_slice %arg7[%add3A_21] : memref<800000xf32, #tpu.memory_space<vmem_shared>> -> memref<10000xf32, #tpu.memory_space<vmem_shared>>
      %dma_start3A_139 = tpu.memref_slice %arg7[%add3A_21] : memref<800000xf32, #tpu.memory_space<vmem_shared>> -> memref<10000xf32, #tpu.memory_space<vmem_shared>>
      tpu.enqueue_dma source(%arg6 : memref<10000xf32, #tpu.memory_space<vmem>>) target(%dma_start3A_139 : memref<10000xf32, #tpu.memory_space<vmem_shared>>) target_semaphore(%run_scoped3A : memref<!tpu.dma_semaphore, #tpu.memory_space<semaphore_mem>>)
      %dma_wait3A = tpu.memref_slice %arg7[%add3A_21] : memref<800000xf32, #tpu.memory_space<vmem_shared>> -> memref<10000xf32, #tpu.memory_space<vmem_shared>>
      %dma_wait3A_140 = tpu.memref_slice %arg7[%add3A_21] : memref<800000xf32, #tpu.memory_space<vmem_shared>> -> memref<10000xf32, #tpu.memory_space<vmem_shared>>
      tpu.wait_dma2 semaphore(%run_scoped3A : memref<!tpu.dma_semaphore, #tpu.memory_space<semaphore_mem>>) src(%arg6 : memref<10000xf32, #tpu.memory_space<vmem>>) dst(%dma_wait3A_140 : memref<10000xf32, #tpu.memory_space<vmem_shared>>)
      tpu.yield
    }) : () -> ()
    %mul3A_22 = arith.constant 50000 : i32
    %mul3A_23 = arith.muli %arg1, %mul3A_22 : i32
    %add3A_24 = arith.constant 20000 : i32
    %add3A_25 = arith.addi %mul3A_23, %add3A_24 : i32
    "tpu.region"() ({
      %run_scoped3A = tpu.sem_alloc : memref<!tpu.dma_semaphore, #tpu.memory_space<semaphore_mem>>
      %dma_start3A = tpu.memref_slice %arg7[%add3A_25] : memref<800000xf32, #tpu.memory_space<vmem_shared>> -> memref<10000xf32, #tpu.memory_space<vmem_shared>>
      %dma_start3A_139 = tpu.memref_slice %arg7[%add3A_25] : memref<800000xf32, #tpu.memory_space<vmem_shared>> -> memref<10000xf32, #tpu.memory_space<vmem_shared>>
      tpu.enqueue_dma source(%arg6 : memref<10000xf32, #tpu.memory_space<vmem>>) target(%dma_start3A_139 : memref<10000xf32, #tpu.memory_space<vmem_shared>>) target_semaphore(%run_scoped3A : memref<!tpu.dma_semaphore, #tpu.memory_space<semaphore_mem>>)
      %dma_wait3A = tpu.memref_slice %arg7[%add3A_25] : memref<800000xf32, #tpu.memory_space<vmem_shared>> -> memref<10000xf32, #tpu.memory_space<vmem_shared>>
      %dma_wait3A_140 = tpu.memref_slice %arg7[%add3A_25] : memref<800000xf32, #tpu.memory_space<vmem_shared>> -> memref<10000xf32, #tpu.memory_space<vmem_shared>>
      tpu.wait_dma2 semaphore(%run_scoped3A : memref<!tpu.dma_semaphore, #tpu.memory_space<semaphore_mem>>) src(%arg6 : memref<10000xf32, #tpu.memory_space<vmem>>) dst(%dma_wait3A_140 : memref<10000xf32, #tpu.memory_space<vmem_shared>>)
      tpu.yield
    }) : () -> ()
    %mul3A_26 = arith.constant 50000 : i32
    %mul3A_27 = arith.muli %arg1, %mul3A_26 : i32
    %add3A_28 = arith.constant 30000 : i32
    %add3A_29 = arith.addi %mul3A_27, %add3A_28 : i32
    "tpu.region"() ({
      %run_scoped3A = tpu.sem_alloc : memref<!tpu.dma_semaphore, #tpu.memory_space<semaphore_mem>>
      %dma_start3A = tpu.memref_slice %arg7[%add3A_29] : memref<800000xf32, #tpu.memory_space<vmem_shared>> -> memref<10000xf32, #tpu.memory_space<vmem_shared>>
      %dma_start3A_139 = tpu.memref_slice %arg7[%add3A_29] : memref<800000xf32, #tpu.memory_space<vmem_shared>> -> memref<10000xf32, #tpu.memory_space<vmem_shared>>
      tpu.enqueue_dma source(%arg6 : memref<10000xf32, #tpu.memory_space<vmem>>) target(%dma_start3A_139 : memref<10000xf32, #tpu.memory_space<vmem_shared>>) target_semaphore(%run_scoped3A : memref<!tpu.dma_semaphore, #tpu.memory_space<semaphore_mem>>)
      %dma_wait3A = tpu.memref_slice %arg7[%add3A_29] : memref<800000xf32, #tpu.memory_space<vmem_shared>> -> memref<10000xf32, #tpu.memory_space<vmem_shared>>
      %dma_wait3A_140 = tpu.memref_slice %arg7[%add3A_29] : memref<800000xf32, #tpu.memory_space<vmem_shared>> -> memref<10000xf32, #tpu.memory_space<vmem_shared>>
      tpu.wait_dma2 semaphore(%run_scoped3A : memref<!tpu.dma_semaphore, #tpu.memory_space<semaphore_mem>>) src(%arg6 : memref<10000xf32, #tpu.memory_space<vmem>>) dst(%dma_wait3A_140 : memref<10000xf32, #tpu.memory_space<vmem_shared>>)
      tpu.yield
    }) : () -> ()
    %mul3A_30 = arith.constant 50000 : i32
    %mul3A_31 = arith.muli %arg1, %mul3A_30 : i32
    %add3A_32 = arith.constant 40000 : i32
    %add3A_33 = arith.addi %mul3A_31, %add3A_32 : i32
    "tpu.region"() ({
      %run_scoped3A = tpu.sem_alloc : memref<!tpu.dma_semaphore, #tpu.memory_space<semaphore_mem>>
      %dma_start3A = tpu.memref_slice %arg7[%add3A_33] : memref<800000xf32, #tpu.memory_space<vmem_shared>> -> memref<10000xf32, #tpu.memory_space<vmem_shared>>
      %dma_start3A_139 = tpu.memref_slice %arg7[%add3A_33] : memref<800000xf32, #tpu.memory_space<vmem_shared>> -> memref<10000xf32, #tpu.memory_space<vmem_shared>>
      tpu.enqueue_dma source(%arg6 : memref<10000xf32, #tpu.memory_space<vmem>>) target(%dma_start3A_139 : memref<10000xf32, #tpu.memory_space<vmem_shared>>) target_semaphore(%run_scoped3A : memref<!tpu.dma_semaphore, #tpu.memory_space<semaphore_mem>>)
      %dma_wait3A = tpu.memref_slice %arg7[%add3A_33] : memref<800000xf32, #tpu.memory_space<vmem_shared>> -> memref<10000xf32, #tpu.memory_space<vmem_shared>>
      %dma_wait3A_140 = tpu.memref_slice %arg7[%add3A_33] : memref<800000xf32, #tpu.memory_space<vmem_shared>> -> memref<10000xf32, #tpu.memory_space<vmem_shared>>
      tpu.wait_dma2 semaphore(%run_scoped3A : memref<!tpu.dma_semaphore, #tpu.memory_space<semaphore_mem>>) src(%arg6 : memref<10000xf32, #tpu.memory_space<vmem>>) dst(%dma_wait3A_140 : memref<10000xf32, #tpu.memory_space<vmem_shared>>)
      tpu.yield
    }) : () -> ()
    %barrier3A = arith.constant 0 : index
    tpu.barrier barrier_id(%barrier3A)
    %mul3A_34 = arith.constant 50000 : i32
    %mul3A_35 = arith.muli %add3A, %mul3A_34 : i32
    %add3A_36 = arith.constant 0 : i32
    %add3A_37 = arith.addi %mul3A_35, %add3A_36 : i32
    "tpu.region"() ({
      %run_scoped3A = tpu.sem_alloc : memref<!tpu.dma_semaphore, #tpu.memory_space<semaphore_mem>>
      %dma_start3A = tpu.memref_slice %arg2[%add3A_37] : memref<1600000xi32, #tpu.memory_space<hbm>> -> memref<2000xi32, #tpu.memory_space<hbm>>
      %dma_start3A_139 = tpu.memref_slice %arg2[%add3A_37] : memref<1600000xi32, #tpu.memory_space<hbm>> -> memref<2000xi32, #tpu.memory_space<hbm>>
      tpu.enqueue_dma source(%dma_start3A_139 : memref<2000xi32, #tpu.memory_space<hbm>>) target(%arg4 : memref<2000xi32, #tpu.memory_space<vmem>>) target_semaphore(%run_scoped3A : memref<!tpu.dma_semaphore, #tpu.memory_space<semaphore_mem>>)
      %dma_wait3A = tpu.memref_slice %arg2[%add3A_37] : memref<1600000xi32, #tpu.memory_space<hbm>> -> memref<2000xi32, #tpu.memory_space<hbm>>
      %dma_wait3A_140 = tpu.memref_slice %arg2[%add3A_37] : memref<1600000xi32, #tpu.memory_space<hbm>> -> memref<2000xi32, #tpu.memory_space<hbm>>
      tpu.wait_dma2 semaphore(%run_scoped3A : memref<!tpu.dma_semaphore, #tpu.memory_space<semaphore_mem>>) src(%dma_wait3A_140 : memref<2000xi32, #tpu.memory_space<hbm>>) dst(%arg4 : memref<2000xi32, #tpu.memory_space<vmem>>)
      tpu.yield
    }) : () -> ()
    "tpu.region"() ({
      %run_scoped3A = tpu.sem_alloc : memref<!tpu.dma_semaphore, #tpu.memory_space<semaphore_mem>>
      %dma_start3A = arith.constant 0 : i32
      %dma_start3A_139 = tpu.memref_slice %arg7[%dma_start3A] : memref<800000xf32, #tpu.memory_space<vmem_shared>> -> memref<800000xf32, #tpu.memory_space<vmem_shared>>
      tpu.enqueue_indirect_dma source(%arg5 : memref<2000xf32, #tpu.memory_space<vmem>>) target(%dma_start3A_139 : memref<800000xf32, #tpu.memory_space<vmem_shared>>) offsets(%arg4 : memref<2000xi32, #tpu.memory_space<vmem>>) semaphore(%run_scoped3A : memref<!tpu.dma_semaphore, #tpu.memory_space<semaphore_mem>>) {add = true}
      %dma_wait3A = arith.constant 0 : i32
      %dma_wait3A_140 = tpu.memref_slice %arg7[%dma_wait3A] : memref<800000xf32, #tpu.memory_space<vmem_shared>> -> memref<800000xf32, #tpu.memory_space<vmem_shared>>
      tpu.wait_indirect_dma semaphore(%run_scoped3A : memref<!tpu.dma_semaphore, #tpu.memory_space<semaphore_mem>>) src(%arg5 : memref<2000xf32, #tpu.memory_space<vmem>>) dst(%dma_wait3A_140 : memref<800000xf32, #tpu.memory_space<vmem_shared>>)
      tpu.yield
    }) : () -> ()
    %mul3A_38 = arith.constant 50000 : i32
    %mul3A_39 = arith.muli %add3A, %mul3A_38 : i32
    %add3A_40 = arith.constant 2000 : i32
    %add3A_41 = arith.addi %mul3A_39, %add3A_40 : i32
    "tpu.region"() ({
      %run_scoped3A = tpu.sem_alloc : memref<!tpu.dma_semaphore, #tpu.memory_space<semaphore_mem>>
      %dma_start3A = tpu.memref_slice %arg2[%add3A_41] : memref<1600000xi32, #tpu.memory_space<hbm>> -> memref<2000xi32, #tpu.memory_space<hbm>>
      %dma_start3A_139 = tpu.memref_slice %arg2[%add3A_41] : memref<1600000xi32, #tpu.memory_space<hbm>> -> memref<2000xi32, #tpu.memory_space<hbm>>
      tpu.enqueue_dma source(%dma_start3A_139 : memref<2000xi32, #tpu.memory_space<hbm>>) target(%arg4 : memref<2000xi32, #tpu.memory_space<vmem>>) target_semaphore(%run_scoped3A : memref<!tpu.dma_semaphore, #tpu.memory_space<semaphore_mem>>)
      %dma_wait3A = tpu.memref_slice %arg2[%add3A_41] : memref<1600000xi32, #tpu.memory_space<hbm>> -> memref<2000xi32, #tpu.memory_space<hbm>>
      %dma_wait3A_140 = tpu.memref_slice %arg2[%add3A_41] : memref<1600000xi32, #tpu.memory_space<hbm>> -> memref<2000xi32, #tpu.memory_space<hbm>>
      tpu.wait_dma2 semaphore(%run_scoped3A : memref<!tpu.dma_semaphore, #tpu.memory_space<semaphore_mem>>) src(%dma_wait3A_140 : memref<2000xi32, #tpu.memory_space<hbm>>) dst(%arg4 : memref<2000xi32, #tpu.memory_space<vmem>>)
      tpu.yield
    }) : () -> ()
    "tpu.region"() ({
      %run_scoped3A = tpu.sem_alloc : memref<!tpu.dma_semaphore, #tpu.memory_space<semaphore_mem>>
      %dma_start3A = arith.constant 0 : i32
      %dma_start3A_139 = tpu.memref_slice %arg7[%dma_start3A] : memref<800000xf32, #tpu.memory_space<vmem_shared>> -> memref<800000xf32, #tpu.memory_space<vmem_shared>>
      tpu.enqueue_indirect_dma source(%arg5 : memref<2000xf32, #tpu.memory_space<vmem>>) target(%dma_start3A_139 : memref<800000xf32, #tpu.memory_space<vmem_shared>>) offsets(%arg4 : memref<2000xi32, #tpu.memory_space<vmem>>) semaphore(%run_scoped3A : memref<!tpu.dma_semaphore, #tpu.memory_space<semaphore_mem>>) {add = true}
      %dma_wait3A = arith.constant 0 : i32
      %dma_wait3A_140 = tpu.memref_slice %arg7[%dma_wait3A] : memref<800000xf32, #tpu.memory_space<vmem_shared>> -> memref<800000xf32, #tpu.memory_space<vmem_shared>>
      tpu.wait_indirect_dma semaphore(%run_scoped3A : memref<!tpu.dma_semaphore, #tpu.memory_space<semaphore_mem>>) src(%arg5 : memref<2000xf32, #tpu.memory_space<vmem>>) dst(%dma_wait3A_140 : memref<800000xf32, #tpu.memory_space<vmem_shared>>)
      tpu.yield
    }) : () -> ()
    %mul3A_42 = arith.constant 50000 : i32
    %mul3A_43 = arith.muli %add3A, %mul3A_42 : i32
    %add3A_44 = arith.constant 4000 : i32
    %add3A_45 = arith.addi %mul3A_43, %add3A_44 : i32
    "tpu.region"() ({
      %run_scoped3A = tpu.sem_alloc : memref<!tpu.dma_semaphore, #tpu.memory_space<semaphore_mem>>
      %dma_start3A = tpu.memref_slice %arg2[%add3A_45] : memref<1600000xi32, #tpu.memory_space<hbm>> -> memref<2000xi32, #tpu.memory_space<hbm>>
      %dma_start3A_139 = tpu.memref_slice %arg2[%add3A_45] : memref<1600000xi32, #tpu.memory_space<hbm>> -> memref<2000xi32, #tpu.memory_space<hbm>>
      tpu.enqueue_dma source(%dma_start3A_139 : memref<2000xi32, #tpu.memory_space<hbm>>) target(%arg4 : memref<2000xi32, #tpu.memory_space<vmem>>) target_semaphore(%run_scoped3A : memref<!tpu.dma_semaphore, #tpu.memory_space<semaphore_mem>>)
      %dma_wait3A = tpu.memref_slice %arg2[%add3A_45] : memref<1600000xi32, #tpu.memory_space<hbm>> -> memref<2000xi32, #tpu.memory_space<hbm>>
      %dma_wait3A_140 = tpu.memref_slice %arg2[%add3A_45] : memref<1600000xi32, #tpu.memory_space<hbm>> -> memref<2000xi32, #tpu.memory_space<hbm>>
      tpu.wait_dma2 semaphore(%run_scoped3A : memref<!tpu.dma_semaphore, #tpu.memory_space<semaphore_mem>>) src(%dma_wait3A_140 : memref<2000xi32, #tpu.memory_space<hbm>>) dst(%arg4 : memref<2000xi32, #tpu.memory_space<vmem>>)
      tpu.yield
    }) : () -> ()
    "tpu.region"() ({
      %run_scoped3A = tpu.sem_alloc : memref<!tpu.dma_semaphore, #tpu.memory_space<semaphore_mem>>
      %dma_start3A = arith.constant 0 : i32
      %dma_start3A_139 = tpu.memref_slice %arg7[%dma_start3A] : memref<800000xf32, #tpu.memory_space<vmem_shared>> -> memref<800000xf32, #tpu.memory_space<vmem_shared>>
      tpu.enqueue_indirect_dma source(%arg5 : memref<2000xf32, #tpu.memory_space<vmem>>) target(%dma_start3A_139 : memref<800000xf32, #tpu.memory_space<vmem_shared>>) offsets(%arg4 : memref<2000xi32, #tpu.memory_space<vmem>>) semaphore(%run_scoped3A : memref<!tpu.dma_semaphore, #tpu.memory_space<semaphore_mem>>) {add = true}
      %dma_wait3A = arith.constant 0 : i32
      %dma_wait3A_140 = tpu.memref_slice %arg7[%dma_wait3A] : memref<800000xf32, #tpu.memory_space<vmem_shared>> -> memref<800000xf32, #tpu.memory_space<vmem_shared>>
      tpu.wait_indirect_dma semaphore(%run_scoped3A : memref<!tpu.dma_semaphore, #tpu.memory_space<semaphore_mem>>) src(%arg5 : memref<2000xf32, #tpu.memory_space<vmem>>) dst(%dma_wait3A_140 : memref<800000xf32, #tpu.memory_space<vmem_shared>>)
      tpu.yield
    }) : () -> ()
    %mul3A_46 = arith.constant 50000 : i32
    %mul3A_47 = arith.muli %add3A, %mul3A_46 : i32
    %add3A_48 = arith.constant 6000 : i32
    %add3A_49 = arith.addi %mul3A_47, %add3A_48 : i32
    "tpu.region"() ({
      %run_scoped3A = tpu.sem_alloc : memref<!tpu.dma_semaphore, #tpu.memory_space<semaphore_mem>>
      %dma_start3A = tpu.memref_slice %arg2[%add3A_49] : memref<1600000xi32, #tpu.memory_space<hbm>> -> memref<2000xi32, #tpu.memory_space<hbm>>
      %dma_start3A_139 = tpu.memref_slice %arg2[%add3A_49] : memref<1600000xi32, #tpu.memory_space<hbm>> -> memref<2000xi32, #tpu.memory_space<hbm>>
      tpu.enqueue_dma source(%dma_start3A_139 : memref<2000xi32, #tpu.memory_space<hbm>>) target(%arg4 : memref<2000xi32, #tpu.memory_space<vmem>>) target_semaphore(%run_scoped3A : memref<!tpu.dma_semaphore, #tpu.memory_space<semaphore_mem>>)
      %dma_wait3A = tpu.memref_slice %arg2[%add3A_49] : memref<1600000xi32, #tpu.memory_space<hbm>> -> memref<2000xi32, #tpu.memory_space<hbm>>
      %dma_wait3A_140 = tpu.memref_slice %arg2[%add3A_49] : memref<1600000xi32, #tpu.memory_space<hbm>> -> memref<2000xi32, #tpu.memory_space<hbm>>
      tpu.wait_dma2 semaphore(%run_scoped3A : memref<!tpu.dma_semaphore, #tpu.memory_space<semaphore_mem>>) src(%dma_wait3A_140 : memref<2000xi32, #tpu.memory_space<hbm>>) dst(%arg4 : memref<2000xi32, #tpu.memory_space<vmem>>)
      tpu.yield
    }) : () -> ()
    "tpu.region"() ({
      %run_scoped3A = tpu.sem_alloc : memref<!tpu.dma_semaphore, #tpu.memory_space<semaphore_mem>>
      %dma_start3A = arith.constant 0 : i32
      %dma_start3A_139 = tpu.memref_slice %arg7[%dma_start3A] : memref<800000xf32, #tpu.memory_space<vmem_shared>> -> memref<800000xf32, #tpu.memory_space<vmem_shared>>
      tpu.enqueue_indirect_dma source(%arg5 : memref<2000xf32, #tpu.memory_space<vmem>>) target(%dma_start3A_139 : memref<800000xf32, #tpu.memory_space<vmem_shared>>) offsets(%arg4 : memref<2000xi32, #tpu.memory_space<vmem>>) semaphore(%run_scoped3A : memref<!tpu.dma_semaphore, #tpu.memory_space<semaphore_mem>>) {add = true}
      %dma_wait3A = arith.constant 0 : i32
      %dma_wait3A_140 = tpu.memref_slice %arg7[%dma_wait3A] : memref<800000xf32, #tpu.memory_space<vmem_shared>> -> memref<800000xf32, #tpu.memory_space<vmem_shared>>
      tpu.wait_indirect_dma semaphore(%run_scoped3A : memref<!tpu.dma_semaphore, #tpu.memory_space<semaphore_mem>>) src(%arg5 : memref<2000xf32, #tpu.memory_space<vmem>>) dst(%dma_wait3A_140 : memref<800000xf32, #tpu.memory_space<vmem_shared>>)
      tpu.yield
    }) : () -> ()
    %mul3A_50 = arith.constant 50000 : i32
    %mul3A_51 = arith.muli %add3A, %mul3A_50 : i32
    %add3A_52 = arith.constant 8000 : i32
    %add3A_53 = arith.addi %mul3A_51, %add3A_52 : i32
    "tpu.region"() ({
      %run_scoped3A = tpu.sem_alloc : memref<!tpu.dma_semaphore, #tpu.memory_space<semaphore_mem>>
      %dma_start3A = tpu.memref_slice %arg2[%add3A_53] : memref<1600000xi32, #tpu.memory_space<hbm>> -> memref<2000xi32, #tpu.memory_space<hbm>>
      %dma_start3A_139 = tpu.memref_slice %arg2[%add3A_53] : memref<1600000xi32, #tpu.memory_space<hbm>> -> memref<2000xi32, #tpu.memory_space<hbm>>
      tpu.enqueue_dma source(%dma_start3A_139 : memref<2000xi32, #tpu.memory_space<hbm>>) target(%arg4 : memref<2000xi32, #tpu.memory_space<vmem>>) target_semaphore(%run_scoped3A : memref<!tpu.dma_semaphore, #tpu.memory_space<semaphore_mem>>)
      %dma_wait3A = tpu.memref_slice %arg2[%add3A_53] : memref<1600000xi32, #tpu.memory_space<hbm>> -> memref<2000xi32, #tpu.memory_space<hbm>>
      %dma_wait3A_140 = tpu.memref_slice %arg2[%add3A_53] : memref<1600000xi32, #tpu.memory_space<hbm>> -> memref<2000xi32, #tpu.memory_space<hbm>>
      tpu.wait_dma2 semaphore(%run_scoped3A : memref<!tpu.dma_semaphore, #tpu.memory_space<semaphore_mem>>) src(%dma_wait3A_140 : memref<2000xi32, #tpu.memory_space<hbm>>) dst(%arg4 : memref<2000xi32, #tpu.memory_space<vmem>>)
      tpu.yield
    }) : () -> ()
    "tpu.region"() ({
      %run_scoped3A = tpu.sem_alloc : memref<!tpu.dma_semaphore, #tpu.memory_space<semaphore_mem>>
      %dma_start3A = arith.constant 0 : i32
      %dma_start3A_139 = tpu.memref_slice %arg7[%dma_start3A] : memref<800000xf32, #tpu.memory_space<vmem_shared>> -> memref<800000xf32, #tpu.memory_space<vmem_shared>>
      tpu.enqueue_indirect_dma source(%arg5 : memref<2000xf32, #tpu.memory_space<vmem>>) target(%dma_start3A_139 : memref<800000xf32, #tpu.memory_space<vmem_shared>>) offsets(%arg4 : memref<2000xi32, #tpu.memory_space<vmem>>) semaphore(%run_scoped3A : memref<!tpu.dma_semaphore, #tpu.memory_space<semaphore_mem>>) {add = true}
      %dma_wait3A = arith.constant 0 : i32
      %dma_wait3A_140 = tpu.memref_slice %arg7[%dma_wait3A] : memref<800000xf32, #tpu.memory_space<vmem_shared>> -> memref<800000xf32, #tpu.memory_space<vmem_shared>>
      tpu.wait_indirect_dma semaphore(%run_scoped3A : memref<!tpu.dma_semaphore, #tpu.memory_space<semaphore_mem>>) src(%arg5 : memref<2000xf32, #tpu.memory_space<vmem>>) dst(%dma_wait3A_140 : memref<800000xf32, #tpu.memory_space<vmem_shared>>)
      tpu.yield
    }) : () -> ()
    %mul3A_54 = arith.constant 50000 : i32
    %mul3A_55 = arith.muli %add3A, %mul3A_54 : i32
    %add3A_56 = arith.constant 10000 : i32
    %add3A_57 = arith.addi %mul3A_55, %add3A_56 : i32
    "tpu.region"() ({
      %run_scoped3A = tpu.sem_alloc : memref<!tpu.dma_semaphore, #tpu.memory_space<semaphore_mem>>
      %dma_start3A = tpu.memref_slice %arg2[%add3A_57] : memref<1600000xi32, #tpu.memory_space<hbm>> -> memref<2000xi32, #tpu.memory_space<hbm>>
      %dma_start3A_139 = tpu.memref_slice %arg2[%add3A_57] : memref<1600000xi32, #tpu.memory_space<hbm>> -> memref<2000xi32, #tpu.memory_space<hbm>>
      tpu.enqueue_dma source(%dma_start3A_139 : memref<2000xi32, #tpu.memory_space<hbm>>) target(%arg4 : memref<2000xi32, #tpu.memory_space<vmem>>) target_semaphore(%run_scoped3A : memref<!tpu.dma_semaphore, #tpu.memory_space<semaphore_mem>>)
      %dma_wait3A = tpu.memref_slice %arg2[%add3A_57] : memref<1600000xi32, #tpu.memory_space<hbm>> -> memref<2000xi32, #tpu.memory_space<hbm>>
      %dma_wait3A_140 = tpu.memref_slice %arg2[%add3A_57] : memref<1600000xi32, #tpu.memory_space<hbm>> -> memref<2000xi32, #tpu.memory_space<hbm>>
      tpu.wait_dma2 semaphore(%run_scoped3A : memref<!tpu.dma_semaphore, #tpu.memory_space<semaphore_mem>>) src(%dma_wait3A_140 : memref<2000xi32, #tpu.memory_space<hbm>>) dst(%arg4 : memref<2000xi32, #tpu.memory_space<vmem>>)
      tpu.yield
    }) : () -> ()
    "tpu.region"() ({
      %run_scoped3A = tpu.sem_alloc : memref<!tpu.dma_semaphore, #tpu.memory_space<semaphore_mem>>
      %dma_start3A = arith.constant 0 : i32
      %dma_start3A_139 = tpu.memref_slice %arg7[%dma_start3A] : memref<800000xf32, #tpu.memory_space<vmem_shared>> -> memref<800000xf32, #tpu.memory_space<vmem_shared>>
      tpu.enqueue_indirect_dma source(%arg5 : memref<2000xf32, #tpu.memory_space<vmem>>) target(%dma_start3A_139 : memref<800000xf32, #tpu.memory_space<vmem_shared>>) offsets(%arg4 : memref<2000xi32, #tpu.memory_space<vmem>>) semaphore(%run_scoped3A : memref<!tpu.dma_semaphore, #tpu.memory_space<semaphore_mem>>) {add = true}
      %dma_wait3A = arith.constant 0 : i32
      %dma_wait3A_140 = tpu.memref_slice %arg7[%dma_wait3A] : memref<800000xf32, #tpu.memory_space<vmem_shared>> -> memref<800000xf32, #tpu.memory_space<vmem_shared>>
      tpu.wait_indirect_dma semaphore(%run_scoped3A : memref<!tpu.dma_semaphore, #tpu.memory_space<semaphore_mem>>) src(%arg5 : memref<2000xf32, #tpu.memory_space<vmem>>) dst(%dma_wait3A_140 : memref<800000xf32, #tpu.memory_space<vmem_shared>>)
      tpu.yield
    }) : () -> ()
    %mul3A_58 = arith.constant 50000 : i32
    %mul3A_59 = arith.muli %add3A, %mul3A_58 : i32
    %add3A_60 = arith.constant 12000 : i32
    %add3A_61 = arith.addi %mul3A_59, %add3A_60 : i32
    "tpu.region"() ({
      %run_scoped3A = tpu.sem_alloc : memref<!tpu.dma_semaphore, #tpu.memory_space<semaphore_mem>>
      %dma_start3A = tpu.memref_slice %arg2[%add3A_61] : memref<1600000xi32, #tpu.memory_space<hbm>> -> memref<2000xi32, #tpu.memory_space<hbm>>
      %dma_start3A_139 = tpu.memref_slice %arg2[%add3A_61] : memref<1600000xi32, #tpu.memory_space<hbm>> -> memref<2000xi32, #tpu.memory_space<hbm>>
      tpu.enqueue_dma source(%dma_start3A_139 : memref<2000xi32, #tpu.memory_space<hbm>>) target(%arg4 : memref<2000xi32, #tpu.memory_space<vmem>>) target_semaphore(%run_scoped3A : memref<!tpu.dma_semaphore, #tpu.memory_space<semaphore_mem>>)
      %dma_wait3A = tpu.memref_slice %arg2[%add3A_61] : memref<1600000xi32, #tpu.memory_space<hbm>> -> memref<2000xi32, #tpu.memory_space<hbm>>
      %dma_wait3A_140 = tpu.memref_slice %arg2[%add3A_61] : memref<1600000xi32, #tpu.memory_space<hbm>> -> memref<2000xi32, #tpu.memory_space<hbm>>
      tpu.wait_dma2 semaphore(%run_scoped3A : memref<!tpu.dma_semaphore, #tpu.memory_space<semaphore_mem>>) src(%dma_wait3A_140 : memref<2000xi32, #tpu.memory_space<hbm>>) dst(%arg4 : memref<2000xi32, #tpu.memory_space<vmem>>)
      tpu.yield
    }) : () -> ()
    "tpu.region"() ({
      %run_scoped3A = tpu.sem_alloc : memref<!tpu.dma_semaphore, #tpu.memory_space<semaphore_mem>>
      %dma_start3A = arith.constant 0 : i32
      %dma_start3A_139 = tpu.memref_slice %arg7[%dma_start3A] : memref<800000xf32, #tpu.memory_space<vmem_shared>> -> memref<800000xf32, #tpu.memory_space<vmem_shared>>
      tpu.enqueue_indirect_dma source(%arg5 : memref<2000xf32, #tpu.memory_space<vmem>>) target(%dma_start3A_139 : memref<800000xf32, #tpu.memory_space<vmem_shared>>) offsets(%arg4 : memref<2000xi32, #tpu.memory_space<vmem>>) semaphore(%run_scoped3A : memref<!tpu.dma_semaphore, #tpu.memory_space<semaphore_mem>>) {add = true}
      %dma_wait3A = arith.constant 0 : i32
      %dma_wait3A_140 = tpu.memref_slice %arg7[%dma_wait3A] : memref<800000xf32, #tpu.memory_space<vmem_shared>> -> memref<800000xf32, #tpu.memory_space<vmem_shared>>
      tpu.wait_indirect_dma semaphore(%run_scoped3A : memref<!tpu.dma_semaphore, #tpu.memory_space<semaphore_mem>>) src(%arg5 : memref<2000xf32, #tpu.memory_space<vmem>>) dst(%dma_wait3A_140 : memref<800000xf32, #tpu.memory_space<vmem_shared>>)
      tpu.yield
    }) : () -> ()
    %mul3A_62 = arith.constant 50000 : i32
    %mul3A_63 = arith.muli %add3A, %mul3A_62 : i32
    %add3A_64 = arith.constant 14000 : i32
    %add3A_65 = arith.addi %mul3A_63, %add3A_64 : i32
    "tpu.region"() ({
      %run_scoped3A = tpu.sem_alloc : memref<!tpu.dma_semaphore, #tpu.memory_space<semaphore_mem>>
      %dma_start3A = tpu.memref_slice %arg2[%add3A_65] : memref<1600000xi32, #tpu.memory_space<hbm>> -> memref<2000xi32, #tpu.memory_space<hbm>>
      %dma_start3A_139 = tpu.memref_slice %arg2[%add3A_65] : memref<1600000xi32, #tpu.memory_space<hbm>> -> memref<2000xi32, #tpu.memory_space<hbm>>
      tpu.enqueue_dma source(%dma_start3A_139 : memref<2000xi32, #tpu.memory_space<hbm>>) target(%arg4 : memref<2000xi32, #tpu.memory_space<vmem>>) target_semaphore(%run_scoped3A : memref<!tpu.dma_semaphore, #tpu.memory_space<semaphore_mem>>)
      %dma_wait3A = tpu.memref_slice %arg2[%add3A_65] : memref<1600000xi32, #tpu.memory_space<hbm>> -> memref<2000xi32, #tpu.memory_space<hbm>>
      %dma_wait3A_140 = tpu.memref_slice %arg2[%add3A_65] : memref<1600000xi32, #tpu.memory_space<hbm>> -> memref<2000xi32, #tpu.memory_space<hbm>>
      tpu.wait_dma2 semaphore(%run_scoped3A : memref<!tpu.dma_semaphore, #tpu.memory_space<semaphore_mem>>) src(%dma_wait3A_140 : memref<2000xi32, #tpu.memory_space<hbm>>) dst(%arg4 : memref<2000xi32, #tpu.memory_space<vmem>>)
      tpu.yield
    }) : () -> ()
    "tpu.region"() ({
      %run_scoped3A = tpu.sem_alloc : memref<!tpu.dma_semaphore, #tpu.memory_space<semaphore_mem>>
      %dma_start3A = arith.constant 0 : i32
      %dma_start3A_139 = tpu.memref_slice %arg7[%dma_start3A] : memref<800000xf32, #tpu.memory_space<vmem_shared>> -> memref<800000xf32, #tpu.memory_space<vmem_shared>>
      tpu.enqueue_indirect_dma source(%arg5 : memref<2000xf32, #tpu.memory_space<vmem>>) target(%dma_start3A_139 : memref<800000xf32, #tpu.memory_space<vmem_shared>>) offsets(%arg4 : memref<2000xi32, #tpu.memory_space<vmem>>) semaphore(%run_scoped3A : memref<!tpu.dma_semaphore, #tpu.memory_space<semaphore_mem>>) {add = true}
      %dma_wait3A = arith.constant 0 : i32
      %dma_wait3A_140 = tpu.memref_slice %arg7[%dma_wait3A] : memref<800000xf32, #tpu.memory_space<vmem_shared>> -> memref<800000xf32, #tpu.memory_space<vmem_shared>>
      tpu.wait_indirect_dma semaphore(%run_scoped3A : memref<!tpu.dma_semaphore, #tpu.memory_space<semaphore_mem>>) src(%arg5 : memref<2000xf32, #tpu.memory_space<vmem>>) dst(%dma_wait3A_140 : memref<800000xf32, #tpu.memory_space<vmem_shared>>)
      tpu.yield
    }) : () -> ()
    %mul3A_66 = arith.constant 50000 : i32
    %mul3A_67 = arith.muli %add3A, %mul3A_66 : i32
    %add3A_68 = arith.constant 16000 : i32
    %add3A_69 = arith.addi %mul3A_67, %add3A_68 : i32
    "tpu.region"() ({
      %run_scoped3A = tpu.sem_alloc : memref<!tpu.dma_semaphore, #tpu.memory_space<semaphore_mem>>
      %dma_start3A = tpu.memref_slice %arg2[%add3A_69] : memref<1600000xi32, #tpu.memory_space<hbm>> -> memref<2000xi32, #tpu.memory_space<hbm>>
      %dma_start3A_139 = tpu.memref_slice %arg2[%add3A_69] : memref<1600000xi32, #tpu.memory_space<hbm>> -> memref<2000xi32, #tpu.memory_space<hbm>>
      tpu.enqueue_dma source(%dma_start3A_139 : memref<2000xi32, #tpu.memory_space<hbm>>) target(%arg4 : memref<2000xi32, #tpu.memory_space<vmem>>) target_semaphore(%run_scoped3A : memref<!tpu.dma_semaphore, #tpu.memory_space<semaphore_mem>>)
      %dma_wait3A = tpu.memref_slice %arg2[%add3A_69] : memref<1600000xi32, #tpu.memory_space<hbm>> -> memref<2000xi32, #tpu.memory_space<hbm>>
      %dma_wait3A_140 = tpu.memref_slice %arg2[%add3A_69] : memref<1600000xi32, #tpu.memory_space<hbm>> -> memref<2000xi32, #tpu.memory_space<hbm>>
      tpu.wait_dma2 semaphore(%run_scoped3A : memref<!tpu.dma_semaphore, #tpu.memory_space<semaphore_mem>>) src(%dma_wait3A_140 : memref<2000xi32, #tpu.memory_space<hbm>>) dst(%arg4 : memref<2000xi32, #tpu.memory_space<vmem>>)
      tpu.yield
    }) : () -> ()
    "tpu.region"() ({
      %run_scoped3A = tpu.sem_alloc : memref<!tpu.dma_semaphore, #tpu.memory_space<semaphore_mem>>
      %dma_start3A = arith.constant 0 : i32
      %dma_start3A_139 = tpu.memref_slice %arg7[%dma_start3A] : memref<800000xf32, #tpu.memory_space<vmem_shared>> -> memref<800000xf32, #tpu.memory_space<vmem_shared>>
      tpu.enqueue_indirect_dma source(%arg5 : memref<2000xf32, #tpu.memory_space<vmem>>) target(%dma_start3A_139 : memref<800000xf32, #tpu.memory_space<vmem_shared>>) offsets(%arg4 : memref<2000xi32, #tpu.memory_space<vmem>>) semaphore(%run_scoped3A : memref<!tpu.dma_semaphore, #tpu.memory_space<semaphore_mem>>) {add = true}
      %dma_wait3A = arith.constant 0 : i32
      %dma_wait3A_140 = tpu.memref_slice %arg7[%dma_wait3A] : memref<800000xf32, #tpu.memory_space<vmem_shared>> -> memref<800000xf32, #tpu.memory_space<vmem_shared>>
      tpu.wait_indirect_dma semaphore(%run_scoped3A : memref<!tpu.dma_semaphore, #tpu.memory_space<semaphore_mem>>) src(%arg5 : memref<2000xf32, #tpu.memory_space<vmem>>) dst(%dma_wait3A_140 : memref<800000xf32, #tpu.memory_space<vmem_shared>>)
      tpu.yield
    }) : () -> ()
    %mul3A_70 = arith.constant 50000 : i32
    %mul3A_71 = arith.muli %add3A, %mul3A_70 : i32
    %add3A_72 = arith.constant 18000 : i32
    %add3A_73 = arith.addi %mul3A_71, %add3A_72 : i32
    "tpu.region"() ({
      %run_scoped3A = tpu.sem_alloc : memref<!tpu.dma_semaphore, #tpu.memory_space<semaphore_mem>>
      %dma_start3A = tpu.memref_slice %arg2[%add3A_73] : memref<1600000xi32, #tpu.memory_space<hbm>> -> memref<2000xi32, #tpu.memory_space<hbm>>
      %dma_start3A_139 = tpu.memref_slice %arg2[%add3A_73] : memref<1600000xi32, #tpu.memory_space<hbm>> -> memref<2000xi32, #tpu.memory_space<hbm>>
      tpu.enqueue_dma source(%dma_start3A_139 : memref<2000xi32, #tpu.memory_space<hbm>>) target(%arg4 : memref<2000xi32, #tpu.memory_space<vmem>>) target_semaphore(%run_scoped3A : memref<!tpu.dma_semaphore, #tpu.memory_space<semaphore_mem>>)
      %dma_wait3A = tpu.memref_slice %arg2[%add3A_73] : memref<1600000xi32, #tpu.memory_space<hbm>> -> memref<2000xi32, #tpu.memory_space<hbm>>
      %dma_wait3A_140 = tpu.memref_slice %arg2[%add3A_73] : memref<1600000xi32, #tpu.memory_space<hbm>> -> memref<2000xi32, #tpu.memory_space<hbm>>
      tpu.wait_dma2 semaphore(%run_scoped3A : memref<!tpu.dma_semaphore, #tpu.memory_space<semaphore_mem>>) src(%dma_wait3A_140 : memref<2000xi32, #tpu.memory_space<hbm>>) dst(%arg4 : memref<2000xi32, #tpu.memory_space<vmem>>)
      tpu.yield
    }) : () -> ()
    "tpu.region"() ({
      %run_scoped3A = tpu.sem_alloc : memref<!tpu.dma_semaphore, #tpu.memory_space<semaphore_mem>>
      %dma_start3A = arith.constant 0 : i32
      %dma_start3A_139 = tpu.memref_slice %arg7[%dma_start3A] : memref<800000xf32, #tpu.memory_space<vmem_shared>> -> memref<800000xf32, #tpu.memory_space<vmem_shared>>
      tpu.enqueue_indirect_dma source(%arg5 : memref<2000xf32, #tpu.memory_space<vmem>>) target(%dma_start3A_139 : memref<800000xf32, #tpu.memory_space<vmem_shared>>) offsets(%arg4 : memref<2000xi32, #tpu.memory_space<vmem>>) semaphore(%run_scoped3A : memref<!tpu.dma_semaphore, #tpu.memory_space<semaphore_mem>>) {add = true}
      %dma_wait3A = arith.constant 0 : i32
      %dma_wait3A_140 = tpu.memref_slice %arg7[%dma_wait3A] : memref<800000xf32, #tpu.memory_space<vmem_shared>> -> memref<800000xf32, #tpu.memory_space<vmem_shared>>
      tpu.wait_indirect_dma semaphore(%run_scoped3A : memref<!tpu.dma_semaphore, #tpu.memory_space<semaphore_mem>>) src(%arg5 : memref<2000xf32, #tpu.memory_space<vmem>>) dst(%dma_wait3A_140 : memref<800000xf32, #tpu.memory_space<vmem_shared>>)
      tpu.yield
    }) : () -> ()
    %mul3A_74 = arith.constant 50000 : i32
    %mul3A_75 = arith.muli %add3A, %mul3A_74 : i32
    %add3A_76 = arith.constant 20000 : i32
    %add3A_77 = arith.addi %mul3A_75, %add3A_76 : i32
    "tpu.region"() ({
      %run_scoped3A = tpu.sem_alloc : memref<!tpu.dma_semaphore, #tpu.memory_space<semaphore_mem>>
      %dma_start3A = tpu.memref_slice %arg2[%add3A_77] : memref<1600000xi32, #tpu.memory_space<hbm>> -> memref<2000xi32, #tpu.memory_space<hbm>>
      %dma_start3A_139 = tpu.memref_slice %arg2[%add3A_77] : memref<1600000xi32, #tpu.memory_space<hbm>> -> memref<2000xi32, #tpu.memory_space<hbm>>
      tpu.enqueue_dma source(%dma_start3A_139 : memref<2000xi32, #tpu.memory_space<hbm>>) target(%arg4 : memref<2000xi32, #tpu.memory_space<vmem>>) target_semaphore(%run_scoped3A : memref<!tpu.dma_semaphore, #tpu.memory_space<semaphore_mem>>)
      %dma_wait3A = tpu.memref_slice %arg2[%add3A_77] : memref<1600000xi32, #tpu.memory_space<hbm>> -> memref<2000xi32, #tpu.memory_space<hbm>>
      %dma_wait3A_140 = tpu.memref_slice %arg2[%add3A_77] : memref<1600000xi32, #tpu.memory_space<hbm>> -> memref<2000xi32, #tpu.memory_space<hbm>>
      tpu.wait_dma2 semaphore(%run_scoped3A : memref<!tpu.dma_semaphore, #tpu.memory_space<semaphore_mem>>) src(%dma_wait3A_140 : memref<2000xi32, #tpu.memory_space<hbm>>) dst(%arg4 : memref<2000xi32, #tpu.memory_space<vmem>>)
      tpu.yield
    }) : () -> ()
    "tpu.region"() ({
      %run_scoped3A = tpu.sem_alloc : memref<!tpu.dma_semaphore, #tpu.memory_space<semaphore_mem>>
      %dma_start3A = arith.constant 0 : i32
      %dma_start3A_139 = tpu.memref_slice %arg7[%dma_start3A] : memref<800000xf32, #tpu.memory_space<vmem_shared>> -> memref<800000xf32, #tpu.memory_space<vmem_shared>>
      tpu.enqueue_indirect_dma source(%arg5 : memref<2000xf32, #tpu.memory_space<vmem>>) target(%dma_start3A_139 : memref<800000xf32, #tpu.memory_space<vmem_shared>>) offsets(%arg4 : memref<2000xi32, #tpu.memory_space<vmem>>) semaphore(%run_scoped3A : memref<!tpu.dma_semaphore, #tpu.memory_space<semaphore_mem>>) {add = true}
      %dma_wait3A = arith.constant 0 : i32
      %dma_wait3A_140 = tpu.memref_slice %arg7[%dma_wait3A] : memref<800000xf32, #tpu.memory_space<vmem_shared>> -> memref<800000xf32, #tpu.memory_space<vmem_shared>>
      tpu.wait_indirect_dma semaphore(%run_scoped3A : memref<!tpu.dma_semaphore, #tpu.memory_space<semaphore_mem>>) src(%arg5 : memref<2000xf32, #tpu.memory_space<vmem>>) dst(%dma_wait3A_140 : memref<800000xf32, #tpu.memory_space<vmem_shared>>)
      tpu.yield
    }) : () -> ()
    %mul3A_78 = arith.constant 50000 : i32
    %mul3A_79 = arith.muli %add3A, %mul3A_78 : i32
    %add3A_80 = arith.constant 22000 : i32
    %add3A_81 = arith.addi %mul3A_79, %add3A_80 : i32
    "tpu.region"() ({
      %run_scoped3A = tpu.sem_alloc : memref<!tpu.dma_semaphore, #tpu.memory_space<semaphore_mem>>
      %dma_start3A = tpu.memref_slice %arg2[%add3A_81] : memref<1600000xi32, #tpu.memory_space<hbm>> -> memref<2000xi32, #tpu.memory_space<hbm>>
      %dma_start3A_139 = tpu.memref_slice %arg2[%add3A_81] : memref<1600000xi32, #tpu.memory_space<hbm>> -> memref<2000xi32, #tpu.memory_space<hbm>>
      tpu.enqueue_dma source(%dma_start3A_139 : memref<2000xi32, #tpu.memory_space<hbm>>) target(%arg4 : memref<2000xi32, #tpu.memory_space<vmem>>) target_semaphore(%run_scoped3A : memref<!tpu.dma_semaphore, #tpu.memory_space<semaphore_mem>>)
      %dma_wait3A = tpu.memref_slice %arg2[%add3A_81] : memref<1600000xi32, #tpu.memory_space<hbm>> -> memref<2000xi32, #tpu.memory_space<hbm>>
      %dma_wait3A_140 = tpu.memref_slice %arg2[%add3A_81] : memref<1600000xi32, #tpu.memory_space<hbm>> -> memref<2000xi32, #tpu.memory_space<hbm>>
      tpu.wait_dma2 semaphore(%run_scoped3A : memref<!tpu.dma_semaphore, #tpu.memory_space<semaphore_mem>>) src(%dma_wait3A_140 : memref<2000xi32, #tpu.memory_space<hbm>>) dst(%arg4 : memref<2000xi32, #tpu.memory_space<vmem>>)
      tpu.yield
    }) : () -> ()
    "tpu.region"() ({
      %run_scoped3A = tpu.sem_alloc : memref<!tpu.dma_semaphore, #tpu.memory_space<semaphore_mem>>
      %dma_start3A = arith.constant 0 : i32
      %dma_start3A_139 = tpu.memref_slice %arg7[%dma_start3A] : memref<800000xf32, #tpu.memory_space<vmem_shared>> -> memref<800000xf32, #tpu.memory_space<vmem_shared>>
      tpu.enqueue_indirect_dma source(%arg5 : memref<2000xf32, #tpu.memory_space<vmem>>) target(%dma_start3A_139 : memref<800000xf32, #tpu.memory_space<vmem_shared>>) offsets(%arg4 : memref<2000xi32, #tpu.memory_space<vmem>>) semaphore(%run_scoped3A : memref<!tpu.dma_semaphore, #tpu.memory_space<semaphore_mem>>) {add = true}
      %dma_wait3A = arith.constant 0 : i32
      %dma_wait3A_140 = tpu.memref_slice %arg7[%dma_wait3A] : memref<800000xf32, #tpu.memory_space<vmem_shared>> -> memref<800000xf32, #tpu.memory_space<vmem_shared>>
      tpu.wait_indirect_dma semaphore(%run_scoped3A : memref<!tpu.dma_semaphore, #tpu.memory_space<semaphore_mem>>) src(%arg5 : memref<2000xf32, #tpu.memory_space<vmem>>) dst(%dma_wait3A_140 : memref<800000xf32, #tpu.memory_space<vmem_shared>>)
      tpu.yield
    }) : () -> ()
    %mul3A_82 = arith.constant 50000 : i32
    %mul3A_83 = arith.muli %add3A, %mul3A_82 : i32
    %add3A_84 = arith.constant 24000 : i32
    %add3A_85 = arith.addi %mul3A_83, %add3A_84 : i32
    "tpu.region"() ({
      %run_scoped3A = tpu.sem_alloc : memref<!tpu.dma_semaphore, #tpu.memory_space<semaphore_mem>>
      %dma_start3A = tpu.memref_slice %arg2[%add3A_85] : memref<1600000xi32, #tpu.memory_space<hbm>> -> memref<2000xi32, #tpu.memory_space<hbm>>
      %dma_start3A_139 = tpu.memref_slice %arg2[%add3A_85] : memref<1600000xi32, #tpu.memory_space<hbm>> -> memref<2000xi32, #tpu.memory_space<hbm>>
      tpu.enqueue_dma source(%dma_start3A_139 : memref<2000xi32, #tpu.memory_space<hbm>>) target(%arg4 : memref<2000xi32, #tpu.memory_space<vmem>>) target_semaphore(%run_scoped3A : memref<!tpu.dma_semaphore, #tpu.memory_space<semaphore_mem>>)
      %dma_wait3A = tpu.memref_slice %arg2[%add3A_85] : memref<1600000xi32, #tpu.memory_space<hbm>> -> memref<2000xi32, #tpu.memory_space<hbm>>
      %dma_wait3A_140 = tpu.memref_slice %arg2[%add3A_85] : memref<1600000xi32, #tpu.memory_space<hbm>> -> memref<2000xi32, #tpu.memory_space<hbm>>
      tpu.wait_dma2 semaphore(%run_scoped3A : memref<!tpu.dma_semaphore, #tpu.memory_space<semaphore_mem>>) src(%dma_wait3A_140 : memref<2000xi32, #tpu.memory_space<hbm>>) dst(%arg4 : memref<2000xi32, #tpu.memory_space<vmem>>)
      tpu.yield
    }) : () -> ()
    "tpu.region"() ({
      %run_scoped3A = tpu.sem_alloc : memref<!tpu.dma_semaphore, #tpu.memory_space<semaphore_mem>>
      %dma_start3A = arith.constant 0 : i32
      %dma_start3A_139 = tpu.memref_slice %arg7[%dma_start3A] : memref<800000xf32, #tpu.memory_space<vmem_shared>> -> memref<800000xf32, #tpu.memory_space<vmem_shared>>
      tpu.enqueue_indirect_dma source(%arg5 : memref<2000xf32, #tpu.memory_space<vmem>>) target(%dma_start3A_139 : memref<800000xf32, #tpu.memory_space<vmem_shared>>) offsets(%arg4 : memref<2000xi32, #tpu.memory_space<vmem>>) semaphore(%run_scoped3A : memref<!tpu.dma_semaphore, #tpu.memory_space<semaphore_mem>>) {add = true}
      %dma_wait3A = arith.constant 0 : i32
      %dma_wait3A_140 = tpu.memref_slice %arg7[%dma_wait3A] : memref<800000xf32, #tpu.memory_space<vmem_shared>> -> memref<800000xf32, #tpu.memory_space<vmem_shared>>
      tpu.wait_indirect_dma semaphore(%run_scoped3A : memref<!tpu.dma_semaphore, #tpu.memory_space<semaphore_mem>>) src(%arg5 : memref<2000xf32, #tpu.memory_space<vmem>>) dst(%dma_wait3A_140 : memref<800000xf32, #tpu.memory_space<vmem_shared>>)
      tpu.yield
    }) : () -> ()
    %mul3A_86 = arith.constant 50000 : i32
    %mul3A_87 = arith.muli %add3A, %mul3A_86 : i32
    %add3A_88 = arith.constant 26000 : i32
    %add3A_89 = arith.addi %mul3A_87, %add3A_88 : i32
    "tpu.region"() ({
      %run_scoped3A = tpu.sem_alloc : memref<!tpu.dma_semaphore, #tpu.memory_space<semaphore_mem>>
      %dma_start3A = tpu.memref_slice %arg2[%add3A_89] : memref<1600000xi32, #tpu.memory_space<hbm>> -> memref<2000xi32, #tpu.memory_space<hbm>>
      %dma_start3A_139 = tpu.memref_slice %arg2[%add3A_89] : memref<1600000xi32, #tpu.memory_space<hbm>> -> memref<2000xi32, #tpu.memory_space<hbm>>
      tpu.enqueue_dma source(%dma_start3A_139 : memref<2000xi32, #tpu.memory_space<hbm>>) target(%arg4 : memref<2000xi32, #tpu.memory_space<vmem>>) target_semaphore(%run_scoped3A : memref<!tpu.dma_semaphore, #tpu.memory_space<semaphore_mem>>)
      %dma_wait3A = tpu.memref_slice %arg2[%add3A_89] : memref<1600000xi32, #tpu.memory_space<hbm>> -> memref<2000xi32, #tpu.memory_space<hbm>>
      %dma_wait3A_140 = tpu.memref_slice %arg2[%add3A_89] : memref<1600000xi32, #tpu.memory_space<hbm>> -> memref<2000xi32, #tpu.memory_space<hbm>>
      tpu.wait_dma2 semaphore(%run_scoped3A : memref<!tpu.dma_semaphore, #tpu.memory_space<semaphore_mem>>) src(%dma_wait3A_140 : memref<2000xi32, #tpu.memory_space<hbm>>) dst(%arg4 : memref<2000xi32, #tpu.memory_space<vmem>>)
      tpu.yield
    }) : () -> ()
    "tpu.region"() ({
      %run_scoped3A = tpu.sem_alloc : memref<!tpu.dma_semaphore, #tpu.memory_space<semaphore_mem>>
      %dma_start3A = arith.constant 0 : i32
      %dma_start3A_139 = tpu.memref_slice %arg7[%dma_start3A] : memref<800000xf32, #tpu.memory_space<vmem_shared>> -> memref<800000xf32, #tpu.memory_space<vmem_shared>>
      tpu.enqueue_indirect_dma source(%arg5 : memref<2000xf32, #tpu.memory_space<vmem>>) target(%dma_start3A_139 : memref<800000xf32, #tpu.memory_space<vmem_shared>>) offsets(%arg4 : memref<2000xi32, #tpu.memory_space<vmem>>) semaphore(%run_scoped3A : memref<!tpu.dma_semaphore, #tpu.memory_space<semaphore_mem>>) {add = true}
      %dma_wait3A = arith.constant 0 : i32
      %dma_wait3A_140 = tpu.memref_slice %arg7[%dma_wait3A] : memref<800000xf32, #tpu.memory_space<vmem_shared>> -> memref<800000xf32, #tpu.memory_space<vmem_shared>>
      tpu.wait_indirect_dma semaphore(%run_scoped3A : memref<!tpu.dma_semaphore, #tpu.memory_space<semaphore_mem>>) src(%arg5 : memref<2000xf32, #tpu.memory_space<vmem>>) dst(%dma_wait3A_140 : memref<800000xf32, #tpu.memory_space<vmem_shared>>)
      tpu.yield
    }) : () -> ()
    %mul3A_90 = arith.constant 50000 : i32
    %mul3A_91 = arith.muli %add3A, %mul3A_90 : i32
    %add3A_92 = arith.constant 28000 : i32
    %add3A_93 = arith.addi %mul3A_91, %add3A_92 : i32
    "tpu.region"() ({
      %run_scoped3A = tpu.sem_alloc : memref<!tpu.dma_semaphore, #tpu.memory_space<semaphore_mem>>
      %dma_start3A = tpu.memref_slice %arg2[%add3A_93] : memref<1600000xi32, #tpu.memory_space<hbm>> -> memref<2000xi32, #tpu.memory_space<hbm>>
      %dma_start3A_139 = tpu.memref_slice %arg2[%add3A_93] : memref<1600000xi32, #tpu.memory_space<hbm>> -> memref<2000xi32, #tpu.memory_space<hbm>>
      tpu.enqueue_dma source(%dma_start3A_139 : memref<2000xi32, #tpu.memory_space<hbm>>) target(%arg4 : memref<2000xi32, #tpu.memory_space<vmem>>) target_semaphore(%run_scoped3A : memref<!tpu.dma_semaphore, #tpu.memory_space<semaphore_mem>>)
      %dma_wait3A = tpu.memref_slice %arg2[%add3A_93] : memref<1600000xi32, #tpu.memory_space<hbm>> -> memref<2000xi32, #tpu.memory_space<hbm>>
      %dma_wait3A_140 = tpu.memref_slice %arg2[%add3A_93] : memref<1600000xi32, #tpu.memory_space<hbm>> -> memref<2000xi32, #tpu.memory_space<hbm>>
      tpu.wait_dma2 semaphore(%run_scoped3A : memref<!tpu.dma_semaphore, #tpu.memory_space<semaphore_mem>>) src(%dma_wait3A_140 : memref<2000xi32, #tpu.memory_space<hbm>>) dst(%arg4 : memref<2000xi32, #tpu.memory_space<vmem>>)
      tpu.yield
    }) : () -> ()
    "tpu.region"() ({
      %run_scoped3A = tpu.sem_alloc : memref<!tpu.dma_semaphore, #tpu.memory_space<semaphore_mem>>
      %dma_start3A = arith.constant 0 : i32
      %dma_start3A_139 = tpu.memref_slice %arg7[%dma_start3A] : memref<800000xf32, #tpu.memory_space<vmem_shared>> -> memref<800000xf32, #tpu.memory_space<vmem_shared>>
      tpu.enqueue_indirect_dma source(%arg5 : memref<2000xf32, #tpu.memory_space<vmem>>) target(%dma_start3A_139 : memref<800000xf32, #tpu.memory_space<vmem_shared>>) offsets(%arg4 : memref<2000xi32, #tpu.memory_space<vmem>>) semaphore(%run_scoped3A : memref<!tpu.dma_semaphore, #tpu.memory_space<semaphore_mem>>) {add = true}
      %dma_wait3A = arith.constant 0 : i32
      %dma_wait3A_140 = tpu.memref_slice %arg7[%dma_wait3A] : memref<800000xf32, #tpu.memory_space<vmem_shared>> -> memref<800000xf32, #tpu.memory_space<vmem_shared>>
      tpu.wait_indirect_dma semaphore(%run_scoped3A : memref<!tpu.dma_semaphore, #tpu.memory_space<semaphore_mem>>) src(%arg5 : memref<2000xf32, #tpu.memory_space<vmem>>) dst(%dma_wait3A_140 : memref<800000xf32, #tpu.memory_space<vmem_shared>>)
      tpu.yield
    }) : () -> ()
    %mul3A_94 = arith.constant 50000 : i32
    %mul3A_95 = arith.muli %add3A, %mul3A_94 : i32
    %add3A_96 = arith.constant 30000 : i32
    %add3A_97 = arith.addi %mul3A_95, %add3A_96 : i32
    "tpu.region"() ({
      %run_scoped3A = tpu.sem_alloc : memref<!tpu.dma_semaphore, #tpu.memory_space<semaphore_mem>>
      %dma_start3A = tpu.memref_slice %arg2[%add3A_97] : memref<1600000xi32, #tpu.memory_space<hbm>> -> memref<2000xi32, #tpu.memory_space<hbm>>
      %dma_start3A_139 = tpu.memref_slice %arg2[%add3A_97] : memref<1600000xi32, #tpu.memory_space<hbm>> -> memref<2000xi32, #tpu.memory_space<hbm>>
      tpu.enqueue_dma source(%dma_start3A_139 : memref<2000xi32, #tpu.memory_space<hbm>>) target(%arg4 : memref<2000xi32, #tpu.memory_space<vmem>>) target_semaphore(%run_scoped3A : memref<!tpu.dma_semaphore, #tpu.memory_space<semaphore_mem>>)
      %dma_wait3A = tpu.memref_slice %arg2[%add3A_97] : memref<1600000xi32, #tpu.memory_space<hbm>> -> memref<2000xi32, #tpu.memory_space<hbm>>
      %dma_wait3A_140 = tpu.memref_slice %arg2[%add3A_97] : memref<1600000xi32, #tpu.memory_space<hbm>> -> memref<2000xi32, #tpu.memory_space<hbm>>
      tpu.wait_dma2 semaphore(%run_scoped3A : memref<!tpu.dma_semaphore, #tpu.memory_space<semaphore_mem>>) src(%dma_wait3A_140 : memref<2000xi32, #tpu.memory_space<hbm>>) dst(%arg4 : memref<2000xi32, #tpu.memory_space<vmem>>)
      tpu.yield
    }) : () -> ()
    "tpu.region"() ({
      %run_scoped3A = tpu.sem_alloc : memref<!tpu.dma_semaphore, #tpu.memory_space<semaphore_mem>>
      %dma_start3A = arith.constant 0 : i32
      %dma_start3A_139 = tpu.memref_slice %arg7[%dma_start3A] : memref<800000xf32, #tpu.memory_space<vmem_shared>> -> memref<800000xf32, #tpu.memory_space<vmem_shared>>
      tpu.enqueue_indirect_dma source(%arg5 : memref<2000xf32, #tpu.memory_space<vmem>>) target(%dma_start3A_139 : memref<800000xf32, #tpu.memory_space<vmem_shared>>) offsets(%arg4 : memref<2000xi32, #tpu.memory_space<vmem>>) semaphore(%run_scoped3A : memref<!tpu.dma_semaphore, #tpu.memory_space<semaphore_mem>>) {add = true}
      %dma_wait3A = arith.constant 0 : i32
      %dma_wait3A_140 = tpu.memref_slice %arg7[%dma_wait3A] : memref<800000xf32, #tpu.memory_space<vmem_shared>> -> memref<800000xf32, #tpu.memory_space<vmem_shared>>
      tpu.wait_indirect_dma semaphore(%run_scoped3A : memref<!tpu.dma_semaphore, #tpu.memory_space<semaphore_mem>>) src(%arg5 : memref<2000xf32, #tpu.memory_space<vmem>>) dst(%dma_wait3A_140 : memref<800000xf32, #tpu.memory_space<vmem_shared>>)
      tpu.yield
    }) : () -> ()
    %mul3A_98 = arith.constant 50000 : i32
    %mul3A_99 = arith.muli %add3A, %mul3A_98 : i32
    %add3A_100 = arith.constant 32000 : i32
    %add3A_101 = arith.addi %mul3A_99, %add3A_100 : i32
    "tpu.region"() ({
      %run_scoped3A = tpu.sem_alloc : memref<!tpu.dma_semaphore, #tpu.memory_space<semaphore_mem>>
      %dma_start3A = tpu.memref_slice %arg2[%add3A_101] : memref<1600000xi32, #tpu.memory_space<hbm>> -> memref<2000xi32, #tpu.memory_space<hbm>>
      %dma_start3A_139 = tpu.memref_slice %arg2[%add3A_101] : memref<1600000xi32, #tpu.memory_space<hbm>> -> memref<2000xi32, #tpu.memory_space<hbm>>
      tpu.enqueue_dma source(%dma_start3A_139 : memref<2000xi32, #tpu.memory_space<hbm>>) target(%arg4 : memref<2000xi32, #tpu.memory_space<vmem>>) target_semaphore(%run_scoped3A : memref<!tpu.dma_semaphore, #tpu.memory_space<semaphore_mem>>)
      %dma_wait3A = tpu.memref_slice %arg2[%add3A_101] : memref<1600000xi32, #tpu.memory_space<hbm>> -> memref<2000xi32, #tpu.memory_space<hbm>>
      %dma_wait3A_140 = tpu.memref_slice %arg2[%add3A_101] : memref<1600000xi32, #tpu.memory_space<hbm>> -> memref<2000xi32, #tpu.memory_space<hbm>>
      tpu.wait_dma2 semaphore(%run_scoped3A : memref<!tpu.dma_semaphore, #tpu.memory_space<semaphore_mem>>) src(%dma_wait3A_140 : memref<2000xi32, #tpu.memory_space<hbm>>) dst(%arg4 : memref<2000xi32, #tpu.memory_space<vmem>>)
      tpu.yield
    }) : () -> ()
    "tpu.region"() ({
      %run_scoped3A = tpu.sem_alloc : memref<!tpu.dma_semaphore, #tpu.memory_space<semaphore_mem>>
      %dma_start3A = arith.constant 0 : i32
      %dma_start3A_139 = tpu.memref_slice %arg7[%dma_start3A] : memref<800000xf32, #tpu.memory_space<vmem_shared>> -> memref<800000xf32, #tpu.memory_space<vmem_shared>>
      tpu.enqueue_indirect_dma source(%arg5 : memref<2000xf32, #tpu.memory_space<vmem>>) target(%dma_start3A_139 : memref<800000xf32, #tpu.memory_space<vmem_shared>>) offsets(%arg4 : memref<2000xi32, #tpu.memory_space<vmem>>) semaphore(%run_scoped3A : memref<!tpu.dma_semaphore, #tpu.memory_space<semaphore_mem>>) {add = true}
      %dma_wait3A = arith.constant 0 : i32
      %dma_wait3A_140 = tpu.memref_slice %arg7[%dma_wait3A] : memref<800000xf32, #tpu.memory_space<vmem_shared>> -> memref<800000xf32, #tpu.memory_space<vmem_shared>>
      tpu.wait_indirect_dma semaphore(%run_scoped3A : memref<!tpu.dma_semaphore, #tpu.memory_space<semaphore_mem>>) src(%arg5 : memref<2000xf32, #tpu.memory_space<vmem>>) dst(%dma_wait3A_140 : memref<800000xf32, #tpu.memory_space<vmem_shared>>)
      tpu.yield
    }) : () -> ()
    %mul3A_102 = arith.constant 50000 : i32
    %mul3A_103 = arith.muli %add3A, %mul3A_102 : i32
    %add3A_104 = arith.constant 34000 : i32
    %add3A_105 = arith.addi %mul3A_103, %add3A_104 : i32
    "tpu.region"() ({
      %run_scoped3A = tpu.sem_alloc : memref<!tpu.dma_semaphore, #tpu.memory_space<semaphore_mem>>
      %dma_start3A = tpu.memref_slice %arg2[%add3A_105] : memref<1600000xi32, #tpu.memory_space<hbm>> -> memref<2000xi32, #tpu.memory_space<hbm>>
      %dma_start3A_139 = tpu.memref_slice %arg2[%add3A_105] : memref<1600000xi32, #tpu.memory_space<hbm>> -> memref<2000xi32, #tpu.memory_space<hbm>>
      tpu.enqueue_dma source(%dma_start3A_139 : memref<2000xi32, #tpu.memory_space<hbm>>) target(%arg4 : memref<2000xi32, #tpu.memory_space<vmem>>) target_semaphore(%run_scoped3A : memref<!tpu.dma_semaphore, #tpu.memory_space<semaphore_mem>>)
      %dma_wait3A = tpu.memref_slice %arg2[%add3A_105] : memref<1600000xi32, #tpu.memory_space<hbm>> -> memref<2000xi32, #tpu.memory_space<hbm>>
      %dma_wait3A_140 = tpu.memref_slice %arg2[%add3A_105] : memref<1600000xi32, #tpu.memory_space<hbm>> -> memref<2000xi32, #tpu.memory_space<hbm>>
      tpu.wait_dma2 semaphore(%run_scoped3A : memref<!tpu.dma_semaphore, #tpu.memory_space<semaphore_mem>>) src(%dma_wait3A_140 : memref<2000xi32, #tpu.memory_space<hbm>>) dst(%arg4 : memref<2000xi32, #tpu.memory_space<vmem>>)
      tpu.yield
    }) : () -> ()
    "tpu.region"() ({
      %run_scoped3A = tpu.sem_alloc : memref<!tpu.dma_semaphore, #tpu.memory_space<semaphore_mem>>
      %dma_start3A = arith.constant 0 : i32
      %dma_start3A_139 = tpu.memref_slice %arg7[%dma_start3A] : memref<800000xf32, #tpu.memory_space<vmem_shared>> -> memref<800000xf32, #tpu.memory_space<vmem_shared>>
      tpu.enqueue_indirect_dma source(%arg5 : memref<2000xf32, #tpu.memory_space<vmem>>) target(%dma_start3A_139 : memref<800000xf32, #tpu.memory_space<vmem_shared>>) offsets(%arg4 : memref<2000xi32, #tpu.memory_space<vmem>>) semaphore(%run_scoped3A : memref<!tpu.dma_semaphore, #tpu.memory_space<semaphore_mem>>) {add = true}
      %dma_wait3A = arith.constant 0 : i32
      %dma_wait3A_140 = tpu.memref_slice %arg7[%dma_wait3A] : memref<800000xf32, #tpu.memory_space<vmem_shared>> -> memref<800000xf32, #tpu.memory_space<vmem_shared>>
      tpu.wait_indirect_dma semaphore(%run_scoped3A : memref<!tpu.dma_semaphore, #tpu.memory_space<semaphore_mem>>) src(%arg5 : memref<2000xf32, #tpu.memory_space<vmem>>) dst(%dma_wait3A_140 : memref<800000xf32, #tpu.memory_space<vmem_shared>>)
      tpu.yield
    }) : () -> ()
    %mul3A_106 = arith.constant 50000 : i32
    %mul3A_107 = arith.muli %add3A, %mul3A_106 : i32
    %add3A_108 = arith.constant 36000 : i32
    %add3A_109 = arith.addi %mul3A_107, %add3A_108 : i32
    "tpu.region"() ({
      %run_scoped3A = tpu.sem_alloc : memref<!tpu.dma_semaphore, #tpu.memory_space<semaphore_mem>>
      %dma_start3A = tpu.memref_slice %arg2[%add3A_109] : memref<1600000xi32, #tpu.memory_space<hbm>> -> memref<2000xi32, #tpu.memory_space<hbm>>
      %dma_start3A_139 = tpu.memref_slice %arg2[%add3A_109] : memref<1600000xi32, #tpu.memory_space<hbm>> -> memref<2000xi32, #tpu.memory_space<hbm>>
      tpu.enqueue_dma source(%dma_start3A_139 : memref<2000xi32, #tpu.memory_space<hbm>>) target(%arg4 : memref<2000xi32, #tpu.memory_space<vmem>>) target_semaphore(%run_scoped3A : memref<!tpu.dma_semaphore, #tpu.memory_space<semaphore_mem>>)
      %dma_wait3A = tpu.memref_slice %arg2[%add3A_109] : memref<1600000xi32, #tpu.memory_space<hbm>> -> memref<2000xi32, #tpu.memory_space<hbm>>
      %dma_wait3A_140 = tpu.memref_slice %arg2[%add3A_109] : memref<1600000xi32, #tpu.memory_space<hbm>> -> memref<2000xi32, #tpu.memory_space<hbm>>
      tpu.wait_dma2 semaphore(%run_scoped3A : memref<!tpu.dma_semaphore, #tpu.memory_space<semaphore_mem>>) src(%dma_wait3A_140 : memref<2000xi32, #tpu.memory_space<hbm>>) dst(%arg4 : memref<2000xi32, #tpu.memory_space<vmem>>)
      tpu.yield
    }) : () -> ()
    "tpu.region"() ({
      %run_scoped3A = tpu.sem_alloc : memref<!tpu.dma_semaphore, #tpu.memory_space<semaphore_mem>>
      %dma_start3A = arith.constant 0 : i32
      %dma_start3A_139 = tpu.memref_slice %arg7[%dma_start3A] : memref<800000xf32, #tpu.memory_space<vmem_shared>> -> memref<800000xf32, #tpu.memory_space<vmem_shared>>
      tpu.enqueue_indirect_dma source(%arg5 : memref<2000xf32, #tpu.memory_space<vmem>>) target(%dma_start3A_139 : memref<800000xf32, #tpu.memory_space<vmem_shared>>) offsets(%arg4 : memref<2000xi32, #tpu.memory_space<vmem>>) semaphore(%run_scoped3A : memref<!tpu.dma_semaphore, #tpu.memory_space<semaphore_mem>>) {add = true}
      %dma_wait3A = arith.constant 0 : i32
      %dma_wait3A_140 = tpu.memref_slice %arg7[%dma_wait3A] : memref<800000xf32, #tpu.memory_space<vmem_shared>> -> memref<800000xf32, #tpu.memory_space<vmem_shared>>
      tpu.wait_indirect_dma semaphore(%run_scoped3A : memref<!tpu.dma_semaphore, #tpu.memory_space<semaphore_mem>>) src(%arg5 : memref<2000xf32, #tpu.memory_space<vmem>>) dst(%dma_wait3A_140 : memref<800000xf32, #tpu.memory_space<vmem_shared>>)
      tpu.yield
    }) : () -> ()
    %mul3A_110 = arith.constant 50000 : i32
    %mul3A_111 = arith.muli %add3A, %mul3A_110 : i32
    %add3A_112 = arith.constant 38000 : i32
    %add3A_113 = arith.addi %mul3A_111, %add3A_112 : i32
    "tpu.region"() ({
      %run_scoped3A = tpu.sem_alloc : memref<!tpu.dma_semaphore, #tpu.memory_space<semaphore_mem>>
      %dma_start3A = tpu.memref_slice %arg2[%add3A_113] : memref<1600000xi32, #tpu.memory_space<hbm>> -> memref<2000xi32, #tpu.memory_space<hbm>>
      %dma_start3A_139 = tpu.memref_slice %arg2[%add3A_113] : memref<1600000xi32, #tpu.memory_space<hbm>> -> memref<2000xi32, #tpu.memory_space<hbm>>
      tpu.enqueue_dma source(%dma_start3A_139 : memref<2000xi32, #tpu.memory_space<hbm>>) target(%arg4 : memref<2000xi32, #tpu.memory_space<vmem>>) target_semaphore(%run_scoped3A : memref<!tpu.dma_semaphore, #tpu.memory_space<semaphore_mem>>)
      %dma_wait3A = tpu.memref_slice %arg2[%add3A_113] : memref<1600000xi32, #tpu.memory_space<hbm>> -> memref<2000xi32, #tpu.memory_space<hbm>>
      %dma_wait3A_140 = tpu.memref_slice %arg2[%add3A_113] : memref<1600000xi32, #tpu.memory_space<hbm>> -> memref<2000xi32, #tpu.memory_space<hbm>>
      tpu.wait_dma2 semaphore(%run_scoped3A : memref<!tpu.dma_semaphore, #tpu.memory_space<semaphore_mem>>) src(%dma_wait3A_140 : memref<2000xi32, #tpu.memory_space<hbm>>) dst(%arg4 : memref<2000xi32, #tpu.memory_space<vmem>>)
      tpu.yield
    }) : () -> ()
    "tpu.region"() ({
      %run_scoped3A = tpu.sem_alloc : memref<!tpu.dma_semaphore, #tpu.memory_space<semaphore_mem>>
      %dma_start3A = arith.constant 0 : i32
      %dma_start3A_139 = tpu.memref_slice %arg7[%dma_start3A] : memref<800000xf32, #tpu.memory_space<vmem_shared>> -> memref<800000xf32, #tpu.memory_space<vmem_shared>>
      tpu.enqueue_indirect_dma source(%arg5 : memref<2000xf32, #tpu.memory_space<vmem>>) target(%dma_start3A_139 : memref<800000xf32, #tpu.memory_space<vmem_shared>>) offsets(%arg4 : memref<2000xi32, #tpu.memory_space<vmem>>) semaphore(%run_scoped3A : memref<!tpu.dma_semaphore, #tpu.memory_space<semaphore_mem>>) {add = true}
      %dma_wait3A = arith.constant 0 : i32
      %dma_wait3A_140 = tpu.memref_slice %arg7[%dma_wait3A] : memref<800000xf32, #tpu.memory_space<vmem_shared>> -> memref<800000xf32, #tpu.memory_space<vmem_shared>>
      tpu.wait_indirect_dma semaphore(%run_scoped3A : memref<!tpu.dma_semaphore, #tpu.memory_space<semaphore_mem>>) src(%arg5 : memref<2000xf32, #tpu.memory_space<vmem>>) dst(%dma_wait3A_140 : memref<800000xf32, #tpu.memory_space<vmem_shared>>)
      tpu.yield
    }) : () -> ()
    %mul3A_114 = arith.constant 50000 : i32
    %mul3A_115 = arith.muli %add3A, %mul3A_114 : i32
    %add3A_116 = arith.constant 40000 : i32
    %add3A_117 = arith.addi %mul3A_115, %add3A_116 : i32
    "tpu.region"() ({
      %run_scoped3A = tpu.sem_alloc : memref<!tpu.dma_semaphore, #tpu.memory_space<semaphore_mem>>
      %dma_start3A = tpu.memref_slice %arg2[%add3A_117] : memref<1600000xi32, #tpu.memory_space<hbm>> -> memref<2000xi32, #tpu.memory_space<hbm>>
      %dma_start3A_139 = tpu.memref_slice %arg2[%add3A_117] : memref<1600000xi32, #tpu.memory_space<hbm>> -> memref<2000xi32, #tpu.memory_space<hbm>>
      tpu.enqueue_dma source(%dma_start3A_139 : memref<2000xi32, #tpu.memory_space<hbm>>) target(%arg4 : memref<2000xi32, #tpu.memory_space<vmem>>) target_semaphore(%run_scoped3A : memref<!tpu.dma_semaphore, #tpu.memory_space<semaphore_mem>>)
      %dma_wait3A = tpu.memref_slice %arg2[%add3A_117] : memref<1600000xi32, #tpu.memory_space<hbm>> -> memref<2000xi32, #tpu.memory_space<hbm>>
      %dma_wait3A_140 = tpu.memref_slice %arg2[%add3A_117] : memref<1600000xi32, #tpu.memory_space<hbm>> -> memref<2000xi32, #tpu.memory_space<hbm>>
      tpu.wait_dma2 semaphore(%run_scoped3A : memref<!tpu.dma_semaphore, #tpu.memory_space<semaphore_mem>>) src(%dma_wait3A_140 : memref<2000xi32, #tpu.memory_space<hbm>>) dst(%arg4 : memref<2000xi32, #tpu.memory_space<vmem>>)
      tpu.yield
    }) : () -> ()
    "tpu.region"() ({
      %run_scoped3A = tpu.sem_alloc : memref<!tpu.dma_semaphore, #tpu.memory_space<semaphore_mem>>
      %dma_start3A = arith.constant 0 : i32
      %dma_start3A_139 = tpu.memref_slice %arg7[%dma_start3A] : memref<800000xf32, #tpu.memory_space<vmem_shared>> -> memref<800000xf32, #tpu.memory_space<vmem_shared>>
      tpu.enqueue_indirect_dma source(%arg5 : memref<2000xf32, #tpu.memory_space<vmem>>) target(%dma_start3A_139 : memref<800000xf32, #tpu.memory_space<vmem_shared>>) offsets(%arg4 : memref<2000xi32, #tpu.memory_space<vmem>>) semaphore(%run_scoped3A : memref<!tpu.dma_semaphore, #tpu.memory_space<semaphore_mem>>) {add = true}
      %dma_wait3A = arith.constant 0 : i32
      %dma_wait3A_140 = tpu.memref_slice %arg7[%dma_wait3A] : memref<800000xf32, #tpu.memory_space<vmem_shared>> -> memref<800000xf32, #tpu.memory_space<vmem_shared>>
      tpu.wait_indirect_dma semaphore(%run_scoped3A : memref<!tpu.dma_semaphore, #tpu.memory_space<semaphore_mem>>) src(%arg5 : memref<2000xf32, #tpu.memory_space<vmem>>) dst(%dma_wait3A_140 : memref<800000xf32, #tpu.memory_space<vmem_shared>>)
      tpu.yield
    }) : () -> ()
    %mul3A_118 = arith.constant 50000 : i32
    %mul3A_119 = arith.muli %add3A, %mul3A_118 : i32
    %add3A_120 = arith.constant 42000 : i32
    %add3A_121 = arith.addi %mul3A_119, %add3A_120 : i32
    "tpu.region"() ({
      %run_scoped3A = tpu.sem_alloc : memref<!tpu.dma_semaphore, #tpu.memory_space<semaphore_mem>>
      %dma_start3A = tpu.memref_slice %arg2[%add3A_121] : memref<1600000xi32, #tpu.memory_space<hbm>> -> memref<2000xi32, #tpu.memory_space<hbm>>
      %dma_start3A_139 = tpu.memref_slice %arg2[%add3A_121] : memref<1600000xi32, #tpu.memory_space<hbm>> -> memref<2000xi32, #tpu.memory_space<hbm>>
      tpu.enqueue_dma source(%dma_start3A_139 : memref<2000xi32, #tpu.memory_space<hbm>>) target(%arg4 : memref<2000xi32, #tpu.memory_space<vmem>>) target_semaphore(%run_scoped3A : memref<!tpu.dma_semaphore, #tpu.memory_space<semaphore_mem>>)
      %dma_wait3A = tpu.memref_slice %arg2[%add3A_121] : memref<1600000xi32, #tpu.memory_space<hbm>> -> memref<2000xi32, #tpu.memory_space<hbm>>
      %dma_wait3A_140 = tpu.memref_slice %arg2[%add3A_121] : memref<1600000xi32, #tpu.memory_space<hbm>> -> memref<2000xi32, #tpu.memory_space<hbm>>
      tpu.wait_dma2 semaphore(%run_scoped3A : memref<!tpu.dma_semaphore, #tpu.memory_space<semaphore_mem>>) src(%dma_wait3A_140 : memref<2000xi32, #tpu.memory_space<hbm>>) dst(%arg4 : memref<2000xi32, #tpu.memory_space<vmem>>)
      tpu.yield
    }) : () -> ()
    "tpu.region"() ({
      %run_scoped3A = tpu.sem_alloc : memref<!tpu.dma_semaphore, #tpu.memory_space<semaphore_mem>>
      %dma_start3A = arith.constant 0 : i32
      %dma_start3A_139 = tpu.memref_slice %arg7[%dma_start3A] : memref<800000xf32, #tpu.memory_space<vmem_shared>> -> memref<800000xf32, #tpu.memory_space<vmem_shared>>
      tpu.enqueue_indirect_dma source(%arg5 : memref<2000xf32, #tpu.memory_space<vmem>>) target(%dma_start3A_139 : memref<800000xf32, #tpu.memory_space<vmem_shared>>) offsets(%arg4 : memref<2000xi32, #tpu.memory_space<vmem>>) semaphore(%run_scoped3A : memref<!tpu.dma_semaphore, #tpu.memory_space<semaphore_mem>>) {add = true}
      %dma_wait3A = arith.constant 0 : i32
      %dma_wait3A_140 = tpu.memref_slice %arg7[%dma_wait3A] : memref<800000xf32, #tpu.memory_space<vmem_shared>> -> memref<800000xf32, #tpu.memory_space<vmem_shared>>
      tpu.wait_indirect_dma semaphore(%run_scoped3A : memref<!tpu.dma_semaphore, #tpu.memory_space<semaphore_mem>>) src(%arg5 : memref<2000xf32, #tpu.memory_space<vmem>>) dst(%dma_wait3A_140 : memref<800000xf32, #tpu.memory_space<vmem_shared>>)
      tpu.yield
    }) : () -> ()
    %mul3A_122 = arith.constant 50000 : i32
    %mul3A_123 = arith.muli %add3A, %mul3A_122 : i32
    %add3A_124 = arith.constant 44000 : i32
    %add3A_125 = arith.addi %mul3A_123, %add3A_124 : i32
    "tpu.region"() ({
      %run_scoped3A = tpu.sem_alloc : memref<!tpu.dma_semaphore, #tpu.memory_space<semaphore_mem>>
      %dma_start3A = tpu.memref_slice %arg2[%add3A_125] : memref<1600000xi32, #tpu.memory_space<hbm>> -> memref<2000xi32, #tpu.memory_space<hbm>>
      %dma_start3A_139 = tpu.memref_slice %arg2[%add3A_125] : memref<1600000xi32, #tpu.memory_space<hbm>> -> memref<2000xi32, #tpu.memory_space<hbm>>
      tpu.enqueue_dma source(%dma_start3A_139 : memref<2000xi32, #tpu.memory_space<hbm>>) target(%arg4 : memref<2000xi32, #tpu.memory_space<vmem>>) target_semaphore(%run_scoped3A : memref<!tpu.dma_semaphore, #tpu.memory_space<semaphore_mem>>)
      %dma_wait3A = tpu.memref_slice %arg2[%add3A_125] : memref<1600000xi32, #tpu.memory_space<hbm>> -> memref<2000xi32, #tpu.memory_space<hbm>>
      %dma_wait3A_140 = tpu.memref_slice %arg2[%add3A_125] : memref<1600000xi32, #tpu.memory_space<hbm>> -> memref<2000xi32, #tpu.memory_space<hbm>>
      tpu.wait_dma2 semaphore(%run_scoped3A : memref<!tpu.dma_semaphore, #tpu.memory_space<semaphore_mem>>) src(%dma_wait3A_140 : memref<2000xi32, #tpu.memory_space<hbm>>) dst(%arg4 : memref<2000xi32, #tpu.memory_space<vmem>>)
      tpu.yield
    }) : () -> ()
    "tpu.region"() ({
      %run_scoped3A = tpu.sem_alloc : memref<!tpu.dma_semaphore, #tpu.memory_space<semaphore_mem>>
      %dma_start3A = arith.constant 0 : i32
      %dma_start3A_139 = tpu.memref_slice %arg7[%dma_start3A] : memref<800000xf32, #tpu.memory_space<vmem_shared>> -> memref<800000xf32, #tpu.memory_space<vmem_shared>>
      tpu.enqueue_indirect_dma source(%arg5 : memref<2000xf32, #tpu.memory_space<vmem>>) target(%dma_start3A_139 : memref<800000xf32, #tpu.memory_space<vmem_shared>>) offsets(%arg4 : memref<2000xi32, #tpu.memory_space<vmem>>) semaphore(%run_scoped3A : memref<!tpu.dma_semaphore, #tpu.memory_space<semaphore_mem>>) {add = true}
      %dma_wait3A = arith.constant 0 : i32
      %dma_wait3A_140 = tpu.memref_slice %arg7[%dma_wait3A] : memref<800000xf32, #tpu.memory_space<vmem_shared>> -> memref<800000xf32, #tpu.memory_space<vmem_shared>>
      tpu.wait_indirect_dma semaphore(%run_scoped3A : memref<!tpu.dma_semaphore, #tpu.memory_space<semaphore_mem>>) src(%arg5 : memref<2000xf32, #tpu.memory_space<vmem>>) dst(%dma_wait3A_140 : memref<800000xf32, #tpu.memory_space<vmem_shared>>)
      tpu.yield
    }) : () -> ()
    %mul3A_126 = arith.constant 50000 : i32
    %mul3A_127 = arith.muli %add3A, %mul3A_126 : i32
    %add3A_128 = arith.constant 46000 : i32
    %add3A_129 = arith.addi %mul3A_127, %add3A_128 : i32
    "tpu.region"() ({
      %run_scoped3A = tpu.sem_alloc : memref<!tpu.dma_semaphore, #tpu.memory_space<semaphore_mem>>
      %dma_start3A = tpu.memref_slice %arg2[%add3A_129] : memref<1600000xi32, #tpu.memory_space<hbm>> -> memref<2000xi32, #tpu.memory_space<hbm>>
      %dma_start3A_139 = tpu.memref_slice %arg2[%add3A_129] : memref<1600000xi32, #tpu.memory_space<hbm>> -> memref<2000xi32, #tpu.memory_space<hbm>>
      tpu.enqueue_dma source(%dma_start3A_139 : memref<2000xi32, #tpu.memory_space<hbm>>) target(%arg4 : memref<2000xi32, #tpu.memory_space<vmem>>) target_semaphore(%run_scoped3A : memref<!tpu.dma_semaphore, #tpu.memory_space<semaphore_mem>>)
      %dma_wait3A = tpu.memref_slice %arg2[%add3A_129] : memref<1600000xi32, #tpu.memory_space<hbm>> -> memref<2000xi32, #tpu.memory_space<hbm>>
      %dma_wait3A_140 = tpu.memref_slice %arg2[%add3A_129] : memref<1600000xi32, #tpu.memory_space<hbm>> -> memref<2000xi32, #tpu.memory_space<hbm>>
      tpu.wait_dma2 semaphore(%run_scoped3A : memref<!tpu.dma_semaphore, #tpu.memory_space<semaphore_mem>>) src(%dma_wait3A_140 : memref<2000xi32, #tpu.memory_space<hbm>>) dst(%arg4 : memref<2000xi32, #tpu.memory_space<vmem>>)
      tpu.yield
    }) : () -> ()
    "tpu.region"() ({
      %run_scoped3A = tpu.sem_alloc : memref<!tpu.dma_semaphore, #tpu.memory_space<semaphore_mem>>
      %dma_start3A = arith.constant 0 : i32
      %dma_start3A_139 = tpu.memref_slice %arg7[%dma_start3A] : memref<800000xf32, #tpu.memory_space<vmem_shared>> -> memref<800000xf32, #tpu.memory_space<vmem_shared>>
      tpu.enqueue_indirect_dma source(%arg5 : memref<2000xf32, #tpu.memory_space<vmem>>) target(%dma_start3A_139 : memref<800000xf32, #tpu.memory_space<vmem_shared>>) offsets(%arg4 : memref<2000xi32, #tpu.memory_space<vmem>>) semaphore(%run_scoped3A : memref<!tpu.dma_semaphore, #tpu.memory_space<semaphore_mem>>) {add = true}
      %dma_wait3A = arith.constant 0 : i32
      %dma_wait3A_140 = tpu.memref_slice %arg7[%dma_wait3A] : memref<800000xf32, #tpu.memory_space<vmem_shared>> -> memref<800000xf32, #tpu.memory_space<vmem_shared>>
      tpu.wait_indirect_dma semaphore(%run_scoped3A : memref<!tpu.dma_semaphore, #tpu.memory_space<semaphore_mem>>) src(%arg5 : memref<2000xf32, #tpu.memory_space<vmem>>) dst(%dma_wait3A_140 : memref<800000xf32, #tpu.memory_space<vmem_shared>>)
      tpu.yield
    }) : () -> ()
    %mul3A_130 = arith.constant 50000 : i32
    %mul3A_131 = arith.muli %add3A, %mul3A_130 : i32
    %add3A_132 = arith.constant 48000 : i32
    %add3A_133 = arith.addi %mul3A_131, %add3A_132 : i32
    "tpu.region"() ({
      %run_scoped3A = tpu.sem_alloc : memref<!tpu.dma_semaphore, #tpu.memory_space<semaphore_mem>>
      %dma_start3A = tpu.memref_slice %arg2[%add3A_133] : memref<1600000xi32, #tpu.memory_space<hbm>> -> memref<2000xi32, #tpu.memory_space<hbm>>
      %dma_start3A_139 = tpu.memref_slice %arg2[%add3A_133] : memref<1600000xi32, #tpu.memory_space<hbm>> -> memref<2000xi32, #tpu.memory_space<hbm>>
      tpu.enqueue_dma source(%dma_start3A_139 : memref<2000xi32, #tpu.memory_space<hbm>>) target(%arg4 : memref<2000xi32, #tpu.memory_space<vmem>>) target_semaphore(%run_scoped3A : memref<!tpu.dma_semaphore, #tpu.memory_space<semaphore_mem>>)
      %dma_wait3A = tpu.memref_slice %arg2[%add3A_133] : memref<1600000xi32, #tpu.memory_space<hbm>> -> memref<2000xi32, #tpu.memory_space<hbm>>
      %dma_wait3A_140 = tpu.memref_slice %arg2[%add3A_133] : memref<1600000xi32, #tpu.memory_space<hbm>> -> memref<2000xi32, #tpu.memory_space<hbm>>
      tpu.wait_dma2 semaphore(%run_scoped3A : memref<!tpu.dma_semaphore, #tpu.memory_space<semaphore_mem>>) src(%dma_wait3A_140 : memref<2000xi32, #tpu.memory_space<hbm>>) dst(%arg4 : memref<2000xi32, #tpu.memory_space<vmem>>)
      tpu.yield
    }) : () -> ()
    "tpu.region"() ({
      %run_scoped3A = tpu.sem_alloc : memref<!tpu.dma_semaphore, #tpu.memory_space<semaphore_mem>>
      %dma_start3A = arith.constant 0 : i32
      %dma_start3A_139 = tpu.memref_slice %arg7[%dma_start3A] : memref<800000xf32, #tpu.memory_space<vmem_shared>> -> memref<800000xf32, #tpu.memory_space<vmem_shared>>
      tpu.enqueue_indirect_dma source(%arg5 : memref<2000xf32, #tpu.memory_space<vmem>>) target(%dma_start3A_139 : memref<800000xf32, #tpu.memory_space<vmem_shared>>) offsets(%arg4 : memref<2000xi32, #tpu.memory_space<vmem>>) semaphore(%run_scoped3A : memref<!tpu.dma_semaphore, #tpu.memory_space<semaphore_mem>>) {add = true}
      %dma_wait3A = arith.constant 0 : i32
      %dma_wait3A_140 = tpu.memref_slice %arg7[%dma_wait3A] : memref<800000xf32, #tpu.memory_space<vmem_shared>> -> memref<800000xf32, #tpu.memory_space<vmem_shared>>
      tpu.wait_indirect_dma semaphore(%run_scoped3A : memref<!tpu.dma_semaphore, #tpu.memory_space<semaphore_mem>>) src(%arg5 : memref<2000xf32, #tpu.memory_space<vmem>>) dst(%dma_wait3A_140 : memref<800000xf32, #tpu.memory_space<vmem_shared>>)
      tpu.yield
    }) : () -> ()
    %barrier3A_134 = arith.constant 0 : index
    tpu.barrier barrier_id(%barrier3A_134)
    %mul3A_135 = arith.constant 50000 : i32
    %mul3A_136 = arith.muli %arg1, %mul3A_135 : i32
    %mul3A_137 = arith.constant 50000 : i32
    %mul3A_138 = arith.muli %arg1, %mul3A_137 : i32
    "tpu.region"() ({
      %run_scoped3A = tpu.sem_alloc : memref<!tpu.dma_semaphore, #tpu.memory_space<semaphore_mem>>
      %dma_start3A = tpu.memref_slice %arg3[%arg0, %mul3A_138] : memref<2x800000xf32, #tpu.memory_space<hbm>> -> memref<1x50000xf32, #tpu.memory_space<hbm>>
      %dma_start3A_139 = tpu.memref_squeeze %dma_start3A : memref<1x50000xf32, #tpu.memory_space<hbm>> -> memref<50000xf32, #tpu.memory_space<hbm>>
      %dma_start3A_140 = tpu.memref_slice %arg7[%mul3A_136] : memref<800000xf32, #tpu.memory_space<vmem_shared>> -> memref<50000xf32, #tpu.memory_space<vmem_shared>>
      tpu.enqueue_dma source(%dma_start3A_140 : memref<50000xf32, #tpu.memory_space<vmem_shared>>) target(%dma_start3A_139 : memref<50000xf32, #tpu.memory_space<hbm>>) target_semaphore(%run_scoped3A : memref<!tpu.dma_semaphore, #tpu.memory_space<semaphore_mem>>)
      %dma_wait3A = tpu.memref_slice %arg3[%arg0, %mul3A_138] : memref<2x800000xf32, #tpu.memory_space<hbm>> -> memref<1x50000xf32, #tpu.memory_space<hbm>>
      %dma_wait3A_141 = tpu.memref_squeeze %dma_wait3A : memref<1x50000xf32, #tpu.memory_space<hbm>> -> memref<50000xf32, #tpu.memory_space<hbm>>
      %dma_wait3A_142 = tpu.memref_slice %arg7[%mul3A_136] : memref<800000xf32, #tpu.memory_space<vmem_shared>> -> memref<50000xf32, #tpu.memory_space<vmem_shared>>
      tpu.wait_dma2 semaphore(%run_scoped3A : memref<!tpu.dma_semaphore, #tpu.memory_space<semaphore_mem>>) src(%dma_wait3A_142 : memref<50000xf32, #tpu.memory_space<vmem_shared>>) dst(%dma_wait3A_141 : memref<50000xf32, #tpu.memory_space<hbm>>)
      tpu.yield
    }) : () -> ()
    return
  }
}

#map = affine_map<(d0, d1) -> (0)>
#map1 = affine_map<(d0, d1) -> (0, 0)>
module attributes {stable_mosaic.version = 14 : i64} {
  func.func @_scatter_body(%arg0: i32, %arg1: i32, %arg2: memref<1600000xi32, #tpu.memory_space<hbm>>, %arg3: memref<1600000x16xf32, #tpu.memory_space<hbm>>, %arg4: memref<800000x16xf32, #tpu.memory_space<hbm>>, %arg5: memref<102400x16xf32, #tpu.memory_space<vmem_shared>>, %arg6: memref<2000xi32, #tpu.memory_space<vmem>>, %arg7: memref<1104xi32, #tpu.memory_space<vmem>>, %arg8: memref<1104xi32, #tpu.memory_space<vmem>>, %arg9: memref<1104x16xf32, #tpu.memory_space<vmem>>, %arg10: memref<400x16xf32, #tpu.memory_space<vmem>>, %arg11: memref<!tpu.dma_semaphore, #tpu.memory_space<semaphore_mem>>) attributes {dimension_semantics = [#tpu.dimension_semantics<core_parallel>, #tpu.dimension_semantics<subcore_parallel>], iteration_bounds = array<i64: 2, 16>, scalar_prefetch = 0 : i64, scratch_operands = 7 : i64, tpu.core_type = #tpu.core_type<sc_vector_subcore>, window_params = [{transform_indices = #map}, {transform_indices = #map1}, {transform_indices = #map1}]} {
    %iota3A = tpu.iota {dimensions = array<i32: 0>} : vector<16xi32>
    %scan3A = arith.constant 0 : i32
    %scan3A_0 = arith.constant 0 : i32
    %scan3A_1 = arith.constant 400 : i32
    %scan3A_2 = arith.addi %scan3A_0, %scan3A_1 : i32
    %scan3A_3 = arith.constant 1 : i32
    %scan3A_4 = scf.for %scan3A_479 = %scan3A_0 to %scan3A_2 step %scan3A_3 iter_args(%scan3A_480 = %scan3A) -> (i32)  : i32 {
      %broadcast_in_dim3A_481 = arith.constant 0.000000e+00 : f32
      %broadcast_in_dim3A_482 = vector.broadcast %broadcast_in_dim3A_481 : f32 to vector<16xf32>
      %swap3A = arith.index_cast %scan3A_479 : i32 to index
      %swap3A_483 = arith.constant 0 : index
      %swap3A_484 = tpu.vector_load %arg10[%swap3A, %swap3A_483] {strides = array<i32>} : memref<400x16xf32, #tpu.memory_space<vmem>>, vector<16xf32>,
      tpu.vector_store %arg10[%swap3A, %swap3A_483], %broadcast_in_dim3A_482 {strides = array<i32>} : memref<400x16xf32, #tpu.memory_space<vmem>>, vector<16xf32>,
      %scan3A_485 = arith.constant 0 : i32
      scf.yield %scan3A_485 : i32
    }
    %scan3A_5 = arith.constant 400 : i32
    %mul3A = arith.constant 69 : i32
    %mul3A_6 = vector.broadcast %mul3A : i32 to vector<16xi32>
    %mul3A_7 = arith.muli %iota3A, %mul3A_6 : vector<16xi32>
    %mul3A_8 = arith.constant 4 : i32
    %mul3A_9 = arith.muli %arg0, %mul3A_8 : i32
    %add3A = arith.constant 0 : i32
    %add3A_10 = arith.addi %mul3A_9, %add3A : i32
    %mul3A_11 = arith.constant 100000 : i32
    %mul3A_12 = arith.muli %add3A_10, %mul3A_11 : i32
    %mul3A_13 = arith.constant 6400 : i32
    %mul3A_14 = arith.muli %arg1, %mul3A_13 : i32
    %add3A_15 = arith.constant 0 : i32
    %add3A_16 = arith.addi %mul3A_14, %add3A_15 : i32
    "tpu.region"() ({
      %run_scoped3A = tpu.sem_alloc : memref<!tpu.dma_semaphore, #tpu.memory_space<semaphore_mem>>
      %dma_start3A_479 = arith.constant 0 : i32
      %dma_start3A_480 = tpu.memref_slice %arg5[%add3A_16, %dma_start3A_479] : memref<102400x16xf32, #tpu.memory_space<vmem_shared>> -> memref<400x16xf32, #tpu.memory_space<vmem_shared>>
      %dma_start3A_481 = arith.constant 0 : i32
      %dma_start3A_482 = tpu.memref_slice %arg5[%add3A_16, %dma_start3A_481] : memref<102400x16xf32, #tpu.memory_space<vmem_shared>> -> memref<400x16xf32, #tpu.memory_space<vmem_shared>>
      tpu.enqueue_dma source(%arg10 : memref<400x16xf32, #tpu.memory_space<vmem>>) target(%dma_start3A_482 : memref<400x16xf32, #tpu.memory_space<vmem_shared>>) target_semaphore(%run_scoped3A : memref<!tpu.dma_semaphore, #tpu.memory_space<semaphore_mem>>)
      %dma_wait3A_483 = arith.constant 0 : i32
      %dma_wait3A_484 = tpu.memref_slice %arg5[%add3A_16, %dma_wait3A_483] : memref<102400x16xf32, #tpu.memory_space<vmem_shared>> -> memref<400x16xf32, #tpu.memory_space<vmem_shared>>
      %dma_wait3A_485 = arith.constant 0 : i32
      %dma_wait3A_486 = tpu.memref_slice %arg5[%add3A_16, %dma_wait3A_485] : memref<102400x16xf32, #tpu.memory_space<vmem_shared>> -> memref<400x16xf32, #tpu.memory_space<vmem_shared>>
      tpu.wait_dma2 semaphore(%run_scoped3A : memref<!tpu.dma_semaphore, #tpu.memory_space<semaphore_mem>>) src(%arg10 : memref<400x16xf32, #tpu.memory_space<vmem>>) dst(%dma_wait3A_486 : memref<400x16xf32, #tpu.memory_space<vmem_shared>>)
      tpu.yield
    }) : () -> ()
    %mul3A_17 = arith.constant 6400 : i32
    %mul3A_18 = arith.muli %arg1, %mul3A_17 : i32
    %add3A_19 = arith.constant 400 : i32
    %add3A_20 = arith.addi %mul3A_18, %add3A_19 : i32
    "tpu.region"() ({
      %run_scoped3A = tpu.sem_alloc : memref<!tpu.dma_semaphore, #tpu.memory_space<semaphore_mem>>
      %dma_start3A_479 = arith.constant 0 : i32
      %dma_start3A_480 = tpu.memref_slice %arg5[%add3A_20, %dma_start3A_479] : memref<102400x16xf32, #tpu.memory_space<vmem_shared>> -> memref<400x16xf32, #tpu.memory_space<vmem_shared>>
      %dma_start3A_481 = arith.constant 0 : i32
      %dma_start3A_482 = tpu.memref_slice %arg5[%add3A_20, %dma_start3A_481] : memref<102400x16xf32, #tpu.memory_space<vmem_shared>> -> memref<400x16xf32, #tpu.memory_space<vmem_shared>>
      tpu.enqueue_dma source(%arg10 : memref<400x16xf32, #tpu.memory_space<vmem>>) target(%dma_start3A_482 : memref<400x16xf32, #tpu.memory_space<vmem_shared>>) target_semaphore(%run_scoped3A : memref<!tpu.dma_semaphore, #tpu.memory_space<semaphore_mem>>)
      %dma_wait3A_483 = arith.constant 0 : i32
      %dma_wait3A_484 = tpu.memref_slice %arg5[%add3A_20, %dma_wait3A_483] : memref<102400x16xf32, #tpu.memory_space<vmem_shared>> -> memref<400x16xf32, #tpu.memory_space<vmem_shared>>
      %dma_wait3A_485 = arith.constant 0 : i32
      %dma_wait3A_486 = tpu.memref_slice %arg5[%add3A_20, %dma_wait3A_485] : memref<102400x16xf32, #tpu.memory_space<vmem_shared>> -> memref<400x16xf32, #tpu.memory_space<vmem_shared>>
      tpu.wait_dma2 semaphore(%run_scoped3A : memref<!tpu.dma_semaphore, #tpu.memory_space<semaphore_mem>>) src(%arg10 : memref<400x16xf32, #tpu.memory_space<vmem>>) dst(%dma_wait3A_486 : memref<400x16xf32, #tpu.memory_space<vmem_shared>>)
      tpu.yield
    }) : () -> ()
    %mul3A_21 = arith.constant 6400 : i32
    %mul3A_22 = arith.muli %arg1, %mul3A_21 : i32
    %add3A_23 = arith.constant 800 : i32
    %add3A_24 = arith.addi %mul3A_22, %add3A_23 : i32
    "tpu.region"() ({
      %run_scoped3A = tpu.sem_alloc : memref<!tpu.dma_semaphore, #tpu.memory_space<semaphore_mem>>
      %dma_start3A_479 = arith.constant 0 : i32
      %dma_start3A_480 = tpu.memref_slice %arg5[%add3A_24, %dma_start3A_479] : memref<102400x16xf32, #tpu.memory_space<vmem_shared>> -> memref<400x16xf32, #tpu.memory_space<vmem_shared>>
      %dma_start3A_481 = arith.constant 0 : i32
      %dma_start3A_482 = tpu.memref_slice %arg5[%add3A_24, %dma_start3A_481] : memref<102400x16xf32, #tpu.memory_space<vmem_shared>> -> memref<400x16xf32, #tpu.memory_space<vmem_shared>>
      tpu.enqueue_dma source(%arg10 : memref<400x16xf32, #tpu.memory_space<vmem>>) target(%dma_start3A_482 : memref<400x16xf32, #tpu.memory_space<vmem_shared>>) target_semaphore(%run_scoped3A : memref<!tpu.dma_semaphore, #tpu.memory_space<semaphore_mem>>)
      %dma_wait3A_483 = arith.constant 0 : i32
      %dma_wait3A_484 = tpu.memref_slice %arg5[%add3A_24, %dma_wait3A_483] : memref<102400x16xf32, #tpu.memory_space<vmem_shared>> -> memref<400x16xf32, #tpu.memory_space<vmem_shared>>
      %dma_wait3A_485 = arith.constant 0 : i32
      %dma_wait3A_486 = tpu.memref_slice %arg5[%add3A_24, %dma_wait3A_485] : memref<102400x16xf32, #tpu.memory_space<vmem_shared>> -> memref<400x16xf32, #tpu.memory_space<vmem_shared>>
      tpu.wait_dma2 semaphore(%run_scoped3A : memref<!tpu.dma_semaphore, #tpu.memory_space<semaphore_mem>>) src(%arg10 : memref<400x16xf32, #tpu.memory_space<vmem>>) dst(%dma_wait3A_486 : memref<400x16xf32, #tpu.memory_space<vmem_shared>>)
      tpu.yield
    }) : () -> ()
    %mul3A_25 = arith.constant 6400 : i32
    %mul3A_26 = arith.muli %arg1, %mul3A_25 : i32
    %add3A_27 = arith.constant 1200 : i32
    %add3A_28 = arith.addi %mul3A_26, %add3A_27 : i32
    "tpu.region"() ({
      %run_scoped3A = tpu.sem_alloc : memref<!tpu.dma_semaphore, #tpu.memory_space<semaphore_mem>>
      %dma_start3A_479 = arith.constant 0 : i32
      %dma_start3A_480 = tpu.memref_slice %arg5[%add3A_28, %dma_start3A_479] : memref<102400x16xf32, #tpu.memory_space<vmem_shared>> -> memref<400x16xf32, #tpu.memory_space<vmem_shared>>
      %dma_start3A_481 = arith.constant 0 : i32
      %dma_start3A_482 = tpu.memref_slice %arg5[%add3A_28, %dma_start3A_481] : memref<102400x16xf32, #tpu.memory_space<vmem_shared>> -> memref<400x16xf32, #tpu.memory_space<vmem_shared>>
      tpu.enqueue_dma source(%arg10 : memref<400x16xf32, #tpu.memory_space<vmem>>) target(%dma_start3A_482 : memref<400x16xf32, #tpu.memory_space<vmem_shared>>) target_semaphore(%run_scoped3A : memref<!tpu.dma_semaphore, #tpu.memory_space<semaphore_mem>>)
      %dma_wait3A_483 = arith.constant 0 : i32
      %dma_wait3A_484 = tpu.memref_slice %arg5[%add3A_28, %dma_wait3A_483] : memref<102400x16xf32, #tpu.memory_space<vmem_shared>> -> memref<400x16xf32, #tpu.memory_space<vmem_shared>>
      %dma_wait3A_485 = arith.constant 0 : i32
      %dma_wait3A_486 = tpu.memref_slice %arg5[%add3A_28, %dma_wait3A_485] : memref<102400x16xf32, #tpu.memory_space<vmem_shared>> -> memref<400x16xf32, #tpu.memory_space<vmem_shared>>
      tpu.wait_dma2 semaphore(%run_scoped3A : memref<!tpu.dma_semaphore, #tpu.memory_space<semaphore_mem>>) src(%arg10 : memref<400x16xf32, #tpu.memory_space<vmem>>) dst(%dma_wait3A_486 : memref<400x16xf32, #tpu.memory_space<vmem_shared>>)
      tpu.yield
    }) : () -> ()
    %mul3A_29 = arith.constant 6400 : i32
    %mul3A_30 = arith.muli %arg1, %mul3A_29 : i32
    %add3A_31 = arith.constant 1600 : i32
    %add3A_32 = arith.addi %mul3A_30, %add3A_31 : i32
    "tpu.region"() ({
      %run_scoped3A = tpu.sem_alloc : memref<!tpu.dma_semaphore, #tpu.memory_space<semaphore_mem>>
      %dma_start3A_479 = arith.constant 0 : i32
      %dma_start3A_480 = tpu.memref_slice %arg5[%add3A_32, %dma_start3A_479] : memref<102400x16xf32, #tpu.memory_space<vmem_shared>> -> memref<400x16xf32, #tpu.memory_space<vmem_shared>>
      %dma_start3A_481 = arith.constant 0 : i32
      %dma_start3A_482 = tpu.memref_slice %arg5[%add3A_32, %dma_start3A_481] : memref<102400x16xf32, #tpu.memory_space<vmem_shared>> -> memref<400x16xf32, #tpu.memory_space<vmem_shared>>
      tpu.enqueue_dma source(%arg10 : memref<400x16xf32, #tpu.memory_space<vmem>>) target(%dma_start3A_482 : memref<400x16xf32, #tpu.memory_space<vmem_shared>>) target_semaphore(%run_scoped3A : memref<!tpu.dma_semaphore, #tpu.memory_space<semaphore_mem>>)
      %dma_wait3A_483 = arith.constant 0 : i32
      %dma_wait3A_484 = tpu.memref_slice %arg5[%add3A_32, %dma_wait3A_483] : memref<102400x16xf32, #tpu.memory_space<vmem_shared>> -> memref<400x16xf32, #tpu.memory_space<vmem_shared>>
      %dma_wait3A_485 = arith.constant 0 : i32
      %dma_wait3A_486 = tpu.memref_slice %arg5[%add3A_32, %dma_wait3A_485] : memref<102400x16xf32, #tpu.memory_space<vmem_shared>> -> memref<400x16xf32, #tpu.memory_space<vmem_shared>>
      tpu.wait_dma2 semaphore(%run_scoped3A : memref<!tpu.dma_semaphore, #tpu.memory_space<semaphore_mem>>) src(%arg10 : memref<400x16xf32, #tpu.memory_space<vmem>>) dst(%dma_wait3A_486 : memref<400x16xf32, #tpu.memory_space<vmem_shared>>)
      tpu.yield
    }) : () -> ()
    %mul3A_33 = arith.constant 6400 : i32
    %mul3A_34 = arith.muli %arg1, %mul3A_33 : i32
    %add3A_35 = arith.constant 2000 : i32
    %add3A_36 = arith.addi %mul3A_34, %add3A_35 : i32
    "tpu.region"() ({
      %run_scoped3A = tpu.sem_alloc : memref<!tpu.dma_semaphore, #tpu.memory_space<semaphore_mem>>
      %dma_start3A_479 = arith.constant 0 : i32
      %dma_start3A_480 = tpu.memref_slice %arg5[%add3A_36, %dma_start3A_479] : memref<102400x16xf32, #tpu.memory_space<vmem_shared>> -> memref<400x16xf32, #tpu.memory_space<vmem_shared>>
      %dma_start3A_481 = arith.constant 0 : i32
      %dma_start3A_482 = tpu.memref_slice %arg5[%add3A_36, %dma_start3A_481] : memref<102400x16xf32, #tpu.memory_space<vmem_shared>> -> memref<400x16xf32, #tpu.memory_space<vmem_shared>>
      tpu.enqueue_dma source(%arg10 : memref<400x16xf32, #tpu.memory_space<vmem>>) target(%dma_start3A_482 : memref<400x16xf32, #tpu.memory_space<vmem_shared>>) target_semaphore(%run_scoped3A : memref<!tpu.dma_semaphore, #tpu.memory_space<semaphore_mem>>)
      %dma_wait3A_483 = arith.constant 0 : i32
      %dma_wait3A_484 = tpu.memref_slice %arg5[%add3A_36, %dma_wait3A_483] : memref<102400x16xf32, #tpu.memory_space<vmem_shared>> -> memref<400x16xf32, #tpu.memory_space<vmem_shared>>
      %dma_wait3A_485 = arith.constant 0 : i32
      %dma_wait3A_486 = tpu.memref_slice %arg5[%add3A_36, %dma_wait3A_485] : memref<102400x16xf32, #tpu.memory_space<vmem_shared>> -> memref<400x16xf32, #tpu.memory_space<vmem_shared>>
      tpu.wait_dma2 semaphore(%run_scoped3A : memref<!tpu.dma_semaphore, #tpu.memory_space<semaphore_mem>>) src(%arg10 : memref<400x16xf32, #tpu.memory_space<vmem>>) dst(%dma_wait3A_486 : memref<400x16xf32, #tpu.memory_space<vmem_shared>>)
      tpu.yield
    }) : () -> ()
    %mul3A_37 = arith.constant 6400 : i32
    %mul3A_38 = arith.muli %arg1, %mul3A_37 : i32
    %add3A_39 = arith.constant 2400 : i32
    %add3A_40 = arith.addi %mul3A_38, %add3A_39 : i32
    "tpu.region"() ({
      %run_scoped3A = tpu.sem_alloc : memref<!tpu.dma_semaphore, #tpu.memory_space<semaphore_mem>>
      %dma_start3A_479 = arith.constant 0 : i32
      %dma_start3A_480 = tpu.memref_slice %arg5[%add3A_40, %dma_start3A_479] : memref<102400x16xf32, #tpu.memory_space<vmem_shared>> -> memref<400x16xf32, #tpu.memory_space<vmem_shared>>
      %dma_start3A_481 = arith.constant 0 : i32
      %dma_start3A_482 = tpu.memref_slice %arg5[%add3A_40, %dma_start3A_481] : memref<102400x16xf32, #tpu.memory_space<vmem_shared>> -> memref<400x16xf32, #tpu.memory_space<vmem_shared>>
      tpu.enqueue_dma source(%arg10 : memref<400x16xf32, #tpu.memory_space<vmem>>) target(%dma_start3A_482 : memref<400x16xf32, #tpu.memory_space<vmem_shared>>) target_semaphore(%run_scoped3A : memref<!tpu.dma_semaphore, #tpu.memory_space<semaphore_mem>>)
      %dma_wait3A_483 = arith.constant 0 : i32
      %dma_wait3A_484 = tpu.memref_slice %arg5[%add3A_40, %dma_wait3A_483] : memref<102400x16xf32, #tpu.memory_space<vmem_shared>> -> memref<400x16xf32, #tpu.memory_space<vmem_shared>>
      %dma_wait3A_485 = arith.constant 0 : i32
      %dma_wait3A_486 = tpu.memref_slice %arg5[%add3A_40, %dma_wait3A_485] : memref<102400x16xf32, #tpu.memory_space<vmem_shared>> -> memref<400x16xf32, #tpu.memory_space<vmem_shared>>
      tpu.wait_dma2 semaphore(%run_scoped3A : memref<!tpu.dma_semaphore, #tpu.memory_space<semaphore_mem>>) src(%arg10 : memref<400x16xf32, #tpu.memory_space<vmem>>) dst(%dma_wait3A_486 : memref<400x16xf32, #tpu.memory_space<vmem_shared>>)
      tpu.yield
    }) : () -> ()
    %mul3A_41 = arith.constant 6400 : i32
    %mul3A_42 = arith.muli %arg1, %mul3A_41 : i32
    %add3A_43 = arith.constant 2800 : i32
    %add3A_44 = arith.addi %mul3A_42, %add3A_43 : i32
    "tpu.region"() ({
      %run_scoped3A = tpu.sem_alloc : memref<!tpu.dma_semaphore, #tpu.memory_space<semaphore_mem>>
      %dma_start3A_479 = arith.constant 0 : i32
      %dma_start3A_480 = tpu.memref_slice %arg5[%add3A_44, %dma_start3A_479] : memref<102400x16xf32, #tpu.memory_space<vmem_shared>> -> memref<400x16xf32, #tpu.memory_space<vmem_shared>>
      %dma_start3A_481 = arith.constant 0 : i32
      %dma_start3A_482 = tpu.memref_slice %arg5[%add3A_44, %dma_start3A_481] : memref<102400x16xf32, #tpu.memory_space<vmem_shared>> -> memref<400x16xf32, #tpu.memory_space<vmem_shared>>
      tpu.enqueue_dma source(%arg10 : memref<400x16xf32, #tpu.memory_space<vmem>>) target(%dma_start3A_482 : memref<400x16xf32, #tpu.memory_space<vmem_shared>>) target_semaphore(%run_scoped3A : memref<!tpu.dma_semaphore, #tpu.memory_space<semaphore_mem>>)
      %dma_wait3A_483 = arith.constant 0 : i32
      %dma_wait3A_484 = tpu.memref_slice %arg5[%add3A_44, %dma_wait3A_483] : memref<102400x16xf32, #tpu.memory_space<vmem_shared>> -> memref<400x16xf32, #tpu.memory_space<vmem_shared>>
      %dma_wait3A_485 = arith.constant 0 : i32
      %dma_wait3A_486 = tpu.memref_slice %arg5[%add3A_44, %dma_wait3A_485] : memref<102400x16xf32, #tpu.memory_space<vmem_shared>> -> memref<400x16xf32, #tpu.memory_space<vmem_shared>>
      tpu.wait_dma2 semaphore(%run_scoped3A : memref<!tpu.dma_semaphore, #tpu.memory_space<semaphore_mem>>) src(%arg10 : memref<400x16xf32, #tpu.memory_space<vmem>>) dst(%dma_wait3A_486 : memref<400x16xf32, #tpu.memory_space<vmem_shared>>)
      tpu.yield
    }) : () -> ()
    %mul3A_45 = arith.constant 6400 : i32
    %mul3A_46 = arith.muli %arg1, %mul3A_45 : i32
    %add3A_47 = arith.constant 3200 : i32
    %add3A_48 = arith.addi %mul3A_46, %add3A_47 : i32
    "tpu.region"() ({
      %run_scoped3A = tpu.sem_alloc : memref<!tpu.dma_semaphore, #tpu.memory_space<semaphore_mem>>
      %dma_start3A_479 = arith.constant 0 : i32
      %dma_start3A_480 = tpu.memref_slice %arg5[%add3A_48, %dma_start3A_479] : memref<102400x16xf32, #tpu.memory_space<vmem_shared>> -> memref<400x16xf32, #tpu.memory_space<vmem_shared>>
      %dma_start3A_481 = arith.constant 0 : i32
      %dma_start3A_482 = tpu.memref_slice %arg5[%add3A_48, %dma_start3A_481] : memref<102400x16xf32, #tpu.memory_space<vmem_shared>> -> memref<400x16xf32, #tpu.memory_space<vmem_shared>>
      tpu.enqueue_dma source(%arg10 : memref<400x16xf32, #tpu.memory_space<vmem>>) target(%dma_start3A_482 : memref<400x16xf32, #tpu.memory_space<vmem_shared>>) target_semaphore(%run_scoped3A : memref<!tpu.dma_semaphore, #tpu.memory_space<semaphore_mem>>)
      %dma_wait3A_483 = arith.constant 0 : i32
      %dma_wait3A_484 = tpu.memref_slice %arg5[%add3A_48, %dma_wait3A_483] : memref<102400x16xf32, #tpu.memory_space<vmem_shared>> -> memref<400x16xf32, #tpu.memory_space<vmem_shared>>
      %dma_wait3A_485 = arith.constant 0 : i32
      %dma_wait3A_486 = tpu.memref_slice %arg5[%add3A_48, %dma_wait3A_485] : memref<102400x16xf32, #tpu.memory_space<vmem_shared>> -> memref<400x16xf32, #tpu.memory_space<vmem_shared>>
      tpu.wait_dma2 semaphore(%run_scoped3A : memref<!tpu.dma_semaphore, #tpu.memory_space<semaphore_mem>>) src(%arg10 : memref<400x16xf32, #tpu.memory_space<vmem>>) dst(%dma_wait3A_486 : memref<400x16xf32, #tpu.memory_space<vmem_shared>>)
      tpu.yield
    }) : () -> ()
    %mul3A_49 = arith.constant 6400 : i32
    %mul3A_50 = arith.muli %arg1, %mul3A_49 : i32
    %add3A_51 = arith.constant 3600 : i32
    %add3A_52 = arith.addi %mul3A_50, %add3A_51 : i32
    "tpu.region"() ({
      %run_scoped3A = tpu.sem_alloc : memref<!tpu.dma_semaphore, #tpu.memory_space<semaphore_mem>>
      %dma_start3A_479 = arith.constant 0 : i32
      %dma_start3A_480 = tpu.memref_slice %arg5[%add3A_52, %dma_start3A_479] : memref<102400x16xf32, #tpu.memory_space<vmem_shared>> -> memref<400x16xf32, #tpu.memory_space<vmem_shared>>
      %dma_start3A_481 = arith.constant 0 : i32
      %dma_start3A_482 = tpu.memref_slice %arg5[%add3A_52, %dma_start3A_481] : memref<102400x16xf32, #tpu.memory_space<vmem_shared>> -> memref<400x16xf32, #tpu.memory_space<vmem_shared>>
      tpu.enqueue_dma source(%arg10 : memref<400x16xf32, #tpu.memory_space<vmem>>) target(%dma_start3A_482 : memref<400x16xf32, #tpu.memory_space<vmem_shared>>) target_semaphore(%run_scoped3A : memref<!tpu.dma_semaphore, #tpu.memory_space<semaphore_mem>>)
      %dma_wait3A_483 = arith.constant 0 : i32
      %dma_wait3A_484 = tpu.memref_slice %arg5[%add3A_52, %dma_wait3A_483] : memref<102400x16xf32, #tpu.memory_space<vmem_shared>> -> memref<400x16xf32, #tpu.memory_space<vmem_shared>>
      %dma_wait3A_485 = arith.constant 0 : i32
      %dma_wait3A_486 = tpu.memref_slice %arg5[%add3A_52, %dma_wait3A_485] : memref<102400x16xf32, #tpu.memory_space<vmem_shared>> -> memref<400x16xf32, #tpu.memory_space<vmem_shared>>
      tpu.wait_dma2 semaphore(%run_scoped3A : memref<!tpu.dma_semaphore, #tpu.memory_space<semaphore_mem>>) src(%arg10 : memref<400x16xf32, #tpu.memory_space<vmem>>) dst(%dma_wait3A_486 : memref<400x16xf32, #tpu.memory_space<vmem_shared>>)
      tpu.yield
    }) : () -> ()
    %mul3A_53 = arith.constant 6400 : i32
    %mul3A_54 = arith.muli %arg1, %mul3A_53 : i32
    %add3A_55 = arith.constant 4000 : i32
    %add3A_56 = arith.addi %mul3A_54, %add3A_55 : i32
    "tpu.region"() ({
      %run_scoped3A = tpu.sem_alloc : memref<!tpu.dma_semaphore, #tpu.memory_space<semaphore_mem>>
      %dma_start3A_479 = arith.constant 0 : i32
      %dma_start3A_480 = tpu.memref_slice %arg5[%add3A_56, %dma_start3A_479] : memref<102400x16xf32, #tpu.memory_space<vmem_shared>> -> memref<400x16xf32, #tpu.memory_space<vmem_shared>>
      %dma_start3A_481 = arith.constant 0 : i32
      %dma_start3A_482 = tpu.memref_slice %arg5[%add3A_56, %dma_start3A_481] : memref<102400x16xf32, #tpu.memory_space<vmem_shared>> -> memref<400x16xf32, #tpu.memory_space<vmem_shared>>
      tpu.enqueue_dma source(%arg10 : memref<400x16xf32, #tpu.memory_space<vmem>>) target(%dma_start3A_482 : memref<400x16xf32, #tpu.memory_space<vmem_shared>>) target_semaphore(%run_scoped3A : memref<!tpu.dma_semaphore, #tpu.memory_space<semaphore_mem>>)
      %dma_wait3A_483 = arith.constant 0 : i32
      %dma_wait3A_484 = tpu.memref_slice %arg5[%add3A_56, %dma_wait3A_483] : memref<102400x16xf32, #tpu.memory_space<vmem_shared>> -> memref<400x16xf32, #tpu.memory_space<vmem_shared>>
      %dma_wait3A_485 = arith.constant 0 : i32
      %dma_wait3A_486 = tpu.memref_slice %arg5[%add3A_56, %dma_wait3A_485] : memref<102400x16xf32, #tpu.memory_space<vmem_shared>> -> memref<400x16xf32, #tpu.memory_space<vmem_shared>>
      tpu.wait_dma2 semaphore(%run_scoped3A : memref<!tpu.dma_semaphore, #tpu.memory_space<semaphore_mem>>) src(%arg10 : memref<400x16xf32, #tpu.memory_space<vmem>>) dst(%dma_wait3A_486 : memref<400x16xf32, #tpu.memory_space<vmem_shared>>)
      tpu.yield
    }) : () -> ()
    %mul3A_57 = arith.constant 6400 : i32
    %mul3A_58 = arith.muli %arg1, %mul3A_57 : i32
    %add3A_59 = arith.constant 4400 : i32
    %add3A_60 = arith.addi %mul3A_58, %add3A_59 : i32
    "tpu.region"() ({
      %run_scoped3A = tpu.sem_alloc : memref<!tpu.dma_semaphore, #tpu.memory_space<semaphore_mem>>
      %dma_start3A_479 = arith.constant 0 : i32
      %dma_start3A_480 = tpu.memref_slice %arg5[%add3A_60, %dma_start3A_479] : memref<102400x16xf32, #tpu.memory_space<vmem_shared>> -> memref<400x16xf32, #tpu.memory_space<vmem_shared>>
      %dma_start3A_481 = arith.constant 0 : i32
      %dma_start3A_482 = tpu.memref_slice %arg5[%add3A_60, %dma_start3A_481] : memref<102400x16xf32, #tpu.memory_space<vmem_shared>> -> memref<400x16xf32, #tpu.memory_space<vmem_shared>>
      tpu.enqueue_dma source(%arg10 : memref<400x16xf32, #tpu.memory_space<vmem>>) target(%dma_start3A_482 : memref<400x16xf32, #tpu.memory_space<vmem_shared>>) target_semaphore(%run_scoped3A : memref<!tpu.dma_semaphore, #tpu.memory_space<semaphore_mem>>)
      %dma_wait3A_483 = arith.constant 0 : i32
      %dma_wait3A_484 = tpu.memref_slice %arg5[%add3A_60, %dma_wait3A_483] : memref<102400x16xf32, #tpu.memory_space<vmem_shared>> -> memref<400x16xf32, #tpu.memory_space<vmem_shared>>
      %dma_wait3A_485 = arith.constant 0 : i32
      %dma_wait3A_486 = tpu.memref_slice %arg5[%add3A_60, %dma_wait3A_485] : memref<102400x16xf32, #tpu.memory_space<vmem_shared>> -> memref<400x16xf32, #tpu.memory_space<vmem_shared>>
      tpu.wait_dma2 semaphore(%run_scoped3A : memref<!tpu.dma_semaphore, #tpu.memory_space<semaphore_mem>>) src(%arg10 : memref<400x16xf32, #tpu.memory_space<vmem>>) dst(%dma_wait3A_486 : memref<400x16xf32, #tpu.memory_space<vmem_shared>>)
      tpu.yield
    }) : () -> ()
    %mul3A_61 = arith.constant 6400 : i32
    %mul3A_62 = arith.muli %arg1, %mul3A_61 : i32
    %add3A_63 = arith.constant 4800 : i32
    %add3A_64 = arith.addi %mul3A_62, %add3A_63 : i32
    "tpu.region"() ({
      %run_scoped3A = tpu.sem_alloc : memref<!tpu.dma_semaphore, #tpu.memory_space<semaphore_mem>>
      %dma_start3A_479 = arith.constant 0 : i32
      %dma_start3A_480 = tpu.memref_slice %arg5[%add3A_64, %dma_start3A_479] : memref<102400x16xf32, #tpu.memory_space<vmem_shared>> -> memref<400x16xf32, #tpu.memory_space<vmem_shared>>
      %dma_start3A_481 = arith.constant 0 : i32
      %dma_start3A_482 = tpu.memref_slice %arg5[%add3A_64, %dma_start3A_481] : memref<102400x16xf32, #tpu.memory_space<vmem_shared>> -> memref<400x16xf32, #tpu.memory_space<vmem_shared>>
      tpu.enqueue_dma source(%arg10 : memref<400x16xf32, #tpu.memory_space<vmem>>) target(%dma_start3A_482 : memref<400x16xf32, #tpu.memory_space<vmem_shared>>) target_semaphore(%run_scoped3A : memref<!tpu.dma_semaphore, #tpu.memory_space<semaphore_mem>>)
      %dma_wait3A_483 = arith.constant 0 : i32
      %dma_wait3A_484 = tpu.memref_slice %arg5[%add3A_64, %dma_wait3A_483] : memref<102400x16xf32, #tpu.memory_space<vmem_shared>> -> memref<400x16xf32, #tpu.memory_space<vmem_shared>>
      %dma_wait3A_485 = arith.constant 0 : i32
      %dma_wait3A_486 = tpu.memref_slice %arg5[%add3A_64, %dma_wait3A_485] : memref<102400x16xf32, #tpu.memory_space<vmem_shared>> -> memref<400x16xf32, #tpu.memory_space<vmem_shared>>
      tpu.wait_dma2 semaphore(%run_scoped3A : memref<!tpu.dma_semaphore, #tpu.memory_space<semaphore_mem>>) src(%arg10 : memref<400x16xf32, #tpu.memory_space<vmem>>) dst(%dma_wait3A_486 : memref<400x16xf32, #tpu.memory_space<vmem_shared>>)
      tpu.yield
    }) : () -> ()
    %mul3A_65 = arith.constant 6400 : i32
    %mul3A_66 = arith.muli %arg1, %mul3A_65 : i32
    %add3A_67 = arith.constant 5200 : i32
    %add3A_68 = arith.addi %mul3A_66, %add3A_67 : i32
    "tpu.region"() ({
      %run_scoped3A = tpu.sem_alloc : memref<!tpu.dma_semaphore, #tpu.memory_space<semaphore_mem>>
      %dma_start3A_479 = arith.constant 0 : i32
      %dma_start3A_480 = tpu.memref_slice %arg5[%add3A_68, %dma_start3A_479] : memref<102400x16xf32, #tpu.memory_space<vmem_shared>> -> memref<400x16xf32, #tpu.memory_space<vmem_shared>>
      %dma_start3A_481 = arith.constant 0 : i32
      %dma_start3A_482 = tpu.memref_slice %arg5[%add3A_68, %dma_start3A_481] : memref<102400x16xf32, #tpu.memory_space<vmem_shared>> -> memref<400x16xf32, #tpu.memory_space<vmem_shared>>
      tpu.enqueue_dma source(%arg10 : memref<400x16xf32, #tpu.memory_space<vmem>>) target(%dma_start3A_482 : memref<400x16xf32, #tpu.memory_space<vmem_shared>>) target_semaphore(%run_scoped3A : memref<!tpu.dma_semaphore, #tpu.memory_space<semaphore_mem>>)
      %dma_wait3A_483 = arith.constant 0 : i32
      %dma_wait3A_484 = tpu.memref_slice %arg5[%add3A_68, %dma_wait3A_483] : memref<102400x16xf32, #tpu.memory_space<vmem_shared>> -> memref<400x16xf32, #tpu.memory_space<vmem_shared>>
      %dma_wait3A_485 = arith.constant 0 : i32
      %dma_wait3A_486 = tpu.memref_slice %arg5[%add3A_68, %dma_wait3A_485] : memref<102400x16xf32, #tpu.memory_space<vmem_shared>> -> memref<400x16xf32, #tpu.memory_space<vmem_shared>>
      tpu.wait_dma2 semaphore(%run_scoped3A : memref<!tpu.dma_semaphore, #tpu.memory_space<semaphore_mem>>) src(%arg10 : memref<400x16xf32, #tpu.memory_space<vmem>>) dst(%dma_wait3A_486 : memref<400x16xf32, #tpu.memory_space<vmem_shared>>)
      tpu.yield
    }) : () -> ()
    %mul3A_69 = arith.constant 6400 : i32
    %mul3A_70 = arith.muli %arg1, %mul3A_69 : i32
    %add3A_71 = arith.constant 5600 : i32
    %add3A_72 = arith.addi %mul3A_70, %add3A_71 : i32
    "tpu.region"() ({
      %run_scoped3A = tpu.sem_alloc : memref<!tpu.dma_semaphore, #tpu.memory_space<semaphore_mem>>
      %dma_start3A_479 = arith.constant 0 : i32
      %dma_start3A_480 = tpu.memref_slice %arg5[%add3A_72, %dma_start3A_479] : memref<102400x16xf32, #tpu.memory_space<vmem_shared>> -> memref<400x16xf32, #tpu.memory_space<vmem_shared>>
      %dma_start3A_481 = arith.constant 0 : i32
      %dma_start3A_482 = tpu.memref_slice %arg5[%add3A_72, %dma_start3A_481] : memref<102400x16xf32, #tpu.memory_space<vmem_shared>> -> memref<400x16xf32, #tpu.memory_space<vmem_shared>>
      tpu.enqueue_dma source(%arg10 : memref<400x16xf32, #tpu.memory_space<vmem>>) target(%dma_start3A_482 : memref<400x16xf32, #tpu.memory_space<vmem_shared>>) target_semaphore(%run_scoped3A : memref<!tpu.dma_semaphore, #tpu.memory_space<semaphore_mem>>)
      %dma_wait3A_483 = arith.constant 0 : i32
      %dma_wait3A_484 = tpu.memref_slice %arg5[%add3A_72, %dma_wait3A_483] : memref<102400x16xf32, #tpu.memory_space<vmem_shared>> -> memref<400x16xf32, #tpu.memory_space<vmem_shared>>
      %dma_wait3A_485 = arith.constant 0 : i32
      %dma_wait3A_486 = tpu.memref_slice %arg5[%add3A_72, %dma_wait3A_485] : memref<102400x16xf32, #tpu.memory_space<vmem_shared>> -> memref<400x16xf32, #tpu.memory_space<vmem_shared>>
      tpu.wait_dma2 semaphore(%run_scoped3A : memref<!tpu.dma_semaphore, #tpu.memory_space<semaphore_mem>>) src(%arg10 : memref<400x16xf32, #tpu.memory_space<vmem>>) dst(%dma_wait3A_486 : memref<400x16xf32, #tpu.memory_space<vmem_shared>>)
      tpu.yield
    }) : () -> ()
    %mul3A_73 = arith.constant 6400 : i32
    %mul3A_74 = arith.muli %arg1, %mul3A_73 : i32
    %add3A_75 = arith.constant 6000 : i32
    %add3A_76 = arith.addi %mul3A_74, %add3A_75 : i32
    "tpu.region"() ({
      %run_scoped3A = tpu.sem_alloc : memref<!tpu.dma_semaphore, #tpu.memory_space<semaphore_mem>>
      %dma_start3A_479 = arith.constant 0 : i32
      %dma_start3A_480 = tpu.memref_slice %arg5[%add3A_76, %dma_start3A_479] : memref<102400x16xf32, #tpu.memory_space<vmem_shared>> -> memref<400x16xf32, #tpu.memory_space<vmem_shared>>
      %dma_start3A_481 = arith.constant 0 : i32
      %dma_start3A_482 = tpu.memref_slice %arg5[%add3A_76, %dma_start3A_481] : memref<102400x16xf32, #tpu.memory_space<vmem_shared>> -> memref<400x16xf32, #tpu.memory_space<vmem_shared>>
      tpu.enqueue_dma source(%arg10 : memref<400x16xf32, #tpu.memory_space<vmem>>) target(%dma_start3A_482 : memref<400x16xf32, #tpu.memory_space<vmem_shared>>) target_semaphore(%run_scoped3A : memref<!tpu.dma_semaphore, #tpu.memory_space<semaphore_mem>>)
      %dma_wait3A_483 = arith.constant 0 : i32
      %dma_wait3A_484 = tpu.memref_slice %arg5[%add3A_76, %dma_wait3A_483] : memref<102400x16xf32, #tpu.memory_space<vmem_shared>> -> memref<400x16xf32, #tpu.memory_space<vmem_shared>>
      %dma_wait3A_485 = arith.constant 0 : i32
      %dma_wait3A_486 = tpu.memref_slice %arg5[%add3A_76, %dma_wait3A_485] : memref<102400x16xf32, #tpu.memory_space<vmem_shared>> -> memref<400x16xf32, #tpu.memory_space<vmem_shared>>
      tpu.wait_dma2 semaphore(%run_scoped3A : memref<!tpu.dma_semaphore, #tpu.memory_space<semaphore_mem>>) src(%arg10 : memref<400x16xf32, #tpu.memory_space<vmem>>) dst(%dma_wait3A_486 : memref<400x16xf32, #tpu.memory_space<vmem_shared>>)
      tpu.yield
    }) : () -> ()
    %scan3A_77 = arith.constant 0 : i32
    %scan3A_78 = arith.constant 0 : i32
    %scan3A_79 = arith.constant 69 : i32
    %scan3A_80 = arith.addi %scan3A_78, %scan3A_79 : i32
    %scan3A_81 = arith.constant 1 : i32
    %scan3A_82 = scf.for %scan3A_479 = %scan3A_78 to %scan3A_80 step %scan3A_81 iter_args(%scan3A_480 = %scan3A_77) -> (i32)  : i32 {
      %broadcast_in_dim3A_481 = arith.constant 100000 : i32
      %broadcast_in_dim3A_482 = vector.broadcast %broadcast_in_dim3A_481 : i32 to vector<16xi32>
      %mul3A_483 = arith.constant 16 : i32
      %mul3A_484 = arith.muli %scan3A_479, %mul3A_483 : i32
      %swap3A = arith.index_cast %mul3A_484 : i32 to index
      %swap3A_485 = tpu.vector_load %arg7[%swap3A] {strides = array<i32>} : memref<1104xi32, #tpu.memory_space<vmem>>, vector<16xi32>,
      tpu.vector_store %arg7[%swap3A], %broadcast_in_dim3A_482 {strides = array<i32>} : memref<1104xi32, #tpu.memory_space<vmem>>, vector<16xi32>,
      %broadcast_in_dim3A_486 = arith.constant 0 : i32
      %broadcast_in_dim3A_487 = vector.broadcast %broadcast_in_dim3A_486 : i32 to vector<16xi32>
      %mul3A_488 = arith.constant 16 : i32
      %mul3A_489 = arith.muli %scan3A_479, %mul3A_488 : i32
      %swap3A_490 = arith.index_cast %mul3A_489 : i32 to index
      %swap3A_491 = tpu.vector_load %arg8[%swap3A_490] {strides = array<i32>} : memref<1104xi32, #tpu.memory_space<vmem>>, vector<16xi32>,
      tpu.vector_store %arg8[%swap3A_490], %broadcast_in_dim3A_487 {strides = array<i32>} : memref<1104xi32, #tpu.memory_space<vmem>>, vector<16xi32>,
      %scan3A_492 = arith.constant 0 : i32
      scf.yield %scan3A_492 : i32
    }
    %scan3A_83 = arith.constant 69 : i32
    %barrier3A = arith.constant 0 : index
    tpu.barrier barrier_id(%barrier3A)
    %broadcast_in_dim3A = arith.constant 0 : i32
    %broadcast_in_dim3A_84 = vector.broadcast %broadcast_in_dim3A : i32 to vector<16xi32>
    %broadcast_in_dim3A_85 = arith.constant 1 : i32
    %broadcast_in_dim3A_86 = vector.broadcast %broadcast_in_dim3A_85 : i32 to vector<16xi32>
    %broadcast_in_dim3A_87 = arith.constant 100000 : i32
    %broadcast_in_dim3A_88 = vector.broadcast %broadcast_in_dim3A_87 : i32 to vector<16xi32>
    %broadcast_in_dim3A_89 = arith.constant 64 : i32
    %broadcast_in_dim3A_90 = vector.broadcast %broadcast_in_dim3A_89 : i32 to vector<16xi32>
    %broadcast_in_dim3A_91 = arith.constant 100000 : i32
    %broadcast_in_dim3A_92 = vector.broadcast %broadcast_in_dim3A_91 : i32 to vector<16xi32>
    %broadcast_in_dim3A_93 = vector.broadcast %mul3A_12 : i32 to vector<16xi32>
    %scan3A_94 = arith.constant 0 : i32
    %scan3A_95 = arith.constant 50 : i32
    %scan3A_96 = arith.addi %scan3A_94, %scan3A_95 : i32
    %scan3A_97 = arith.constant 1 : i32
    %scan3A_98 = scf.for %scan3A_479 = %scan3A_94 to %scan3A_96 step %scan3A_97 iter_args(%scan3A_480 = %broadcast_in_dim3A_84) -> (vector<16xi32>)  : i32 {
      %mul3A_481 = arith.constant 100000 : i32
      %mul3A_482 = arith.muli %arg1, %mul3A_481 : i32
      %mul3A_483 = arith.constant 2000 : i32
      %mul3A_484 = arith.muli %scan3A_479, %mul3A_483 : i32
      %add3A_485 = arith.addi %mul3A_482, %mul3A_484 : i32
      "tpu.region"() ({
        %run_scoped3A = tpu.sem_alloc : memref<!tpu.dma_semaphore, #tpu.memory_space<semaphore_mem>>
        %dma_start3A_492 = tpu.memref_slice %arg2[%add3A_485] : memref<1600000xi32, #tpu.memory_space<hbm>> -> memref<2000xi32, #tpu.memory_space<hbm>>
        %dma_start3A_493 = tpu.memref_slice %arg2[%add3A_485] : memref<1600000xi32, #tpu.memory_space<hbm>> -> memref<2000xi32, #tpu.memory_space<hbm>>
        tpu.enqueue_dma source(%dma_start3A_493 : memref<2000xi32, #tpu.memory_space<hbm>>) target(%arg6 : memref<2000xi32, #tpu.memory_space<vmem>>) target_semaphore(%run_scoped3A : memref<!tpu.dma_semaphore, #tpu.memory_space<semaphore_mem>>)
        %dma_wait3A_494 = tpu.memref_slice %arg2[%add3A_485] : memref<1600000xi32, #tpu.memory_space<hbm>> -> memref<2000xi32, #tpu.memory_space<hbm>>
        %dma_wait3A_495 = tpu.memref_slice %arg2[%add3A_485] : memref<1600000xi32, #tpu.memory_space<hbm>> -> memref<2000xi32, #tpu.memory_space<hbm>>
        tpu.wait_dma2 semaphore(%run_scoped3A : memref<!tpu.dma_semaphore, #tpu.memory_space<semaphore_mem>>) src(%dma_wait3A_495 : memref<2000xi32, #tpu.memory_space<hbm>>) dst(%arg6 : memref<2000xi32, #tpu.memory_space<vmem>>)
        tpu.yield
      }) : () -> ()
      %scan3A_486 = arith.constant 0 : i32
      %scan3A_487 = arith.constant 25 : i32
      %scan3A_488 = arith.addi %scan3A_486, %scan3A_487 : i32
      %scan3A_489 = arith.constant 1 : i32
      %scan3A_490 = scf.for %scan3A_492 = %scan3A_486 to %scan3A_488 step %scan3A_489 iter_args(%scan3A_493 = %scan3A_480) -> (vector<16xi32>)  : i32 {
        %mul3A_494 = arith.constant 5 : i32
        %mul3A_495 = arith.muli %scan3A_492, %mul3A_494 : i32
        %add3A_496 = arith.constant 0 : i32
        %add3A_497 = arith.addi %mul3A_495, %add3A_496 : i32
        %mul3A_498 = arith.constant 16 : i32
        %mul3A_499 = arith.muli %add3A_497, %mul3A_498 : i32
        %get3A = arith.index_cast %mul3A_499 : i32 to index
        %get3A_500 = tpu.vector_load %arg6[%get3A] {strides = array<i32>} : memref<2000xi32, #tpu.memory_space<vmem>>, vector<16xi32>,
        %sub3A = arith.subi %get3A_500, %broadcast_in_dim3A_93 : vector<16xi32>
        %ge3A = arith.cmpi sge, %sub3A, %broadcast_in_dim3A_84 : vector<16xi32>
        %lt3A_501 = arith.cmpi slt, %sub3A, %broadcast_in_dim3A_88 : vector<16xi32>
        %and3A = arith.andi %ge3A, %lt3A_501 : vector<16xi1>
        %mul3A_502 = arith.constant 100000 : i32
        %mul3A_503 = arith.muli %arg1, %mul3A_502 : i32
        %mul3A_504 = arith.constant 2000 : i32
        %mul3A_505 = arith.muli %scan3A_479, %mul3A_504 : i32
        %add3A_506 = arith.addi %mul3A_503, %mul3A_505 : i32
        %mul3A_507 = arith.constant 5 : i32
        %mul3A_508 = arith.muli %scan3A_492, %mul3A_507 : i32
        %add3A_509 = arith.constant 0 : i32
        %add3A_510 = arith.addi %mul3A_508, %add3A_509 : i32
        %mul3A_511 = arith.constant 16 : i32
        %mul3A_512 = arith.muli %add3A_510, %mul3A_511 : i32
        %add3A_513 = arith.addi %add3A_506, %mul3A_512 : i32
        %broadcast_in_dim3A_514 = vector.broadcast %add3A_513 : i32 to vector<16xi32>
        %add3A_515 = arith.addi %broadcast_in_dim3A_514, %iota3A : vector<16xi32>
        %add3A_516 = arith.addi %mul3A_7, %scan3A_493 : vector<16xi32>
        %select_n3A = arith.select %and3A, %sub3A, %broadcast_in_dim3A_92 : vector<16xi1>, vector<16xi32>
        tpu.vector_store_idx %arg7[%add3A_516], %select_n3A : memref<1104xi32, #tpu.memory_space<vmem>>[vector<16xi32>], vector<16xi32>,
        %select_n3A_517 = arith.select %and3A, %add3A_515, %broadcast_in_dim3A_84 : vector<16xi1>, vector<16xi32>
        tpu.vector_store_idx %arg8[%add3A_516], %select_n3A_517 : memref<1104xi32, #tpu.memory_space<vmem>>[vector<16xi32>], vector<16xi32>,
        %select_n3A_518 = arith.select %and3A, %broadcast_in_dim3A_86, %broadcast_in_dim3A_84 : vector<16xi1>, vector<16xi32>
        %add3A_519 = arith.addi %scan3A_493, %select_n3A_518 : vector<16xi32>
        %mul3A_520 = arith.constant 5 : i32
        %mul3A_521 = arith.muli %scan3A_492, %mul3A_520 : i32
        %add3A_522 = arith.constant 1 : i32
        %add3A_523 = arith.addi %mul3A_521, %add3A_522 : i32
        %mul3A_524 = arith.constant 16 : i32
        %mul3A_525 = arith.muli %add3A_523, %mul3A_524 : i32
        %get3A_526 = arith.index_cast %mul3A_525 : i32 to index
        %get3A_527 = tpu.vector_load %arg6[%get3A_526] {strides = array<i32>} : memref<2000xi32, #tpu.memory_space<vmem>>, vector<16xi32>,
        %sub3A_528 = arith.subi %get3A_527, %broadcast_in_dim3A_93 : vector<16xi32>
        %ge3A_529 = arith.cmpi sge, %sub3A_528, %broadcast_in_dim3A_84 : vector<16xi32>
        %lt3A_530 = arith.cmpi slt, %sub3A_528, %broadcast_in_dim3A_88 : vector<16xi32>
        %and3A_531 = arith.andi %ge3A_529, %lt3A_530 : vector<16xi1>
        %mul3A_532 = arith.constant 100000 : i32
        %mul3A_533 = arith.muli %arg1, %mul3A_532 : i32
        %mul3A_534 = arith.constant 2000 : i32
        %mul3A_535 = arith.muli %scan3A_479, %mul3A_534 : i32
        %add3A_536 = arith.addi %mul3A_533, %mul3A_535 : i32
        %mul3A_537 = arith.constant 5 : i32
        %mul3A_538 = arith.muli %scan3A_492, %mul3A_537 : i32
        %add3A_539 = arith.constant 1 : i32
        %add3A_540 = arith.addi %mul3A_538, %add3A_539 : i32
        %mul3A_541 = arith.constant 16 : i32
        %mul3A_542 = arith.muli %add3A_540, %mul3A_541 : i32
        %add3A_543 = arith.addi %add3A_536, %mul3A_542 : i32
        %broadcast_in_dim3A_544 = vector.broadcast %add3A_543 : i32 to vector<16xi32>
        %add3A_545 = arith.addi %broadcast_in_dim3A_544, %iota3A : vector<16xi32>
        %add3A_546 = arith.addi %mul3A_7, %add3A_519 : vector<16xi32>
        %select_n3A_547 = arith.select %and3A_531, %sub3A_528, %broadcast_in_dim3A_92 : vector<16xi1>, vector<16xi32>
        tpu.vector_store_idx %arg7[%add3A_546], %select_n3A_547 : memref<1104xi32, #tpu.memory_space<vmem>>[vector<16xi32>], vector<16xi32>,
        %select_n3A_548 = arith.select %and3A_531, %add3A_545, %broadcast_in_dim3A_84 : vector<16xi1>, vector<16xi32>
        tpu.vector_store_idx %arg8[%add3A_546], %select_n3A_548 : memref<1104xi32, #tpu.memory_space<vmem>>[vector<16xi32>], vector<16xi32>,
        %select_n3A_549 = arith.select %and3A_531, %broadcast_in_dim3A_86, %broadcast_in_dim3A_84 : vector<16xi1>, vector<16xi32>
        %add3A_550 = arith.addi %add3A_519, %select_n3A_549 : vector<16xi32>
        %mul3A_551 = arith.constant 5 : i32
        %mul3A_552 = arith.muli %scan3A_492, %mul3A_551 : i32
        %add3A_553 = arith.constant 2 : i32
        %add3A_554 = arith.addi %mul3A_552, %add3A_553 : i32
        %mul3A_555 = arith.constant 16 : i32
        %mul3A_556 = arith.muli %add3A_554, %mul3A_555 : i32
        %get3A_557 = arith.index_cast %mul3A_556 : i32 to index
        %get3A_558 = tpu.vector_load %arg6[%get3A_557] {strides = array<i32>} : memref<2000xi32, #tpu.memory_space<vmem>>, vector<16xi32>,
        %sub3A_559 = arith.subi %get3A_558, %broadcast_in_dim3A_93 : vector<16xi32>
        %ge3A_560 = arith.cmpi sge, %sub3A_559, %broadcast_in_dim3A_84 : vector<16xi32>
        %lt3A_561 = arith.cmpi slt, %sub3A_559, %broadcast_in_dim3A_88 : vector<16xi32>
        %and3A_562 = arith.andi %ge3A_560, %lt3A_561 : vector<16xi1>
        %mul3A_563 = arith.constant 100000 : i32
        %mul3A_564 = arith.muli %arg1, %mul3A_563 : i32
        %mul3A_565 = arith.constant 2000 : i32
        %mul3A_566 = arith.muli %scan3A_479, %mul3A_565 : i32
        %add3A_567 = arith.addi %mul3A_564, %mul3A_566 : i32
        %mul3A_568 = arith.constant 5 : i32
        %mul3A_569 = arith.muli %scan3A_492, %mul3A_568 : i32
        %add3A_570 = arith.constant 2 : i32
        %add3A_571 = arith.addi %mul3A_569, %add3A_570 : i32
        %mul3A_572 = arith.constant 16 : i32
        %mul3A_573 = arith.muli %add3A_571, %mul3A_572 : i32
        %add3A_574 = arith.addi %add3A_567, %mul3A_573 : i32
        %broadcast_in_dim3A_575 = vector.broadcast %add3A_574 : i32 to vector<16xi32>
        %add3A_576 = arith.addi %broadcast_in_dim3A_575, %iota3A : vector<16xi32>
        %add3A_577 = arith.addi %mul3A_7, %add3A_550 : vector<16xi32>
        %select_n3A_578 = arith.select %and3A_562, %sub3A_559, %broadcast_in_dim3A_92 : vector<16xi1>, vector<16xi32>
        tpu.vector_store_idx %arg7[%add3A_577], %select_n3A_578 : memref<1104xi32, #tpu.memory_space<vmem>>[vector<16xi32>], vector<16xi32>,
        %select_n3A_579 = arith.select %and3A_562, %add3A_576, %broadcast_in_dim3A_84 : vector<16xi1>, vector<16xi32>
        tpu.vector_store_idx %arg8[%add3A_577], %select_n3A_579 : memref<1104xi32, #tpu.memory_space<vmem>>[vector<16xi32>], vector<16xi32>,
        %select_n3A_580 = arith.select %and3A_562, %broadcast_in_dim3A_86, %broadcast_in_dim3A_84 : vector<16xi1>, vector<16xi32>
        %add3A_581 = arith.addi %add3A_550, %select_n3A_580 : vector<16xi32>
        %mul3A_582 = arith.constant 5 : i32
        %mul3A_583 = arith.muli %scan3A_492, %mul3A_582 : i32
        %add3A_584 = arith.constant 3 : i32
        %add3A_585 = arith.addi %mul3A_583, %add3A_584 : i32
        %mul3A_586 = arith.constant 16 : i32
        %mul3A_587 = arith.muli %add3A_585, %mul3A_586 : i32
        %get3A_588 = arith.index_cast %mul3A_587 : i32 to index
        %get3A_589 = tpu.vector_load %arg6[%get3A_588] {strides = array<i32>} : memref<2000xi32, #tpu.memory_space<vmem>>, vector<16xi32>,
        %sub3A_590 = arith.subi %get3A_589, %broadcast_in_dim3A_93 : vector<16xi32>
        %ge3A_591 = arith.cmpi sge, %sub3A_590, %broadcast_in_dim3A_84 : vector<16xi32>
        %lt3A_592 = arith.cmpi slt, %sub3A_590, %broadcast_in_dim3A_88 : vector<16xi32>
        %and3A_593 = arith.andi %ge3A_591, %lt3A_592 : vector<16xi1>
        %mul3A_594 = arith.constant 100000 : i32
        %mul3A_595 = arith.muli %arg1, %mul3A_594 : i32
        %mul3A_596 = arith.constant 2000 : i32
        %mul3A_597 = arith.muli %scan3A_479, %mul3A_596 : i32
        %add3A_598 = arith.addi %mul3A_595, %mul3A_597 : i32
        %mul3A_599 = arith.constant 5 : i32
        %mul3A_600 = arith.muli %scan3A_492, %mul3A_599 : i32
        %add3A_601 = arith.constant 3 : i32
        %add3A_602 = arith.addi %mul3A_600, %add3A_601 : i32
        %mul3A_603 = arith.constant 16 : i32
        %mul3A_604 = arith.muli %add3A_602, %mul3A_603 : i32
        %add3A_605 = arith.addi %add3A_598, %mul3A_604 : i32
        %broadcast_in_dim3A_606 = vector.broadcast %add3A_605 : i32 to vector<16xi32>
        %add3A_607 = arith.addi %broadcast_in_dim3A_606, %iota3A : vector<16xi32>
        %add3A_608 = arith.addi %mul3A_7, %add3A_581 : vector<16xi32>
        %select_n3A_609 = arith.select %and3A_593, %sub3A_590, %broadcast_in_dim3A_92 : vector<16xi1>, vector<16xi32>
        tpu.vector_store_idx %arg7[%add3A_608], %select_n3A_609 : memref<1104xi32, #tpu.memory_space<vmem>>[vector<16xi32>], vector<16xi32>,
        %select_n3A_610 = arith.select %and3A_593, %add3A_607, %broadcast_in_dim3A_84 : vector<16xi1>, vector<16xi32>
        tpu.vector_store_idx %arg8[%add3A_608], %select_n3A_610 : memref<1104xi32, #tpu.memory_space<vmem>>[vector<16xi32>], vector<16xi32>,
        %select_n3A_611 = arith.select %and3A_593, %broadcast_in_dim3A_86, %broadcast_in_dim3A_84 : vector<16xi1>, vector<16xi32>
        %add3A_612 = arith.addi %add3A_581, %select_n3A_611 : vector<16xi32>
        %mul3A_613 = arith.constant 5 : i32
        %mul3A_614 = arith.muli %scan3A_492, %mul3A_613 : i32
        %add3A_615 = arith.constant 4 : i32
        %add3A_616 = arith.addi %mul3A_614, %add3A_615 : i32
        %mul3A_617 = arith.constant 16 : i32
        %mul3A_618 = arith.muli %add3A_616, %mul3A_617 : i32
        %get3A_619 = arith.index_cast %mul3A_618 : i32 to index
        %get3A_620 = tpu.vector_load %arg6[%get3A_619] {strides = array<i32>} : memref<2000xi32, #tpu.memory_space<vmem>>, vector<16xi32>,
        %sub3A_621 = arith.subi %get3A_620, %broadcast_in_dim3A_93 : vector<16xi32>
        %ge3A_622 = arith.cmpi sge, %sub3A_621, %broadcast_in_dim3A_84 : vector<16xi32>
        %lt3A_623 = arith.cmpi slt, %sub3A_621, %broadcast_in_dim3A_88 : vector<16xi32>
        %and3A_624 = arith.andi %ge3A_622, %lt3A_623 : vector<16xi1>
        %mul3A_625 = arith.constant 100000 : i32
        %mul3A_626 = arith.muli %arg1, %mul3A_625 : i32
        %mul3A_627 = arith.constant 2000 : i32
        %mul3A_628 = arith.muli %scan3A_479, %mul3A_627 : i32
        %add3A_629 = arith.addi %mul3A_626, %mul3A_628 : i32
        %mul3A_630 = arith.constant 5 : i32
        %mul3A_631 = arith.muli %scan3A_492, %mul3A_630 : i32
        %add3A_632 = arith.constant 4 : i32
        %add3A_633 = arith.addi %mul3A_631, %add3A_632 : i32
        %mul3A_634 = arith.constant 16 : i32
        %mul3A_635 = arith.muli %add3A_633, %mul3A_634 : i32
        %add3A_636 = arith.addi %add3A_629, %mul3A_635 : i32
        %broadcast_in_dim3A_637 = vector.broadcast %add3A_636 : i32 to vector<16xi32>
        %add3A_638 = arith.addi %broadcast_in_dim3A_637, %iota3A : vector<16xi32>
        %add3A_639 = arith.addi %mul3A_7, %add3A_612 : vector<16xi32>
        %select_n3A_640 = arith.select %and3A_624, %sub3A_621, %broadcast_in_dim3A_92 : vector<16xi1>, vector<16xi32>
        tpu.vector_store_idx %arg7[%add3A_639], %select_n3A_640 : memref<1104xi32, #tpu.memory_space<vmem>>[vector<16xi32>], vector<16xi32>,
        %select_n3A_641 = arith.select %and3A_624, %add3A_638, %broadcast_in_dim3A_84 : vector<16xi1>, vector<16xi32>
        tpu.vector_store_idx %arg8[%add3A_639], %select_n3A_641 : memref<1104xi32, #tpu.memory_space<vmem>>[vector<16xi32>], vector<16xi32>,
        %select_n3A_642 = arith.select %and3A_624, %broadcast_in_dim3A_86, %broadcast_in_dim3A_84 : vector<16xi1>, vector<16xi32>
        %add3A_643 = arith.addi %add3A_612, %select_n3A_642 : vector<16xi32>
        %ge3A_644 = arith.cmpi sge, %add3A_643, %broadcast_in_dim3A_90 : vector<16xi32>
        %all_reduce_population_count3A = tpu.all_reduce %ge3A_644 {dim = 0 : i64, kind = #tpu.reduction_kind<sum>} : vector<16xi1> -> vector<16xi32>
        %slice3A = vector.extract_strided_slice %all_reduce_population_count3A {offsets = [0], sizes = [1], strides = [1]} : vector<16xi32> to vector<1xi32>
        %squeeze3A = vector.extract %slice3A[0] : i32 from vector<1xi32>
        %gt3A = arith.constant 0 : i32
        %gt3A_645 = arith.cmpi sgt, %squeeze3A, %gt3A : i32
        %convert_element_type3A_646 = arith.extui %gt3A_645 : i1 to i32
        %cond3A_647 = arith.constant 0 : i32
        %cond3A_648 = arith.cmpi ne, %convert_element_type3A_646, %cond3A_647 : i32
        %cond3A_649 = scf.if %cond3A_648 -> (vector<16xi32>) {
          %dma_start3A_650 = arith.constant 0 : i32
          %dma_start3A_651 = arith.constant 0 : i32
          %dma_start3A_652 = tpu.memref_slice %arg3[%dma_start3A_650, %dma_start3A_651] : memref<1600000x16xf32, #tpu.memory_space<hbm>> -> memref<1600000x16xf32, #tpu.memory_space<hbm>>
          tpu.enqueue_indirect_dma source(%dma_start3A_652 : memref<1600000x16xf32, #tpu.memory_space<hbm>>) target(%arg9 : memref<1104x16xf32, #tpu.memory_space<vmem>>) offsets(%arg8 : memref<1104xi32, #tpu.memory_space<vmem>>) semaphore(%arg11 : memref<!tpu.dma_semaphore, #tpu.memory_space<semaphore_mem>>)
          %dma_wait3A_653 = arith.constant 0 : i32
          %dma_wait3A_654 = arith.constant 0 : i32
          %dma_wait3A_655 = tpu.memref_slice %arg3[%dma_wait3A_653, %dma_wait3A_654] : memref<1600000x16xf32, #tpu.memory_space<hbm>> -> memref<1600000x16xf32, #tpu.memory_space<hbm>>
          tpu.wait_indirect_dma semaphore(%arg11 : memref<!tpu.dma_semaphore, #tpu.memory_space<semaphore_mem>>) src(%dma_wait3A_655 : memref<1600000x16xf32, #tpu.memory_space<hbm>>) dst(%arg9 : memref<1104x16xf32, #tpu.memory_space<vmem>>)
          "tpu.region"() ({
            %run_scoped3A = tpu.sem_alloc : memref<!tpu.dma_semaphore, #tpu.memory_space<semaphore_mem>>
            %dma_start3A_663 = arith.constant 0 : i32
            %dma_start3A_664 = arith.constant 0 : i32
            %dma_start3A_665 = tpu.memref_slice %arg5[%dma_start3A_663, %dma_start3A_664] : memref<102400x16xf32, #tpu.memory_space<vmem_shared>> -> memref<102400x16xf32, #tpu.memory_space<vmem_shared>>
            tpu.enqueue_indirect_dma source(%arg9 : memref<1104x16xf32, #tpu.memory_space<vmem>>) target(%dma_start3A_665 : memref<102400x16xf32, #tpu.memory_space<vmem_shared>>) offsets(%arg7 : memref<1104xi32, #tpu.memory_space<vmem>>) semaphore(%run_scoped3A : memref<!tpu.dma_semaphore, #tpu.memory_space<semaphore_mem>>) {add = true}
            %dma_wait3A_666 = arith.constant 0 : i32
            %dma_wait3A_667 = arith.constant 0 : i32
            %dma_wait3A_668 = tpu.memref_slice %arg5[%dma_wait3A_666, %dma_wait3A_667] : memref<102400x16xf32, #tpu.memory_space<vmem_shared>> -> memref<102400x16xf32, #tpu.memory_space<vmem_shared>>
            tpu.wait_indirect_dma semaphore(%run_scoped3A : memref<!tpu.dma_semaphore, #tpu.memory_space<semaphore_mem>>) src(%arg9 : memref<1104x16xf32, #tpu.memory_space<vmem>>) dst(%dma_wait3A_668 : memref<102400x16xf32, #tpu.memory_space<vmem_shared>>)
            tpu.yield
          }) : () -> ()
          %scan3A_656 = arith.constant 0 : i32
          %scan3A_657 = arith.constant 0 : i32
          %scan3A_658 = arith.constant 69 : i32
          %scan3A_659 = arith.addi %scan3A_657, %scan3A_658 : i32
          %scan3A_660 = arith.constant 1 : i32
          %scan3A_661 = scf.for %scan3A_663 = %scan3A_657 to %scan3A_659 step %scan3A_660 iter_args(%scan3A_664 = %scan3A_656) -> (i32)  : i32 {
            %broadcast_in_dim3A_665 = arith.constant 100000 : i32
            %broadcast_in_dim3A_666 = vector.broadcast %broadcast_in_dim3A_665 : i32 to vector<16xi32>
            %mul3A_667 = arith.constant 16 : i32
            %mul3A_668 = arith.muli %scan3A_663, %mul3A_667 : i32
            %swap3A = arith.index_cast %mul3A_668 : i32 to index
            %swap3A_669 = tpu.vector_load %arg7[%swap3A] {strides = array<i32>} : memref<1104xi32, #tpu.memory_space<vmem>>, vector<16xi32>,
            tpu.vector_store %arg7[%swap3A], %broadcast_in_dim3A_666 {strides = array<i32>} : memref<1104xi32, #tpu.memory_space<vmem>>, vector<16xi32>,
            %broadcast_in_dim3A_670 = arith.constant 0 : i32
            %broadcast_in_dim3A_671 = vector.broadcast %broadcast_in_dim3A_670 : i32 to vector<16xi32>
            %mul3A_672 = arith.constant 16 : i32
            %mul3A_673 = arith.muli %scan3A_663, %mul3A_672 : i32
            %swap3A_674 = arith.index_cast %mul3A_673 : i32 to index
            %swap3A_675 = tpu.vector_load %arg8[%swap3A_674] {strides = array<i32>} : memref<1104xi32, #tpu.memory_space<vmem>>, vector<16xi32>,
            tpu.vector_store %arg8[%swap3A_674], %broadcast_in_dim3A_671 {strides = array<i32>} : memref<1104xi32, #tpu.memory_space<vmem>>, vector<16xi32>,
            %scan3A_676 = arith.constant 0 : i32
            scf.yield %scan3A_676 : i32
          }
          %scan3A_662 = arith.constant 69 : i32
          scf.yield %broadcast_in_dim3A_84 : vector<16xi32>
        } else {
          scf.yield %add3A_643 : vector<16xi32>
        }
        scf.yield %cond3A_649 : vector<16xi32>
      }
      %scan3A_491 = arith.constant 25 : i32
      scf.yield %scan3A_490 : vector<16xi32>
    }
    %scan3A_99 = arith.constant 50 : i32
    %dma_start3A = arith.constant 0 : i32
    %dma_start3A_100 = arith.constant 0 : i32
    %dma_start3A_101 = tpu.memref_slice %arg3[%dma_start3A, %dma_start3A_100] : memref<1600000x16xf32, #tpu.memory_space<hbm>> -> memref<1600000x16xf32, #tpu.memory_space<hbm>>
    tpu.enqueue_indirect_dma source(%dma_start3A_101 : memref<1600000x16xf32, #tpu.memory_space<hbm>>) target(%arg9 : memref<1104x16xf32, #tpu.memory_space<vmem>>) offsets(%arg8 : memref<1104xi32, #tpu.memory_space<vmem>>) semaphore(%arg11 : memref<!tpu.dma_semaphore, #tpu.memory_space<semaphore_mem>>)
    %dma_wait3A = arith.constant 0 : i32
    %dma_wait3A_102 = arith.constant 0 : i32
    %dma_wait3A_103 = tpu.memref_slice %arg3[%dma_wait3A, %dma_wait3A_102] : memref<1600000x16xf32, #tpu.memory_space<hbm>> -> memref<1600000x16xf32, #tpu.memory_space<hbm>>
    tpu.wait_indirect_dma semaphore(%arg11 : memref<!tpu.dma_semaphore, #tpu.memory_space<semaphore_mem>>) src(%dma_wait3A_103 : memref<1600000x16xf32, #tpu.memory_space<hbm>>) dst(%arg9 : memref<1104x16xf32, #tpu.memory_space<vmem>>)
    "tpu.region"() ({
      %run_scoped3A = tpu.sem_alloc : memref<!tpu.dma_semaphore, #tpu.memory_space<semaphore_mem>>
      %dma_start3A_479 = arith.constant 0 : i32
      %dma_start3A_480 = arith.constant 0 : i32
      %dma_start3A_481 = tpu.memref_slice %arg5[%dma_start3A_479, %dma_start3A_480] : memref<102400x16xf32, #tpu.memory_space<vmem_shared>> -> memref<102400x16xf32, #tpu.memory_space<vmem_shared>>
      tpu.enqueue_indirect_dma source(%arg9 : memref<1104x16xf32, #tpu.memory_space<vmem>>) target(%dma_start3A_481 : memref<102400x16xf32, #tpu.memory_space<vmem_shared>>) offsets(%arg7 : memref<1104xi32, #tpu.memory_space<vmem>>) semaphore(%run_scoped3A : memref<!tpu.dma_semaphore, #tpu.memory_space<semaphore_mem>>) {add = true}
      %dma_wait3A_482 = arith.constant 0 : i32
      %dma_wait3A_483 = arith.constant 0 : i32
      %dma_wait3A_484 = tpu.memref_slice %arg5[%dma_wait3A_482, %dma_wait3A_483] : memref<102400x16xf32, #tpu.memory_space<vmem_shared>> -> memref<102400x16xf32, #tpu.memory_space<vmem_shared>>
      tpu.wait_indirect_dma semaphore(%run_scoped3A : memref<!tpu.dma_semaphore, #tpu.memory_space<semaphore_mem>>) src(%arg9 : memref<1104x16xf32, #tpu.memory_space<vmem>>) dst(%dma_wait3A_484 : memref<102400x16xf32, #tpu.memory_space<vmem_shared>>)
      tpu.yield
    }) : () -> ()
    %scan3A_104 = arith.constant 0 : i32
    %scan3A_105 = arith.constant 0 : i32
    %scan3A_106 = arith.constant 69 : i32
    %scan3A_107 = arith.addi %scan3A_105, %scan3A_106 : i32
    %scan3A_108 = arith.constant 1 : i32
    %scan3A_109 = scf.for %scan3A_479 = %scan3A_105 to %scan3A_107 step %scan3A_108 iter_args(%scan3A_480 = %scan3A_104) -> (i32)  : i32 {
      %broadcast_in_dim3A_481 = arith.constant 100000 : i32
      %broadcast_in_dim3A_482 = vector.broadcast %broadcast_in_dim3A_481 : i32 to vector<16xi32>
      %mul3A_483 = arith.constant 16 : i32
      %mul3A_484 = arith.muli %scan3A_479, %mul3A_483 : i32
      %swap3A = arith.index_cast %mul3A_484 : i32 to index
      %swap3A_485 = tpu.vector_load %arg7[%swap3A] {strides = array<i32>} : memref<1104xi32, #tpu.memory_space<vmem>>, vector<16xi32>,
      tpu.vector_store %arg7[%swap3A], %broadcast_in_dim3A_482 {strides = array<i32>} : memref<1104xi32, #tpu.memory_space<vmem>>, vector<16xi32>,
      %broadcast_in_dim3A_486 = arith.constant 0 : i32
      %broadcast_in_dim3A_487 = vector.broadcast %broadcast_in_dim3A_486 : i32 to vector<16xi32>
      %mul3A_488 = arith.constant 16 : i32
      %mul3A_489 = arith.muli %scan3A_479, %mul3A_488 : i32
      %swap3A_490 = arith.index_cast %mul3A_489 : i32 to index
      %swap3A_491 = tpu.vector_load %arg8[%swap3A_490] {strides = array<i32>} : memref<1104xi32, #tpu.memory_space<vmem>>, vector<16xi32>,
      tpu.vector_store %arg8[%swap3A_490], %broadcast_in_dim3A_487 {strides = array<i32>} : memref<1104xi32, #tpu.memory_space<vmem>>, vector<16xi32>,
      %scan3A_492 = arith.constant 0 : i32
      scf.yield %scan3A_492 : i32
    }
    %scan3A_110 = arith.constant 69 : i32
    %barrier3A_111 = arith.constant 0 : index
    tpu.barrier barrier_id(%barrier3A_111)
    %lt3A = arith.constant 15 : i32
    %lt3A_112 = arith.cmpi slt, %arg1, %lt3A : i32
    %convert_element_type3A = arith.extui %lt3A_112 : i1 to i32
    %cond3A = arith.constant 0 : i32
    %cond3A_113 = arith.cmpi ne, %convert_element_type3A, %cond3A : i32
    scf.if %cond3A_113 {
      %mul3A_479 = arith.constant 6256 : i32
      %mul3A_480 = arith.muli %arg1, %mul3A_479 : i32
      %mul3A_481 = arith.constant 6256 : i32
      %mul3A_482 = arith.muli %arg1, %mul3A_481 : i32
      %add3A_483 = arith.addi %mul3A_12, %mul3A_482 : i32
      "tpu.region"() ({
        %run_scoped3A = tpu.sem_alloc : memref<!tpu.dma_semaphore, #tpu.memory_space<semaphore_mem>>
        %dma_start3A_484 = arith.constant 0 : i32
        %dma_start3A_485 = tpu.memref_slice %arg4[%add3A_483, %dma_start3A_484] : memref<800000x16xf32, #tpu.memory_space<hbm>> -> memref<6256x16xf32, #tpu.memory_space<hbm>>
        %dma_start3A_486 = arith.constant 0 : i32
        %dma_start3A_487 = tpu.memref_slice %arg5[%mul3A_480, %dma_start3A_486] : memref<102400x16xf32, #tpu.memory_space<vmem_shared>> -> memref<6256x16xf32, #tpu.memory_space<vmem_shared>>
        tpu.enqueue_dma source(%dma_start3A_487 : memref<6256x16xf32, #tpu.memory_space<vmem_shared>>) target(%dma_start3A_485 : memref<6256x16xf32, #tpu.memory_space<hbm>>) target_semaphore(%run_scoped3A : memref<!tpu.dma_semaphore, #tpu.memory_space<semaphore_mem>>)
        %dma_wait3A_488 = arith.constant 0 : i32
        %dma_wait3A_489 = tpu.memref_slice %arg4[%add3A_483, %dma_wait3A_488] : memref<800000x16xf32, #tpu.memory_space<hbm>> -> memref<6256x16xf32, #tpu.memory_space<hbm>>
        %dma_wait3A_490 = arith.constant 0 : i32
        %dma_wait3A_491 = tpu.memref_slice %arg5[%mul3A_480, %dma_wait3A_490] : memref<102400x16xf32, #tpu.memory_space<vmem_shared>> -> memref<6256x16xf32, #tpu.memory_space<vmem_shared>>
        tpu.wait_dma2 semaphore(%run_scoped3A : memref<!tpu.dma_semaphore, #tpu.memory_space<semaphore_mem>>) src(%dma_wait3A_491 : memref<6256x16xf32, #tpu.memory_space<vmem_shared>>) dst(%dma_wait3A_489 : memref<6256x16xf32, #tpu.memory_space<hbm>>)
        tpu.yield
      }) : () -> ()
    } else {
    }
    %eq3A = arith.constant 15 : i32
    %eq3A_114 = arith.cmpi eq, %arg1, %eq3A : i32
    %convert_element_type3A_115 = arith.extui %eq3A_114 : i1 to i32
    %cond3A_116 = arith.constant 0 : i32
    %cond3A_117 = arith.cmpi ne, %convert_element_type3A_115, %cond3A_116 : i32
    scf.if %cond3A_117 {
      %add3A_479 = arith.constant 93840 : i32
      %add3A_480 = arith.addi %mul3A_12, %add3A_479 : i32
      "tpu.region"() ({
        %run_scoped3A = tpu.sem_alloc : memref<!tpu.dma_semaphore, #tpu.memory_space<semaphore_mem>>
        %dma_start3A_481 = arith.constant 0 : i32
        %dma_start3A_482 = tpu.memref_slice %arg4[%add3A_480, %dma_start3A_481] : memref<800000x16xf32, #tpu.memory_space<hbm>> -> memref<6160x16xf32, #tpu.memory_space<hbm>>
        %dma_start3A_483 = arith.constant 93840 : i32
        %dma_start3A_484 = arith.constant 0 : i32
        %dma_start3A_485 = tpu.memref_slice %arg5[%dma_start3A_483, %dma_start3A_484] : memref<102400x16xf32, #tpu.memory_space<vmem_shared>> -> memref<6160x16xf32, #tpu.memory_space<vmem_shared>>
        tpu.enqueue_dma source(%dma_start3A_485 : memref<6160x16xf32, #tpu.memory_space<vmem_shared>>) target(%dma_start3A_482 : memref<6160x16xf32, #tpu.memory_space<hbm>>) target_semaphore(%run_scoped3A : memref<!tpu.dma_semaphore, #tpu.memory_space<semaphore_mem>>)
        %dma_wait3A_486 = arith.constant 0 : i32
        %dma_wait3A_487 = tpu.memref_slice %arg4[%add3A_480, %dma_wait3A_486] : memref<800000x16xf32, #tpu.memory_space<hbm>> -> memref<6160x16xf32, #tpu.memory_space<hbm>>
        %dma_wait3A_488 = arith.constant 93840 : i32
        %dma_wait3A_489 = arith.constant 0 : i32
        %dma_wait3A_490 = tpu.memref_slice %arg5[%dma_wait3A_488, %dma_wait3A_489] : memref<102400x16xf32, #tpu.memory_space<vmem_shared>> -> memref<6160x16xf32, #tpu.memory_space<vmem_shared>>
        tpu.wait_dma2 semaphore(%run_scoped3A : memref<!tpu.dma_semaphore, #tpu.memory_space<semaphore_mem>>) src(%dma_wait3A_490 : memref<6160x16xf32, #tpu.memory_space<vmem_shared>>) dst(%dma_wait3A_487 : memref<6160x16xf32, #tpu.memory_space<hbm>>)
        tpu.yield
      }) : () -> ()
    } else {
    }
    %barrier3A_118 = arith.constant 0 : index
    tpu.barrier barrier_id(%barrier3A_118)
    %mul3A_119 = arith.constant 4 : i32
    %mul3A_120 = arith.muli %arg0, %mul3A_119 : i32
    %add3A_121 = arith.constant 1 : i32
    %add3A_122 = arith.addi %mul3A_120, %add3A_121 : i32
    %mul3A_123 = arith.constant 100000 : i32
    %mul3A_124 = arith.muli %add3A_122, %mul3A_123 : i32
    %mul3A_125 = arith.constant 6400 : i32
    %mul3A_126 = arith.muli %arg1, %mul3A_125 : i32
    %add3A_127 = arith.constant 0 : i32
    %add3A_128 = arith.addi %mul3A_126, %add3A_127 : i32
    "tpu.region"() ({
      %run_scoped3A = tpu.sem_alloc : memref<!tpu.dma_semaphore, #tpu.memory_space<semaphore_mem>>
      %dma_start3A_479 = arith.constant 0 : i32
      %dma_start3A_480 = tpu.memref_slice %arg5[%add3A_128, %dma_start3A_479] : memref<102400x16xf32, #tpu.memory_space<vmem_shared>> -> memref<400x16xf32, #tpu.memory_space<vmem_shared>>
      %dma_start3A_481 = arith.constant 0 : i32
      %dma_start3A_482 = tpu.memref_slice %arg5[%add3A_128, %dma_start3A_481] : memref<102400x16xf32, #tpu.memory_space<vmem_shared>> -> memref<400x16xf32, #tpu.memory_space<vmem_shared>>
      tpu.enqueue_dma source(%arg10 : memref<400x16xf32, #tpu.memory_space<vmem>>) target(%dma_start3A_482 : memref<400x16xf32, #tpu.memory_space<vmem_shared>>) target_semaphore(%run_scoped3A : memref<!tpu.dma_semaphore, #tpu.memory_space<semaphore_mem>>)
      %dma_wait3A_483 = arith.constant 0 : i32
      %dma_wait3A_484 = tpu.memref_slice %arg5[%add3A_128, %dma_wait3A_483] : memref<102400x16xf32, #tpu.memory_space<vmem_shared>> -> memref<400x16xf32, #tpu.memory_space<vmem_shared>>
      %dma_wait3A_485 = arith.constant 0 : i32
      %dma_wait3A_486 = tpu.memref_slice %arg5[%add3A_128, %dma_wait3A_485] : memref<102400x16xf32, #tpu.memory_space<vmem_shared>> -> memref<400x16xf32, #tpu.memory_space<vmem_shared>>
      tpu.wait_dma2 semaphore(%run_scoped3A : memref<!tpu.dma_semaphore, #tpu.memory_space<semaphore_mem>>) src(%arg10 : memref<400x16xf32, #tpu.memory_space<vmem>>) dst(%dma_wait3A_486 : memref<400x16xf32, #tpu.memory_space<vmem_shared>>)
      tpu.yield
    }) : () -> ()
    %mul3A_129 = arith.constant 6400 : i32
    %mul3A_130 = arith.muli %arg1, %mul3A_129 : i32
    %add3A_131 = arith.constant 400 : i32
    %add3A_132 = arith.addi %mul3A_130, %add3A_131 : i32
    "tpu.region"() ({
      %run_scoped3A = tpu.sem_alloc : memref<!tpu.dma_semaphore, #tpu.memory_space<semaphore_mem>>
      %dma_start3A_479 = arith.constant 0 : i32
      %dma_start3A_480 = tpu.memref_slice %arg5[%add3A_132, %dma_start3A_479] : memref<102400x16xf32, #tpu.memory_space<vmem_shared>> -> memref<400x16xf32, #tpu.memory_space<vmem_shared>>
      %dma_start3A_481 = arith.constant 0 : i32
      %dma_start3A_482 = tpu.memref_slice %arg5[%add3A_132, %dma_start3A_481] : memref<102400x16xf32, #tpu.memory_space<vmem_shared>> -> memref<400x16xf32, #tpu.memory_space<vmem_shared>>
      tpu.enqueue_dma source(%arg10 : memref<400x16xf32, #tpu.memory_space<vmem>>) target(%dma_start3A_482 : memref<400x16xf32, #tpu.memory_space<vmem_shared>>) target_semaphore(%run_scoped3A : memref<!tpu.dma_semaphore, #tpu.memory_space<semaphore_mem>>)
      %dma_wait3A_483 = arith.constant 0 : i32
      %dma_wait3A_484 = tpu.memref_slice %arg5[%add3A_132, %dma_wait3A_483] : memref<102400x16xf32, #tpu.memory_space<vmem_shared>> -> memref<400x16xf32, #tpu.memory_space<vmem_shared>>
      %dma_wait3A_485 = arith.constant 0 : i32
      %dma_wait3A_486 = tpu.memref_slice %arg5[%add3A_132, %dma_wait3A_485] : memref<102400x16xf32, #tpu.memory_space<vmem_shared>> -> memref<400x16xf32, #tpu.memory_space<vmem_shared>>
      tpu.wait_dma2 semaphore(%run_scoped3A : memref<!tpu.dma_semaphore, #tpu.memory_space<semaphore_mem>>) src(%arg10 : memref<400x16xf32, #tpu.memory_space<vmem>>) dst(%dma_wait3A_486 : memref<400x16xf32, #tpu.memory_space<vmem_shared>>)
      tpu.yield
    }) : () -> ()
    %mul3A_133 = arith.constant 6400 : i32
    %mul3A_134 = arith.muli %arg1, %mul3A_133 : i32
    %add3A_135 = arith.constant 800 : i32
    %add3A_136 = arith.addi %mul3A_134, %add3A_135 : i32
    "tpu.region"() ({
      %run_scoped3A = tpu.sem_alloc : memref<!tpu.dma_semaphore, #tpu.memory_space<semaphore_mem>>
      %dma_start3A_479 = arith.constant 0 : i32
      %dma_start3A_480 = tpu.memref_slice %arg5[%add3A_136, %dma_start3A_479] : memref<102400x16xf32, #tpu.memory_space<vmem_shared>> -> memref<400x16xf32, #tpu.memory_space<vmem_shared>>
      %dma_start3A_481 = arith.constant 0 : i32
      %dma_start3A_482 = tpu.memref_slice %arg5[%add3A_136, %dma_start3A_481] : memref<102400x16xf32, #tpu.memory_space<vmem_shared>> -> memref<400x16xf32, #tpu.memory_space<vmem_shared>>
      tpu.enqueue_dma source(%arg10 : memref<400x16xf32, #tpu.memory_space<vmem>>) target(%dma_start3A_482 : memref<400x16xf32, #tpu.memory_space<vmem_shared>>) target_semaphore(%run_scoped3A : memref<!tpu.dma_semaphore, #tpu.memory_space<semaphore_mem>>)
      %dma_wait3A_483 = arith.constant 0 : i32
      %dma_wait3A_484 = tpu.memref_slice %arg5[%add3A_136, %dma_wait3A_483] : memref<102400x16xf32, #tpu.memory_space<vmem_shared>> -> memref<400x16xf32, #tpu.memory_space<vmem_shared>>
      %dma_wait3A_485 = arith.constant 0 : i32
      %dma_wait3A_486 = tpu.memref_slice %arg5[%add3A_136, %dma_wait3A_485] : memref<102400x16xf32, #tpu.memory_space<vmem_shared>> -> memref<400x16xf32, #tpu.memory_space<vmem_shared>>
      tpu.wait_dma2 semaphore(%run_scoped3A : memref<!tpu.dma_semaphore, #tpu.memory_space<semaphore_mem>>) src(%arg10 : memref<400x16xf32, #tpu.memory_space<vmem>>) dst(%dma_wait3A_486 : memref<400x16xf32, #tpu.memory_space<vmem_shared>>)
      tpu.yield
    }) : () -> ()
    %mul3A_137 = arith.constant 6400 : i32
    %mul3A_138 = arith.muli %arg1, %mul3A_137 : i32
    %add3A_139 = arith.constant 1200 : i32
    %add3A_140 = arith.addi %mul3A_138, %add3A_139 : i32
    "tpu.region"() ({
      %run_scoped3A = tpu.sem_alloc : memref<!tpu.dma_semaphore, #tpu.memory_space<semaphore_mem>>
      %dma_start3A_479 = arith.constant 0 : i32
      %dma_start3A_480 = tpu.memref_slice %arg5[%add3A_140, %dma_start3A_479] : memref<102400x16xf32, #tpu.memory_space<vmem_shared>> -> memref<400x16xf32, #tpu.memory_space<vmem_shared>>
      %dma_start3A_481 = arith.constant 0 : i32
      %dma_start3A_482 = tpu.memref_slice %arg5[%add3A_140, %dma_start3A_481] : memref<102400x16xf32, #tpu.memory_space<vmem_shared>> -> memref<400x16xf32, #tpu.memory_space<vmem_shared>>
      tpu.enqueue_dma source(%arg10 : memref<400x16xf32, #tpu.memory_space<vmem>>) target(%dma_start3A_482 : memref<400x16xf32, #tpu.memory_space<vmem_shared>>) target_semaphore(%run_scoped3A : memref<!tpu.dma_semaphore, #tpu.memory_space<semaphore_mem>>)
      %dma_wait3A_483 = arith.constant 0 : i32
      %dma_wait3A_484 = tpu.memref_slice %arg5[%add3A_140, %dma_wait3A_483] : memref<102400x16xf32, #tpu.memory_space<vmem_shared>> -> memref<400x16xf32, #tpu.memory_space<vmem_shared>>
      %dma_wait3A_485 = arith.constant 0 : i32
      %dma_wait3A_486 = tpu.memref_slice %arg5[%add3A_140, %dma_wait3A_485] : memref<102400x16xf32, #tpu.memory_space<vmem_shared>> -> memref<400x16xf32, #tpu.memory_space<vmem_shared>>
      tpu.wait_dma2 semaphore(%run_scoped3A : memref<!tpu.dma_semaphore, #tpu.memory_space<semaphore_mem>>) src(%arg10 : memref<400x16xf32, #tpu.memory_space<vmem>>) dst(%dma_wait3A_486 : memref<400x16xf32, #tpu.memory_space<vmem_shared>>)
      tpu.yield
    }) : () -> ()
    %mul3A_141 = arith.constant 6400 : i32
    %mul3A_142 = arith.muli %arg1, %mul3A_141 : i32
    %add3A_143 = arith.constant 1600 : i32
    %add3A_144 = arith.addi %mul3A_142, %add3A_143 : i32
    "tpu.region"() ({
      %run_scoped3A = tpu.sem_alloc : memref<!tpu.dma_semaphore, #tpu.memory_space<semaphore_mem>>
      %dma_start3A_479 = arith.constant 0 : i32
      %dma_start3A_480 = tpu.memref_slice %arg5[%add3A_144, %dma_start3A_479] : memref<102400x16xf32, #tpu.memory_space<vmem_shared>> -> memref<400x16xf32, #tpu.memory_space<vmem_shared>>
      %dma_start3A_481 = arith.constant 0 : i32
      %dma_start3A_482 = tpu.memref_slice %arg5[%add3A_144, %dma_start3A_481] : memref<102400x16xf32, #tpu.memory_space<vmem_shared>> -> memref<400x16xf32, #tpu.memory_space<vmem_shared>>
      tpu.enqueue_dma source(%arg10 : memref<400x16xf32, #tpu.memory_space<vmem>>) target(%dma_start3A_482 : memref<400x16xf32, #tpu.memory_space<vmem_shared>>) target_semaphore(%run_scoped3A : memref<!tpu.dma_semaphore, #tpu.memory_space<semaphore_mem>>)
      %dma_wait3A_483 = arith.constant 0 : i32
      %dma_wait3A_484 = tpu.memref_slice %arg5[%add3A_144, %dma_wait3A_483] : memref<102400x16xf32, #tpu.memory_space<vmem_shared>> -> memref<400x16xf32, #tpu.memory_space<vmem_shared>>
      %dma_wait3A_485 = arith.constant 0 : i32
      %dma_wait3A_486 = tpu.memref_slice %arg5[%add3A_144, %dma_wait3A_485] : memref<102400x16xf32, #tpu.memory_space<vmem_shared>> -> memref<400x16xf32, #tpu.memory_space<vmem_shared>>
      tpu.wait_dma2 semaphore(%run_scoped3A : memref<!tpu.dma_semaphore, #tpu.memory_space<semaphore_mem>>) src(%arg10 : memref<400x16xf32, #tpu.memory_space<vmem>>) dst(%dma_wait3A_486 : memref<400x16xf32, #tpu.memory_space<vmem_shared>>)
      tpu.yield
    }) : () -> ()
    %mul3A_145 = arith.constant 6400 : i32
    %mul3A_146 = arith.muli %arg1, %mul3A_145 : i32
    %add3A_147 = arith.constant 2000 : i32
    %add3A_148 = arith.addi %mul3A_146, %add3A_147 : i32
    "tpu.region"() ({
      %run_scoped3A = tpu.sem_alloc : memref<!tpu.dma_semaphore, #tpu.memory_space<semaphore_mem>>
      %dma_start3A_479 = arith.constant 0 : i32
      %dma_start3A_480 = tpu.memref_slice %arg5[%add3A_148, %dma_start3A_479] : memref<102400x16xf32, #tpu.memory_space<vmem_shared>> -> memref<400x16xf32, #tpu.memory_space<vmem_shared>>
      %dma_start3A_481 = arith.constant 0 : i32
      %dma_start3A_482 = tpu.memref_slice %arg5[%add3A_148, %dma_start3A_481] : memref<102400x16xf32, #tpu.memory_space<vmem_shared>> -> memref<400x16xf32, #tpu.memory_space<vmem_shared>>
      tpu.enqueue_dma source(%arg10 : memref<400x16xf32, #tpu.memory_space<vmem>>) target(%dma_start3A_482 : memref<400x16xf32, #tpu.memory_space<vmem_shared>>) target_semaphore(%run_scoped3A : memref<!tpu.dma_semaphore, #tpu.memory_space<semaphore_mem>>)
      %dma_wait3A_483 = arith.constant 0 : i32
      %dma_wait3A_484 = tpu.memref_slice %arg5[%add3A_148, %dma_wait3A_483] : memref<102400x16xf32, #tpu.memory_space<vmem_shared>> -> memref<400x16xf32, #tpu.memory_space<vmem_shared>>
      %dma_wait3A_485 = arith.constant 0 : i32
      %dma_wait3A_486 = tpu.memref_slice %arg5[%add3A_148, %dma_wait3A_485] : memref<102400x16xf32, #tpu.memory_space<vmem_shared>> -> memref<400x16xf32, #tpu.memory_space<vmem_shared>>
      tpu.wait_dma2 semaphore(%run_scoped3A : memref<!tpu.dma_semaphore, #tpu.memory_space<semaphore_mem>>) src(%arg10 : memref<400x16xf32, #tpu.memory_space<vmem>>) dst(%dma_wait3A_486 : memref<400x16xf32, #tpu.memory_space<vmem_shared>>)
      tpu.yield
    }) : () -> ()
    %mul3A_149 = arith.constant 6400 : i32
    %mul3A_150 = arith.muli %arg1, %mul3A_149 : i32
    %add3A_151 = arith.constant 2400 : i32
    %add3A_152 = arith.addi %mul3A_150, %add3A_151 : i32
    "tpu.region"() ({
      %run_scoped3A = tpu.sem_alloc : memref<!tpu.dma_semaphore, #tpu.memory_space<semaphore_mem>>
      %dma_start3A_479 = arith.constant 0 : i32
      %dma_start3A_480 = tpu.memref_slice %arg5[%add3A_152, %dma_start3A_479] : memref<102400x16xf32, #tpu.memory_space<vmem_shared>> -> memref<400x16xf32, #tpu.memory_space<vmem_shared>>
      %dma_start3A_481 = arith.constant 0 : i32
      %dma_start3A_482 = tpu.memref_slice %arg5[%add3A_152, %dma_start3A_481] : memref<102400x16xf32, #tpu.memory_space<vmem_shared>> -> memref<400x16xf32, #tpu.memory_space<vmem_shared>>
      tpu.enqueue_dma source(%arg10 : memref<400x16xf32, #tpu.memory_space<vmem>>) target(%dma_start3A_482 : memref<400x16xf32, #tpu.memory_space<vmem_shared>>) target_semaphore(%run_scoped3A : memref<!tpu.dma_semaphore, #tpu.memory_space<semaphore_mem>>)
      %dma_wait3A_483 = arith.constant 0 : i32
      %dma_wait3A_484 = tpu.memref_slice %arg5[%add3A_152, %dma_wait3A_483] : memref<102400x16xf32, #tpu.memory_space<vmem_shared>> -> memref<400x16xf32, #tpu.memory_space<vmem_shared>>
      %dma_wait3A_485 = arith.constant 0 : i32
      %dma_wait3A_486 = tpu.memref_slice %arg5[%add3A_152, %dma_wait3A_485] : memref<102400x16xf32, #tpu.memory_space<vmem_shared>> -> memref<400x16xf32, #tpu.memory_space<vmem_shared>>
      tpu.wait_dma2 semaphore(%run_scoped3A : memref<!tpu.dma_semaphore, #tpu.memory_space<semaphore_mem>>) src(%arg10 : memref<400x16xf32, #tpu.memory_space<vmem>>) dst(%dma_wait3A_486 : memref<400x16xf32, #tpu.memory_space<vmem_shared>>)
      tpu.yield
    }) : () -> ()
    %mul3A_153 = arith.constant 6400 : i32
    %mul3A_154 = arith.muli %arg1, %mul3A_153 : i32
    %add3A_155 = arith.constant 2800 : i32
    %add3A_156 = arith.addi %mul3A_154, %add3A_155 : i32
    "tpu.region"() ({
      %run_scoped3A = tpu.sem_alloc : memref<!tpu.dma_semaphore, #tpu.memory_space<semaphore_mem>>
      %dma_start3A_479 = arith.constant 0 : i32
      %dma_start3A_480 = tpu.memref_slice %arg5[%add3A_156, %dma_start3A_479] : memref<102400x16xf32, #tpu.memory_space<vmem_shared>> -> memref<400x16xf32, #tpu.memory_space<vmem_shared>>
      %dma_start3A_481 = arith.constant 0 : i32
      %dma_start3A_482 = tpu.memref_slice %arg5[%add3A_156, %dma_start3A_481] : memref<102400x16xf32, #tpu.memory_space<vmem_shared>> -> memref<400x16xf32, #tpu.memory_space<vmem_shared>>
      tpu.enqueue_dma source(%arg10 : memref<400x16xf32, #tpu.memory_space<vmem>>) target(%dma_start3A_482 : memref<400x16xf32, #tpu.memory_space<vmem_shared>>) target_semaphore(%run_scoped3A : memref<!tpu.dma_semaphore, #tpu.memory_space<semaphore_mem>>)
      %dma_wait3A_483 = arith.constant 0 : i32
      %dma_wait3A_484 = tpu.memref_slice %arg5[%add3A_156, %dma_wait3A_483] : memref<102400x16xf32, #tpu.memory_space<vmem_shared>> -> memref<400x16xf32, #tpu.memory_space<vmem_shared>>
      %dma_wait3A_485 = arith.constant 0 : i32
      %dma_wait3A_486 = tpu.memref_slice %arg5[%add3A_156, %dma_wait3A_485] : memref<102400x16xf32, #tpu.memory_space<vmem_shared>> -> memref<400x16xf32, #tpu.memory_space<vmem_shared>>
      tpu.wait_dma2 semaphore(%run_scoped3A : memref<!tpu.dma_semaphore, #tpu.memory_space<semaphore_mem>>) src(%arg10 : memref<400x16xf32, #tpu.memory_space<vmem>>) dst(%dma_wait3A_486 : memref<400x16xf32, #tpu.memory_space<vmem_shared>>)
      tpu.yield
    }) : () -> ()
    %mul3A_157 = arith.constant 6400 : i32
    %mul3A_158 = arith.muli %arg1, %mul3A_157 : i32
    %add3A_159 = arith.constant 3200 : i32
    %add3A_160 = arith.addi %mul3A_158, %add3A_159 : i32
    "tpu.region"() ({
      %run_scoped3A = tpu.sem_alloc : memref<!tpu.dma_semaphore, #tpu.memory_space<semaphore_mem>>
      %dma_start3A_479 = arith.constant 0 : i32
      %dma_start3A_480 = tpu.memref_slice %arg5[%add3A_160, %dma_start3A_479] : memref<102400x16xf32, #tpu.memory_space<vmem_shared>> -> memref<400x16xf32, #tpu.memory_space<vmem_shared>>
      %dma_start3A_481 = arith.constant 0 : i32
      %dma_start3A_482 = tpu.memref_slice %arg5[%add3A_160, %dma_start3A_481] : memref<102400x16xf32, #tpu.memory_space<vmem_shared>> -> memref<400x16xf32, #tpu.memory_space<vmem_shared>>
      tpu.enqueue_dma source(%arg10 : memref<400x16xf32, #tpu.memory_space<vmem>>) target(%dma_start3A_482 : memref<400x16xf32, #tpu.memory_space<vmem_shared>>) target_semaphore(%run_scoped3A : memref<!tpu.dma_semaphore, #tpu.memory_space<semaphore_mem>>)
      %dma_wait3A_483 = arith.constant 0 : i32
      %dma_wait3A_484 = tpu.memref_slice %arg5[%add3A_160, %dma_wait3A_483] : memref<102400x16xf32, #tpu.memory_space<vmem_shared>> -> memref<400x16xf32, #tpu.memory_space<vmem_shared>>
      %dma_wait3A_485 = arith.constant 0 : i32
      %dma_wait3A_486 = tpu.memref_slice %arg5[%add3A_160, %dma_wait3A_485] : memref<102400x16xf32, #tpu.memory_space<vmem_shared>> -> memref<400x16xf32, #tpu.memory_space<vmem_shared>>
      tpu.wait_dma2 semaphore(%run_scoped3A : memref<!tpu.dma_semaphore, #tpu.memory_space<semaphore_mem>>) src(%arg10 : memref<400x16xf32, #tpu.memory_space<vmem>>) dst(%dma_wait3A_486 : memref<400x16xf32, #tpu.memory_space<vmem_shared>>)
      tpu.yield
    }) : () -> ()
    %mul3A_161 = arith.constant 6400 : i32
    %mul3A_162 = arith.muli %arg1, %mul3A_161 : i32
    %add3A_163 = arith.constant 3600 : i32
    %add3A_164 = arith.addi %mul3A_162, %add3A_163 : i32
    "tpu.region"() ({
      %run_scoped3A = tpu.sem_alloc : memref<!tpu.dma_semaphore, #tpu.memory_space<semaphore_mem>>
      %dma_start3A_479 = arith.constant 0 : i32
      %dma_start3A_480 = tpu.memref_slice %arg5[%add3A_164, %dma_start3A_479] : memref<102400x16xf32, #tpu.memory_space<vmem_shared>> -> memref<400x16xf32, #tpu.memory_space<vmem_shared>>
      %dma_start3A_481 = arith.constant 0 : i32
      %dma_start3A_482 = tpu.memref_slice %arg5[%add3A_164, %dma_start3A_481] : memref<102400x16xf32, #tpu.memory_space<vmem_shared>> -> memref<400x16xf32, #tpu.memory_space<vmem_shared>>
      tpu.enqueue_dma source(%arg10 : memref<400x16xf32, #tpu.memory_space<vmem>>) target(%dma_start3A_482 : memref<400x16xf32, #tpu.memory_space<vmem_shared>>) target_semaphore(%run_scoped3A : memref<!tpu.dma_semaphore, #tpu.memory_space<semaphore_mem>>)
      %dma_wait3A_483 = arith.constant 0 : i32
      %dma_wait3A_484 = tpu.memref_slice %arg5[%add3A_164, %dma_wait3A_483] : memref<102400x16xf32, #tpu.memory_space<vmem_shared>> -> memref<400x16xf32, #tpu.memory_space<vmem_shared>>
      %dma_wait3A_485 = arith.constant 0 : i32
      %dma_wait3A_486 = tpu.memref_slice %arg5[%add3A_164, %dma_wait3A_485] : memref<102400x16xf32, #tpu.memory_space<vmem_shared>> -> memref<400x16xf32, #tpu.memory_space<vmem_shared>>
      tpu.wait_dma2 semaphore(%run_scoped3A : memref<!tpu.dma_semaphore, #tpu.memory_space<semaphore_mem>>) src(%arg10 : memref<400x16xf32, #tpu.memory_space<vmem>>) dst(%dma_wait3A_486 : memref<400x16xf32, #tpu.memory_space<vmem_shared>>)
      tpu.yield
    }) : () -> ()
    %mul3A_165 = arith.constant 6400 : i32
    %mul3A_166 = arith.muli %arg1, %mul3A_165 : i32
    %add3A_167 = arith.constant 4000 : i32
    %add3A_168 = arith.addi %mul3A_166, %add3A_167 : i32
    "tpu.region"() ({
      %run_scoped3A = tpu.sem_alloc : memref<!tpu.dma_semaphore, #tpu.memory_space<semaphore_mem>>
      %dma_start3A_479 = arith.constant 0 : i32
      %dma_start3A_480 = tpu.memref_slice %arg5[%add3A_168, %dma_start3A_479] : memref<102400x16xf32, #tpu.memory_space<vmem_shared>> -> memref<400x16xf32, #tpu.memory_space<vmem_shared>>
      %dma_start3A_481 = arith.constant 0 : i32
      %dma_start3A_482 = tpu.memref_slice %arg5[%add3A_168, %dma_start3A_481] : memref<102400x16xf32, #tpu.memory_space<vmem_shared>> -> memref<400x16xf32, #tpu.memory_space<vmem_shared>>
      tpu.enqueue_dma source(%arg10 : memref<400x16xf32, #tpu.memory_space<vmem>>) target(%dma_start3A_482 : memref<400x16xf32, #tpu.memory_space<vmem_shared>>) target_semaphore(%run_scoped3A : memref<!tpu.dma_semaphore, #tpu.memory_space<semaphore_mem>>)
      %dma_wait3A_483 = arith.constant 0 : i32
      %dma_wait3A_484 = tpu.memref_slice %arg5[%add3A_168, %dma_wait3A_483] : memref<102400x16xf32, #tpu.memory_space<vmem_shared>> -> memref<400x16xf32, #tpu.memory_space<vmem_shared>>
      %dma_wait3A_485 = arith.constant 0 : i32
      %dma_wait3A_486 = tpu.memref_slice %arg5[%add3A_168, %dma_wait3A_485] : memref<102400x16xf32, #tpu.memory_space<vmem_shared>> -> memref<400x16xf32, #tpu.memory_space<vmem_shared>>
      tpu.wait_dma2 semaphore(%run_scoped3A : memref<!tpu.dma_semaphore, #tpu.memory_space<semaphore_mem>>) src(%arg10 : memref<400x16xf32, #tpu.memory_space<vmem>>) dst(%dma_wait3A_486 : memref<400x16xf32, #tpu.memory_space<vmem_shared>>)
      tpu.yield
    }) : () -> ()
    %mul3A_169 = arith.constant 6400 : i32
    %mul3A_170 = arith.muli %arg1, %mul3A_169 : i32
    %add3A_171 = arith.constant 4400 : i32
    %add3A_172 = arith.addi %mul3A_170, %add3A_171 : i32
    "tpu.region"() ({
      %run_scoped3A = tpu.sem_alloc : memref<!tpu.dma_semaphore, #tpu.memory_space<semaphore_mem>>
      %dma_start3A_479 = arith.constant 0 : i32
      %dma_start3A_480 = tpu.memref_slice %arg5[%add3A_172, %dma_start3A_479] : memref<102400x16xf32, #tpu.memory_space<vmem_shared>> -> memref<400x16xf32, #tpu.memory_space<vmem_shared>>
      %dma_start3A_481 = arith.constant 0 : i32
      %dma_start3A_482 = tpu.memref_slice %arg5[%add3A_172, %dma_start3A_481] : memref<102400x16xf32, #tpu.memory_space<vmem_shared>> -> memref<400x16xf32, #tpu.memory_space<vmem_shared>>
      tpu.enqueue_dma source(%arg10 : memref<400x16xf32, #tpu.memory_space<vmem>>) target(%dma_start3A_482 : memref<400x16xf32, #tpu.memory_space<vmem_shared>>) target_semaphore(%run_scoped3A : memref<!tpu.dma_semaphore, #tpu.memory_space<semaphore_mem>>)
      %dma_wait3A_483 = arith.constant 0 : i32
      %dma_wait3A_484 = tpu.memref_slice %arg5[%add3A_172, %dma_wait3A_483] : memref<102400x16xf32, #tpu.memory_space<vmem_shared>> -> memref<400x16xf32, #tpu.memory_space<vmem_shared>>
      %dma_wait3A_485 = arith.constant 0 : i32
      %dma_wait3A_486 = tpu.memref_slice %arg5[%add3A_172, %dma_wait3A_485] : memref<102400x16xf32, #tpu.memory_space<vmem_shared>> -> memref<400x16xf32, #tpu.memory_space<vmem_shared>>
      tpu.wait_dma2 semaphore(%run_scoped3A : memref<!tpu.dma_semaphore, #tpu.memory_space<semaphore_mem>>) src(%arg10 : memref<400x16xf32, #tpu.memory_space<vmem>>) dst(%dma_wait3A_486 : memref<400x16xf32, #tpu.memory_space<vmem_shared>>)
      tpu.yield
    }) : () -> ()
    %mul3A_173 = arith.constant 6400 : i32
    %mul3A_174 = arith.muli %arg1, %mul3A_173 : i32
    %add3A_175 = arith.constant 4800 : i32
    %add3A_176 = arith.addi %mul3A_174, %add3A_175 : i32
    "tpu.region"() ({
      %run_scoped3A = tpu.sem_alloc : memref<!tpu.dma_semaphore, #tpu.memory_space<semaphore_mem>>
      %dma_start3A_479 = arith.constant 0 : i32
      %dma_start3A_480 = tpu.memref_slice %arg5[%add3A_176, %dma_start3A_479] : memref<102400x16xf32, #tpu.memory_space<vmem_shared>> -> memref<400x16xf32, #tpu.memory_space<vmem_shared>>
      %dma_start3A_481 = arith.constant 0 : i32
      %dma_start3A_482 = tpu.memref_slice %arg5[%add3A_176, %dma_start3A_481] : memref<102400x16xf32, #tpu.memory_space<vmem_shared>> -> memref<400x16xf32, #tpu.memory_space<vmem_shared>>
      tpu.enqueue_dma source(%arg10 : memref<400x16xf32, #tpu.memory_space<vmem>>) target(%dma_start3A_482 : memref<400x16xf32, #tpu.memory_space<vmem_shared>>) target_semaphore(%run_scoped3A : memref<!tpu.dma_semaphore, #tpu.memory_space<semaphore_mem>>)
      %dma_wait3A_483 = arith.constant 0 : i32
      %dma_wait3A_484 = tpu.memref_slice %arg5[%add3A_176, %dma_wait3A_483] : memref<102400x16xf32, #tpu.memory_space<vmem_shared>> -> memref<400x16xf32, #tpu.memory_space<vmem_shared>>
      %dma_wait3A_485 = arith.constant 0 : i32
      %dma_wait3A_486 = tpu.memref_slice %arg5[%add3A_176, %dma_wait3A_485] : memref<102400x16xf32, #tpu.memory_space<vmem_shared>> -> memref<400x16xf32, #tpu.memory_space<vmem_shared>>
      tpu.wait_dma2 semaphore(%run_scoped3A : memref<!tpu.dma_semaphore, #tpu.memory_space<semaphore_mem>>) src(%arg10 : memref<400x16xf32, #tpu.memory_space<vmem>>) dst(%dma_wait3A_486 : memref<400x16xf32, #tpu.memory_space<vmem_shared>>)
      tpu.yield
    }) : () -> ()
    %mul3A_177 = arith.constant 6400 : i32
    %mul3A_178 = arith.muli %arg1, %mul3A_177 : i32
    %add3A_179 = arith.constant 5200 : i32
    %add3A_180 = arith.addi %mul3A_178, %add3A_179 : i32
    "tpu.region"() ({
      %run_scoped3A = tpu.sem_alloc : memref<!tpu.dma_semaphore, #tpu.memory_space<semaphore_mem>>
      %dma_start3A_479 = arith.constant 0 : i32
      %dma_start3A_480 = tpu.memref_slice %arg5[%add3A_180, %dma_start3A_479] : memref<102400x16xf32, #tpu.memory_space<vmem_shared>> -> memref<400x16xf32, #tpu.memory_space<vmem_shared>>
      %dma_start3A_481 = arith.constant 0 : i32
      %dma_start3A_482 = tpu.memref_slice %arg5[%add3A_180, %dma_start3A_481] : memref<102400x16xf32, #tpu.memory_space<vmem_shared>> -> memref<400x16xf32, #tpu.memory_space<vmem_shared>>
      tpu.enqueue_dma source(%arg10 : memref<400x16xf32, #tpu.memory_space<vmem>>) target(%dma_start3A_482 : memref<400x16xf32, #tpu.memory_space<vmem_shared>>) target_semaphore(%run_scoped3A : memref<!tpu.dma_semaphore, #tpu.memory_space<semaphore_mem>>)
      %dma_wait3A_483 = arith.constant 0 : i32
      %dma_wait3A_484 = tpu.memref_slice %arg5[%add3A_180, %dma_wait3A_483] : memref<102400x16xf32, #tpu.memory_space<vmem_shared>> -> memref<400x16xf32, #tpu.memory_space<vmem_shared>>
      %dma_wait3A_485 = arith.constant 0 : i32
      %dma_wait3A_486 = tpu.memref_slice %arg5[%add3A_180, %dma_wait3A_485] : memref<102400x16xf32, #tpu.memory_space<vmem_shared>> -> memref<400x16xf32, #tpu.memory_space<vmem_shared>>
      tpu.wait_dma2 semaphore(%run_scoped3A : memref<!tpu.dma_semaphore, #tpu.memory_space<semaphore_mem>>) src(%arg10 : memref<400x16xf32, #tpu.memory_space<vmem>>) dst(%dma_wait3A_486 : memref<400x16xf32, #tpu.memory_space<vmem_shared>>)
      tpu.yield
    }) : () -> ()
    %mul3A_181 = arith.constant 6400 : i32
    %mul3A_182 = arith.muli %arg1, %mul3A_181 : i32
    %add3A_183 = arith.constant 5600 : i32
    %add3A_184 = arith.addi %mul3A_182, %add3A_183 : i32
    "tpu.region"() ({
      %run_scoped3A = tpu.sem_alloc : memref<!tpu.dma_semaphore, #tpu.memory_space<semaphore_mem>>
      %dma_start3A_479 = arith.constant 0 : i32
      %dma_start3A_480 = tpu.memref_slice %arg5[%add3A_184, %dma_start3A_479] : memref<102400x16xf32, #tpu.memory_space<vmem_shared>> -> memref<400x16xf32, #tpu.memory_space<vmem_shared>>
      %dma_start3A_481 = arith.constant 0 : i32
      %dma_start3A_482 = tpu.memref_slice %arg5[%add3A_184, %dma_start3A_481] : memref<102400x16xf32, #tpu.memory_space<vmem_shared>> -> memref<400x16xf32, #tpu.memory_space<vmem_shared>>
      tpu.enqueue_dma source(%arg10 : memref<400x16xf32, #tpu.memory_space<vmem>>) target(%dma_start3A_482 : memref<400x16xf32, #tpu.memory_space<vmem_shared>>) target_semaphore(%run_scoped3A : memref<!tpu.dma_semaphore, #tpu.memory_space<semaphore_mem>>)
      %dma_wait3A_483 = arith.constant 0 : i32
      %dma_wait3A_484 = tpu.memref_slice %arg5[%add3A_184, %dma_wait3A_483] : memref<102400x16xf32, #tpu.memory_space<vmem_shared>> -> memref<400x16xf32, #tpu.memory_space<vmem_shared>>
      %dma_wait3A_485 = arith.constant 0 : i32
      %dma_wait3A_486 = tpu.memref_slice %arg5[%add3A_184, %dma_wait3A_485] : memref<102400x16xf32, #tpu.memory_space<vmem_shared>> -> memref<400x16xf32, #tpu.memory_space<vmem_shared>>
      tpu.wait_dma2 semaphore(%run_scoped3A : memref<!tpu.dma_semaphore, #tpu.memory_space<semaphore_mem>>) src(%arg10 : memref<400x16xf32, #tpu.memory_space<vmem>>) dst(%dma_wait3A_486 : memref<400x16xf32, #tpu.memory_space<vmem_shared>>)
      tpu.yield
    }) : () -> ()
    %mul3A_185 = arith.constant 6400 : i32
    %mul3A_186 = arith.muli %arg1, %mul3A_185 : i32
    %add3A_187 = arith.constant 6000 : i32
    %add3A_188 = arith.addi %mul3A_186, %add3A_187 : i32
    "tpu.region"() ({
      %run_scoped3A = tpu.sem_alloc : memref<!tpu.dma_semaphore, #tpu.memory_space<semaphore_mem>>
      %dma_start3A_479 = arith.constant 0 : i32
      %dma_start3A_480 = tpu.memref_slice %arg5[%add3A_188, %dma_start3A_479] : memref<102400x16xf32, #tpu.memory_space<vmem_shared>> -> memref<400x16xf32, #tpu.memory_space<vmem_shared>>
      %dma_start3A_481 = arith.constant 0 : i32
      %dma_start3A_482 = tpu.memref_slice %arg5[%add3A_188, %dma_start3A_481] : memref<102400x16xf32, #tpu.memory_space<vmem_shared>> -> memref<400x16xf32, #tpu.memory_space<vmem_shared>>
      tpu.enqueue_dma source(%arg10 : memref<400x16xf32, #tpu.memory_space<vmem>>) target(%dma_start3A_482 : memref<400x16xf32, #tpu.memory_space<vmem_shared>>) target_semaphore(%run_scoped3A : memref<!tpu.dma_semaphore, #tpu.memory_space<semaphore_mem>>)
      %dma_wait3A_483 = arith.constant 0 : i32
      %dma_wait3A_484 = tpu.memref_slice %arg5[%add3A_188, %dma_wait3A_483] : memref<102400x16xf32, #tpu.memory_space<vmem_shared>> -> memref<400x16xf32, #tpu.memory_space<vmem_shared>>
      %dma_wait3A_485 = arith.constant 0 : i32
      %dma_wait3A_486 = tpu.memref_slice %arg5[%add3A_188, %dma_wait3A_485] : memref<102400x16xf32, #tpu.memory_space<vmem_shared>> -> memref<400x16xf32, #tpu.memory_space<vmem_shared>>
      tpu.wait_dma2 semaphore(%run_scoped3A : memref<!tpu.dma_semaphore, #tpu.memory_space<semaphore_mem>>) src(%arg10 : memref<400x16xf32, #tpu.memory_space<vmem>>) dst(%dma_wait3A_486 : memref<400x16xf32, #tpu.memory_space<vmem_shared>>)
      tpu.yield
    }) : () -> ()
    %scan3A_189 = arith.constant 0 : i32
    %scan3A_190 = arith.constant 0 : i32
    %scan3A_191 = arith.constant 69 : i32
    %scan3A_192 = arith.addi %scan3A_190, %scan3A_191 : i32
    %scan3A_193 = arith.constant 1 : i32
    %scan3A_194 = scf.for %scan3A_479 = %scan3A_190 to %scan3A_192 step %scan3A_193 iter_args(%scan3A_480 = %scan3A_189) -> (i32)  : i32 {
      %broadcast_in_dim3A_481 = arith.constant 100000 : i32
      %broadcast_in_dim3A_482 = vector.broadcast %broadcast_in_dim3A_481 : i32 to vector<16xi32>
      %mul3A_483 = arith.constant 16 : i32
      %mul3A_484 = arith.muli %scan3A_479, %mul3A_483 : i32
      %swap3A = arith.index_cast %mul3A_484 : i32 to index
      %swap3A_485 = tpu.vector_load %arg7[%swap3A] {strides = array<i32>} : memref<1104xi32, #tpu.memory_space<vmem>>, vector<16xi32>,
      tpu.vector_store %arg7[%swap3A], %broadcast_in_dim3A_482 {strides = array<i32>} : memref<1104xi32, #tpu.memory_space<vmem>>, vector<16xi32>,
      %broadcast_in_dim3A_486 = arith.constant 0 : i32
      %broadcast_in_dim3A_487 = vector.broadcast %broadcast_in_dim3A_486 : i32 to vector<16xi32>
      %mul3A_488 = arith.constant 16 : i32
      %mul3A_489 = arith.muli %scan3A_479, %mul3A_488 : i32
      %swap3A_490 = arith.index_cast %mul3A_489 : i32 to index
      %swap3A_491 = tpu.vector_load %arg8[%swap3A_490] {strides = array<i32>} : memref<1104xi32, #tpu.memory_space<vmem>>, vector<16xi32>,
      tpu.vector_store %arg8[%swap3A_490], %broadcast_in_dim3A_487 {strides = array<i32>} : memref<1104xi32, #tpu.memory_space<vmem>>, vector<16xi32>,
      %scan3A_492 = arith.constant 0 : i32
      scf.yield %scan3A_492 : i32
    }
    %scan3A_195 = arith.constant 69 : i32
    %barrier3A_196 = arith.constant 0 : index
    tpu.barrier barrier_id(%barrier3A_196)
    %broadcast_in_dim3A_197 = arith.constant 0 : i32
    %broadcast_in_dim3A_198 = vector.broadcast %broadcast_in_dim3A_197 : i32 to vector<16xi32>
    %broadcast_in_dim3A_199 = arith.constant 1 : i32
    %broadcast_in_dim3A_200 = vector.broadcast %broadcast_in_dim3A_199 : i32 to vector<16xi32>
    %broadcast_in_dim3A_201 = arith.constant 100000 : i32
    %broadcast_in_dim3A_202 = vector.broadcast %broadcast_in_dim3A_201 : i32 to vector<16xi32>
    %broadcast_in_dim3A_203 = arith.constant 64 : i32
    %broadcast_in_dim3A_204 = vector.broadcast %broadcast_in_dim3A_203 : i32 to vector<16xi32>
    %broadcast_in_dim3A_205 = arith.constant 100000 : i32
    %broadcast_in_dim3A_206 = vector.broadcast %broadcast_in_dim3A_205 : i32 to vector<16xi32>
    %broadcast_in_dim3A_207 = vector.broadcast %mul3A_124 : i32 to vector<16xi32>
    %scan3A_208 = arith.constant 0 : i32
    %scan3A_209 = arith.constant 50 : i32
    %scan3A_210 = arith.addi %scan3A_208, %scan3A_209 : i32
    %scan3A_211 = arith.constant 1 : i32
    %scan3A_212 = scf.for %scan3A_479 = %scan3A_208 to %scan3A_210 step %scan3A_211 iter_args(%scan3A_480 = %broadcast_in_dim3A_198) -> (vector<16xi32>)  : i32 {
      %mul3A_481 = arith.constant 100000 : i32
      %mul3A_482 = arith.muli %arg1, %mul3A_481 : i32
      %mul3A_483 = arith.constant 2000 : i32
      %mul3A_484 = arith.muli %scan3A_479, %mul3A_483 : i32
      %add3A_485 = arith.addi %mul3A_482, %mul3A_484 : i32
      "tpu.region"() ({
        %run_scoped3A = tpu.sem_alloc : memref<!tpu.dma_semaphore, #tpu.memory_space<semaphore_mem>>
        %dma_start3A_492 = tpu.memref_slice %arg2[%add3A_485] : memref<1600000xi32, #tpu.memory_space<hbm>> -> memref<2000xi32, #tpu.memory_space<hbm>>
        %dma_start3A_493 = tpu.memref_slice %arg2[%add3A_485] : memref<1600000xi32, #tpu.memory_space<hbm>> -> memref<2000xi32, #tpu.memory_space<hbm>>
        tpu.enqueue_dma source(%dma_start3A_493 : memref<2000xi32, #tpu.memory_space<hbm>>) target(%arg6 : memref<2000xi32, #tpu.memory_space<vmem>>) target_semaphore(%run_scoped3A : memref<!tpu.dma_semaphore, #tpu.memory_space<semaphore_mem>>)
        %dma_wait3A_494 = tpu.memref_slice %arg2[%add3A_485] : memref<1600000xi32, #tpu.memory_space<hbm>> -> memref<2000xi32, #tpu.memory_space<hbm>>
        %dma_wait3A_495 = tpu.memref_slice %arg2[%add3A_485] : memref<1600000xi32, #tpu.memory_space<hbm>> -> memref<2000xi32, #tpu.memory_space<hbm>>
        tpu.wait_dma2 semaphore(%run_scoped3A : memref<!tpu.dma_semaphore, #tpu.memory_space<semaphore_mem>>) src(%dma_wait3A_495 : memref<2000xi32, #tpu.memory_space<hbm>>) dst(%arg6 : memref<2000xi32, #tpu.memory_space<vmem>>)
        tpu.yield
      }) : () -> ()
      %scan3A_486 = arith.constant 0 : i32
      %scan3A_487 = arith.constant 25 : i32
      %scan3A_488 = arith.addi %scan3A_486, %scan3A_487 : i32
      %scan3A_489 = arith.constant 1 : i32
      %scan3A_490 = scf.for %scan3A_492 = %scan3A_486 to %scan3A_488 step %scan3A_489 iter_args(%scan3A_493 = %scan3A_480) -> (vector<16xi32>)  : i32 {
        %mul3A_494 = arith.constant 5 : i32
        %mul3A_495 = arith.muli %scan3A_492, %mul3A_494 : i32
        %add3A_496 = arith.constant 0 : i32
        %add3A_497 = arith.addi %mul3A_495, %add3A_496 : i32
        %mul3A_498 = arith.constant 16 : i32
        %mul3A_499 = arith.muli %add3A_497, %mul3A_498 : i32
        %get3A = arith.index_cast %mul3A_499 : i32 to index
        %get3A_500 = tpu.vector_load %arg6[%get3A] {strides = array<i32>} : memref<2000xi32, #tpu.memory_space<vmem>>, vector<16xi32>,
        %sub3A = arith.subi %get3A_500, %broadcast_in_dim3A_207 : vector<16xi32>
        %ge3A = arith.cmpi sge, %sub3A, %broadcast_in_dim3A_198 : vector<16xi32>
        %lt3A_501 = arith.cmpi slt, %sub3A, %broadcast_in_dim3A_202 : vector<16xi32>
        %and3A = arith.andi %ge3A, %lt3A_501 : vector<16xi1>
        %mul3A_502 = arith.constant 100000 : i32
        %mul3A_503 = arith.muli %arg1, %mul3A_502 : i32
        %mul3A_504 = arith.constant 2000 : i32
        %mul3A_505 = arith.muli %scan3A_479, %mul3A_504 : i32
        %add3A_506 = arith.addi %mul3A_503, %mul3A_505 : i32
        %mul3A_507 = arith.constant 5 : i32
        %mul3A_508 = arith.muli %scan3A_492, %mul3A_507 : i32
        %add3A_509 = arith.constant 0 : i32
        %add3A_510 = arith.addi %mul3A_508, %add3A_509 : i32
        %mul3A_511 = arith.constant 16 : i32
        %mul3A_512 = arith.muli %add3A_510, %mul3A_511 : i32
        %add3A_513 = arith.addi %add3A_506, %mul3A_512 : i32
        %broadcast_in_dim3A_514 = vector.broadcast %add3A_513 : i32 to vector<16xi32>
        %add3A_515 = arith.addi %broadcast_in_dim3A_514, %iota3A : vector<16xi32>
        %add3A_516 = arith.addi %mul3A_7, %scan3A_493 : vector<16xi32>
        %select_n3A = arith.select %and3A, %sub3A, %broadcast_in_dim3A_206 : vector<16xi1>, vector<16xi32>
        tpu.vector_store_idx %arg7[%add3A_516], %select_n3A : memref<1104xi32, #tpu.memory_space<vmem>>[vector<16xi32>], vector<16xi32>,
        %select_n3A_517 = arith.select %and3A, %add3A_515, %broadcast_in_dim3A_198 : vector<16xi1>, vector<16xi32>
        tpu.vector_store_idx %arg8[%add3A_516], %select_n3A_517 : memref<1104xi32, #tpu.memory_space<vmem>>[vector<16xi32>], vector<16xi32>,
        %select_n3A_518 = arith.select %and3A, %broadcast_in_dim3A_200, %broadcast_in_dim3A_198 : vector<16xi1>, vector<16xi32>
        %add3A_519 = arith.addi %scan3A_493, %select_n3A_518 : vector<16xi32>
        %mul3A_520 = arith.constant 5 : i32
        %mul3A_521 = arith.muli %scan3A_492, %mul3A_520 : i32
        %add3A_522 = arith.constant 1 : i32
        %add3A_523 = arith.addi %mul3A_521, %add3A_522 : i32
        %mul3A_524 = arith.constant 16 : i32
        %mul3A_525 = arith.muli %add3A_523, %mul3A_524 : i32
        %get3A_526 = arith.index_cast %mul3A_525 : i32 to index
        %get3A_527 = tpu.vector_load %arg6[%get3A_526] {strides = array<i32>} : memref<2000xi32, #tpu.memory_space<vmem>>, vector<16xi32>,
        %sub3A_528 = arith.subi %get3A_527, %broadcast_in_dim3A_207 : vector<16xi32>
        %ge3A_529 = arith.cmpi sge, %sub3A_528, %broadcast_in_dim3A_198 : vector<16xi32>
        %lt3A_530 = arith.cmpi slt, %sub3A_528, %broadcast_in_dim3A_202 : vector<16xi32>
        %and3A_531 = arith.andi %ge3A_529, %lt3A_530 : vector<16xi1>
        %mul3A_532 = arith.constant 100000 : i32
        %mul3A_533 = arith.muli %arg1, %mul3A_532 : i32
        %mul3A_534 = arith.constant 2000 : i32
        %mul3A_535 = arith.muli %scan3A_479, %mul3A_534 : i32
        %add3A_536 = arith.addi %mul3A_533, %mul3A_535 : i32
        %mul3A_537 = arith.constant 5 : i32
        %mul3A_538 = arith.muli %scan3A_492, %mul3A_537 : i32
        %add3A_539 = arith.constant 1 : i32
        %add3A_540 = arith.addi %mul3A_538, %add3A_539 : i32
        %mul3A_541 = arith.constant 16 : i32
        %mul3A_542 = arith.muli %add3A_540, %mul3A_541 : i32
        %add3A_543 = arith.addi %add3A_536, %mul3A_542 : i32
        %broadcast_in_dim3A_544 = vector.broadcast %add3A_543 : i32 to vector<16xi32>
        %add3A_545 = arith.addi %broadcast_in_dim3A_544, %iota3A : vector<16xi32>
        %add3A_546 = arith.addi %mul3A_7, %add3A_519 : vector<16xi32>
        %select_n3A_547 = arith.select %and3A_531, %sub3A_528, %broadcast_in_dim3A_206 : vector<16xi1>, vector<16xi32>
        tpu.vector_store_idx %arg7[%add3A_546], %select_n3A_547 : memref<1104xi32, #tpu.memory_space<vmem>>[vector<16xi32>], vector<16xi32>,
        %select_n3A_548 = arith.select %and3A_531, %add3A_545, %broadcast_in_dim3A_198 : vector<16xi1>, vector<16xi32>
        tpu.vector_store_idx %arg8[%add3A_546], %select_n3A_548 : memref<1104xi32, #tpu.memory_space<vmem>>[vector<16xi32>], vector<16xi32>,
        %select_n3A_549 = arith.select %and3A_531, %broadcast_in_dim3A_200, %broadcast_in_dim3A_198 : vector<16xi1>, vector<16xi32>
        %add3A_550 = arith.addi %add3A_519, %select_n3A_549 : vector<16xi32>
        %mul3A_551 = arith.constant 5 : i32
        %mul3A_552 = arith.muli %scan3A_492, %mul3A_551 : i32
        %add3A_553 = arith.constant 2 : i32
        %add3A_554 = arith.addi %mul3A_552, %add3A_553 : i32
        %mul3A_555 = arith.constant 16 : i32
        %mul3A_556 = arith.muli %add3A_554, %mul3A_555 : i32
        %get3A_557 = arith.index_cast %mul3A_556 : i32 to index
        %get3A_558 = tpu.vector_load %arg6[%get3A_557] {strides = array<i32>} : memref<2000xi32, #tpu.memory_space<vmem>>, vector<16xi32>,
        %sub3A_559 = arith.subi %get3A_558, %broadcast_in_dim3A_207 : vector<16xi32>
        %ge3A_560 = arith.cmpi sge, %sub3A_559, %broadcast_in_dim3A_198 : vector<16xi32>
        %lt3A_561 = arith.cmpi slt, %sub3A_559, %broadcast_in_dim3A_202 : vector<16xi32>
        %and3A_562 = arith.andi %ge3A_560, %lt3A_561 : vector<16xi1>
        %mul3A_563 = arith.constant 100000 : i32
        %mul3A_564 = arith.muli %arg1, %mul3A_563 : i32
        %mul3A_565 = arith.constant 2000 : i32
        %mul3A_566 = arith.muli %scan3A_479, %mul3A_565 : i32
        %add3A_567 = arith.addi %mul3A_564, %mul3A_566 : i32
        %mul3A_568 = arith.constant 5 : i32
        %mul3A_569 = arith.muli %scan3A_492, %mul3A_568 : i32
        %add3A_570 = arith.constant 2 : i32
        %add3A_571 = arith.addi %mul3A_569, %add3A_570 : i32
        %mul3A_572 = arith.constant 16 : i32
        %mul3A_573 = arith.muli %add3A_571, %mul3A_572 : i32
        %add3A_574 = arith.addi %add3A_567, %mul3A_573 : i32
        %broadcast_in_dim3A_575 = vector.broadcast %add3A_574 : i32 to vector<16xi32>
        %add3A_576 = arith.addi %broadcast_in_dim3A_575, %iota3A : vector<16xi32>
        %add3A_577 = arith.addi %mul3A_7, %add3A_550 : vector<16xi32>
        %select_n3A_578 = arith.select %and3A_562, %sub3A_559, %broadcast_in_dim3A_206 : vector<16xi1>, vector<16xi32>
        tpu.vector_store_idx %arg7[%add3A_577], %select_n3A_578 : memref<1104xi32, #tpu.memory_space<vmem>>[vector<16xi32>], vector<16xi32>,
        %select_n3A_579 = arith.select %and3A_562, %add3A_576, %broadcast_in_dim3A_198 : vector<16xi1>, vector<16xi32>
        tpu.vector_store_idx %arg8[%add3A_577], %select_n3A_579 : memref<1104xi32, #tpu.memory_space<vmem>>[vector<16xi32>], vector<16xi32>,
        %select_n3A_580 = arith.select %and3A_562, %broadcast_in_dim3A_200, %broadcast_in_dim3A_198 : vector<16xi1>, vector<16xi32>
        %add3A_581 = arith.addi %add3A_550, %select_n3A_580 : vector<16xi32>
        %mul3A_582 = arith.constant 5 : i32
        %mul3A_583 = arith.muli %scan3A_492, %mul3A_582 : i32
        %add3A_584 = arith.constant 3 : i32
        %add3A_585 = arith.addi %mul3A_583, %add3A_584 : i32
        %mul3A_586 = arith.constant 16 : i32
        %mul3A_587 = arith.muli %add3A_585, %mul3A_586 : i32
        %get3A_588 = arith.index_cast %mul3A_587 : i32 to index
        %get3A_589 = tpu.vector_load %arg6[%get3A_588] {strides = array<i32>} : memref<2000xi32, #tpu.memory_space<vmem>>, vector<16xi32>,
        %sub3A_590 = arith.subi %get3A_589, %broadcast_in_dim3A_207 : vector<16xi32>
        %ge3A_591 = arith.cmpi sge, %sub3A_590, %broadcast_in_dim3A_198 : vector<16xi32>
        %lt3A_592 = arith.cmpi slt, %sub3A_590, %broadcast_in_dim3A_202 : vector<16xi32>
        %and3A_593 = arith.andi %ge3A_591, %lt3A_592 : vector<16xi1>
        %mul3A_594 = arith.constant 100000 : i32
        %mul3A_595 = arith.muli %arg1, %mul3A_594 : i32
        %mul3A_596 = arith.constant 2000 : i32
        %mul3A_597 = arith.muli %scan3A_479, %mul3A_596 : i32
        %add3A_598 = arith.addi %mul3A_595, %mul3A_597 : i32
        %mul3A_599 = arith.constant 5 : i32
        %mul3A_600 = arith.muli %scan3A_492, %mul3A_599 : i32
        %add3A_601 = arith.constant 3 : i32
        %add3A_602 = arith.addi %mul3A_600, %add3A_601 : i32
        %mul3A_603 = arith.constant 16 : i32
        %mul3A_604 = arith.muli %add3A_602, %mul3A_603 : i32
        %add3A_605 = arith.addi %add3A_598, %mul3A_604 : i32
        %broadcast_in_dim3A_606 = vector.broadcast %add3A_605 : i32 to vector<16xi32>
        %add3A_607 = arith.addi %broadcast_in_dim3A_606, %iota3A : vector<16xi32>
        %add3A_608 = arith.addi %mul3A_7, %add3A_581 : vector<16xi32>
        %select_n3A_609 = arith.select %and3A_593, %sub3A_590, %broadcast_in_dim3A_206 : vector<16xi1>, vector<16xi32>
        tpu.vector_store_idx %arg7[%add3A_608], %select_n3A_609 : memref<1104xi32, #tpu.memory_space<vmem>>[vector<16xi32>], vector<16xi32>,
        %select_n3A_610 = arith.select %and3A_593, %add3A_607, %broadcast_in_dim3A_198 : vector<16xi1>, vector<16xi32>
        tpu.vector_store_idx %arg8[%add3A_608], %select_n3A_610 : memref<1104xi32, #tpu.memory_space<vmem>>[vector<16xi32>], vector<16xi32>,
        %select_n3A_611 = arith.select %and3A_593, %broadcast_in_dim3A_200, %broadcast_in_dim3A_198 : vector<16xi1>, vector<16xi32>
        %add3A_612 = arith.addi %add3A_581, %select_n3A_611 : vector<16xi32>
        %mul3A_613 = arith.constant 5 : i32
        %mul3A_614 = arith.muli %scan3A_492, %mul3A_613 : i32
        %add3A_615 = arith.constant 4 : i32
        %add3A_616 = arith.addi %mul3A_614, %add3A_615 : i32
        %mul3A_617 = arith.constant 16 : i32
        %mul3A_618 = arith.muli %add3A_616, %mul3A_617 : i32
        %get3A_619 = arith.index_cast %mul3A_618 : i32 to index
        %get3A_620 = tpu.vector_load %arg6[%get3A_619] {strides = array<i32>} : memref<2000xi32, #tpu.memory_space<vmem>>, vector<16xi32>,
        %sub3A_621 = arith.subi %get3A_620, %broadcast_in_dim3A_207 : vector<16xi32>
        %ge3A_622 = arith.cmpi sge, %sub3A_621, %broadcast_in_dim3A_198 : vector<16xi32>
        %lt3A_623 = arith.cmpi slt, %sub3A_621, %broadcast_in_dim3A_202 : vector<16xi32>
        %and3A_624 = arith.andi %ge3A_622, %lt3A_623 : vector<16xi1>
        %mul3A_625 = arith.constant 100000 : i32
        %mul3A_626 = arith.muli %arg1, %mul3A_625 : i32
        %mul3A_627 = arith.constant 2000 : i32
        %mul3A_628 = arith.muli %scan3A_479, %mul3A_627 : i32
        %add3A_629 = arith.addi %mul3A_626, %mul3A_628 : i32
        %mul3A_630 = arith.constant 5 : i32
        %mul3A_631 = arith.muli %scan3A_492, %mul3A_630 : i32
        %add3A_632 = arith.constant 4 : i32
        %add3A_633 = arith.addi %mul3A_631, %add3A_632 : i32
        %mul3A_634 = arith.constant 16 : i32
        %mul3A_635 = arith.muli %add3A_633, %mul3A_634 : i32
        %add3A_636 = arith.addi %add3A_629, %mul3A_635 : i32
        %broadcast_in_dim3A_637 = vector.broadcast %add3A_636 : i32 to vector<16xi32>
        %add3A_638 = arith.addi %broadcast_in_dim3A_637, %iota3A : vector<16xi32>
        %add3A_639 = arith.addi %mul3A_7, %add3A_612 : vector<16xi32>
        %select_n3A_640 = arith.select %and3A_624, %sub3A_621, %broadcast_in_dim3A_206 : vector<16xi1>, vector<16xi32>
        tpu.vector_store_idx %arg7[%add3A_639], %select_n3A_640 : memref<1104xi32, #tpu.memory_space<vmem>>[vector<16xi32>], vector<16xi32>,
        %select_n3A_641 = arith.select %and3A_624, %add3A_638, %broadcast_in_dim3A_198 : vector<16xi1>, vector<16xi32>
        tpu.vector_store_idx %arg8[%add3A_639], %select_n3A_641 : memref<1104xi32, #tpu.memory_space<vmem>>[vector<16xi32>], vector<16xi32>,
        %select_n3A_642 = arith.select %and3A_624, %broadcast_in_dim3A_200, %broadcast_in_dim3A_198 : vector<16xi1>, vector<16xi32>
        %add3A_643 = arith.addi %add3A_612, %select_n3A_642 : vector<16xi32>
        %ge3A_644 = arith.cmpi sge, %add3A_643, %broadcast_in_dim3A_204 : vector<16xi32>
        %all_reduce_population_count3A = tpu.all_reduce %ge3A_644 {dim = 0 : i64, kind = #tpu.reduction_kind<sum>} : vector<16xi1> -> vector<16xi32>
        %slice3A = vector.extract_strided_slice %all_reduce_population_count3A {offsets = [0], sizes = [1], strides = [1]} : vector<16xi32> to vector<1xi32>
        %squeeze3A = vector.extract %slice3A[0] : i32 from vector<1xi32>
        %gt3A = arith.constant 0 : i32
        %gt3A_645 = arith.cmpi sgt, %squeeze3A, %gt3A : i32
        %convert_element_type3A_646 = arith.extui %gt3A_645 : i1 to i32
        %cond3A_647 = arith.constant 0 : i32
        %cond3A_648 = arith.cmpi ne, %convert_element_type3A_646, %cond3A_647 : i32
        %cond3A_649 = scf.if %cond3A_648 -> (vector<16xi32>) {
          %dma_start3A_650 = arith.constant 0 : i32
          %dma_start3A_651 = arith.constant 0 : i32
          %dma_start3A_652 = tpu.memref_slice %arg3[%dma_start3A_650, %dma_start3A_651] : memref<1600000x16xf32, #tpu.memory_space<hbm>> -> memref<1600000x16xf32, #tpu.memory_space<hbm>>
          tpu.enqueue_indirect_dma source(%dma_start3A_652 : memref<1600000x16xf32, #tpu.memory_space<hbm>>) target(%arg9 : memref<1104x16xf32, #tpu.memory_space<vmem>>) offsets(%arg8 : memref<1104xi32, #tpu.memory_space<vmem>>) semaphore(%arg11 : memref<!tpu.dma_semaphore, #tpu.memory_space<semaphore_mem>>)
          %dma_wait3A_653 = arith.constant 0 : i32
          %dma_wait3A_654 = arith.constant 0 : i32
          %dma_wait3A_655 = tpu.memref_slice %arg3[%dma_wait3A_653, %dma_wait3A_654] : memref<1600000x16xf32, #tpu.memory_space<hbm>> -> memref<1600000x16xf32, #tpu.memory_space<hbm>>
          tpu.wait_indirect_dma semaphore(%arg11 : memref<!tpu.dma_semaphore, #tpu.memory_space<semaphore_mem>>) src(%dma_wait3A_655 : memref<1600000x16xf32, #tpu.memory_space<hbm>>) dst(%arg9 : memref<1104x16xf32, #tpu.memory_space<vmem>>)
          "tpu.region"() ({
            %run_scoped3A = tpu.sem_alloc : memref<!tpu.dma_semaphore, #tpu.memory_space<semaphore_mem>>
            %dma_start3A_663 = arith.constant 0 : i32
            %dma_start3A_664 = arith.constant 0 : i32
            %dma_start3A_665 = tpu.memref_slice %arg5[%dma_start3A_663, %dma_start3A_664] : memref<102400x16xf32, #tpu.memory_space<vmem_shared>> -> memref<102400x16xf32, #tpu.memory_space<vmem_shared>>
            tpu.enqueue_indirect_dma source(%arg9 : memref<1104x16xf32, #tpu.memory_space<vmem>>) target(%dma_start3A_665 : memref<102400x16xf32, #tpu.memory_space<vmem_shared>>) offsets(%arg7 : memref<1104xi32, #tpu.memory_space<vmem>>) semaphore(%run_scoped3A : memref<!tpu.dma_semaphore, #tpu.memory_space<semaphore_mem>>) {add = true}
            %dma_wait3A_666 = arith.constant 0 : i32
            %dma_wait3A_667 = arith.constant 0 : i32
            %dma_wait3A_668 = tpu.memref_slice %arg5[%dma_wait3A_666, %dma_wait3A_667] : memref<102400x16xf32, #tpu.memory_space<vmem_shared>> -> memref<102400x16xf32, #tpu.memory_space<vmem_shared>>
            tpu.wait_indirect_dma semaphore(%run_scoped3A : memref<!tpu.dma_semaphore, #tpu.memory_space<semaphore_mem>>) src(%arg9 : memref<1104x16xf32, #tpu.memory_space<vmem>>) dst(%dma_wait3A_668 : memref<102400x16xf32, #tpu.memory_space<vmem_shared>>)
            tpu.yield
          }) : () -> ()
          %scan3A_656 = arith.constant 0 : i32
          %scan3A_657 = arith.constant 0 : i32
          %scan3A_658 = arith.constant 69 : i32
          %scan3A_659 = arith.addi %scan3A_657, %scan3A_658 : i32
          %scan3A_660 = arith.constant 1 : i32
          %scan3A_661 = scf.for %scan3A_663 = %scan3A_657 to %scan3A_659 step %scan3A_660 iter_args(%scan3A_664 = %scan3A_656) -> (i32)  : i32 {
            %broadcast_in_dim3A_665 = arith.constant 100000 : i32
            %broadcast_in_dim3A_666 = vector.broadcast %broadcast_in_dim3A_665 : i32 to vector<16xi32>
            %mul3A_667 = arith.constant 16 : i32
            %mul3A_668 = arith.muli %scan3A_663, %mul3A_667 : i32
            %swap3A = arith.index_cast %mul3A_668 : i32 to index
            %swap3A_669 = tpu.vector_load %arg7[%swap3A] {strides = array<i32>} : memref<1104xi32, #tpu.memory_space<vmem>>, vector<16xi32>,
            tpu.vector_store %arg7[%swap3A], %broadcast_in_dim3A_666 {strides = array<i32>} : memref<1104xi32, #tpu.memory_space<vmem>>, vector<16xi32>,
            %broadcast_in_dim3A_670 = arith.constant 0 : i32
            %broadcast_in_dim3A_671 = vector.broadcast %broadcast_in_dim3A_670 : i32 to vector<16xi32>
            %mul3A_672 = arith.constant 16 : i32
            %mul3A_673 = arith.muli %scan3A_663, %mul3A_672 : i32
            %swap3A_674 = arith.index_cast %mul3A_673 : i32 to index
            %swap3A_675 = tpu.vector_load %arg8[%swap3A_674] {strides = array<i32>} : memref<1104xi32, #tpu.memory_space<vmem>>, vector<16xi32>,
            tpu.vector_store %arg8[%swap3A_674], %broadcast_in_dim3A_671 {strides = array<i32>} : memref<1104xi32, #tpu.memory_space<vmem>>, vector<16xi32>,
            %scan3A_676 = arith.constant 0 : i32
            scf.yield %scan3A_676 : i32
          }
          %scan3A_662 = arith.constant 69 : i32
          scf.yield %broadcast_in_dim3A_198 : vector<16xi32>
        } else {
          scf.yield %add3A_643 : vector<16xi32>
        }
        scf.yield %cond3A_649 : vector<16xi32>
      }
      %scan3A_491 = arith.constant 25 : i32
      scf.yield %scan3A_490 : vector<16xi32>
    }
    %scan3A_213 = arith.constant 50 : i32
    %dma_start3A_214 = arith.constant 0 : i32
    %dma_start3A_215 = arith.constant 0 : i32
    %dma_start3A_216 = tpu.memref_slice %arg3[%dma_start3A_214, %dma_start3A_215] : memref<1600000x16xf32, #tpu.memory_space<hbm>> -> memref<1600000x16xf32, #tpu.memory_space<hbm>>
    tpu.enqueue_indirect_dma source(%dma_start3A_216 : memref<1600000x16xf32, #tpu.memory_space<hbm>>) target(%arg9 : memref<1104x16xf32, #tpu.memory_space<vmem>>) offsets(%arg8 : memref<1104xi32, #tpu.memory_space<vmem>>) semaphore(%arg11 : memref<!tpu.dma_semaphore, #tpu.memory_space<semaphore_mem>>)
    %dma_wait3A_217 = arith.constant 0 : i32
    %dma_wait3A_218 = arith.constant 0 : i32
    %dma_wait3A_219 = tpu.memref_slice %arg3[%dma_wait3A_217, %dma_wait3A_218] : memref<1600000x16xf32, #tpu.memory_space<hbm>> -> memref<1600000x16xf32, #tpu.memory_space<hbm>>
    tpu.wait_indirect_dma semaphore(%arg11 : memref<!tpu.dma_semaphore, #tpu.memory_space<semaphore_mem>>) src(%dma_wait3A_219 : memref<1600000x16xf32, #tpu.memory_space<hbm>>) dst(%arg9 : memref<1104x16xf32, #tpu.memory_space<vmem>>)
    "tpu.region"() ({
      %run_scoped3A = tpu.sem_alloc : memref<!tpu.dma_semaphore, #tpu.memory_space<semaphore_mem>>
      %dma_start3A_479 = arith.constant 0 : i32
      %dma_start3A_480 = arith.constant 0 : i32
      %dma_start3A_481 = tpu.memref_slice %arg5[%dma_start3A_479, %dma_start3A_480] : memref<102400x16xf32, #tpu.memory_space<vmem_shared>> -> memref<102400x16xf32, #tpu.memory_space<vmem_shared>>
      tpu.enqueue_indirect_dma source(%arg9 : memref<1104x16xf32, #tpu.memory_space<vmem>>) target(%dma_start3A_481 : memref<102400x16xf32, #tpu.memory_space<vmem_shared>>) offsets(%arg7 : memref<1104xi32, #tpu.memory_space<vmem>>) semaphore(%run_scoped3A : memref<!tpu.dma_semaphore, #tpu.memory_space<semaphore_mem>>) {add = true}
      %dma_wait3A_482 = arith.constant 0 : i32
      %dma_wait3A_483 = arith.constant 0 : i32
      %dma_wait3A_484 = tpu.memref_slice %arg5[%dma_wait3A_482, %dma_wait3A_483] : memref<102400x16xf32, #tpu.memory_space<vmem_shared>> -> memref<102400x16xf32, #tpu.memory_space<vmem_shared>>
      tpu.wait_indirect_dma semaphore(%run_scoped3A : memref<!tpu.dma_semaphore, #tpu.memory_space<semaphore_mem>>) src(%arg9 : memref<1104x16xf32, #tpu.memory_space<vmem>>) dst(%dma_wait3A_484 : memref<102400x16xf32, #tpu.memory_space<vmem_shared>>)
      tpu.yield
    }) : () -> ()
    %scan3A_220 = arith.constant 0 : i32
    %scan3A_221 = arith.constant 0 : i32
    %scan3A_222 = arith.constant 69 : i32
    %scan3A_223 = arith.addi %scan3A_221, %scan3A_222 : i32
    %scan3A_224 = arith.constant 1 : i32
    %scan3A_225 = scf.for %scan3A_479 = %scan3A_221 to %scan3A_223 step %scan3A_224 iter_args(%scan3A_480 = %scan3A_220) -> (i32)  : i32 {
      %broadcast_in_dim3A_481 = arith.constant 100000 : i32
      %broadcast_in_dim3A_482 = vector.broadcast %broadcast_in_dim3A_481 : i32 to vector<16xi32>
      %mul3A_483 = arith.constant 16 : i32
      %mul3A_484 = arith.muli %scan3A_479, %mul3A_483 : i32
      %swap3A = arith.index_cast %mul3A_484 : i32 to index
      %swap3A_485 = tpu.vector_load %arg7[%swap3A] {strides = array<i32>} : memref<1104xi32, #tpu.memory_space<vmem>>, vector<16xi32>,
      tpu.vector_store %arg7[%swap3A], %broadcast_in_dim3A_482 {strides = array<i32>} : memref<1104xi32, #tpu.memory_space<vmem>>, vector<16xi32>,
      %broadcast_in_dim3A_486 = arith.constant 0 : i32
      %broadcast_in_dim3A_487 = vector.broadcast %broadcast_in_dim3A_486 : i32 to vector<16xi32>
      %mul3A_488 = arith.constant 16 : i32
      %mul3A_489 = arith.muli %scan3A_479, %mul3A_488 : i32
      %swap3A_490 = arith.index_cast %mul3A_489 : i32 to index
      %swap3A_491 = tpu.vector_load %arg8[%swap3A_490] {strides = array<i32>} : memref<1104xi32, #tpu.memory_space<vmem>>, vector<16xi32>,
      tpu.vector_store %arg8[%swap3A_490], %broadcast_in_dim3A_487 {strides = array<i32>} : memref<1104xi32, #tpu.memory_space<vmem>>, vector<16xi32>,
      %scan3A_492 = arith.constant 0 : i32
      scf.yield %scan3A_492 : i32
    }
    %scan3A_226 = arith.constant 69 : i32
    %barrier3A_227 = arith.constant 0 : index
    tpu.barrier barrier_id(%barrier3A_227)
    %lt3A_228 = arith.constant 15 : i32
    %lt3A_229 = arith.cmpi slt, %arg1, %lt3A_228 : i32
    %convert_element_type3A_230 = arith.extui %lt3A_229 : i1 to i32
    %cond3A_231 = arith.constant 0 : i32
    %cond3A_232 = arith.cmpi ne, %convert_element_type3A_230, %cond3A_231 : i32
    scf.if %cond3A_232 {
      %mul3A_479 = arith.constant 6256 : i32
      %mul3A_480 = arith.muli %arg1, %mul3A_479 : i32
      %mul3A_481 = arith.constant 6256 : i32
      %mul3A_482 = arith.muli %arg1, %mul3A_481 : i32
      %add3A_483 = arith.addi %mul3A_124, %mul3A_482 : i32
      "tpu.region"() ({
        %run_scoped3A = tpu.sem_alloc : memref<!tpu.dma_semaphore, #tpu.memory_space<semaphore_mem>>
        %dma_start3A_484 = arith.constant 0 : i32
        %dma_start3A_485 = tpu.memref_slice %arg4[%add3A_483, %dma_start3A_484] : memref<800000x16xf32, #tpu.memory_space<hbm>> -> memref<6256x16xf32, #tpu.memory_space<hbm>>
        %dma_start3A_486 = arith.constant 0 : i32
        %dma_start3A_487 = tpu.memref_slice %arg5[%mul3A_480, %dma_start3A_486] : memref<102400x16xf32, #tpu.memory_space<vmem_shared>> -> memref<6256x16xf32, #tpu.memory_space<vmem_shared>>
        tpu.enqueue_dma source(%dma_start3A_487 : memref<6256x16xf32, #tpu.memory_space<vmem_shared>>) target(%dma_start3A_485 : memref<6256x16xf32, #tpu.memory_space<hbm>>) target_semaphore(%run_scoped3A : memref<!tpu.dma_semaphore, #tpu.memory_space<semaphore_mem>>)
        %dma_wait3A_488 = arith.constant 0 : i32
        %dma_wait3A_489 = tpu.memref_slice %arg4[%add3A_483, %dma_wait3A_488] : memref<800000x16xf32, #tpu.memory_space<hbm>> -> memref<6256x16xf32, #tpu.memory_space<hbm>>
        %dma_wait3A_490 = arith.constant 0 : i32
        %dma_wait3A_491 = tpu.memref_slice %arg5[%mul3A_480, %dma_wait3A_490] : memref<102400x16xf32, #tpu.memory_space<vmem_shared>> -> memref<6256x16xf32, #tpu.memory_space<vmem_shared>>
        tpu.wait_dma2 semaphore(%run_scoped3A : memref<!tpu.dma_semaphore, #tpu.memory_space<semaphore_mem>>) src(%dma_wait3A_491 : memref<6256x16xf32, #tpu.memory_space<vmem_shared>>) dst(%dma_wait3A_489 : memref<6256x16xf32, #tpu.memory_space<hbm>>)
        tpu.yield
      }) : () -> ()
    } else {
    }
    %eq3A_233 = arith.constant 15 : i32
    %eq3A_234 = arith.cmpi eq, %arg1, %eq3A_233 : i32
    %convert_element_type3A_235 = arith.extui %eq3A_234 : i1 to i32
    %cond3A_236 = arith.constant 0 : i32
    %cond3A_237 = arith.cmpi ne, %convert_element_type3A_235, %cond3A_236 : i32
    scf.if %cond3A_237 {
      %add3A_479 = arith.constant 93840 : i32
      %add3A_480 = arith.addi %mul3A_124, %add3A_479 : i32
      "tpu.region"() ({
        %run_scoped3A = tpu.sem_alloc : memref<!tpu.dma_semaphore, #tpu.memory_space<semaphore_mem>>
        %dma_start3A_481 = arith.constant 0 : i32
        %dma_start3A_482 = tpu.memref_slice %arg4[%add3A_480, %dma_start3A_481] : memref<800000x16xf32, #tpu.memory_space<hbm>> -> memref<6160x16xf32, #tpu.memory_space<hbm>>
        %dma_start3A_483 = arith.constant 93840 : i32
        %dma_start3A_484 = arith.constant 0 : i32
        %dma_start3A_485 = tpu.memref_slice %arg5[%dma_start3A_483, %dma_start3A_484] : memref<102400x16xf32, #tpu.memory_space<vmem_shared>> -> memref<6160x16xf32, #tpu.memory_space<vmem_shared>>
        tpu.enqueue_dma source(%dma_start3A_485 : memref<6160x16xf32, #tpu.memory_space<vmem_shared>>) target(%dma_start3A_482 : memref<6160x16xf32, #tpu.memory_space<hbm>>) target_semaphore(%run_scoped3A : memref<!tpu.dma_semaphore, #tpu.memory_space<semaphore_mem>>)
        %dma_wait3A_486 = arith.constant 0 : i32
        %dma_wait3A_487 = tpu.memref_slice %arg4[%add3A_480, %dma_wait3A_486] : memref<800000x16xf32, #tpu.memory_space<hbm>> -> memref<6160x16xf32, #tpu.memory_space<hbm>>
        %dma_wait3A_488 = arith.constant 93840 : i32
        %dma_wait3A_489 = arith.constant 0 : i32
        %dma_wait3A_490 = tpu.memref_slice %arg5[%dma_wait3A_488, %dma_wait3A_489] : memref<102400x16xf32, #tpu.memory_space<vmem_shared>> -> memref<6160x16xf32, #tpu.memory_space<vmem_shared>>
        tpu.wait_dma2 semaphore(%run_scoped3A : memref<!tpu.dma_semaphore, #tpu.memory_space<semaphore_mem>>) src(%dma_wait3A_490 : memref<6160x16xf32, #tpu.memory_space<vmem_shared>>) dst(%dma_wait3A_487 : memref<6160x16xf32, #tpu.memory_space<hbm>>)
        tpu.yield
      }) : () -> ()
    } else {
    }
    %barrier3A_238 = arith.constant 0 : index
    tpu.barrier barrier_id(%barrier3A_238)
    %mul3A_239 = arith.constant 4 : i32
    %mul3A_240 = arith.muli %arg0, %mul3A_239 : i32
    %add3A_241 = arith.constant 2 : i32
    %add3A_242 = arith.addi %mul3A_240, %add3A_241 : i32
    %mul3A_243 = arith.constant 100000 : i32
    %mul3A_244 = arith.muli %add3A_242, %mul3A_243 : i32
    %mul3A_245 = arith.constant 6400 : i32
    %mul3A_246 = arith.muli %arg1, %mul3A_245 : i32
    %add3A_247 = arith.constant 0 : i32
    %add3A_248 = arith.addi %mul3A_246, %add3A_247 : i32
    "tpu.region"() ({
      %run_scoped3A = tpu.sem_alloc : memref<!tpu.dma_semaphore, #tpu.memory_space<semaphore_mem>>
      %dma_start3A_479 = arith.constant 0 : i32
      %dma_start3A_480 = tpu.memref_slice %arg5[%add3A_248, %dma_start3A_479] : memref<102400x16xf32, #tpu.memory_space<vmem_shared>> -> memref<400x16xf32, #tpu.memory_space<vmem_shared>>
      %dma_start3A_481 = arith.constant 0 : i32
      %dma_start3A_482 = tpu.memref_slice %arg5[%add3A_248, %dma_start3A_481] : memref<102400x16xf32, #tpu.memory_space<vmem_shared>> -> memref<400x16xf32, #tpu.memory_space<vmem_shared>>
      tpu.enqueue_dma source(%arg10 : memref<400x16xf32, #tpu.memory_space<vmem>>) target(%dma_start3A_482 : memref<400x16xf32, #tpu.memory_space<vmem_shared>>) target_semaphore(%run_scoped3A : memref<!tpu.dma_semaphore, #tpu.memory_space<semaphore_mem>>)
      %dma_wait3A_483 = arith.constant 0 : i32
      %dma_wait3A_484 = tpu.memref_slice %arg5[%add3A_248, %dma_wait3A_483] : memref<102400x16xf32, #tpu.memory_space<vmem_shared>> -> memref<400x16xf32, #tpu.memory_space<vmem_shared>>
      %dma_wait3A_485 = arith.constant 0 : i32
      %dma_wait3A_486 = tpu.memref_slice %arg5[%add3A_248, %dma_wait3A_485] : memref<102400x16xf32, #tpu.memory_space<vmem_shared>> -> memref<400x16xf32, #tpu.memory_space<vmem_shared>>
      tpu.wait_dma2 semaphore(%run_scoped3A : memref<!tpu.dma_semaphore, #tpu.memory_space<semaphore_mem>>) src(%arg10 : memref<400x16xf32, #tpu.memory_space<vmem>>) dst(%dma_wait3A_486 : memref<400x16xf32, #tpu.memory_space<vmem_shared>>)
      tpu.yield
    }) : () -> ()
    %mul3A_249 = arith.constant 6400 : i32
    %mul3A_250 = arith.muli %arg1, %mul3A_249 : i32
    %add3A_251 = arith.constant 400 : i32
    %add3A_252 = arith.addi %mul3A_250, %add3A_251 : i32
    "tpu.region"() ({
      %run_scoped3A = tpu.sem_alloc : memref<!tpu.dma_semaphore, #tpu.memory_space<semaphore_mem>>
      %dma_start3A_479 = arith.constant 0 : i32
      %dma_start3A_480 = tpu.memref_slice %arg5[%add3A_252, %dma_start3A_479] : memref<102400x16xf32, #tpu.memory_space<vmem_shared>> -> memref<400x16xf32, #tpu.memory_space<vmem_shared>>
      %dma_start3A_481 = arith.constant 0 : i32
      %dma_start3A_482 = tpu.memref_slice %arg5[%add3A_252, %dma_start3A_481] : memref<102400x16xf32, #tpu.memory_space<vmem_shared>> -> memref<400x16xf32, #tpu.memory_space<vmem_shared>>
      tpu.enqueue_dma source(%arg10 : memref<400x16xf32, #tpu.memory_space<vmem>>) target(%dma_start3A_482 : memref<400x16xf32, #tpu.memory_space<vmem_shared>>) target_semaphore(%run_scoped3A : memref<!tpu.dma_semaphore, #tpu.memory_space<semaphore_mem>>)
      %dma_wait3A_483 = arith.constant 0 : i32
      %dma_wait3A_484 = tpu.memref_slice %arg5[%add3A_252, %dma_wait3A_483] : memref<102400x16xf32, #tpu.memory_space<vmem_shared>> -> memref<400x16xf32, #tpu.memory_space<vmem_shared>>
      %dma_wait3A_485 = arith.constant 0 : i32
      %dma_wait3A_486 = tpu.memref_slice %arg5[%add3A_252, %dma_wait3A_485] : memref<102400x16xf32, #tpu.memory_space<vmem_shared>> -> memref<400x16xf32, #tpu.memory_space<vmem_shared>>
      tpu.wait_dma2 semaphore(%run_scoped3A : memref<!tpu.dma_semaphore, #tpu.memory_space<semaphore_mem>>) src(%arg10 : memref<400x16xf32, #tpu.memory_space<vmem>>) dst(%dma_wait3A_486 : memref<400x16xf32, #tpu.memory_space<vmem_shared>>)
      tpu.yield
    }) : () -> ()
    %mul3A_253 = arith.constant 6400 : i32
    %mul3A_254 = arith.muli %arg1, %mul3A_253 : i32
    %add3A_255 = arith.constant 800 : i32
    %add3A_256 = arith.addi %mul3A_254, %add3A_255 : i32
    "tpu.region"() ({
      %run_scoped3A = tpu.sem_alloc : memref<!tpu.dma_semaphore, #tpu.memory_space<semaphore_mem>>
      %dma_start3A_479 = arith.constant 0 : i32
      %dma_start3A_480 = tpu.memref_slice %arg5[%add3A_256, %dma_start3A_479] : memref<102400x16xf32, #tpu.memory_space<vmem_shared>> -> memref<400x16xf32, #tpu.memory_space<vmem_shared>>
      %dma_start3A_481 = arith.constant 0 : i32
      %dma_start3A_482 = tpu.memref_slice %arg5[%add3A_256, %dma_start3A_481] : memref<102400x16xf32, #tpu.memory_space<vmem_shared>> -> memref<400x16xf32, #tpu.memory_space<vmem_shared>>
      tpu.enqueue_dma source(%arg10 : memref<400x16xf32, #tpu.memory_space<vmem>>) target(%dma_start3A_482 : memref<400x16xf32, #tpu.memory_space<vmem_shared>>) target_semaphore(%run_scoped3A : memref<!tpu.dma_semaphore, #tpu.memory_space<semaphore_mem>>)
      %dma_wait3A_483 = arith.constant 0 : i32
      %dma_wait3A_484 = tpu.memref_slice %arg5[%add3A_256, %dma_wait3A_483] : memref<102400x16xf32, #tpu.memory_space<vmem_shared>> -> memref<400x16xf32, #tpu.memory_space<vmem_shared>>
      %dma_wait3A_485 = arith.constant 0 : i32
      %dma_wait3A_486 = tpu.memref_slice %arg5[%add3A_256, %dma_wait3A_485] : memref<102400x16xf32, #tpu.memory_space<vmem_shared>> -> memref<400x16xf32, #tpu.memory_space<vmem_shared>>
      tpu.wait_dma2 semaphore(%run_scoped3A : memref<!tpu.dma_semaphore, #tpu.memory_space<semaphore_mem>>) src(%arg10 : memref<400x16xf32, #tpu.memory_space<vmem>>) dst(%dma_wait3A_486 : memref<400x16xf32, #tpu.memory_space<vmem_shared>>)
      tpu.yield
    }) : () -> ()
    %mul3A_257 = arith.constant 6400 : i32
    %mul3A_258 = arith.muli %arg1, %mul3A_257 : i32
    %add3A_259 = arith.constant 1200 : i32
    %add3A_260 = arith.addi %mul3A_258, %add3A_259 : i32
    "tpu.region"() ({
      %run_scoped3A = tpu.sem_alloc : memref<!tpu.dma_semaphore, #tpu.memory_space<semaphore_mem>>
      %dma_start3A_479 = arith.constant 0 : i32
      %dma_start3A_480 = tpu.memref_slice %arg5[%add3A_260, %dma_start3A_479] : memref<102400x16xf32, #tpu.memory_space<vmem_shared>> -> memref<400x16xf32, #tpu.memory_space<vmem_shared>>
      %dma_start3A_481 = arith.constant 0 : i32
      %dma_start3A_482 = tpu.memref_slice %arg5[%add3A_260, %dma_start3A_481] : memref<102400x16xf32, #tpu.memory_space<vmem_shared>> -> memref<400x16xf32, #tpu.memory_space<vmem_shared>>
      tpu.enqueue_dma source(%arg10 : memref<400x16xf32, #tpu.memory_space<vmem>>) target(%dma_start3A_482 : memref<400x16xf32, #tpu.memory_space<vmem_shared>>) target_semaphore(%run_scoped3A : memref<!tpu.dma_semaphore, #tpu.memory_space<semaphore_mem>>)
      %dma_wait3A_483 = arith.constant 0 : i32
      %dma_wait3A_484 = tpu.memref_slice %arg5[%add3A_260, %dma_wait3A_483] : memref<102400x16xf32, #tpu.memory_space<vmem_shared>> -> memref<400x16xf32, #tpu.memory_space<vmem_shared>>
      %dma_wait3A_485 = arith.constant 0 : i32
      %dma_wait3A_486 = tpu.memref_slice %arg5[%add3A_260, %dma_wait3A_485] : memref<102400x16xf32, #tpu.memory_space<vmem_shared>> -> memref<400x16xf32, #tpu.memory_space<vmem_shared>>
      tpu.wait_dma2 semaphore(%run_scoped3A : memref<!tpu.dma_semaphore, #tpu.memory_space<semaphore_mem>>) src(%arg10 : memref<400x16xf32, #tpu.memory_space<vmem>>) dst(%dma_wait3A_486 : memref<400x16xf32, #tpu.memory_space<vmem_shared>>)
      tpu.yield
    }) : () -> ()
    %mul3A_261 = arith.constant 6400 : i32
    %mul3A_262 = arith.muli %arg1, %mul3A_261 : i32
    %add3A_263 = arith.constant 1600 : i32
    %add3A_264 = arith.addi %mul3A_262, %add3A_263 : i32
    "tpu.region"() ({
      %run_scoped3A = tpu.sem_alloc : memref<!tpu.dma_semaphore, #tpu.memory_space<semaphore_mem>>
      %dma_start3A_479 = arith.constant 0 : i32
      %dma_start3A_480 = tpu.memref_slice %arg5[%add3A_264, %dma_start3A_479] : memref<102400x16xf32, #tpu.memory_space<vmem_shared>> -> memref<400x16xf32, #tpu.memory_space<vmem_shared>>
      %dma_start3A_481 = arith.constant 0 : i32
      %dma_start3A_482 = tpu.memref_slice %arg5[%add3A_264, %dma_start3A_481] : memref<102400x16xf32, #tpu.memory_space<vmem_shared>> -> memref<400x16xf32, #tpu.memory_space<vmem_shared>>
      tpu.enqueue_dma source(%arg10 : memref<400x16xf32, #tpu.memory_space<vmem>>) target(%dma_start3A_482 : memref<400x16xf32, #tpu.memory_space<vmem_shared>>) target_semaphore(%run_scoped3A : memref<!tpu.dma_semaphore, #tpu.memory_space<semaphore_mem>>)
      %dma_wait3A_483 = arith.constant 0 : i32
      %dma_wait3A_484 = tpu.memref_slice %arg5[%add3A_264, %dma_wait3A_483] : memref<102400x16xf32, #tpu.memory_space<vmem_shared>> -> memref<400x16xf32, #tpu.memory_space<vmem_shared>>
      %dma_wait3A_485 = arith.constant 0 : i32
      %dma_wait3A_486 = tpu.memref_slice %arg5[%add3A_264, %dma_wait3A_485] : memref<102400x16xf32, #tpu.memory_space<vmem_shared>> -> memref<400x16xf32, #tpu.memory_space<vmem_shared>>
      tpu.wait_dma2 semaphore(%run_scoped3A : memref<!tpu.dma_semaphore, #tpu.memory_space<semaphore_mem>>) src(%arg10 : memref<400x16xf32, #tpu.memory_space<vmem>>) dst(%dma_wait3A_486 : memref<400x16xf32, #tpu.memory_space<vmem_shared>>)
      tpu.yield
    }) : () -> ()
    %mul3A_265 = arith.constant 6400 : i32
    %mul3A_266 = arith.muli %arg1, %mul3A_265 : i32
    %add3A_267 = arith.constant 2000 : i32
    %add3A_268 = arith.addi %mul3A_266, %add3A_267 : i32
    "tpu.region"() ({
      %run_scoped3A = tpu.sem_alloc : memref<!tpu.dma_semaphore, #tpu.memory_space<semaphore_mem>>
      %dma_start3A_479 = arith.constant 0 : i32
      %dma_start3A_480 = tpu.memref_slice %arg5[%add3A_268, %dma_start3A_479] : memref<102400x16xf32, #tpu.memory_space<vmem_shared>> -> memref<400x16xf32, #tpu.memory_space<vmem_shared>>
      %dma_start3A_481 = arith.constant 0 : i32
      %dma_start3A_482 = tpu.memref_slice %arg5[%add3A_268, %dma_start3A_481] : memref<102400x16xf32, #tpu.memory_space<vmem_shared>> -> memref<400x16xf32, #tpu.memory_space<vmem_shared>>
      tpu.enqueue_dma source(%arg10 : memref<400x16xf32, #tpu.memory_space<vmem>>) target(%dma_start3A_482 : memref<400x16xf32, #tpu.memory_space<vmem_shared>>) target_semaphore(%run_scoped3A : memref<!tpu.dma_semaphore, #tpu.memory_space<semaphore_mem>>)
      %dma_wait3A_483 = arith.constant 0 : i32
      %dma_wait3A_484 = tpu.memref_slice %arg5[%add3A_268, %dma_wait3A_483] : memref<102400x16xf32, #tpu.memory_space<vmem_shared>> -> memref<400x16xf32, #tpu.memory_space<vmem_shared>>
      %dma_wait3A_485 = arith.constant 0 : i32
      %dma_wait3A_486 = tpu.memref_slice %arg5[%add3A_268, %dma_wait3A_485] : memref<102400x16xf32, #tpu.memory_space<vmem_shared>> -> memref<400x16xf32, #tpu.memory_space<vmem_shared>>
      tpu.wait_dma2 semaphore(%run_scoped3A : memref<!tpu.dma_semaphore, #tpu.memory_space<semaphore_mem>>) src(%arg10 : memref<400x16xf32, #tpu.memory_space<vmem>>) dst(%dma_wait3A_486 : memref<400x16xf32, #tpu.memory_space<vmem_shared>>)
      tpu.yield
    }) : () -> ()
    %mul3A_269 = arith.constant 6400 : i32
    %mul3A_270 = arith.muli %arg1, %mul3A_269 : i32
    %add3A_271 = arith.constant 2400 : i32
    %add3A_272 = arith.addi %mul3A_270, %add3A_271 : i32
    "tpu.region"() ({
      %run_scoped3A = tpu.sem_alloc : memref<!tpu.dma_semaphore, #tpu.memory_space<semaphore_mem>>
      %dma_start3A_479 = arith.constant 0 : i32
      %dma_start3A_480 = tpu.memref_slice %arg5[%add3A_272, %dma_start3A_479] : memref<102400x16xf32, #tpu.memory_space<vmem_shared>> -> memref<400x16xf32, #tpu.memory_space<vmem_shared>>
      %dma_start3A_481 = arith.constant 0 : i32
      %dma_start3A_482 = tpu.memref_slice %arg5[%add3A_272, %dma_start3A_481] : memref<102400x16xf32, #tpu.memory_space<vmem_shared>> -> memref<400x16xf32, #tpu.memory_space<vmem_shared>>
      tpu.enqueue_dma source(%arg10 : memref<400x16xf32, #tpu.memory_space<vmem>>) target(%dma_start3A_482 : memref<400x16xf32, #tpu.memory_space<vmem_shared>>) target_semaphore(%run_scoped3A : memref<!tpu.dma_semaphore, #tpu.memory_space<semaphore_mem>>)
      %dma_wait3A_483 = arith.constant 0 : i32
      %dma_wait3A_484 = tpu.memref_slice %arg5[%add3A_272, %dma_wait3A_483] : memref<102400x16xf32, #tpu.memory_space<vmem_shared>> -> memref<400x16xf32, #tpu.memory_space<vmem_shared>>
      %dma_wait3A_485 = arith.constant 0 : i32
      %dma_wait3A_486 = tpu.memref_slice %arg5[%add3A_272, %dma_wait3A_485] : memref<102400x16xf32, #tpu.memory_space<vmem_shared>> -> memref<400x16xf32, #tpu.memory_space<vmem_shared>>
      tpu.wait_dma2 semaphore(%run_scoped3A : memref<!tpu.dma_semaphore, #tpu.memory_space<semaphore_mem>>) src(%arg10 : memref<400x16xf32, #tpu.memory_space<vmem>>) dst(%dma_wait3A_486 : memref<400x16xf32, #tpu.memory_space<vmem_shared>>)
      tpu.yield
    }) : () -> ()
    %mul3A_273 = arith.constant 6400 : i32
    %mul3A_274 = arith.muli %arg1, %mul3A_273 : i32
    %add3A_275 = arith.constant 2800 : i32
    %add3A_276 = arith.addi %mul3A_274, %add3A_275 : i32
    "tpu.region"() ({
      %run_scoped3A = tpu.sem_alloc : memref<!tpu.dma_semaphore, #tpu.memory_space<semaphore_mem>>
      %dma_start3A_479 = arith.constant 0 : i32
      %dma_start3A_480 = tpu.memref_slice %arg5[%add3A_276, %dma_start3A_479] : memref<102400x16xf32, #tpu.memory_space<vmem_shared>> -> memref<400x16xf32, #tpu.memory_space<vmem_shared>>
      %dma_start3A_481 = arith.constant 0 : i32
      %dma_start3A_482 = tpu.memref_slice %arg5[%add3A_276, %dma_start3A_481] : memref<102400x16xf32, #tpu.memory_space<vmem_shared>> -> memref<400x16xf32, #tpu.memory_space<vmem_shared>>
      tpu.enqueue_dma source(%arg10 : memref<400x16xf32, #tpu.memory_space<vmem>>) target(%dma_start3A_482 : memref<400x16xf32, #tpu.memory_space<vmem_shared>>) target_semaphore(%run_scoped3A : memref<!tpu.dma_semaphore, #tpu.memory_space<semaphore_mem>>)
      %dma_wait3A_483 = arith.constant 0 : i32
      %dma_wait3A_484 = tpu.memref_slice %arg5[%add3A_276, %dma_wait3A_483] : memref<102400x16xf32, #tpu.memory_space<vmem_shared>> -> memref<400x16xf32, #tpu.memory_space<vmem_shared>>
      %dma_wait3A_485 = arith.constant 0 : i32
      %dma_wait3A_486 = tpu.memref_slice %arg5[%add3A_276, %dma_wait3A_485] : memref<102400x16xf32, #tpu.memory_space<vmem_shared>> -> memref<400x16xf32, #tpu.memory_space<vmem_shared>>
      tpu.wait_dma2 semaphore(%run_scoped3A : memref<!tpu.dma_semaphore, #tpu.memory_space<semaphore_mem>>) src(%arg10 : memref<400x16xf32, #tpu.memory_space<vmem>>) dst(%dma_wait3A_486 : memref<400x16xf32, #tpu.memory_space<vmem_shared>>)
      tpu.yield
    }) : () -> ()
    %mul3A_277 = arith.constant 6400 : i32
    %mul3A_278 = arith.muli %arg1, %mul3A_277 : i32
    %add3A_279 = arith.constant 3200 : i32
    %add3A_280 = arith.addi %mul3A_278, %add3A_279 : i32
    "tpu.region"() ({
      %run_scoped3A = tpu.sem_alloc : memref<!tpu.dma_semaphore, #tpu.memory_space<semaphore_mem>>
      %dma_start3A_479 = arith.constant 0 : i32
      %dma_start3A_480 = tpu.memref_slice %arg5[%add3A_280, %dma_start3A_479] : memref<102400x16xf32, #tpu.memory_space<vmem_shared>> -> memref<400x16xf32, #tpu.memory_space<vmem_shared>>
      %dma_start3A_481 = arith.constant 0 : i32
      %dma_start3A_482 = tpu.memref_slice %arg5[%add3A_280, %dma_start3A_481] : memref<102400x16xf32, #tpu.memory_space<vmem_shared>> -> memref<400x16xf32, #tpu.memory_space<vmem_shared>>
      tpu.enqueue_dma source(%arg10 : memref<400x16xf32, #tpu.memory_space<vmem>>) target(%dma_start3A_482 : memref<400x16xf32, #tpu.memory_space<vmem_shared>>) target_semaphore(%run_scoped3A : memref<!tpu.dma_semaphore, #tpu.memory_space<semaphore_mem>>)
      %dma_wait3A_483 = arith.constant 0 : i32
      %dma_wait3A_484 = tpu.memref_slice %arg5[%add3A_280, %dma_wait3A_483] : memref<102400x16xf32, #tpu.memory_space<vmem_shared>> -> memref<400x16xf32, #tpu.memory_space<vmem_shared>>
      %dma_wait3A_485 = arith.constant 0 : i32
      %dma_wait3A_486 = tpu.memref_slice %arg5[%add3A_280, %dma_wait3A_485] : memref<102400x16xf32, #tpu.memory_space<vmem_shared>> -> memref<400x16xf32, #tpu.memory_space<vmem_shared>>
      tpu.wait_dma2 semaphore(%run_scoped3A : memref<!tpu.dma_semaphore, #tpu.memory_space<semaphore_mem>>) src(%arg10 : memref<400x16xf32, #tpu.memory_space<vmem>>) dst(%dma_wait3A_486 : memref<400x16xf32, #tpu.memory_space<vmem_shared>>)
      tpu.yield
    }) : () -> ()
    %mul3A_281 = arith.constant 6400 : i32
    %mul3A_282 = arith.muli %arg1, %mul3A_281 : i32
    %add3A_283 = arith.constant 3600 : i32
    %add3A_284 = arith.addi %mul3A_282, %add3A_283 : i32
    "tpu.region"() ({
      %run_scoped3A = tpu.sem_alloc : memref<!tpu.dma_semaphore, #tpu.memory_space<semaphore_mem>>
      %dma_start3A_479 = arith.constant 0 : i32
      %dma_start3A_480 = tpu.memref_slice %arg5[%add3A_284, %dma_start3A_479] : memref<102400x16xf32, #tpu.memory_space<vmem_shared>> -> memref<400x16xf32, #tpu.memory_space<vmem_shared>>
      %dma_start3A_481 = arith.constant 0 : i32
      %dma_start3A_482 = tpu.memref_slice %arg5[%add3A_284, %dma_start3A_481] : memref<102400x16xf32, #tpu.memory_space<vmem_shared>> -> memref<400x16xf32, #tpu.memory_space<vmem_shared>>
      tpu.enqueue_dma source(%arg10 : memref<400x16xf32, #tpu.memory_space<vmem>>) target(%dma_start3A_482 : memref<400x16xf32, #tpu.memory_space<vmem_shared>>) target_semaphore(%run_scoped3A : memref<!tpu.dma_semaphore, #tpu.memory_space<semaphore_mem>>)
      %dma_wait3A_483 = arith.constant 0 : i32
      %dma_wait3A_484 = tpu.memref_slice %arg5[%add3A_284, %dma_wait3A_483] : memref<102400x16xf32, #tpu.memory_space<vmem_shared>> -> memref<400x16xf32, #tpu.memory_space<vmem_shared>>
      %dma_wait3A_485 = arith.constant 0 : i32
      %dma_wait3A_486 = tpu.memref_slice %arg5[%add3A_284, %dma_wait3A_485] : memref<102400x16xf32, #tpu.memory_space<vmem_shared>> -> memref<400x16xf32, #tpu.memory_space<vmem_shared>>
      tpu.wait_dma2 semaphore(%run_scoped3A : memref<!tpu.dma_semaphore, #tpu.memory_space<semaphore_mem>>) src(%arg10 : memref<400x16xf32, #tpu.memory_space<vmem>>) dst(%dma_wait3A_486 : memref<400x16xf32, #tpu.memory_space<vmem_shared>>)
      tpu.yield
    }) : () -> ()
    %mul3A_285 = arith.constant 6400 : i32
    %mul3A_286 = arith.muli %arg1, %mul3A_285 : i32
    %add3A_287 = arith.constant 4000 : i32
    %add3A_288 = arith.addi %mul3A_286, %add3A_287 : i32
    "tpu.region"() ({
      %run_scoped3A = tpu.sem_alloc : memref<!tpu.dma_semaphore, #tpu.memory_space<semaphore_mem>>
      %dma_start3A_479 = arith.constant 0 : i32
      %dma_start3A_480 = tpu.memref_slice %arg5[%add3A_288, %dma_start3A_479] : memref<102400x16xf32, #tpu.memory_space<vmem_shared>> -> memref<400x16xf32, #tpu.memory_space<vmem_shared>>
      %dma_start3A_481 = arith.constant 0 : i32
      %dma_start3A_482 = tpu.memref_slice %arg5[%add3A_288, %dma_start3A_481] : memref<102400x16xf32, #tpu.memory_space<vmem_shared>> -> memref<400x16xf32, #tpu.memory_space<vmem_shared>>
      tpu.enqueue_dma source(%arg10 : memref<400x16xf32, #tpu.memory_space<vmem>>) target(%dma_start3A_482 : memref<400x16xf32, #tpu.memory_space<vmem_shared>>) target_semaphore(%run_scoped3A : memref<!tpu.dma_semaphore, #tpu.memory_space<semaphore_mem>>)
      %dma_wait3A_483 = arith.constant 0 : i32
      %dma_wait3A_484 = tpu.memref_slice %arg5[%add3A_288, %dma_wait3A_483] : memref<102400x16xf32, #tpu.memory_space<vmem_shared>> -> memref<400x16xf32, #tpu.memory_space<vmem_shared>>
      %dma_wait3A_485 = arith.constant 0 : i32
      %dma_wait3A_486 = tpu.memref_slice %arg5[%add3A_288, %dma_wait3A_485] : memref<102400x16xf32, #tpu.memory_space<vmem_shared>> -> memref<400x16xf32, #tpu.memory_space<vmem_shared>>
      tpu.wait_dma2 semaphore(%run_scoped3A : memref<!tpu.dma_semaphore, #tpu.memory_space<semaphore_mem>>) src(%arg10 : memref<400x16xf32, #tpu.memory_space<vmem>>) dst(%dma_wait3A_486 : memref<400x16xf32, #tpu.memory_space<vmem_shared>>)
      tpu.yield
    }) : () -> ()
    %mul3A_289 = arith.constant 6400 : i32
    %mul3A_290 = arith.muli %arg1, %mul3A_289 : i32
    %add3A_291 = arith.constant 4400 : i32
    %add3A_292 = arith.addi %mul3A_290, %add3A_291 : i32
    "tpu.region"() ({
      %run_scoped3A = tpu.sem_alloc : memref<!tpu.dma_semaphore, #tpu.memory_space<semaphore_mem>>
      %dma_start3A_479 = arith.constant 0 : i32
      %dma_start3A_480 = tpu.memref_slice %arg5[%add3A_292, %dma_start3A_479] : memref<102400x16xf32, #tpu.memory_space<vmem_shared>> -> memref<400x16xf32, #tpu.memory_space<vmem_shared>>
      %dma_start3A_481 = arith.constant 0 : i32
      %dma_start3A_482 = tpu.memref_slice %arg5[%add3A_292, %dma_start3A_481] : memref<102400x16xf32, #tpu.memory_space<vmem_shared>> -> memref<400x16xf32, #tpu.memory_space<vmem_shared>>
      tpu.enqueue_dma source(%arg10 : memref<400x16xf32, #tpu.memory_space<vmem>>) target(%dma_start3A_482 : memref<400x16xf32, #tpu.memory_space<vmem_shared>>) target_semaphore(%run_scoped3A : memref<!tpu.dma_semaphore, #tpu.memory_space<semaphore_mem>>)
      %dma_wait3A_483 = arith.constant 0 : i32
      %dma_wait3A_484 = tpu.memref_slice %arg5[%add3A_292, %dma_wait3A_483] : memref<102400x16xf32, #tpu.memory_space<vmem_shared>> -> memref<400x16xf32, #tpu.memory_space<vmem_shared>>
      %dma_wait3A_485 = arith.constant 0 : i32
      %dma_wait3A_486 = tpu.memref_slice %arg5[%add3A_292, %dma_wait3A_485] : memref<102400x16xf32, #tpu.memory_space<vmem_shared>> -> memref<400x16xf32, #tpu.memory_space<vmem_shared>>
      tpu.wait_dma2 semaphore(%run_scoped3A : memref<!tpu.dma_semaphore, #tpu.memory_space<semaphore_mem>>) src(%arg10 : memref<400x16xf32, #tpu.memory_space<vmem>>) dst(%dma_wait3A_486 : memref<400x16xf32, #tpu.memory_space<vmem_shared>>)
      tpu.yield
    }) : () -> ()
    %mul3A_293 = arith.constant 6400 : i32
    %mul3A_294 = arith.muli %arg1, %mul3A_293 : i32
    %add3A_295 = arith.constant 4800 : i32
    %add3A_296 = arith.addi %mul3A_294, %add3A_295 : i32
    "tpu.region"() ({
      %run_scoped3A = tpu.sem_alloc : memref<!tpu.dma_semaphore, #tpu.memory_space<semaphore_mem>>
      %dma_start3A_479 = arith.constant 0 : i32
      %dma_start3A_480 = tpu.memref_slice %arg5[%add3A_296, %dma_start3A_479] : memref<102400x16xf32, #tpu.memory_space<vmem_shared>> -> memref<400x16xf32, #tpu.memory_space<vmem_shared>>
      %dma_start3A_481 = arith.constant 0 : i32
      %dma_start3A_482 = tpu.memref_slice %arg5[%add3A_296, %dma_start3A_481] : memref<102400x16xf32, #tpu.memory_space<vmem_shared>> -> memref<400x16xf32, #tpu.memory_space<vmem_shared>>
      tpu.enqueue_dma source(%arg10 : memref<400x16xf32, #tpu.memory_space<vmem>>) target(%dma_start3A_482 : memref<400x16xf32, #tpu.memory_space<vmem_shared>>) target_semaphore(%run_scoped3A : memref<!tpu.dma_semaphore, #tpu.memory_space<semaphore_mem>>)
      %dma_wait3A_483 = arith.constant 0 : i32
      %dma_wait3A_484 = tpu.memref_slice %arg5[%add3A_296, %dma_wait3A_483] : memref<102400x16xf32, #tpu.memory_space<vmem_shared>> -> memref<400x16xf32, #tpu.memory_space<vmem_shared>>
      %dma_wait3A_485 = arith.constant 0 : i32
      %dma_wait3A_486 = tpu.memref_slice %arg5[%add3A_296, %dma_wait3A_485] : memref<102400x16xf32, #tpu.memory_space<vmem_shared>> -> memref<400x16xf32, #tpu.memory_space<vmem_shared>>
      tpu.wait_dma2 semaphore(%run_scoped3A : memref<!tpu.dma_semaphore, #tpu.memory_space<semaphore_mem>>) src(%arg10 : memref<400x16xf32, #tpu.memory_space<vmem>>) dst(%dma_wait3A_486 : memref<400x16xf32, #tpu.memory_space<vmem_shared>>)
      tpu.yield
    }) : () -> ()
    %mul3A_297 = arith.constant 6400 : i32
    %mul3A_298 = arith.muli %arg1, %mul3A_297 : i32
    %add3A_299 = arith.constant 5200 : i32
    %add3A_300 = arith.addi %mul3A_298, %add3A_299 : i32
    "tpu.region"() ({
      %run_scoped3A = tpu.sem_alloc : memref<!tpu.dma_semaphore, #tpu.memory_space<semaphore_mem>>
      %dma_start3A_479 = arith.constant 0 : i32
      %dma_start3A_480 = tpu.memref_slice %arg5[%add3A_300, %dma_start3A_479] : memref<102400x16xf32, #tpu.memory_space<vmem_shared>> -> memref<400x16xf32, #tpu.memory_space<vmem_shared>>
      %dma_start3A_481 = arith.constant 0 : i32
      %dma_start3A_482 = tpu.memref_slice %arg5[%add3A_300, %dma_start3A_481] : memref<102400x16xf32, #tpu.memory_space<vmem_shared>> -> memref<400x16xf32, #tpu.memory_space<vmem_shared>>
      tpu.enqueue_dma source(%arg10 : memref<400x16xf32, #tpu.memory_space<vmem>>) target(%dma_start3A_482 : memref<400x16xf32, #tpu.memory_space<vmem_shared>>) target_semaphore(%run_scoped3A : memref<!tpu.dma_semaphore, #tpu.memory_space<semaphore_mem>>)
      %dma_wait3A_483 = arith.constant 0 : i32
      %dma_wait3A_484 = tpu.memref_slice %arg5[%add3A_300, %dma_wait3A_483] : memref<102400x16xf32, #tpu.memory_space<vmem_shared>> -> memref<400x16xf32, #tpu.memory_space<vmem_shared>>
      %dma_wait3A_485 = arith.constant 0 : i32
      %dma_wait3A_486 = tpu.memref_slice %arg5[%add3A_300, %dma_wait3A_485] : memref<102400x16xf32, #tpu.memory_space<vmem_shared>> -> memref<400x16xf32, #tpu.memory_space<vmem_shared>>
      tpu.wait_dma2 semaphore(%run_scoped3A : memref<!tpu.dma_semaphore, #tpu.memory_space<semaphore_mem>>) src(%arg10 : memref<400x16xf32, #tpu.memory_space<vmem>>) dst(%dma_wait3A_486 : memref<400x16xf32, #tpu.memory_space<vmem_shared>>)
      tpu.yield
    }) : () -> ()
    %mul3A_301 = arith.constant 6400 : i32
    %mul3A_302 = arith.muli %arg1, %mul3A_301 : i32
    %add3A_303 = arith.constant 5600 : i32
    %add3A_304 = arith.addi %mul3A_302, %add3A_303 : i32
    "tpu.region"() ({
      %run_scoped3A = tpu.sem_alloc : memref<!tpu.dma_semaphore, #tpu.memory_space<semaphore_mem>>
      %dma_start3A_479 = arith.constant 0 : i32
      %dma_start3A_480 = tpu.memref_slice %arg5[%add3A_304, %dma_start3A_479] : memref<102400x16xf32, #tpu.memory_space<vmem_shared>> -> memref<400x16xf32, #tpu.memory_space<vmem_shared>>
      %dma_start3A_481 = arith.constant 0 : i32
      %dma_start3A_482 = tpu.memref_slice %arg5[%add3A_304, %dma_start3A_481] : memref<102400x16xf32, #tpu.memory_space<vmem_shared>> -> memref<400x16xf32, #tpu.memory_space<vmem_shared>>
      tpu.enqueue_dma source(%arg10 : memref<400x16xf32, #tpu.memory_space<vmem>>) target(%dma_start3A_482 : memref<400x16xf32, #tpu.memory_space<vmem_shared>>) target_semaphore(%run_scoped3A : memref<!tpu.dma_semaphore, #tpu.memory_space<semaphore_mem>>)
      %dma_wait3A_483 = arith.constant 0 : i32
      %dma_wait3A_484 = tpu.memref_slice %arg5[%add3A_304, %dma_wait3A_483] : memref<102400x16xf32, #tpu.memory_space<vmem_shared>> -> memref<400x16xf32, #tpu.memory_space<vmem_shared>>
      %dma_wait3A_485 = arith.constant 0 : i32
      %dma_wait3A_486 = tpu.memref_slice %arg5[%add3A_304, %dma_wait3A_485] : memref<102400x16xf32, #tpu.memory_space<vmem_shared>> -> memref<400x16xf32, #tpu.memory_space<vmem_shared>>
      tpu.wait_dma2 semaphore(%run_scoped3A : memref<!tpu.dma_semaphore, #tpu.memory_space<semaphore_mem>>) src(%arg10 : memref<400x16xf32, #tpu.memory_space<vmem>>) dst(%dma_wait3A_486 : memref<400x16xf32, #tpu.memory_space<vmem_shared>>)
      tpu.yield
    }) : () -> ()
    %mul3A_305 = arith.constant 6400 : i32
    %mul3A_306 = arith.muli %arg1, %mul3A_305 : i32
    %add3A_307 = arith.constant 6000 : i32
    %add3A_308 = arith.addi %mul3A_306, %add3A_307 : i32
    "tpu.region"() ({
      %run_scoped3A = tpu.sem_alloc : memref<!tpu.dma_semaphore, #tpu.memory_space<semaphore_mem>>
      %dma_start3A_479 = arith.constant 0 : i32
      %dma_start3A_480 = tpu.memref_slice %arg5[%add3A_308, %dma_start3A_479] : memref<102400x16xf32, #tpu.memory_space<vmem_shared>> -> memref<400x16xf32, #tpu.memory_space<vmem_shared>>
      %dma_start3A_481 = arith.constant 0 : i32
      %dma_start3A_482 = tpu.memref_slice %arg5[%add3A_308, %dma_start3A_481] : memref<102400x16xf32, #tpu.memory_space<vmem_shared>> -> memref<400x16xf32, #tpu.memory_space<vmem_shared>>
      tpu.enqueue_dma source(%arg10 : memref<400x16xf32, #tpu.memory_space<vmem>>) target(%dma_start3A_482 : memref<400x16xf32, #tpu.memory_space<vmem_shared>>) target_semaphore(%run_scoped3A : memref<!tpu.dma_semaphore, #tpu.memory_space<semaphore_mem>>)
      %dma_wait3A_483 = arith.constant 0 : i32
      %dma_wait3A_484 = tpu.memref_slice %arg5[%add3A_308, %dma_wait3A_483] : memref<102400x16xf32, #tpu.memory_space<vmem_shared>> -> memref<400x16xf32, #tpu.memory_space<vmem_shared>>
      %dma_wait3A_485 = arith.constant 0 : i32
      %dma_wait3A_486 = tpu.memref_slice %arg5[%add3A_308, %dma_wait3A_485] : memref<102400x16xf32, #tpu.memory_space<vmem_shared>> -> memref<400x16xf32, #tpu.memory_space<vmem_shared>>
      tpu.wait_dma2 semaphore(%run_scoped3A : memref<!tpu.dma_semaphore, #tpu.memory_space<semaphore_mem>>) src(%arg10 : memref<400x16xf32, #tpu.memory_space<vmem>>) dst(%dma_wait3A_486 : memref<400x16xf32, #tpu.memory_space<vmem_shared>>)
      tpu.yield
    }) : () -> ()
    %scan3A_309 = arith.constant 0 : i32
    %scan3A_310 = arith.constant 0 : i32
    %scan3A_311 = arith.constant 69 : i32
    %scan3A_312 = arith.addi %scan3A_310, %scan3A_311 : i32
    %scan3A_313 = arith.constant 1 : i32
    %scan3A_314 = scf.for %scan3A_479 = %scan3A_310 to %scan3A_312 step %scan3A_313 iter_args(%scan3A_480 = %scan3A_309) -> (i32)  : i32 {
      %broadcast_in_dim3A_481 = arith.constant 100000 : i32
      %broadcast_in_dim3A_482 = vector.broadcast %broadcast_in_dim3A_481 : i32 to vector<16xi32>
      %mul3A_483 = arith.constant 16 : i32
      %mul3A_484 = arith.muli %scan3A_479, %mul3A_483 : i32
      %swap3A = arith.index_cast %mul3A_484 : i32 to index
      %swap3A_485 = tpu.vector_load %arg7[%swap3A] {strides = array<i32>} : memref<1104xi32, #tpu.memory_space<vmem>>, vector<16xi32>,
      tpu.vector_store %arg7[%swap3A], %broadcast_in_dim3A_482 {strides = array<i32>} : memref<1104xi32, #tpu.memory_space<vmem>>, vector<16xi32>,
      %broadcast_in_dim3A_486 = arith.constant 0 : i32
      %broadcast_in_dim3A_487 = vector.broadcast %broadcast_in_dim3A_486 : i32 to vector<16xi32>
      %mul3A_488 = arith.constant 16 : i32
      %mul3A_489 = arith.muli %scan3A_479, %mul3A_488 : i32
      %swap3A_490 = arith.index_cast %mul3A_489 : i32 to index
      %swap3A_491 = tpu.vector_load %arg8[%swap3A_490] {strides = array<i32>} : memref<1104xi32, #tpu.memory_space<vmem>>, vector<16xi32>,
      tpu.vector_store %arg8[%swap3A_490], %broadcast_in_dim3A_487 {strides = array<i32>} : memref<1104xi32, #tpu.memory_space<vmem>>, vector<16xi32>,
      %scan3A_492 = arith.constant 0 : i32
      scf.yield %scan3A_492 : i32
    }
    %scan3A_315 = arith.constant 69 : i32
    %barrier3A_316 = arith.constant 0 : index
    tpu.barrier barrier_id(%barrier3A_316)
    %broadcast_in_dim3A_317 = arith.constant 0 : i32
    %broadcast_in_dim3A_318 = vector.broadcast %broadcast_in_dim3A_317 : i32 to vector<16xi32>
    %broadcast_in_dim3A_319 = arith.constant 1 : i32
    %broadcast_in_dim3A_320 = vector.broadcast %broadcast_in_dim3A_319 : i32 to vector<16xi32>
    %broadcast_in_dim3A_321 = arith.constant 100000 : i32
    %broadcast_in_dim3A_322 = vector.broadcast %broadcast_in_dim3A_321 : i32 to vector<16xi32>
    %broadcast_in_dim3A_323 = arith.constant 64 : i32
    %broadcast_in_dim3A_324 = vector.broadcast %broadcast_in_dim3A_323 : i32 to vector<16xi32>
    %broadcast_in_dim3A_325 = arith.constant 100000 : i32
    %broadcast_in_dim3A_326 = vector.broadcast %broadcast_in_dim3A_325 : i32 to vector<16xi32>
    %broadcast_in_dim3A_327 = vector.broadcast %mul3A_244 : i32 to vector<16xi32>
    %scan3A_328 = arith.constant 0 : i32
    %scan3A_329 = arith.constant 50 : i32
    %scan3A_330 = arith.addi %scan3A_328, %scan3A_329 : i32
    %scan3A_331 = arith.constant 1 : i32
    %scan3A_332 = scf.for %scan3A_479 = %scan3A_328 to %scan3A_330 step %scan3A_331 iter_args(%scan3A_480 = %broadcast_in_dim3A_318) -> (vector<16xi32>)  : i32 {
      %mul3A_481 = arith.constant 100000 : i32
      %mul3A_482 = arith.muli %arg1, %mul3A_481 : i32
      %mul3A_483 = arith.constant 2000 : i32
      %mul3A_484 = arith.muli %scan3A_479, %mul3A_483 : i32
      %add3A_485 = arith.addi %mul3A_482, %mul3A_484 : i32
      "tpu.region"() ({
        %run_scoped3A = tpu.sem_alloc : memref<!tpu.dma_semaphore, #tpu.memory_space<semaphore_mem>>
        %dma_start3A_492 = tpu.memref_slice %arg2[%add3A_485] : memref<1600000xi32, #tpu.memory_space<hbm>> -> memref<2000xi32, #tpu.memory_space<hbm>>
        %dma_start3A_493 = tpu.memref_slice %arg2[%add3A_485] : memref<1600000xi32, #tpu.memory_space<hbm>> -> memref<2000xi32, #tpu.memory_space<hbm>>
        tpu.enqueue_dma source(%dma_start3A_493 : memref<2000xi32, #tpu.memory_space<hbm>>) target(%arg6 : memref<2000xi32, #tpu.memory_space<vmem>>) target_semaphore(%run_scoped3A : memref<!tpu.dma_semaphore, #tpu.memory_space<semaphore_mem>>)
        %dma_wait3A_494 = tpu.memref_slice %arg2[%add3A_485] : memref<1600000xi32, #tpu.memory_space<hbm>> -> memref<2000xi32, #tpu.memory_space<hbm>>
        %dma_wait3A_495 = tpu.memref_slice %arg2[%add3A_485] : memref<1600000xi32, #tpu.memory_space<hbm>> -> memref<2000xi32, #tpu.memory_space<hbm>>
        tpu.wait_dma2 semaphore(%run_scoped3A : memref<!tpu.dma_semaphore, #tpu.memory_space<semaphore_mem>>) src(%dma_wait3A_495 : memref<2000xi32, #tpu.memory_space<hbm>>) dst(%arg6 : memref<2000xi32, #tpu.memory_space<vmem>>)
        tpu.yield
      }) : () -> ()
      %scan3A_486 = arith.constant 0 : i32
      %scan3A_487 = arith.constant 25 : i32
      %scan3A_488 = arith.addi %scan3A_486, %scan3A_487 : i32
      %scan3A_489 = arith.constant 1 : i32
      %scan3A_490 = scf.for %scan3A_492 = %scan3A_486 to %scan3A_488 step %scan3A_489 iter_args(%scan3A_493 = %scan3A_480) -> (vector<16xi32>)  : i32 {
        %mul3A_494 = arith.constant 5 : i32
        %mul3A_495 = arith.muli %scan3A_492, %mul3A_494 : i32
        %add3A_496 = arith.constant 0 : i32
        %add3A_497 = arith.addi %mul3A_495, %add3A_496 : i32
        %mul3A_498 = arith.constant 16 : i32
        %mul3A_499 = arith.muli %add3A_497, %mul3A_498 : i32
        %get3A = arith.index_cast %mul3A_499 : i32 to index
        %get3A_500 = tpu.vector_load %arg6[%get3A] {strides = array<i32>} : memref<2000xi32, #tpu.memory_space<vmem>>, vector<16xi32>,
        %sub3A = arith.subi %get3A_500, %broadcast_in_dim3A_327 : vector<16xi32>
        %ge3A = arith.cmpi sge, %sub3A, %broadcast_in_dim3A_318 : vector<16xi32>
        %lt3A_501 = arith.cmpi slt, %sub3A, %broadcast_in_dim3A_322 : vector<16xi32>
        %and3A = arith.andi %ge3A, %lt3A_501 : vector<16xi1>
        %mul3A_502 = arith.constant 100000 : i32
        %mul3A_503 = arith.muli %arg1, %mul3A_502 : i32
        %mul3A_504 = arith.constant 2000 : i32
        %mul3A_505 = arith.muli %scan3A_479, %mul3A_504 : i32
        %add3A_506 = arith.addi %mul3A_503, %mul3A_505 : i32
        %mul3A_507 = arith.constant 5 : i32
        %mul3A_508 = arith.muli %scan3A_492, %mul3A_507 : i32
        %add3A_509 = arith.constant 0 : i32
        %add3A_510 = arith.addi %mul3A_508, %add3A_509 : i32
        %mul3A_511 = arith.constant 16 : i32
        %mul3A_512 = arith.muli %add3A_510, %mul3A_511 : i32
        %add3A_513 = arith.addi %add3A_506, %mul3A_512 : i32
        %broadcast_in_dim3A_514 = vector.broadcast %add3A_513 : i32 to vector<16xi32>
        %add3A_515 = arith.addi %broadcast_in_dim3A_514, %iota3A : vector<16xi32>
        %add3A_516 = arith.addi %mul3A_7, %scan3A_493 : vector<16xi32>
        %select_n3A = arith.select %and3A, %sub3A, %broadcast_in_dim3A_326 : vector<16xi1>, vector<16xi32>
        tpu.vector_store_idx %arg7[%add3A_516], %select_n3A : memref<1104xi32, #tpu.memory_space<vmem>>[vector<16xi32>], vector<16xi32>,
        %select_n3A_517 = arith.select %and3A, %add3A_515, %broadcast_in_dim3A_318 : vector<16xi1>, vector<16xi32>
        tpu.vector_store_idx %arg8[%add3A_516], %select_n3A_517 : memref<1104xi32, #tpu.memory_space<vmem>>[vector<16xi32>], vector<16xi32>,
        %select_n3A_518 = arith.select %and3A, %broadcast_in_dim3A_320, %broadcast_in_dim3A_318 : vector<16xi1>, vector<16xi32>
        %add3A_519 = arith.addi %scan3A_493, %select_n3A_518 : vector<16xi32>
        %mul3A_520 = arith.constant 5 : i32
        %mul3A_521 = arith.muli %scan3A_492, %mul3A_520 : i32
        %add3A_522 = arith.constant 1 : i32
        %add3A_523 = arith.addi %mul3A_521, %add3A_522 : i32
        %mul3A_524 = arith.constant 16 : i32
        %mul3A_525 = arith.muli %add3A_523, %mul3A_524 : i32
        %get3A_526 = arith.index_cast %mul3A_525 : i32 to index
        %get3A_527 = tpu.vector_load %arg6[%get3A_526] {strides = array<i32>} : memref<2000xi32, #tpu.memory_space<vmem>>, vector<16xi32>,
        %sub3A_528 = arith.subi %get3A_527, %broadcast_in_dim3A_327 : vector<16xi32>
        %ge3A_529 = arith.cmpi sge, %sub3A_528, %broadcast_in_dim3A_318 : vector<16xi32>
        %lt3A_530 = arith.cmpi slt, %sub3A_528, %broadcast_in_dim3A_322 : vector<16xi32>
        %and3A_531 = arith.andi %ge3A_529, %lt3A_530 : vector<16xi1>
        %mul3A_532 = arith.constant 100000 : i32
        %mul3A_533 = arith.muli %arg1, %mul3A_532 : i32
        %mul3A_534 = arith.constant 2000 : i32
        %mul3A_535 = arith.muli %scan3A_479, %mul3A_534 : i32
        %add3A_536 = arith.addi %mul3A_533, %mul3A_535 : i32
        %mul3A_537 = arith.constant 5 : i32
        %mul3A_538 = arith.muli %scan3A_492, %mul3A_537 : i32
        %add3A_539 = arith.constant 1 : i32
        %add3A_540 = arith.addi %mul3A_538, %add3A_539 : i32
        %mul3A_541 = arith.constant 16 : i32
        %mul3A_542 = arith.muli %add3A_540, %mul3A_541 : i32
        %add3A_543 = arith.addi %add3A_536, %mul3A_542 : i32
        %broadcast_in_dim3A_544 = vector.broadcast %add3A_543 : i32 to vector<16xi32>
        %add3A_545 = arith.addi %broadcast_in_dim3A_544, %iota3A : vector<16xi32>
        %add3A_546 = arith.addi %mul3A_7, %add3A_519 : vector<16xi32>
        %select_n3A_547 = arith.select %and3A_531, %sub3A_528, %broadcast_in_dim3A_326 : vector<16xi1>, vector<16xi32>
        tpu.vector_store_idx %arg7[%add3A_546], %select_n3A_547 : memref<1104xi32, #tpu.memory_space<vmem>>[vector<16xi32>], vector<16xi32>,
        %select_n3A_548 = arith.select %and3A_531, %add3A_545, %broadcast_in_dim3A_318 : vector<16xi1>, vector<16xi32>
        tpu.vector_store_idx %arg8[%add3A_546], %select_n3A_548 : memref<1104xi32, #tpu.memory_space<vmem>>[vector<16xi32>], vector<16xi32>,
        %select_n3A_549 = arith.select %and3A_531, %broadcast_in_dim3A_320, %broadcast_in_dim3A_318 : vector<16xi1>, vector<16xi32>
        %add3A_550 = arith.addi %add3A_519, %select_n3A_549 : vector<16xi32>
        %mul3A_551 = arith.constant 5 : i32
        %mul3A_552 = arith.muli %scan3A_492, %mul3A_551 : i32
        %add3A_553 = arith.constant 2 : i32
        %add3A_554 = arith.addi %mul3A_552, %add3A_553 : i32
        %mul3A_555 = arith.constant 16 : i32
        %mul3A_556 = arith.muli %add3A_554, %mul3A_555 : i32
        %get3A_557 = arith.index_cast %mul3A_556 : i32 to index
        %get3A_558 = tpu.vector_load %arg6[%get3A_557] {strides = array<i32>} : memref<2000xi32, #tpu.memory_space<vmem>>, vector<16xi32>,
        %sub3A_559 = arith.subi %get3A_558, %broadcast_in_dim3A_327 : vector<16xi32>
        %ge3A_560 = arith.cmpi sge, %sub3A_559, %broadcast_in_dim3A_318 : vector<16xi32>
        %lt3A_561 = arith.cmpi slt, %sub3A_559, %broadcast_in_dim3A_322 : vector<16xi32>
        %and3A_562 = arith.andi %ge3A_560, %lt3A_561 : vector<16xi1>
        %mul3A_563 = arith.constant 100000 : i32
        %mul3A_564 = arith.muli %arg1, %mul3A_563 : i32
        %mul3A_565 = arith.constant 2000 : i32
        %mul3A_566 = arith.muli %scan3A_479, %mul3A_565 : i32
        %add3A_567 = arith.addi %mul3A_564, %mul3A_566 : i32
        %mul3A_568 = arith.constant 5 : i32
        %mul3A_569 = arith.muli %scan3A_492, %mul3A_568 : i32
        %add3A_570 = arith.constant 2 : i32
        %add3A_571 = arith.addi %mul3A_569, %add3A_570 : i32
        %mul3A_572 = arith.constant 16 : i32
        %mul3A_573 = arith.muli %add3A_571, %mul3A_572 : i32
        %add3A_574 = arith.addi %add3A_567, %mul3A_573 : i32
        %broadcast_in_dim3A_575 = vector.broadcast %add3A_574 : i32 to vector<16xi32>
        %add3A_576 = arith.addi %broadcast_in_dim3A_575, %iota3A : vector<16xi32>
        %add3A_577 = arith.addi %mul3A_7, %add3A_550 : vector<16xi32>
        %select_n3A_578 = arith.select %and3A_562, %sub3A_559, %broadcast_in_dim3A_326 : vector<16xi1>, vector<16xi32>
        tpu.vector_store_idx %arg7[%add3A_577], %select_n3A_578 : memref<1104xi32, #tpu.memory_space<vmem>>[vector<16xi32>], vector<16xi32>,
        %select_n3A_579 = arith.select %and3A_562, %add3A_576, %broadcast_in_dim3A_318 : vector<16xi1>, vector<16xi32>
        tpu.vector_store_idx %arg8[%add3A_577], %select_n3A_579 : memref<1104xi32, #tpu.memory_space<vmem>>[vector<16xi32>], vector<16xi32>,
        %select_n3A_580 = arith.select %and3A_562, %broadcast_in_dim3A_320, %broadcast_in_dim3A_318 : vector<16xi1>, vector<16xi32>
        %add3A_581 = arith.addi %add3A_550, %select_n3A_580 : vector<16xi32>
        %mul3A_582 = arith.constant 5 : i32
        %mul3A_583 = arith.muli %scan3A_492, %mul3A_582 : i32
        %add3A_584 = arith.constant 3 : i32
        %add3A_585 = arith.addi %mul3A_583, %add3A_584 : i32
        %mul3A_586 = arith.constant 16 : i32
        %mul3A_587 = arith.muli %add3A_585, %mul3A_586 : i32
        %get3A_588 = arith.index_cast %mul3A_587 : i32 to index
        %get3A_589 = tpu.vector_load %arg6[%get3A_588] {strides = array<i32>} : memref<2000xi32, #tpu.memory_space<vmem>>, vector<16xi32>,
        %sub3A_590 = arith.subi %get3A_589, %broadcast_in_dim3A_327 : vector<16xi32>
        %ge3A_591 = arith.cmpi sge, %sub3A_590, %broadcast_in_dim3A_318 : vector<16xi32>
        %lt3A_592 = arith.cmpi slt, %sub3A_590, %broadcast_in_dim3A_322 : vector<16xi32>
        %and3A_593 = arith.andi %ge3A_591, %lt3A_592 : vector<16xi1>
        %mul3A_594 = arith.constant 100000 : i32
        %mul3A_595 = arith.muli %arg1, %mul3A_594 : i32
        %mul3A_596 = arith.constant 2000 : i32
        %mul3A_597 = arith.muli %scan3A_479, %mul3A_596 : i32
        %add3A_598 = arith.addi %mul3A_595, %mul3A_597 : i32
        %mul3A_599 = arith.constant 5 : i32
        %mul3A_600 = arith.muli %scan3A_492, %mul3A_599 : i32
        %add3A_601 = arith.constant 3 : i32
        %add3A_602 = arith.addi %mul3A_600, %add3A_601 : i32
        %mul3A_603 = arith.constant 16 : i32
        %mul3A_604 = arith.muli %add3A_602, %mul3A_603 : i32
        %add3A_605 = arith.addi %add3A_598, %mul3A_604 : i32
        %broadcast_in_dim3A_606 = vector.broadcast %add3A_605 : i32 to vector<16xi32>
        %add3A_607 = arith.addi %broadcast_in_dim3A_606, %iota3A : vector<16xi32>
        %add3A_608 = arith.addi %mul3A_7, %add3A_581 : vector<16xi32>
        %select_n3A_609 = arith.select %and3A_593, %sub3A_590, %broadcast_in_dim3A_326 : vector<16xi1>, vector<16xi32>
        tpu.vector_store_idx %arg7[%add3A_608], %select_n3A_609 : memref<1104xi32, #tpu.memory_space<vmem>>[vector<16xi32>], vector<16xi32>,
        %select_n3A_610 = arith.select %and3A_593, %add3A_607, %broadcast_in_dim3A_318 : vector<16xi1>, vector<16xi32>
        tpu.vector_store_idx %arg8[%add3A_608], %select_n3A_610 : memref<1104xi32, #tpu.memory_space<vmem>>[vector<16xi32>], vector<16xi32>,
        %select_n3A_611 = arith.select %and3A_593, %broadcast_in_dim3A_320, %broadcast_in_dim3A_318 : vector<16xi1>, vector<16xi32>
        %add3A_612 = arith.addi %add3A_581, %select_n3A_611 : vector<16xi32>
        %mul3A_613 = arith.constant 5 : i32
        %mul3A_614 = arith.muli %scan3A_492, %mul3A_613 : i32
        %add3A_615 = arith.constant 4 : i32
        %add3A_616 = arith.addi %mul3A_614, %add3A_615 : i32
        %mul3A_617 = arith.constant 16 : i32
        %mul3A_618 = arith.muli %add3A_616, %mul3A_617 : i32
        %get3A_619 = arith.index_cast %mul3A_618 : i32 to index
        %get3A_620 = tpu.vector_load %arg6[%get3A_619] {strides = array<i32>} : memref<2000xi32, #tpu.memory_space<vmem>>, vector<16xi32>,
        %sub3A_621 = arith.subi %get3A_620, %broadcast_in_dim3A_327 : vector<16xi32>
        %ge3A_622 = arith.cmpi sge, %sub3A_621, %broadcast_in_dim3A_318 : vector<16xi32>
        %lt3A_623 = arith.cmpi slt, %sub3A_621, %broadcast_in_dim3A_322 : vector<16xi32>
        %and3A_624 = arith.andi %ge3A_622, %lt3A_623 : vector<16xi1>
        %mul3A_625 = arith.constant 100000 : i32
        %mul3A_626 = arith.muli %arg1, %mul3A_625 : i32
        %mul3A_627 = arith.constant 2000 : i32
        %mul3A_628 = arith.muli %scan3A_479, %mul3A_627 : i32
        %add3A_629 = arith.addi %mul3A_626, %mul3A_628 : i32
        %mul3A_630 = arith.constant 5 : i32
        %mul3A_631 = arith.muli %scan3A_492, %mul3A_630 : i32
        %add3A_632 = arith.constant 4 : i32
        %add3A_633 = arith.addi %mul3A_631, %add3A_632 : i32
        %mul3A_634 = arith.constant 16 : i32
        %mul3A_635 = arith.muli %add3A_633, %mul3A_634 : i32
        %add3A_636 = arith.addi %add3A_629, %mul3A_635 : i32
        %broadcast_in_dim3A_637 = vector.broadcast %add3A_636 : i32 to vector<16xi32>
        %add3A_638 = arith.addi %broadcast_in_dim3A_637, %iota3A : vector<16xi32>
        %add3A_639 = arith.addi %mul3A_7, %add3A_612 : vector<16xi32>
        %select_n3A_640 = arith.select %and3A_624, %sub3A_621, %broadcast_in_dim3A_326 : vector<16xi1>, vector<16xi32>
        tpu.vector_store_idx %arg7[%add3A_639], %select_n3A_640 : memref<1104xi32, #tpu.memory_space<vmem>>[vector<16xi32>], vector<16xi32>,
        %select_n3A_641 = arith.select %and3A_624, %add3A_638, %broadcast_in_dim3A_318 : vector<16xi1>, vector<16xi32>
        tpu.vector_store_idx %arg8[%add3A_639], %select_n3A_641 : memref<1104xi32, #tpu.memory_space<vmem>>[vector<16xi32>], vector<16xi32>,
        %select_n3A_642 = arith.select %and3A_624, %broadcast_in_dim3A_320, %broadcast_in_dim3A_318 : vector<16xi1>, vector<16xi32>
        %add3A_643 = arith.addi %add3A_612, %select_n3A_642 : vector<16xi32>
        %ge3A_644 = arith.cmpi sge, %add3A_643, %broadcast_in_dim3A_324 : vector<16xi32>
        %all_reduce_population_count3A = tpu.all_reduce %ge3A_644 {dim = 0 : i64, kind = #tpu.reduction_kind<sum>} : vector<16xi1> -> vector<16xi32>
        %slice3A = vector.extract_strided_slice %all_reduce_population_count3A {offsets = [0], sizes = [1], strides = [1]} : vector<16xi32> to vector<1xi32>
        %squeeze3A = vector.extract %slice3A[0] : i32 from vector<1xi32>
        %gt3A = arith.constant 0 : i32
        %gt3A_645 = arith.cmpi sgt, %squeeze3A, %gt3A : i32
        %convert_element_type3A_646 = arith.extui %gt3A_645 : i1 to i32
        %cond3A_647 = arith.constant 0 : i32
        %cond3A_648 = arith.cmpi ne, %convert_element_type3A_646, %cond3A_647 : i32
        %cond3A_649 = scf.if %cond3A_648 -> (vector<16xi32>) {
          %dma_start3A_650 = arith.constant 0 : i32
          %dma_start3A_651 = arith.constant 0 : i32
          %dma_start3A_652 = tpu.memref_slice %arg3[%dma_start3A_650, %dma_start3A_651] : memref<1600000x16xf32, #tpu.memory_space<hbm>> -> memref<1600000x16xf32, #tpu.memory_space<hbm>>
          tpu.enqueue_indirect_dma source(%dma_start3A_652 : memref<1600000x16xf32, #tpu.memory_space<hbm>>) target(%arg9 : memref<1104x16xf32, #tpu.memory_space<vmem>>) offsets(%arg8 : memref<1104xi32, #tpu.memory_space<vmem>>) semaphore(%arg11 : memref<!tpu.dma_semaphore, #tpu.memory_space<semaphore_mem>>)
          %dma_wait3A_653 = arith.constant 0 : i32
          %dma_wait3A_654 = arith.constant 0 : i32
          %dma_wait3A_655 = tpu.memref_slice %arg3[%dma_wait3A_653, %dma_wait3A_654] : memref<1600000x16xf32, #tpu.memory_space<hbm>> -> memref<1600000x16xf32, #tpu.memory_space<hbm>>
          tpu.wait_indirect_dma semaphore(%arg11 : memref<!tpu.dma_semaphore, #tpu.memory_space<semaphore_mem>>) src(%dma_wait3A_655 : memref<1600000x16xf32, #tpu.memory_space<hbm>>) dst(%arg9 : memref<1104x16xf32, #tpu.memory_space<vmem>>)
          "tpu.region"() ({
            %run_scoped3A = tpu.sem_alloc : memref<!tpu.dma_semaphore, #tpu.memory_space<semaphore_mem>>
            %dma_start3A_663 = arith.constant 0 : i32
            %dma_start3A_664 = arith.constant 0 : i32
            %dma_start3A_665 = tpu.memref_slice %arg5[%dma_start3A_663, %dma_start3A_664] : memref<102400x16xf32, #tpu.memory_space<vmem_shared>> -> memref<102400x16xf32, #tpu.memory_space<vmem_shared>>
            tpu.enqueue_indirect_dma source(%arg9 : memref<1104x16xf32, #tpu.memory_space<vmem>>) target(%dma_start3A_665 : memref<102400x16xf32, #tpu.memory_space<vmem_shared>>) offsets(%arg7 : memref<1104xi32, #tpu.memory_space<vmem>>) semaphore(%run_scoped3A : memref<!tpu.dma_semaphore, #tpu.memory_space<semaphore_mem>>) {add = true}
            %dma_wait3A_666 = arith.constant 0 : i32
            %dma_wait3A_667 = arith.constant 0 : i32
            %dma_wait3A_668 = tpu.memref_slice %arg5[%dma_wait3A_666, %dma_wait3A_667] : memref<102400x16xf32, #tpu.memory_space<vmem_shared>> -> memref<102400x16xf32, #tpu.memory_space<vmem_shared>>
            tpu.wait_indirect_dma semaphore(%run_scoped3A : memref<!tpu.dma_semaphore, #tpu.memory_space<semaphore_mem>>) src(%arg9 : memref<1104x16xf32, #tpu.memory_space<vmem>>) dst(%dma_wait3A_668 : memref<102400x16xf32, #tpu.memory_space<vmem_shared>>)
            tpu.yield
          }) : () -> ()
          %scan3A_656 = arith.constant 0 : i32
          %scan3A_657 = arith.constant 0 : i32
          %scan3A_658 = arith.constant 69 : i32
          %scan3A_659 = arith.addi %scan3A_657, %scan3A_658 : i32
          %scan3A_660 = arith.constant 1 : i32
          %scan3A_661 = scf.for %scan3A_663 = %scan3A_657 to %scan3A_659 step %scan3A_660 iter_args(%scan3A_664 = %scan3A_656) -> (i32)  : i32 {
            %broadcast_in_dim3A_665 = arith.constant 100000 : i32
            %broadcast_in_dim3A_666 = vector.broadcast %broadcast_in_dim3A_665 : i32 to vector<16xi32>
            %mul3A_667 = arith.constant 16 : i32
            %mul3A_668 = arith.muli %scan3A_663, %mul3A_667 : i32
            %swap3A = arith.index_cast %mul3A_668 : i32 to index
            %swap3A_669 = tpu.vector_load %arg7[%swap3A] {strides = array<i32>} : memref<1104xi32, #tpu.memory_space<vmem>>, vector<16xi32>,
            tpu.vector_store %arg7[%swap3A], %broadcast_in_dim3A_666 {strides = array<i32>} : memref<1104xi32, #tpu.memory_space<vmem>>, vector<16xi32>,
            %broadcast_in_dim3A_670 = arith.constant 0 : i32
            %broadcast_in_dim3A_671 = vector.broadcast %broadcast_in_dim3A_670 : i32 to vector<16xi32>
            %mul3A_672 = arith.constant 16 : i32
            %mul3A_673 = arith.muli %scan3A_663, %mul3A_672 : i32
            %swap3A_674 = arith.index_cast %mul3A_673 : i32 to index
            %swap3A_675 = tpu.vector_load %arg8[%swap3A_674] {strides = array<i32>} : memref<1104xi32, #tpu.memory_space<vmem>>, vector<16xi32>,
            tpu.vector_store %arg8[%swap3A_674], %broadcast_in_dim3A_671 {strides = array<i32>} : memref<1104xi32, #tpu.memory_space<vmem>>, vector<16xi32>,
            %scan3A_676 = arith.constant 0 : i32
            scf.yield %scan3A_676 : i32
          }
          %scan3A_662 = arith.constant 69 : i32
          scf.yield %broadcast_in_dim3A_318 : vector<16xi32>
        } else {
          scf.yield %add3A_643 : vector<16xi32>
        }
        scf.yield %cond3A_649 : vector<16xi32>
      }
      %scan3A_491 = arith.constant 25 : i32
      scf.yield %scan3A_490 : vector<16xi32>
    }
    %scan3A_333 = arith.constant 50 : i32
    %dma_start3A_334 = arith.constant 0 : i32
    %dma_start3A_335 = arith.constant 0 : i32
    %dma_start3A_336 = tpu.memref_slice %arg3[%dma_start3A_334, %dma_start3A_335] : memref<1600000x16xf32, #tpu.memory_space<hbm>> -> memref<1600000x16xf32, #tpu.memory_space<hbm>>
    tpu.enqueue_indirect_dma source(%dma_start3A_336 : memref<1600000x16xf32, #tpu.memory_space<hbm>>) target(%arg9 : memref<1104x16xf32, #tpu.memory_space<vmem>>) offsets(%arg8 : memref<1104xi32, #tpu.memory_space<vmem>>) semaphore(%arg11 : memref<!tpu.dma_semaphore, #tpu.memory_space<semaphore_mem>>)
    %dma_wait3A_337 = arith.constant 0 : i32
    %dma_wait3A_338 = arith.constant 0 : i32
    %dma_wait3A_339 = tpu.memref_slice %arg3[%dma_wait3A_337, %dma_wait3A_338] : memref<1600000x16xf32, #tpu.memory_space<hbm>> -> memref<1600000x16xf32, #tpu.memory_space<hbm>>
    tpu.wait_indirect_dma semaphore(%arg11 : memref<!tpu.dma_semaphore, #tpu.memory_space<semaphore_mem>>) src(%dma_wait3A_339 : memref<1600000x16xf32, #tpu.memory_space<hbm>>) dst(%arg9 : memref<1104x16xf32, #tpu.memory_space<vmem>>)
    "tpu.region"() ({
      %run_scoped3A = tpu.sem_alloc : memref<!tpu.dma_semaphore, #tpu.memory_space<semaphore_mem>>
      %dma_start3A_479 = arith.constant 0 : i32
      %dma_start3A_480 = arith.constant 0 : i32
      %dma_start3A_481 = tpu.memref_slice %arg5[%dma_start3A_479, %dma_start3A_480] : memref<102400x16xf32, #tpu.memory_space<vmem_shared>> -> memref<102400x16xf32, #tpu.memory_space<vmem_shared>>
      tpu.enqueue_indirect_dma source(%arg9 : memref<1104x16xf32, #tpu.memory_space<vmem>>) target(%dma_start3A_481 : memref<102400x16xf32, #tpu.memory_space<vmem_shared>>) offsets(%arg7 : memref<1104xi32, #tpu.memory_space<vmem>>) semaphore(%run_scoped3A : memref<!tpu.dma_semaphore, #tpu.memory_space<semaphore_mem>>) {add = true}
      %dma_wait3A_482 = arith.constant 0 : i32
      %dma_wait3A_483 = arith.constant 0 : i32
      %dma_wait3A_484 = tpu.memref_slice %arg5[%dma_wait3A_482, %dma_wait3A_483] : memref<102400x16xf32, #tpu.memory_space<vmem_shared>> -> memref<102400x16xf32, #tpu.memory_space<vmem_shared>>
      tpu.wait_indirect_dma semaphore(%run_scoped3A : memref<!tpu.dma_semaphore, #tpu.memory_space<semaphore_mem>>) src(%arg9 : memref<1104x16xf32, #tpu.memory_space<vmem>>) dst(%dma_wait3A_484 : memref<102400x16xf32, #tpu.memory_space<vmem_shared>>)
      tpu.yield
    }) : () -> ()
    %scan3A_340 = arith.constant 0 : i32
    %scan3A_341 = arith.constant 0 : i32
    %scan3A_342 = arith.constant 69 : i32
    %scan3A_343 = arith.addi %scan3A_341, %scan3A_342 : i32
    %scan3A_344 = arith.constant 1 : i32
    %scan3A_345 = scf.for %scan3A_479 = %scan3A_341 to %scan3A_343 step %scan3A_344 iter_args(%scan3A_480 = %scan3A_340) -> (i32)  : i32 {
      %broadcast_in_dim3A_481 = arith.constant 100000 : i32
      %broadcast_in_dim3A_482 = vector.broadcast %broadcast_in_dim3A_481 : i32 to vector<16xi32>
      %mul3A_483 = arith.constant 16 : i32
      %mul3A_484 = arith.muli %scan3A_479, %mul3A_483 : i32
      %swap3A = arith.index_cast %mul3A_484 : i32 to index
      %swap3A_485 = tpu.vector_load %arg7[%swap3A] {strides = array<i32>} : memref<1104xi32, #tpu.memory_space<vmem>>, vector<16xi32>,
      tpu.vector_store %arg7[%swap3A], %broadcast_in_dim3A_482 {strides = array<i32>} : memref<1104xi32, #tpu.memory_space<vmem>>, vector<16xi32>,
      %broadcast_in_dim3A_486 = arith.constant 0 : i32
      %broadcast_in_dim3A_487 = vector.broadcast %broadcast_in_dim3A_486 : i32 to vector<16xi32>
      %mul3A_488 = arith.constant 16 : i32
      %mul3A_489 = arith.muli %scan3A_479, %mul3A_488 : i32
      %swap3A_490 = arith.index_cast %mul3A_489 : i32 to index
      %swap3A_491 = tpu.vector_load %arg8[%swap3A_490] {strides = array<i32>} : memref<1104xi32, #tpu.memory_space<vmem>>, vector<16xi32>,
      tpu.vector_store %arg8[%swap3A_490], %broadcast_in_dim3A_487 {strides = array<i32>} : memref<1104xi32, #tpu.memory_space<vmem>>, vector<16xi32>,
      %scan3A_492 = arith.constant 0 : i32
      scf.yield %scan3A_492 : i32
    }
    %scan3A_346 = arith.constant 69 : i32
    %barrier3A_347 = arith.constant 0 : index
    tpu.barrier barrier_id(%barrier3A_347)
    %lt3A_348 = arith.constant 15 : i32
    %lt3A_349 = arith.cmpi slt, %arg1, %lt3A_348 : i32
    %convert_element_type3A_350 = arith.extui %lt3A_349 : i1 to i32
    %cond3A_351 = arith.constant 0 : i32
    %cond3A_352 = arith.cmpi ne, %convert_element_type3A_350, %cond3A_351 : i32
    scf.if %cond3A_352 {
      %mul3A_479 = arith.constant 6256 : i32
      %mul3A_480 = arith.muli %arg1, %mul3A_479 : i32
      %mul3A_481 = arith.constant 6256 : i32
      %mul3A_482 = arith.muli %arg1, %mul3A_481 : i32
      %add3A_483 = arith.addi %mul3A_244, %mul3A_482 : i32
      "tpu.region"() ({
        %run_scoped3A = tpu.sem_alloc : memref<!tpu.dma_semaphore, #tpu.memory_space<semaphore_mem>>
        %dma_start3A_484 = arith.constant 0 : i32
        %dma_start3A_485 = tpu.memref_slice %arg4[%add3A_483, %dma_start3A_484] : memref<800000x16xf32, #tpu.memory_space<hbm>> -> memref<6256x16xf32, #tpu.memory_space<hbm>>
        %dma_start3A_486 = arith.constant 0 : i32
        %dma_start3A_487 = tpu.memref_slice %arg5[%mul3A_480, %dma_start3A_486] : memref<102400x16xf32, #tpu.memory_space<vmem_shared>> -> memref<6256x16xf32, #tpu.memory_space<vmem_shared>>
        tpu.enqueue_dma source(%dma_start3A_487 : memref<6256x16xf32, #tpu.memory_space<vmem_shared>>) target(%dma_start3A_485 : memref<6256x16xf32, #tpu.memory_space<hbm>>) target_semaphore(%run_scoped3A : memref<!tpu.dma_semaphore, #tpu.memory_space<semaphore_mem>>)
        %dma_wait3A_488 = arith.constant 0 : i32
        %dma_wait3A_489 = tpu.memref_slice %arg4[%add3A_483, %dma_wait3A_488] : memref<800000x16xf32, #tpu.memory_space<hbm>> -> memref<6256x16xf32, #tpu.memory_space<hbm>>
        %dma_wait3A_490 = arith.constant 0 : i32
        %dma_wait3A_491 = tpu.memref_slice %arg5[%mul3A_480, %dma_wait3A_490] : memref<102400x16xf32, #tpu.memory_space<vmem_shared>> -> memref<6256x16xf32, #tpu.memory_space<vmem_shared>>
        tpu.wait_dma2 semaphore(%run_scoped3A : memref<!tpu.dma_semaphore, #tpu.memory_space<semaphore_mem>>) src(%dma_wait3A_491 : memref<6256x16xf32, #tpu.memory_space<vmem_shared>>) dst(%dma_wait3A_489 : memref<6256x16xf32, #tpu.memory_space<hbm>>)
        tpu.yield
      }) : () -> ()
    } else {
    }
    %eq3A_353 = arith.constant 15 : i32
    %eq3A_354 = arith.cmpi eq, %arg1, %eq3A_353 : i32
    %convert_element_type3A_355 = arith.extui %eq3A_354 : i1 to i32
    %cond3A_356 = arith.constant 0 : i32
    %cond3A_357 = arith.cmpi ne, %convert_element_type3A_355, %cond3A_356 : i32
    scf.if %cond3A_357 {
      %add3A_479 = arith.constant 93840 : i32
      %add3A_480 = arith.addi %mul3A_244, %add3A_479 : i32
      "tpu.region"() ({
        %run_scoped3A = tpu.sem_alloc : memref<!tpu.dma_semaphore, #tpu.memory_space<semaphore_mem>>
        %dma_start3A_481 = arith.constant 0 : i32
        %dma_start3A_482 = tpu.memref_slice %arg4[%add3A_480, %dma_start3A_481] : memref<800000x16xf32, #tpu.memory_space<hbm>> -> memref<6160x16xf32, #tpu.memory_space<hbm>>
        %dma_start3A_483 = arith.constant 93840 : i32
        %dma_start3A_484 = arith.constant 0 : i32
        %dma_start3A_485 = tpu.memref_slice %arg5[%dma_start3A_483, %dma_start3A_484] : memref<102400x16xf32, #tpu.memory_space<vmem_shared>> -> memref<6160x16xf32, #tpu.memory_space<vmem_shared>>
        tpu.enqueue_dma source(%dma_start3A_485 : memref<6160x16xf32, #tpu.memory_space<vmem_shared>>) target(%dma_start3A_482 : memref<6160x16xf32, #tpu.memory_space<hbm>>) target_semaphore(%run_scoped3A : memref<!tpu.dma_semaphore, #tpu.memory_space<semaphore_mem>>)
        %dma_wait3A_486 = arith.constant 0 : i32
        %dma_wait3A_487 = tpu.memref_slice %arg4[%add3A_480, %dma_wait3A_486] : memref<800000x16xf32, #tpu.memory_space<hbm>> -> memref<6160x16xf32, #tpu.memory_space<hbm>>
        %dma_wait3A_488 = arith.constant 93840 : i32
        %dma_wait3A_489 = arith.constant 0 : i32
        %dma_wait3A_490 = tpu.memref_slice %arg5[%dma_wait3A_488, %dma_wait3A_489] : memref<102400x16xf32, #tpu.memory_space<vmem_shared>> -> memref<6160x16xf32, #tpu.memory_space<vmem_shared>>
        tpu.wait_dma2 semaphore(%run_scoped3A : memref<!tpu.dma_semaphore, #tpu.memory_space<semaphore_mem>>) src(%dma_wait3A_490 : memref<6160x16xf32, #tpu.memory_space<vmem_shared>>) dst(%dma_wait3A_487 : memref<6160x16xf32, #tpu.memory_space<hbm>>)
        tpu.yield
      }) : () -> ()
    } else {
    }
    %barrier3A_358 = arith.constant 0 : index
    tpu.barrier barrier_id(%barrier3A_358)
    %mul3A_359 = arith.constant 4 : i32
    %mul3A_360 = arith.muli %arg0, %mul3A_359 : i32
    %add3A_361 = arith.constant 3 : i32
    %add3A_362 = arith.addi %mul3A_360, %add3A_361 : i32
    %mul3A_363 = arith.constant 100000 : i32
    %mul3A_364 = arith.muli %add3A_362, %mul3A_363 : i32
    %mul3A_365 = arith.constant 6400 : i32
    %mul3A_366 = arith.muli %arg1, %mul3A_365 : i32
    %add3A_367 = arith.constant 0 : i32
    %add3A_368 = arith.addi %mul3A_366, %add3A_367 : i32
    "tpu.region"() ({
      %run_scoped3A = tpu.sem_alloc : memref<!tpu.dma_semaphore, #tpu.memory_space<semaphore_mem>>
      %dma_start3A_479 = arith.constant 0 : i32
      %dma_start3A_480 = tpu.memref_slice %arg5[%add3A_368, %dma_start3A_479] : memref<102400x16xf32, #tpu.memory_space<vmem_shared>> -> memref<400x16xf32, #tpu.memory_space<vmem_shared>>
      %dma_start3A_481 = arith.constant 0 : i32
      %dma_start3A_482 = tpu.memref_slice %arg5[%add3A_368, %dma_start3A_481] : memref<102400x16xf32, #tpu.memory_space<vmem_shared>> -> memref<400x16xf32, #tpu.memory_space<vmem_shared>>
      tpu.enqueue_dma source(%arg10 : memref<400x16xf32, #tpu.memory_space<vmem>>) target(%dma_start3A_482 : memref<400x16xf32, #tpu.memory_space<vmem_shared>>) target_semaphore(%run_scoped3A : memref<!tpu.dma_semaphore, #tpu.memory_space<semaphore_mem>>)
      %dma_wait3A_483 = arith.constant 0 : i32
      %dma_wait3A_484 = tpu.memref_slice %arg5[%add3A_368, %dma_wait3A_483] : memref<102400x16xf32, #tpu.memory_space<vmem_shared>> -> memref<400x16xf32, #tpu.memory_space<vmem_shared>>
      %dma_wait3A_485 = arith.constant 0 : i32
      %dma_wait3A_486 = tpu.memref_slice %arg5[%add3A_368, %dma_wait3A_485] : memref<102400x16xf32, #tpu.memory_space<vmem_shared>> -> memref<400x16xf32, #tpu.memory_space<vmem_shared>>
      tpu.wait_dma2 semaphore(%run_scoped3A : memref<!tpu.dma_semaphore, #tpu.memory_space<semaphore_mem>>) src(%arg10 : memref<400x16xf32, #tpu.memory_space<vmem>>) dst(%dma_wait3A_486 : memref<400x16xf32, #tpu.memory_space<vmem_shared>>)
      tpu.yield
    }) : () -> ()
    %mul3A_369 = arith.constant 6400 : i32
    %mul3A_370 = arith.muli %arg1, %mul3A_369 : i32
    %add3A_371 = arith.constant 400 : i32
    %add3A_372 = arith.addi %mul3A_370, %add3A_371 : i32
    "tpu.region"() ({
      %run_scoped3A = tpu.sem_alloc : memref<!tpu.dma_semaphore, #tpu.memory_space<semaphore_mem>>
      %dma_start3A_479 = arith.constant 0 : i32
      %dma_start3A_480 = tpu.memref_slice %arg5[%add3A_372, %dma_start3A_479] : memref<102400x16xf32, #tpu.memory_space<vmem_shared>> -> memref<400x16xf32, #tpu.memory_space<vmem_shared>>
      %dma_start3A_481 = arith.constant 0 : i32
      %dma_start3A_482 = tpu.memref_slice %arg5[%add3A_372, %dma_start3A_481] : memref<102400x16xf32, #tpu.memory_space<vmem_shared>> -> memref<400x16xf32, #tpu.memory_space<vmem_shared>>
      tpu.enqueue_dma source(%arg10 : memref<400x16xf32, #tpu.memory_space<vmem>>) target(%dma_start3A_482 : memref<400x16xf32, #tpu.memory_space<vmem_shared>>) target_semaphore(%run_scoped3A : memref<!tpu.dma_semaphore, #tpu.memory_space<semaphore_mem>>)
      %dma_wait3A_483 = arith.constant 0 : i32
      %dma_wait3A_484 = tpu.memref_slice %arg5[%add3A_372, %dma_wait3A_483] : memref<102400x16xf32, #tpu.memory_space<vmem_shared>> -> memref<400x16xf32, #tpu.memory_space<vmem_shared>>
      %dma_wait3A_485 = arith.constant 0 : i32
      %dma_wait3A_486 = tpu.memref_slice %arg5[%add3A_372, %dma_wait3A_485] : memref<102400x16xf32, #tpu.memory_space<vmem_shared>> -> memref<400x16xf32, #tpu.memory_space<vmem_shared>>
      tpu.wait_dma2 semaphore(%run_scoped3A : memref<!tpu.dma_semaphore, #tpu.memory_space<semaphore_mem>>) src(%arg10 : memref<400x16xf32, #tpu.memory_space<vmem>>) dst(%dma_wait3A_486 : memref<400x16xf32, #tpu.memory_space<vmem_shared>>)
      tpu.yield
    }) : () -> ()
    %mul3A_373 = arith.constant 6400 : i32
    %mul3A_374 = arith.muli %arg1, %mul3A_373 : i32
    %add3A_375 = arith.constant 800 : i32
    %add3A_376 = arith.addi %mul3A_374, %add3A_375 : i32
    "tpu.region"() ({
      %run_scoped3A = tpu.sem_alloc : memref<!tpu.dma_semaphore, #tpu.memory_space<semaphore_mem>>
      %dma_start3A_479 = arith.constant 0 : i32
      %dma_start3A_480 = tpu.memref_slice %arg5[%add3A_376, %dma_start3A_479] : memref<102400x16xf32, #tpu.memory_space<vmem_shared>> -> memref<400x16xf32, #tpu.memory_space<vmem_shared>>
      %dma_start3A_481 = arith.constant 0 : i32
      %dma_start3A_482 = tpu.memref_slice %arg5[%add3A_376, %dma_start3A_481] : memref<102400x16xf32, #tpu.memory_space<vmem_shared>> -> memref<400x16xf32, #tpu.memory_space<vmem_shared>>
      tpu.enqueue_dma source(%arg10 : memref<400x16xf32, #tpu.memory_space<vmem>>) target(%dma_start3A_482 : memref<400x16xf32, #tpu.memory_space<vmem_shared>>) target_semaphore(%run_scoped3A : memref<!tpu.dma_semaphore, #tpu.memory_space<semaphore_mem>>)
      %dma_wait3A_483 = arith.constant 0 : i32
      %dma_wait3A_484 = tpu.memref_slice %arg5[%add3A_376, %dma_wait3A_483] : memref<102400x16xf32, #tpu.memory_space<vmem_shared>> -> memref<400x16xf32, #tpu.memory_space<vmem_shared>>
      %dma_wait3A_485 = arith.constant 0 : i32
      %dma_wait3A_486 = tpu.memref_slice %arg5[%add3A_376, %dma_wait3A_485] : memref<102400x16xf32, #tpu.memory_space<vmem_shared>> -> memref<400x16xf32, #tpu.memory_space<vmem_shared>>
      tpu.wait_dma2 semaphore(%run_scoped3A : memref<!tpu.dma_semaphore, #tpu.memory_space<semaphore_mem>>) src(%arg10 : memref<400x16xf32, #tpu.memory_space<vmem>>) dst(%dma_wait3A_486 : memref<400x16xf32, #tpu.memory_space<vmem_shared>>)
      tpu.yield
    }) : () -> ()
    %mul3A_377 = arith.constant 6400 : i32
    %mul3A_378 = arith.muli %arg1, %mul3A_377 : i32
    %add3A_379 = arith.constant 1200 : i32
    %add3A_380 = arith.addi %mul3A_378, %add3A_379 : i32
    "tpu.region"() ({
      %run_scoped3A = tpu.sem_alloc : memref<!tpu.dma_semaphore, #tpu.memory_space<semaphore_mem>>
      %dma_start3A_479 = arith.constant 0 : i32
      %dma_start3A_480 = tpu.memref_slice %arg5[%add3A_380, %dma_start3A_479] : memref<102400x16xf32, #tpu.memory_space<vmem_shared>> -> memref<400x16xf32, #tpu.memory_space<vmem_shared>>
      %dma_start3A_481 = arith.constant 0 : i32
      %dma_start3A_482 = tpu.memref_slice %arg5[%add3A_380, %dma_start3A_481] : memref<102400x16xf32, #tpu.memory_space<vmem_shared>> -> memref<400x16xf32, #tpu.memory_space<vmem_shared>>
      tpu.enqueue_dma source(%arg10 : memref<400x16xf32, #tpu.memory_space<vmem>>) target(%dma_start3A_482 : memref<400x16xf32, #tpu.memory_space<vmem_shared>>) target_semaphore(%run_scoped3A : memref<!tpu.dma_semaphore, #tpu.memory_space<semaphore_mem>>)
      %dma_wait3A_483 = arith.constant 0 : i32
      %dma_wait3A_484 = tpu.memref_slice %arg5[%add3A_380, %dma_wait3A_483] : memref<102400x16xf32, #tpu.memory_space<vmem_shared>> -> memref<400x16xf32, #tpu.memory_space<vmem_shared>>
      %dma_wait3A_485 = arith.constant 0 : i32
      %dma_wait3A_486 = tpu.memref_slice %arg5[%add3A_380, %dma_wait3A_485] : memref<102400x16xf32, #tpu.memory_space<vmem_shared>> -> memref<400x16xf32, #tpu.memory_space<vmem_shared>>
      tpu.wait_dma2 semaphore(%run_scoped3A : memref<!tpu.dma_semaphore, #tpu.memory_space<semaphore_mem>>) src(%arg10 : memref<400x16xf32, #tpu.memory_space<vmem>>) dst(%dma_wait3A_486 : memref<400x16xf32, #tpu.memory_space<vmem_shared>>)
      tpu.yield
    }) : () -> ()
    %mul3A_381 = arith.constant 6400 : i32
    %mul3A_382 = arith.muli %arg1, %mul3A_381 : i32
    %add3A_383 = arith.constant 1600 : i32
    %add3A_384 = arith.addi %mul3A_382, %add3A_383 : i32
    "tpu.region"() ({
      %run_scoped3A = tpu.sem_alloc : memref<!tpu.dma_semaphore, #tpu.memory_space<semaphore_mem>>
      %dma_start3A_479 = arith.constant 0 : i32
      %dma_start3A_480 = tpu.memref_slice %arg5[%add3A_384, %dma_start3A_479] : memref<102400x16xf32, #tpu.memory_space<vmem_shared>> -> memref<400x16xf32, #tpu.memory_space<vmem_shared>>
      %dma_start3A_481 = arith.constant 0 : i32
      %dma_start3A_482 = tpu.memref_slice %arg5[%add3A_384, %dma_start3A_481] : memref<102400x16xf32, #tpu.memory_space<vmem_shared>> -> memref<400x16xf32, #tpu.memory_space<vmem_shared>>
      tpu.enqueue_dma source(%arg10 : memref<400x16xf32, #tpu.memory_space<vmem>>) target(%dma_start3A_482 : memref<400x16xf32, #tpu.memory_space<vmem_shared>>) target_semaphore(%run_scoped3A : memref<!tpu.dma_semaphore, #tpu.memory_space<semaphore_mem>>)
      %dma_wait3A_483 = arith.constant 0 : i32
      %dma_wait3A_484 = tpu.memref_slice %arg5[%add3A_384, %dma_wait3A_483] : memref<102400x16xf32, #tpu.memory_space<vmem_shared>> -> memref<400x16xf32, #tpu.memory_space<vmem_shared>>
      %dma_wait3A_485 = arith.constant 0 : i32
      %dma_wait3A_486 = tpu.memref_slice %arg5[%add3A_384, %dma_wait3A_485] : memref<102400x16xf32, #tpu.memory_space<vmem_shared>> -> memref<400x16xf32, #tpu.memory_space<vmem_shared>>
      tpu.wait_dma2 semaphore(%run_scoped3A : memref<!tpu.dma_semaphore, #tpu.memory_space<semaphore_mem>>) src(%arg10 : memref<400x16xf32, #tpu.memory_space<vmem>>) dst(%dma_wait3A_486 : memref<400x16xf32, #tpu.memory_space<vmem_shared>>)
      tpu.yield
    }) : () -> ()
    %mul3A_385 = arith.constant 6400 : i32
    %mul3A_386 = arith.muli %arg1, %mul3A_385 : i32
    %add3A_387 = arith.constant 2000 : i32
    %add3A_388 = arith.addi %mul3A_386, %add3A_387 : i32
    "tpu.region"() ({
      %run_scoped3A = tpu.sem_alloc : memref<!tpu.dma_semaphore, #tpu.memory_space<semaphore_mem>>
      %dma_start3A_479 = arith.constant 0 : i32
      %dma_start3A_480 = tpu.memref_slice %arg5[%add3A_388, %dma_start3A_479] : memref<102400x16xf32, #tpu.memory_space<vmem_shared>> -> memref<400x16xf32, #tpu.memory_space<vmem_shared>>
      %dma_start3A_481 = arith.constant 0 : i32
      %dma_start3A_482 = tpu.memref_slice %arg5[%add3A_388, %dma_start3A_481] : memref<102400x16xf32, #tpu.memory_space<vmem_shared>> -> memref<400x16xf32, #tpu.memory_space<vmem_shared>>
      tpu.enqueue_dma source(%arg10 : memref<400x16xf32, #tpu.memory_space<vmem>>) target(%dma_start3A_482 : memref<400x16xf32, #tpu.memory_space<vmem_shared>>) target_semaphore(%run_scoped3A : memref<!tpu.dma_semaphore, #tpu.memory_space<semaphore_mem>>)
      %dma_wait3A_483 = arith.constant 0 : i32
      %dma_wait3A_484 = tpu.memref_slice %arg5[%add3A_388, %dma_wait3A_483] : memref<102400x16xf32, #tpu.memory_space<vmem_shared>> -> memref<400x16xf32, #tpu.memory_space<vmem_shared>>
      %dma_wait3A_485 = arith.constant 0 : i32
      %dma_wait3A_486 = tpu.memref_slice %arg5[%add3A_388, %dma_wait3A_485] : memref<102400x16xf32, #tpu.memory_space<vmem_shared>> -> memref<400x16xf32, #tpu.memory_space<vmem_shared>>
      tpu.wait_dma2 semaphore(%run_scoped3A : memref<!tpu.dma_semaphore, #tpu.memory_space<semaphore_mem>>) src(%arg10 : memref<400x16xf32, #tpu.memory_space<vmem>>) dst(%dma_wait3A_486 : memref<400x16xf32, #tpu.memory_space<vmem_shared>>)
      tpu.yield
    }) : () -> ()
    %mul3A_389 = arith.constant 6400 : i32
    %mul3A_390 = arith.muli %arg1, %mul3A_389 : i32
    %add3A_391 = arith.constant 2400 : i32
    %add3A_392 = arith.addi %mul3A_390, %add3A_391 : i32
    "tpu.region"() ({
      %run_scoped3A = tpu.sem_alloc : memref<!tpu.dma_semaphore, #tpu.memory_space<semaphore_mem>>
      %dma_start3A_479 = arith.constant 0 : i32
      %dma_start3A_480 = tpu.memref_slice %arg5[%add3A_392, %dma_start3A_479] : memref<102400x16xf32, #tpu.memory_space<vmem_shared>> -> memref<400x16xf32, #tpu.memory_space<vmem_shared>>
      %dma_start3A_481 = arith.constant 0 : i32
      %dma_start3A_482 = tpu.memref_slice %arg5[%add3A_392, %dma_start3A_481] : memref<102400x16xf32, #tpu.memory_space<vmem_shared>> -> memref<400x16xf32, #tpu.memory_space<vmem_shared>>
      tpu.enqueue_dma source(%arg10 : memref<400x16xf32, #tpu.memory_space<vmem>>) target(%dma_start3A_482 : memref<400x16xf32, #tpu.memory_space<vmem_shared>>) target_semaphore(%run_scoped3A : memref<!tpu.dma_semaphore, #tpu.memory_space<semaphore_mem>>)
      %dma_wait3A_483 = arith.constant 0 : i32
      %dma_wait3A_484 = tpu.memref_slice %arg5[%add3A_392, %dma_wait3A_483] : memref<102400x16xf32, #tpu.memory_space<vmem_shared>> -> memref<400x16xf32, #tpu.memory_space<vmem_shared>>
      %dma_wait3A_485 = arith.constant 0 : i32
      %dma_wait3A_486 = tpu.memref_slice %arg5[%add3A_392, %dma_wait3A_485] : memref<102400x16xf32, #tpu.memory_space<vmem_shared>> -> memref<400x16xf32, #tpu.memory_space<vmem_shared>>
      tpu.wait_dma2 semaphore(%run_scoped3A : memref<!tpu.dma_semaphore, #tpu.memory_space<semaphore_mem>>) src(%arg10 : memref<400x16xf32, #tpu.memory_space<vmem>>) dst(%dma_wait3A_486 : memref<400x16xf32, #tpu.memory_space<vmem_shared>>)
      tpu.yield
    }) : () -> ()
    %mul3A_393 = arith.constant 6400 : i32
    %mul3A_394 = arith.muli %arg1, %mul3A_393 : i32
    %add3A_395 = arith.constant 2800 : i32
    %add3A_396 = arith.addi %mul3A_394, %add3A_395 : i32
    "tpu.region"() ({
      %run_scoped3A = tpu.sem_alloc : memref<!tpu.dma_semaphore, #tpu.memory_space<semaphore_mem>>
      %dma_start3A_479 = arith.constant 0 : i32
      %dma_start3A_480 = tpu.memref_slice %arg5[%add3A_396, %dma_start3A_479] : memref<102400x16xf32, #tpu.memory_space<vmem_shared>> -> memref<400x16xf32, #tpu.memory_space<vmem_shared>>
      %dma_start3A_481 = arith.constant 0 : i32
      %dma_start3A_482 = tpu.memref_slice %arg5[%add3A_396, %dma_start3A_481] : memref<102400x16xf32, #tpu.memory_space<vmem_shared>> -> memref<400x16xf32, #tpu.memory_space<vmem_shared>>
      tpu.enqueue_dma source(%arg10 : memref<400x16xf32, #tpu.memory_space<vmem>>) target(%dma_start3A_482 : memref<400x16xf32, #tpu.memory_space<vmem_shared>>) target_semaphore(%run_scoped3A : memref<!tpu.dma_semaphore, #tpu.memory_space<semaphore_mem>>)
      %dma_wait3A_483 = arith.constant 0 : i32
      %dma_wait3A_484 = tpu.memref_slice %arg5[%add3A_396, %dma_wait3A_483] : memref<102400x16xf32, #tpu.memory_space<vmem_shared>> -> memref<400x16xf32, #tpu.memory_space<vmem_shared>>
      %dma_wait3A_485 = arith.constant 0 : i32
      %dma_wait3A_486 = tpu.memref_slice %arg5[%add3A_396, %dma_wait3A_485] : memref<102400x16xf32, #tpu.memory_space<vmem_shared>> -> memref<400x16xf32, #tpu.memory_space<vmem_shared>>
      tpu.wait_dma2 semaphore(%run_scoped3A : memref<!tpu.dma_semaphore, #tpu.memory_space<semaphore_mem>>) src(%arg10 : memref<400x16xf32, #tpu.memory_space<vmem>>) dst(%dma_wait3A_486 : memref<400x16xf32, #tpu.memory_space<vmem_shared>>)
      tpu.yield
    }) : () -> ()
    %mul3A_397 = arith.constant 6400 : i32
    %mul3A_398 = arith.muli %arg1, %mul3A_397 : i32
    %add3A_399 = arith.constant 3200 : i32
    %add3A_400 = arith.addi %mul3A_398, %add3A_399 : i32
    "tpu.region"() ({
      %run_scoped3A = tpu.sem_alloc : memref<!tpu.dma_semaphore, #tpu.memory_space<semaphore_mem>>
      %dma_start3A_479 = arith.constant 0 : i32
      %dma_start3A_480 = tpu.memref_slice %arg5[%add3A_400, %dma_start3A_479] : memref<102400x16xf32, #tpu.memory_space<vmem_shared>> -> memref<400x16xf32, #tpu.memory_space<vmem_shared>>
      %dma_start3A_481 = arith.constant 0 : i32
      %dma_start3A_482 = tpu.memref_slice %arg5[%add3A_400, %dma_start3A_481] : memref<102400x16xf32, #tpu.memory_space<vmem_shared>> -> memref<400x16xf32, #tpu.memory_space<vmem_shared>>
      tpu.enqueue_dma source(%arg10 : memref<400x16xf32, #tpu.memory_space<vmem>>) target(%dma_start3A_482 : memref<400x16xf32, #tpu.memory_space<vmem_shared>>) target_semaphore(%run_scoped3A : memref<!tpu.dma_semaphore, #tpu.memory_space<semaphore_mem>>)
      %dma_wait3A_483 = arith.constant 0 : i32
      %dma_wait3A_484 = tpu.memref_slice %arg5[%add3A_400, %dma_wait3A_483] : memref<102400x16xf32, #tpu.memory_space<vmem_shared>> -> memref<400x16xf32, #tpu.memory_space<vmem_shared>>
      %dma_wait3A_485 = arith.constant 0 : i32
      %dma_wait3A_486 = tpu.memref_slice %arg5[%add3A_400, %dma_wait3A_485] : memref<102400x16xf32, #tpu.memory_space<vmem_shared>> -> memref<400x16xf32, #tpu.memory_space<vmem_shared>>
      tpu.wait_dma2 semaphore(%run_scoped3A : memref<!tpu.dma_semaphore, #tpu.memory_space<semaphore_mem>>) src(%arg10 : memref<400x16xf32, #tpu.memory_space<vmem>>) dst(%dma_wait3A_486 : memref<400x16xf32, #tpu.memory_space<vmem_shared>>)
      tpu.yield
    }) : () -> ()
    %mul3A_401 = arith.constant 6400 : i32
    %mul3A_402 = arith.muli %arg1, %mul3A_401 : i32
    %add3A_403 = arith.constant 3600 : i32
    %add3A_404 = arith.addi %mul3A_402, %add3A_403 : i32
    "tpu.region"() ({
      %run_scoped3A = tpu.sem_alloc : memref<!tpu.dma_semaphore, #tpu.memory_space<semaphore_mem>>
      %dma_start3A_479 = arith.constant 0 : i32
      %dma_start3A_480 = tpu.memref_slice %arg5[%add3A_404, %dma_start3A_479] : memref<102400x16xf32, #tpu.memory_space<vmem_shared>> -> memref<400x16xf32, #tpu.memory_space<vmem_shared>>
      %dma_start3A_481 = arith.constant 0 : i32
      %dma_start3A_482 = tpu.memref_slice %arg5[%add3A_404, %dma_start3A_481] : memref<102400x16xf32, #tpu.memory_space<vmem_shared>> -> memref<400x16xf32, #tpu.memory_space<vmem_shared>>
      tpu.enqueue_dma source(%arg10 : memref<400x16xf32, #tpu.memory_space<vmem>>) target(%dma_start3A_482 : memref<400x16xf32, #tpu.memory_space<vmem_shared>>) target_semaphore(%run_scoped3A : memref<!tpu.dma_semaphore, #tpu.memory_space<semaphore_mem>>)
      %dma_wait3A_483 = arith.constant 0 : i32
      %dma_wait3A_484 = tpu.memref_slice %arg5[%add3A_404, %dma_wait3A_483] : memref<102400x16xf32, #tpu.memory_space<vmem_shared>> -> memref<400x16xf32, #tpu.memory_space<vmem_shared>>
      %dma_wait3A_485 = arith.constant 0 : i32
      %dma_wait3A_486 = tpu.memref_slice %arg5[%add3A_404, %dma_wait3A_485] : memref<102400x16xf32, #tpu.memory_space<vmem_shared>> -> memref<400x16xf32, #tpu.memory_space<vmem_shared>>
      tpu.wait_dma2 semaphore(%run_scoped3A : memref<!tpu.dma_semaphore, #tpu.memory_space<semaphore_mem>>) src(%arg10 : memref<400x16xf32, #tpu.memory_space<vmem>>) dst(%dma_wait3A_486 : memref<400x16xf32, #tpu.memory_space<vmem_shared>>)
      tpu.yield
    }) : () -> ()
    %mul3A_405 = arith.constant 6400 : i32
    %mul3A_406 = arith.muli %arg1, %mul3A_405 : i32
    %add3A_407 = arith.constant 4000 : i32
    %add3A_408 = arith.addi %mul3A_406, %add3A_407 : i32
    "tpu.region"() ({
      %run_scoped3A = tpu.sem_alloc : memref<!tpu.dma_semaphore, #tpu.memory_space<semaphore_mem>>
      %dma_start3A_479 = arith.constant 0 : i32
      %dma_start3A_480 = tpu.memref_slice %arg5[%add3A_408, %dma_start3A_479] : memref<102400x16xf32, #tpu.memory_space<vmem_shared>> -> memref<400x16xf32, #tpu.memory_space<vmem_shared>>
      %dma_start3A_481 = arith.constant 0 : i32
      %dma_start3A_482 = tpu.memref_slice %arg5[%add3A_408, %dma_start3A_481] : memref<102400x16xf32, #tpu.memory_space<vmem_shared>> -> memref<400x16xf32, #tpu.memory_space<vmem_shared>>
      tpu.enqueue_dma source(%arg10 : memref<400x16xf32, #tpu.memory_space<vmem>>) target(%dma_start3A_482 : memref<400x16xf32, #tpu.memory_space<vmem_shared>>) target_semaphore(%run_scoped3A : memref<!tpu.dma_semaphore, #tpu.memory_space<semaphore_mem>>)
      %dma_wait3A_483 = arith.constant 0 : i32
      %dma_wait3A_484 = tpu.memref_slice %arg5[%add3A_408, %dma_wait3A_483] : memref<102400x16xf32, #tpu.memory_space<vmem_shared>> -> memref<400x16xf32, #tpu.memory_space<vmem_shared>>
      %dma_wait3A_485 = arith.constant 0 : i32
      %dma_wait3A_486 = tpu.memref_slice %arg5[%add3A_408, %dma_wait3A_485] : memref<102400x16xf32, #tpu.memory_space<vmem_shared>> -> memref<400x16xf32, #tpu.memory_space<vmem_shared>>
      tpu.wait_dma2 semaphore(%run_scoped3A : memref<!tpu.dma_semaphore, #tpu.memory_space<semaphore_mem>>) src(%arg10 : memref<400x16xf32, #tpu.memory_space<vmem>>) dst(%dma_wait3A_486 : memref<400x16xf32, #tpu.memory_space<vmem_shared>>)
      tpu.yield
    }) : () -> ()
    %mul3A_409 = arith.constant 6400 : i32
    %mul3A_410 = arith.muli %arg1, %mul3A_409 : i32
    %add3A_411 = arith.constant 4400 : i32
    %add3A_412 = arith.addi %mul3A_410, %add3A_411 : i32
    "tpu.region"() ({
      %run_scoped3A = tpu.sem_alloc : memref<!tpu.dma_semaphore, #tpu.memory_space<semaphore_mem>>
      %dma_start3A_479 = arith.constant 0 : i32
      %dma_start3A_480 = tpu.memref_slice %arg5[%add3A_412, %dma_start3A_479] : memref<102400x16xf32, #tpu.memory_space<vmem_shared>> -> memref<400x16xf32, #tpu.memory_space<vmem_shared>>
      %dma_start3A_481 = arith.constant 0 : i32
      %dma_start3A_482 = tpu.memref_slice %arg5[%add3A_412, %dma_start3A_481] : memref<102400x16xf32, #tpu.memory_space<vmem_shared>> -> memref<400x16xf32, #tpu.memory_space<vmem_shared>>
      tpu.enqueue_dma source(%arg10 : memref<400x16xf32, #tpu.memory_space<vmem>>) target(%dma_start3A_482 : memref<400x16xf32, #tpu.memory_space<vmem_shared>>) target_semaphore(%run_scoped3A : memref<!tpu.dma_semaphore, #tpu.memory_space<semaphore_mem>>)
      %dma_wait3A_483 = arith.constant 0 : i32
      %dma_wait3A_484 = tpu.memref_slice %arg5[%add3A_412, %dma_wait3A_483] : memref<102400x16xf32, #tpu.memory_space<vmem_shared>> -> memref<400x16xf32, #tpu.memory_space<vmem_shared>>
      %dma_wait3A_485 = arith.constant 0 : i32
      %dma_wait3A_486 = tpu.memref_slice %arg5[%add3A_412, %dma_wait3A_485] : memref<102400x16xf32, #tpu.memory_space<vmem_shared>> -> memref<400x16xf32, #tpu.memory_space<vmem_shared>>
      tpu.wait_dma2 semaphore(%run_scoped3A : memref<!tpu.dma_semaphore, #tpu.memory_space<semaphore_mem>>) src(%arg10 : memref<400x16xf32, #tpu.memory_space<vmem>>) dst(%dma_wait3A_486 : memref<400x16xf32, #tpu.memory_space<vmem_shared>>)
      tpu.yield
    }) : () -> ()
    %mul3A_413 = arith.constant 6400 : i32
    %mul3A_414 = arith.muli %arg1, %mul3A_413 : i32
    %add3A_415 = arith.constant 4800 : i32
    %add3A_416 = arith.addi %mul3A_414, %add3A_415 : i32
    "tpu.region"() ({
      %run_scoped3A = tpu.sem_alloc : memref<!tpu.dma_semaphore, #tpu.memory_space<semaphore_mem>>
      %dma_start3A_479 = arith.constant 0 : i32
      %dma_start3A_480 = tpu.memref_slice %arg5[%add3A_416, %dma_start3A_479] : memref<102400x16xf32, #tpu.memory_space<vmem_shared>> -> memref<400x16xf32, #tpu.memory_space<vmem_shared>>
      %dma_start3A_481 = arith.constant 0 : i32
      %dma_start3A_482 = tpu.memref_slice %arg5[%add3A_416, %dma_start3A_481] : memref<102400x16xf32, #tpu.memory_space<vmem_shared>> -> memref<400x16xf32, #tpu.memory_space<vmem_shared>>
      tpu.enqueue_dma source(%arg10 : memref<400x16xf32, #tpu.memory_space<vmem>>) target(%dma_start3A_482 : memref<400x16xf32, #tpu.memory_space<vmem_shared>>) target_semaphore(%run_scoped3A : memref<!tpu.dma_semaphore, #tpu.memory_space<semaphore_mem>>)
      %dma_wait3A_483 = arith.constant 0 : i32
      %dma_wait3A_484 = tpu.memref_slice %arg5[%add3A_416, %dma_wait3A_483] : memref<102400x16xf32, #tpu.memory_space<vmem_shared>> -> memref<400x16xf32, #tpu.memory_space<vmem_shared>>
      %dma_wait3A_485 = arith.constant 0 : i32
      %dma_wait3A_486 = tpu.memref_slice %arg5[%add3A_416, %dma_wait3A_485] : memref<102400x16xf32, #tpu.memory_space<vmem_shared>> -> memref<400x16xf32, #tpu.memory_space<vmem_shared>>
      tpu.wait_dma2 semaphore(%run_scoped3A : memref<!tpu.dma_semaphore, #tpu.memory_space<semaphore_mem>>) src(%arg10 : memref<400x16xf32, #tpu.memory_space<vmem>>) dst(%dma_wait3A_486 : memref<400x16xf32, #tpu.memory_space<vmem_shared>>)
      tpu.yield
    }) : () -> ()
    %mul3A_417 = arith.constant 6400 : i32
    %mul3A_418 = arith.muli %arg1, %mul3A_417 : i32
    %add3A_419 = arith.constant 5200 : i32
    %add3A_420 = arith.addi %mul3A_418, %add3A_419 : i32
    "tpu.region"() ({
      %run_scoped3A = tpu.sem_alloc : memref<!tpu.dma_semaphore, #tpu.memory_space<semaphore_mem>>
      %dma_start3A_479 = arith.constant 0 : i32
      %dma_start3A_480 = tpu.memref_slice %arg5[%add3A_420, %dma_start3A_479] : memref<102400x16xf32, #tpu.memory_space<vmem_shared>> -> memref<400x16xf32, #tpu.memory_space<vmem_shared>>
      %dma_start3A_481 = arith.constant 0 : i32
      %dma_start3A_482 = tpu.memref_slice %arg5[%add3A_420, %dma_start3A_481] : memref<102400x16xf32, #tpu.memory_space<vmem_shared>> -> memref<400x16xf32, #tpu.memory_space<vmem_shared>>
      tpu.enqueue_dma source(%arg10 : memref<400x16xf32, #tpu.memory_space<vmem>>) target(%dma_start3A_482 : memref<400x16xf32, #tpu.memory_space<vmem_shared>>) target_semaphore(%run_scoped3A : memref<!tpu.dma_semaphore, #tpu.memory_space<semaphore_mem>>)
      %dma_wait3A_483 = arith.constant 0 : i32
      %dma_wait3A_484 = tpu.memref_slice %arg5[%add3A_420, %dma_wait3A_483] : memref<102400x16xf32, #tpu.memory_space<vmem_shared>> -> memref<400x16xf32, #tpu.memory_space<vmem_shared>>
      %dma_wait3A_485 = arith.constant 0 : i32
      %dma_wait3A_486 = tpu.memref_slice %arg5[%add3A_420, %dma_wait3A_485] : memref<102400x16xf32, #tpu.memory_space<vmem_shared>> -> memref<400x16xf32, #tpu.memory_space<vmem_shared>>
      tpu.wait_dma2 semaphore(%run_scoped3A : memref<!tpu.dma_semaphore, #tpu.memory_space<semaphore_mem>>) src(%arg10 : memref<400x16xf32, #tpu.memory_space<vmem>>) dst(%dma_wait3A_486 : memref<400x16xf32, #tpu.memory_space<vmem_shared>>)
      tpu.yield
    }) : () -> ()
    %mul3A_421 = arith.constant 6400 : i32
    %mul3A_422 = arith.muli %arg1, %mul3A_421 : i32
    %add3A_423 = arith.constant 5600 : i32
    %add3A_424 = arith.addi %mul3A_422, %add3A_423 : i32
    "tpu.region"() ({
      %run_scoped3A = tpu.sem_alloc : memref<!tpu.dma_semaphore, #tpu.memory_space<semaphore_mem>>
      %dma_start3A_479 = arith.constant 0 : i32
      %dma_start3A_480 = tpu.memref_slice %arg5[%add3A_424, %dma_start3A_479] : memref<102400x16xf32, #tpu.memory_space<vmem_shared>> -> memref<400x16xf32, #tpu.memory_space<vmem_shared>>
      %dma_start3A_481 = arith.constant 0 : i32
      %dma_start3A_482 = tpu.memref_slice %arg5[%add3A_424, %dma_start3A_481] : memref<102400x16xf32, #tpu.memory_space<vmem_shared>> -> memref<400x16xf32, #tpu.memory_space<vmem_shared>>
      tpu.enqueue_dma source(%arg10 : memref<400x16xf32, #tpu.memory_space<vmem>>) target(%dma_start3A_482 : memref<400x16xf32, #tpu.memory_space<vmem_shared>>) target_semaphore(%run_scoped3A : memref<!tpu.dma_semaphore, #tpu.memory_space<semaphore_mem>>)
      %dma_wait3A_483 = arith.constant 0 : i32
      %dma_wait3A_484 = tpu.memref_slice %arg5[%add3A_424, %dma_wait3A_483] : memref<102400x16xf32, #tpu.memory_space<vmem_shared>> -> memref<400x16xf32, #tpu.memory_space<vmem_shared>>
      %dma_wait3A_485 = arith.constant 0 : i32
      %dma_wait3A_486 = tpu.memref_slice %arg5[%add3A_424, %dma_wait3A_485] : memref<102400x16xf32, #tpu.memory_space<vmem_shared>> -> memref<400x16xf32, #tpu.memory_space<vmem_shared>>
      tpu.wait_dma2 semaphore(%run_scoped3A : memref<!tpu.dma_semaphore, #tpu.memory_space<semaphore_mem>>) src(%arg10 : memref<400x16xf32, #tpu.memory_space<vmem>>) dst(%dma_wait3A_486 : memref<400x16xf32, #tpu.memory_space<vmem_shared>>)
      tpu.yield
    }) : () -> ()
    %mul3A_425 = arith.constant 6400 : i32
    %mul3A_426 = arith.muli %arg1, %mul3A_425 : i32
    %add3A_427 = arith.constant 6000 : i32
    %add3A_428 = arith.addi %mul3A_426, %add3A_427 : i32
    "tpu.region"() ({
      %run_scoped3A = tpu.sem_alloc : memref<!tpu.dma_semaphore, #tpu.memory_space<semaphore_mem>>
      %dma_start3A_479 = arith.constant 0 : i32
      %dma_start3A_480 = tpu.memref_slice %arg5[%add3A_428, %dma_start3A_479] : memref<102400x16xf32, #tpu.memory_space<vmem_shared>> -> memref<400x16xf32, #tpu.memory_space<vmem_shared>>
      %dma_start3A_481 = arith.constant 0 : i32
      %dma_start3A_482 = tpu.memref_slice %arg5[%add3A_428, %dma_start3A_481] : memref<102400x16xf32, #tpu.memory_space<vmem_shared>> -> memref<400x16xf32, #tpu.memory_space<vmem_shared>>
      tpu.enqueue_dma source(%arg10 : memref<400x16xf32, #tpu.memory_space<vmem>>) target(%dma_start3A_482 : memref<400x16xf32, #tpu.memory_space<vmem_shared>>) target_semaphore(%run_scoped3A : memref<!tpu.dma_semaphore, #tpu.memory_space<semaphore_mem>>)
      %dma_wait3A_483 = arith.constant 0 : i32
      %dma_wait3A_484 = tpu.memref_slice %arg5[%add3A_428, %dma_wait3A_483] : memref<102400x16xf32, #tpu.memory_space<vmem_shared>> -> memref<400x16xf32, #tpu.memory_space<vmem_shared>>
      %dma_wait3A_485 = arith.constant 0 : i32
      %dma_wait3A_486 = tpu.memref_slice %arg5[%add3A_428, %dma_wait3A_485] : memref<102400x16xf32, #tpu.memory_space<vmem_shared>> -> memref<400x16xf32, #tpu.memory_space<vmem_shared>>
      tpu.wait_dma2 semaphore(%run_scoped3A : memref<!tpu.dma_semaphore, #tpu.memory_space<semaphore_mem>>) src(%arg10 : memref<400x16xf32, #tpu.memory_space<vmem>>) dst(%dma_wait3A_486 : memref<400x16xf32, #tpu.memory_space<vmem_shared>>)
      tpu.yield
    }) : () -> ()
    %scan3A_429 = arith.constant 0 : i32
    %scan3A_430 = arith.constant 0 : i32
    %scan3A_431 = arith.constant 69 : i32
    %scan3A_432 = arith.addi %scan3A_430, %scan3A_431 : i32
    %scan3A_433 = arith.constant 1 : i32
    %scan3A_434 = scf.for %scan3A_479 = %scan3A_430 to %scan3A_432 step %scan3A_433 iter_args(%scan3A_480 = %scan3A_429) -> (i32)  : i32 {
      %broadcast_in_dim3A_481 = arith.constant 100000 : i32
      %broadcast_in_dim3A_482 = vector.broadcast %broadcast_in_dim3A_481 : i32 to vector<16xi32>
      %mul3A_483 = arith.constant 16 : i32
      %mul3A_484 = arith.muli %scan3A_479, %mul3A_483 : i32
      %swap3A = arith.index_cast %mul3A_484 : i32 to index
      %swap3A_485 = tpu.vector_load %arg7[%swap3A] {strides = array<i32>} : memref<1104xi32, #tpu.memory_space<vmem>>, vector<16xi32>,
      tpu.vector_store %arg7[%swap3A], %broadcast_in_dim3A_482 {strides = array<i32>} : memref<1104xi32, #tpu.memory_space<vmem>>, vector<16xi32>,
      %broadcast_in_dim3A_486 = arith.constant 0 : i32
      %broadcast_in_dim3A_487 = vector.broadcast %broadcast_in_dim3A_486 : i32 to vector<16xi32>
      %mul3A_488 = arith.constant 16 : i32
      %mul3A_489 = arith.muli %scan3A_479, %mul3A_488 : i32
      %swap3A_490 = arith.index_cast %mul3A_489 : i32 to index
      %swap3A_491 = tpu.vector_load %arg8[%swap3A_490] {strides = array<i32>} : memref<1104xi32, #tpu.memory_space<vmem>>, vector<16xi32>,
      tpu.vector_store %arg8[%swap3A_490], %broadcast_in_dim3A_487 {strides = array<i32>} : memref<1104xi32, #tpu.memory_space<vmem>>, vector<16xi32>,
      %scan3A_492 = arith.constant 0 : i32
      scf.yield %scan3A_492 : i32
    }
    %scan3A_435 = arith.constant 69 : i32
    %barrier3A_436 = arith.constant 0 : index
    tpu.barrier barrier_id(%barrier3A_436)
    %broadcast_in_dim3A_437 = arith.constant 0 : i32
    %broadcast_in_dim3A_438 = vector.broadcast %broadcast_in_dim3A_437 : i32 to vector<16xi32>
    %broadcast_in_dim3A_439 = arith.constant 1 : i32
    %broadcast_in_dim3A_440 = vector.broadcast %broadcast_in_dim3A_439 : i32 to vector<16xi32>
    %broadcast_in_dim3A_441 = arith.constant 100000 : i32
    %broadcast_in_dim3A_442 = vector.broadcast %broadcast_in_dim3A_441 : i32 to vector<16xi32>
    %broadcast_in_dim3A_443 = arith.constant 64 : i32
    %broadcast_in_dim3A_444 = vector.broadcast %broadcast_in_dim3A_443 : i32 to vector<16xi32>
    %broadcast_in_dim3A_445 = arith.constant 100000 : i32
    %broadcast_in_dim3A_446 = vector.broadcast %broadcast_in_dim3A_445 : i32 to vector<16xi32>
    %broadcast_in_dim3A_447 = vector.broadcast %mul3A_364 : i32 to vector<16xi32>
    %scan3A_448 = arith.constant 0 : i32
    %scan3A_449 = arith.constant 50 : i32
    %scan3A_450 = arith.addi %scan3A_448, %scan3A_449 : i32
    %scan3A_451 = arith.constant 1 : i32
    %scan3A_452 = scf.for %scan3A_479 = %scan3A_448 to %scan3A_450 step %scan3A_451 iter_args(%scan3A_480 = %broadcast_in_dim3A_438) -> (vector<16xi32>)  : i32 {
      %mul3A_481 = arith.constant 100000 : i32
      %mul3A_482 = arith.muli %arg1, %mul3A_481 : i32
      %mul3A_483 = arith.constant 2000 : i32
      %mul3A_484 = arith.muli %scan3A_479, %mul3A_483 : i32
      %add3A_485 = arith.addi %mul3A_482, %mul3A_484 : i32
      "tpu.region"() ({
        %run_scoped3A = tpu.sem_alloc : memref<!tpu.dma_semaphore, #tpu.memory_space<semaphore_mem>>
        %dma_start3A_492 = tpu.memref_slice %arg2[%add3A_485] : memref<1600000xi32, #tpu.memory_space<hbm>> -> memref<2000xi32, #tpu.memory_space<hbm>>
        %dma_start3A_493 = tpu.memref_slice %arg2[%add3A_485] : memref<1600000xi32, #tpu.memory_space<hbm>> -> memref<2000xi32, #tpu.memory_space<hbm>>
        tpu.enqueue_dma source(%dma_start3A_493 : memref<2000xi32, #tpu.memory_space<hbm>>) target(%arg6 : memref<2000xi32, #tpu.memory_space<vmem>>) target_semaphore(%run_scoped3A : memref<!tpu.dma_semaphore, #tpu.memory_space<semaphore_mem>>)
        %dma_wait3A_494 = tpu.memref_slice %arg2[%add3A_485] : memref<1600000xi32, #tpu.memory_space<hbm>> -> memref<2000xi32, #tpu.memory_space<hbm>>
        %dma_wait3A_495 = tpu.memref_slice %arg2[%add3A_485] : memref<1600000xi32, #tpu.memory_space<hbm>> -> memref<2000xi32, #tpu.memory_space<hbm>>
        tpu.wait_dma2 semaphore(%run_scoped3A : memref<!tpu.dma_semaphore, #tpu.memory_space<semaphore_mem>>) src(%dma_wait3A_495 : memref<2000xi32, #tpu.memory_space<hbm>>) dst(%arg6 : memref<2000xi32, #tpu.memory_space<vmem>>)
        tpu.yield
      }) : () -> ()
      %scan3A_486 = arith.constant 0 : i32
      %scan3A_487 = arith.constant 25 : i32
      %scan3A_488 = arith.addi %scan3A_486, %scan3A_487 : i32
      %scan3A_489 = arith.constant 1 : i32
      %scan3A_490 = scf.for %scan3A_492 = %scan3A_486 to %scan3A_488 step %scan3A_489 iter_args(%scan3A_493 = %scan3A_480) -> (vector<16xi32>)  : i32 {
        %mul3A_494 = arith.constant 5 : i32
        %mul3A_495 = arith.muli %scan3A_492, %mul3A_494 : i32
        %add3A_496 = arith.constant 0 : i32
        %add3A_497 = arith.addi %mul3A_495, %add3A_496 : i32
        %mul3A_498 = arith.constant 16 : i32
        %mul3A_499 = arith.muli %add3A_497, %mul3A_498 : i32
        %get3A = arith.index_cast %mul3A_499 : i32 to index
        %get3A_500 = tpu.vector_load %arg6[%get3A] {strides = array<i32>} : memref<2000xi32, #tpu.memory_space<vmem>>, vector<16xi32>,
        %sub3A = arith.subi %get3A_500, %broadcast_in_dim3A_447 : vector<16xi32>
        %ge3A = arith.cmpi sge, %sub3A, %broadcast_in_dim3A_438 : vector<16xi32>
        %lt3A_501 = arith.cmpi slt, %sub3A, %broadcast_in_dim3A_442 : vector<16xi32>
        %and3A = arith.andi %ge3A, %lt3A_501 : vector<16xi1>
        %mul3A_502 = arith.constant 100000 : i32
        %mul3A_503 = arith.muli %arg1, %mul3A_502 : i32
        %mul3A_504 = arith.constant 2000 : i32
        %mul3A_505 = arith.muli %scan3A_479, %mul3A_504 : i32
        %add3A_506 = arith.addi %mul3A_503, %mul3A_505 : i32
        %mul3A_507 = arith.constant 5 : i32
        %mul3A_508 = arith.muli %scan3A_492, %mul3A_507 : i32
        %add3A_509 = arith.constant 0 : i32
        %add3A_510 = arith.addi %mul3A_508, %add3A_509 : i32
        %mul3A_511 = arith.constant 16 : i32
        %mul3A_512 = arith.muli %add3A_510, %mul3A_511 : i32
        %add3A_513 = arith.addi %add3A_506, %mul3A_512 : i32
        %broadcast_in_dim3A_514 = vector.broadcast %add3A_513 : i32 to vector<16xi32>
        %add3A_515 = arith.addi %broadcast_in_dim3A_514, %iota3A : vector<16xi32>
        %add3A_516 = arith.addi %mul3A_7, %scan3A_493 : vector<16xi32>
        %select_n3A = arith.select %and3A, %sub3A, %broadcast_in_dim3A_446 : vector<16xi1>, vector<16xi32>
        tpu.vector_store_idx %arg7[%add3A_516], %select_n3A : memref<1104xi32, #tpu.memory_space<vmem>>[vector<16xi32>], vector<16xi32>,
        %select_n3A_517 = arith.select %and3A, %add3A_515, %broadcast_in_dim3A_438 : vector<16xi1>, vector<16xi32>
        tpu.vector_store_idx %arg8[%add3A_516], %select_n3A_517 : memref<1104xi32, #tpu.memory_space<vmem>>[vector<16xi32>], vector<16xi32>,
        %select_n3A_518 = arith.select %and3A, %broadcast_in_dim3A_440, %broadcast_in_dim3A_438 : vector<16xi1>, vector<16xi32>
        %add3A_519 = arith.addi %scan3A_493, %select_n3A_518 : vector<16xi32>
        %mul3A_520 = arith.constant 5 : i32
        %mul3A_521 = arith.muli %scan3A_492, %mul3A_520 : i32
        %add3A_522 = arith.constant 1 : i32
        %add3A_523 = arith.addi %mul3A_521, %add3A_522 : i32
        %mul3A_524 = arith.constant 16 : i32
        %mul3A_525 = arith.muli %add3A_523, %mul3A_524 : i32
        %get3A_526 = arith.index_cast %mul3A_525 : i32 to index
        %get3A_527 = tpu.vector_load %arg6[%get3A_526] {strides = array<i32>} : memref<2000xi32, #tpu.memory_space<vmem>>, vector<16xi32>,
        %sub3A_528 = arith.subi %get3A_527, %broadcast_in_dim3A_447 : vector<16xi32>
        %ge3A_529 = arith.cmpi sge, %sub3A_528, %broadcast_in_dim3A_438 : vector<16xi32>
        %lt3A_530 = arith.cmpi slt, %sub3A_528, %broadcast_in_dim3A_442 : vector<16xi32>
        %and3A_531 = arith.andi %ge3A_529, %lt3A_530 : vector<16xi1>
        %mul3A_532 = arith.constant 100000 : i32
        %mul3A_533 = arith.muli %arg1, %mul3A_532 : i32
        %mul3A_534 = arith.constant 2000 : i32
        %mul3A_535 = arith.muli %scan3A_479, %mul3A_534 : i32
        %add3A_536 = arith.addi %mul3A_533, %mul3A_535 : i32
        %mul3A_537 = arith.constant 5 : i32
        %mul3A_538 = arith.muli %scan3A_492, %mul3A_537 : i32
        %add3A_539 = arith.constant 1 : i32
        %add3A_540 = arith.addi %mul3A_538, %add3A_539 : i32
        %mul3A_541 = arith.constant 16 : i32
        %mul3A_542 = arith.muli %add3A_540, %mul3A_541 : i32
        %add3A_543 = arith.addi %add3A_536, %mul3A_542 : i32
        %broadcast_in_dim3A_544 = vector.broadcast %add3A_543 : i32 to vector<16xi32>
        %add3A_545 = arith.addi %broadcast_in_dim3A_544, %iota3A : vector<16xi32>
        %add3A_546 = arith.addi %mul3A_7, %add3A_519 : vector<16xi32>
        %select_n3A_547 = arith.select %and3A_531, %sub3A_528, %broadcast_in_dim3A_446 : vector<16xi1>, vector<16xi32>
        tpu.vector_store_idx %arg7[%add3A_546], %select_n3A_547 : memref<1104xi32, #tpu.memory_space<vmem>>[vector<16xi32>], vector<16xi32>,
        %select_n3A_548 = arith.select %and3A_531, %add3A_545, %broadcast_in_dim3A_438 : vector<16xi1>, vector<16xi32>
        tpu.vector_store_idx %arg8[%add3A_546], %select_n3A_548 : memref<1104xi32, #tpu.memory_space<vmem>>[vector<16xi32>], vector<16xi32>,
        %select_n3A_549 = arith.select %and3A_531, %broadcast_in_dim3A_440, %broadcast_in_dim3A_438 : vector<16xi1>, vector<16xi32>
        %add3A_550 = arith.addi %add3A_519, %select_n3A_549 : vector<16xi32>
        %mul3A_551 = arith.constant 5 : i32
        %mul3A_552 = arith.muli %scan3A_492, %mul3A_551 : i32
        %add3A_553 = arith.constant 2 : i32
        %add3A_554 = arith.addi %mul3A_552, %add3A_553 : i32
        %mul3A_555 = arith.constant 16 : i32
        %mul3A_556 = arith.muli %add3A_554, %mul3A_555 : i32
        %get3A_557 = arith.index_cast %mul3A_556 : i32 to index
        %get3A_558 = tpu.vector_load %arg6[%get3A_557] {strides = array<i32>} : memref<2000xi32, #tpu.memory_space<vmem>>, vector<16xi32>,
        %sub3A_559 = arith.subi %get3A_558, %broadcast_in_dim3A_447 : vector<16xi32>
        %ge3A_560 = arith.cmpi sge, %sub3A_559, %broadcast_in_dim3A_438 : vector<16xi32>
        %lt3A_561 = arith.cmpi slt, %sub3A_559, %broadcast_in_dim3A_442 : vector<16xi32>
        %and3A_562 = arith.andi %ge3A_560, %lt3A_561 : vector<16xi1>
        %mul3A_563 = arith.constant 100000 : i32
        %mul3A_564 = arith.muli %arg1, %mul3A_563 : i32
        %mul3A_565 = arith.constant 2000 : i32
        %mul3A_566 = arith.muli %scan3A_479, %mul3A_565 : i32
        %add3A_567 = arith.addi %mul3A_564, %mul3A_566 : i32
        %mul3A_568 = arith.constant 5 : i32
        %mul3A_569 = arith.muli %scan3A_492, %mul3A_568 : i32
        %add3A_570 = arith.constant 2 : i32
        %add3A_571 = arith.addi %mul3A_569, %add3A_570 : i32
        %mul3A_572 = arith.constant 16 : i32
        %mul3A_573 = arith.muli %add3A_571, %mul3A_572 : i32
        %add3A_574 = arith.addi %add3A_567, %mul3A_573 : i32
        %broadcast_in_dim3A_575 = vector.broadcast %add3A_574 : i32 to vector<16xi32>
        %add3A_576 = arith.addi %broadcast_in_dim3A_575, %iota3A : vector<16xi32>
        %add3A_577 = arith.addi %mul3A_7, %add3A_550 : vector<16xi32>
        %select_n3A_578 = arith.select %and3A_562, %sub3A_559, %broadcast_in_dim3A_446 : vector<16xi1>, vector<16xi32>
        tpu.vector_store_idx %arg7[%add3A_577], %select_n3A_578 : memref<1104xi32, #tpu.memory_space<vmem>>[vector<16xi32>], vector<16xi32>,
        %select_n3A_579 = arith.select %and3A_562, %add3A_576, %broadcast_in_dim3A_438 : vector<16xi1>, vector<16xi32>
        tpu.vector_store_idx %arg8[%add3A_577], %select_n3A_579 : memref<1104xi32, #tpu.memory_space<vmem>>[vector<16xi32>], vector<16xi32>,
        %select_n3A_580 = arith.select %and3A_562, %broadcast_in_dim3A_440, %broadcast_in_dim3A_438 : vector<16xi1>, vector<16xi32>
        %add3A_581 = arith.addi %add3A_550, %select_n3A_580 : vector<16xi32>
        %mul3A_582 = arith.constant 5 : i32
        %mul3A_583 = arith.muli %scan3A_492, %mul3A_582 : i32
        %add3A_584 = arith.constant 3 : i32
        %add3A_585 = arith.addi %mul3A_583, %add3A_584 : i32
        %mul3A_586 = arith.constant 16 : i32
        %mul3A_587 = arith.muli %add3A_585, %mul3A_586 : i32
        %get3A_588 = arith.index_cast %mul3A_587 : i32 to index
        %get3A_589 = tpu.vector_load %arg6[%get3A_588] {strides = array<i32>} : memref<2000xi32, #tpu.memory_space<vmem>>, vector<16xi32>,
        %sub3A_590 = arith.subi %get3A_589, %broadcast_in_dim3A_447 : vector<16xi32>
        %ge3A_591 = arith.cmpi sge, %sub3A_590, %broadcast_in_dim3A_438 : vector<16xi32>
        %lt3A_592 = arith.cmpi slt, %sub3A_590, %broadcast_in_dim3A_442 : vector<16xi32>
        %and3A_593 = arith.andi %ge3A_591, %lt3A_592 : vector<16xi1>
        %mul3A_594 = arith.constant 100000 : i32
        %mul3A_595 = arith.muli %arg1, %mul3A_594 : i32
        %mul3A_596 = arith.constant 2000 : i32
        %mul3A_597 = arith.muli %scan3A_479, %mul3A_596 : i32
        %add3A_598 = arith.addi %mul3A_595, %mul3A_597 : i32
        %mul3A_599 = arith.constant 5 : i32
        %mul3A_600 = arith.muli %scan3A_492, %mul3A_599 : i32
        %add3A_601 = arith.constant 3 : i32
        %add3A_602 = arith.addi %mul3A_600, %add3A_601 : i32
        %mul3A_603 = arith.constant 16 : i32
        %mul3A_604 = arith.muli %add3A_602, %mul3A_603 : i32
        %add3A_605 = arith.addi %add3A_598, %mul3A_604 : i32
        %broadcast_in_dim3A_606 = vector.broadcast %add3A_605 : i32 to vector<16xi32>
        %add3A_607 = arith.addi %broadcast_in_dim3A_606, %iota3A : vector<16xi32>
        %add3A_608 = arith.addi %mul3A_7, %add3A_581 : vector<16xi32>
        %select_n3A_609 = arith.select %and3A_593, %sub3A_590, %broadcast_in_dim3A_446 : vector<16xi1>, vector<16xi32>
        tpu.vector_store_idx %arg7[%add3A_608], %select_n3A_609 : memref<1104xi32, #tpu.memory_space<vmem>>[vector<16xi32>], vector<16xi32>,
        %select_n3A_610 = arith.select %and3A_593, %add3A_607, %broadcast_in_dim3A_438 : vector<16xi1>, vector<16xi32>
        tpu.vector_store_idx %arg8[%add3A_608], %select_n3A_610 : memref<1104xi32, #tpu.memory_space<vmem>>[vector<16xi32>], vector<16xi32>,
        %select_n3A_611 = arith.select %and3A_593, %broadcast_in_dim3A_440, %broadcast_in_dim3A_438 : vector<16xi1>, vector<16xi32>
        %add3A_612 = arith.addi %add3A_581, %select_n3A_611 : vector<16xi32>
        %mul3A_613 = arith.constant 5 : i32
        %mul3A_614 = arith.muli %scan3A_492, %mul3A_613 : i32
        %add3A_615 = arith.constant 4 : i32
        %add3A_616 = arith.addi %mul3A_614, %add3A_615 : i32
        %mul3A_617 = arith.constant 16 : i32
        %mul3A_618 = arith.muli %add3A_616, %mul3A_617 : i32
        %get3A_619 = arith.index_cast %mul3A_618 : i32 to index
        %get3A_620 = tpu.vector_load %arg6[%get3A_619] {strides = array<i32>} : memref<2000xi32, #tpu.memory_space<vmem>>, vector<16xi32>,
        %sub3A_621 = arith.subi %get3A_620, %broadcast_in_dim3A_447 : vector<16xi32>
        %ge3A_622 = arith.cmpi sge, %sub3A_621, %broadcast_in_dim3A_438 : vector<16xi32>
        %lt3A_623 = arith.cmpi slt, %sub3A_621, %broadcast_in_dim3A_442 : vector<16xi32>
        %and3A_624 = arith.andi %ge3A_622, %lt3A_623 : vector<16xi1>
        %mul3A_625 = arith.constant 100000 : i32
        %mul3A_626 = arith.muli %arg1, %mul3A_625 : i32
        %mul3A_627 = arith.constant 2000 : i32
        %mul3A_628 = arith.muli %scan3A_479, %mul3A_627 : i32
        %add3A_629 = arith.addi %mul3A_626, %mul3A_628 : i32
        %mul3A_630 = arith.constant 5 : i32
        %mul3A_631 = arith.muli %scan3A_492, %mul3A_630 : i32
        %add3A_632 = arith.constant 4 : i32
        %add3A_633 = arith.addi %mul3A_631, %add3A_632 : i32
        %mul3A_634 = arith.constant 16 : i32
        %mul3A_635 = arith.muli %add3A_633, %mul3A_634 : i32
        %add3A_636 = arith.addi %add3A_629, %mul3A_635 : i32
        %broadcast_in_dim3A_637 = vector.broadcast %add3A_636 : i32 to vector<16xi32>
        %add3A_638 = arith.addi %broadcast_in_dim3A_637, %iota3A : vector<16xi32>
        %add3A_639 = arith.addi %mul3A_7, %add3A_612 : vector<16xi32>
        %select_n3A_640 = arith.select %and3A_624, %sub3A_621, %broadcast_in_dim3A_446 : vector<16xi1>, vector<16xi32>
        tpu.vector_store_idx %arg7[%add3A_639], %select_n3A_640 : memref<1104xi32, #tpu.memory_space<vmem>>[vector<16xi32>], vector<16xi32>,
        %select_n3A_641 = arith.select %and3A_624, %add3A_638, %broadcast_in_dim3A_438 : vector<16xi1>, vector<16xi32>
        tpu.vector_store_idx %arg8[%add3A_639], %select_n3A_641 : memref<1104xi32, #tpu.memory_space<vmem>>[vector<16xi32>], vector<16xi32>,
        %select_n3A_642 = arith.select %and3A_624, %broadcast_in_dim3A_440, %broadcast_in_dim3A_438 : vector<16xi1>, vector<16xi32>
        %add3A_643 = arith.addi %add3A_612, %select_n3A_642 : vector<16xi32>
        %ge3A_644 = arith.cmpi sge, %add3A_643, %broadcast_in_dim3A_444 : vector<16xi32>
        %all_reduce_population_count3A = tpu.all_reduce %ge3A_644 {dim = 0 : i64, kind = #tpu.reduction_kind<sum>} : vector<16xi1> -> vector<16xi32>
        %slice3A = vector.extract_strided_slice %all_reduce_population_count3A {offsets = [0], sizes = [1], strides = [1]} : vector<16xi32> to vector<1xi32>
        %squeeze3A = vector.extract %slice3A[0] : i32 from vector<1xi32>
        %gt3A = arith.constant 0 : i32
        %gt3A_645 = arith.cmpi sgt, %squeeze3A, %gt3A : i32
        %convert_element_type3A_646 = arith.extui %gt3A_645 : i1 to i32
        %cond3A_647 = arith.constant 0 : i32
        %cond3A_648 = arith.cmpi ne, %convert_element_type3A_646, %cond3A_647 : i32
        %cond3A_649 = scf.if %cond3A_648 -> (vector<16xi32>) {
          %dma_start3A_650 = arith.constant 0 : i32
          %dma_start3A_651 = arith.constant 0 : i32
          %dma_start3A_652 = tpu.memref_slice %arg3[%dma_start3A_650, %dma_start3A_651] : memref<1600000x16xf32, #tpu.memory_space<hbm>> -> memref<1600000x16xf32, #tpu.memory_space<hbm>>
          tpu.enqueue_indirect_dma source(%dma_start3A_652 : memref<1600000x16xf32, #tpu.memory_space<hbm>>) target(%arg9 : memref<1104x16xf32, #tpu.memory_space<vmem>>) offsets(%arg8 : memref<1104xi32, #tpu.memory_space<vmem>>) semaphore(%arg11 : memref<!tpu.dma_semaphore, #tpu.memory_space<semaphore_mem>>)
          %dma_wait3A_653 = arith.constant 0 : i32
          %dma_wait3A_654 = arith.constant 0 : i32
          %dma_wait3A_655 = tpu.memref_slice %arg3[%dma_wait3A_653, %dma_wait3A_654] : memref<1600000x16xf32, #tpu.memory_space<hbm>> -> memref<1600000x16xf32, #tpu.memory_space<hbm>>
          tpu.wait_indirect_dma semaphore(%arg11 : memref<!tpu.dma_semaphore, #tpu.memory_space<semaphore_mem>>) src(%dma_wait3A_655 : memref<1600000x16xf32, #tpu.memory_space<hbm>>) dst(%arg9 : memref<1104x16xf32, #tpu.memory_space<vmem>>)
          "tpu.region"() ({
            %run_scoped3A = tpu.sem_alloc : memref<!tpu.dma_semaphore, #tpu.memory_space<semaphore_mem>>
            %dma_start3A_663 = arith.constant 0 : i32
            %dma_start3A_664 = arith.constant 0 : i32
            %dma_start3A_665 = tpu.memref_slice %arg5[%dma_start3A_663, %dma_start3A_664] : memref<102400x16xf32, #tpu.memory_space<vmem_shared>> -> memref<102400x16xf32, #tpu.memory_space<vmem_shared>>
            tpu.enqueue_indirect_dma source(%arg9 : memref<1104x16xf32, #tpu.memory_space<vmem>>) target(%dma_start3A_665 : memref<102400x16xf32, #tpu.memory_space<vmem_shared>>) offsets(%arg7 : memref<1104xi32, #tpu.memory_space<vmem>>) semaphore(%run_scoped3A : memref<!tpu.dma_semaphore, #tpu.memory_space<semaphore_mem>>) {add = true}
            %dma_wait3A_666 = arith.constant 0 : i32
            %dma_wait3A_667 = arith.constant 0 : i32
            %dma_wait3A_668 = tpu.memref_slice %arg5[%dma_wait3A_666, %dma_wait3A_667] : memref<102400x16xf32, #tpu.memory_space<vmem_shared>> -> memref<102400x16xf32, #tpu.memory_space<vmem_shared>>
            tpu.wait_indirect_dma semaphore(%run_scoped3A : memref<!tpu.dma_semaphore, #tpu.memory_space<semaphore_mem>>) src(%arg9 : memref<1104x16xf32, #tpu.memory_space<vmem>>) dst(%dma_wait3A_668 : memref<102400x16xf32, #tpu.memory_space<vmem_shared>>)
            tpu.yield
          }) : () -> ()
          %scan3A_656 = arith.constant 0 : i32
          %scan3A_657 = arith.constant 0 : i32
          %scan3A_658 = arith.constant 69 : i32
          %scan3A_659 = arith.addi %scan3A_657, %scan3A_658 : i32
          %scan3A_660 = arith.constant 1 : i32
          %scan3A_661 = scf.for %scan3A_663 = %scan3A_657 to %scan3A_659 step %scan3A_660 iter_args(%scan3A_664 = %scan3A_656) -> (i32)  : i32 {
            %broadcast_in_dim3A_665 = arith.constant 100000 : i32
            %broadcast_in_dim3A_666 = vector.broadcast %broadcast_in_dim3A_665 : i32 to vector<16xi32>
            %mul3A_667 = arith.constant 16 : i32
            %mul3A_668 = arith.muli %scan3A_663, %mul3A_667 : i32
            %swap3A = arith.index_cast %mul3A_668 : i32 to index
            %swap3A_669 = tpu.vector_load %arg7[%swap3A] {strides = array<i32>} : memref<1104xi32, #tpu.memory_space<vmem>>, vector<16xi32>,
            tpu.vector_store %arg7[%swap3A], %broadcast_in_dim3A_666 {strides = array<i32>} : memref<1104xi32, #tpu.memory_space<vmem>>, vector<16xi32>,
            %broadcast_in_dim3A_670 = arith.constant 0 : i32
            %broadcast_in_dim3A_671 = vector.broadcast %broadcast_in_dim3A_670 : i32 to vector<16xi32>
            %mul3A_672 = arith.constant 16 : i32
            %mul3A_673 = arith.muli %scan3A_663, %mul3A_672 : i32
            %swap3A_674 = arith.index_cast %mul3A_673 : i32 to index
            %swap3A_675 = tpu.vector_load %arg8[%swap3A_674] {strides = array<i32>} : memref<1104xi32, #tpu.memory_space<vmem>>, vector<16xi32>,
            tpu.vector_store %arg8[%swap3A_674], %broadcast_in_dim3A_671 {strides = array<i32>} : memref<1104xi32, #tpu.memory_space<vmem>>, vector<16xi32>,
            %scan3A_676 = arith.constant 0 : i32
            scf.yield %scan3A_676 : i32
          }
          %scan3A_662 = arith.constant 69 : i32
          scf.yield %broadcast_in_dim3A_438 : vector<16xi32>
        } else {
          scf.yield %add3A_643 : vector<16xi32>
        }
        scf.yield %cond3A_649 : vector<16xi32>
      }
      %scan3A_491 = arith.constant 25 : i32
      scf.yield %scan3A_490 : vector<16xi32>
    }
    %scan3A_453 = arith.constant 50 : i32
    %dma_start3A_454 = arith.constant 0 : i32
    %dma_start3A_455 = arith.constant 0 : i32
    %dma_start3A_456 = tpu.memref_slice %arg3[%dma_start3A_454, %dma_start3A_455] : memref<1600000x16xf32, #tpu.memory_space<hbm>> -> memref<1600000x16xf32, #tpu.memory_space<hbm>>
    tpu.enqueue_indirect_dma source(%dma_start3A_456 : memref<1600000x16xf32, #tpu.memory_space<hbm>>) target(%arg9 : memref<1104x16xf32, #tpu.memory_space<vmem>>) offsets(%arg8 : memref<1104xi32, #tpu.memory_space<vmem>>) semaphore(%arg11 : memref<!tpu.dma_semaphore, #tpu.memory_space<semaphore_mem>>)
    %dma_wait3A_457 = arith.constant 0 : i32
    %dma_wait3A_458 = arith.constant 0 : i32
    %dma_wait3A_459 = tpu.memref_slice %arg3[%dma_wait3A_457, %dma_wait3A_458] : memref<1600000x16xf32, #tpu.memory_space<hbm>> -> memref<1600000x16xf32, #tpu.memory_space<hbm>>
    tpu.wait_indirect_dma semaphore(%arg11 : memref<!tpu.dma_semaphore, #tpu.memory_space<semaphore_mem>>) src(%dma_wait3A_459 : memref<1600000x16xf32, #tpu.memory_space<hbm>>) dst(%arg9 : memref<1104x16xf32, #tpu.memory_space<vmem>>)
    "tpu.region"() ({
      %run_scoped3A = tpu.sem_alloc : memref<!tpu.dma_semaphore, #tpu.memory_space<semaphore_mem>>
      %dma_start3A_479 = arith.constant 0 : i32
      %dma_start3A_480 = arith.constant 0 : i32
      %dma_start3A_481 = tpu.memref_slice %arg5[%dma_start3A_479, %dma_start3A_480] : memref<102400x16xf32, #tpu.memory_space<vmem_shared>> -> memref<102400x16xf32, #tpu.memory_space<vmem_shared>>
      tpu.enqueue_indirect_dma source(%arg9 : memref<1104x16xf32, #tpu.memory_space<vmem>>) target(%dma_start3A_481 : memref<102400x16xf32, #tpu.memory_space<vmem_shared>>) offsets(%arg7 : memref<1104xi32, #tpu.memory_space<vmem>>) semaphore(%run_scoped3A : memref<!tpu.dma_semaphore, #tpu.memory_space<semaphore_mem>>) {add = true}
      %dma_wait3A_482 = arith.constant 0 : i32
      %dma_wait3A_483 = arith.constant 0 : i32
      %dma_wait3A_484 = tpu.memref_slice %arg5[%dma_wait3A_482, %dma_wait3A_483] : memref<102400x16xf32, #tpu.memory_space<vmem_shared>> -> memref<102400x16xf32, #tpu.memory_space<vmem_shared>>
      tpu.wait_indirect_dma semaphore(%run_scoped3A : memref<!tpu.dma_semaphore, #tpu.memory_space<semaphore_mem>>) src(%arg9 : memref<1104x16xf32, #tpu.memory_space<vmem>>) dst(%dma_wait3A_484 : memref<102400x16xf32, #tpu.memory_space<vmem_shared>>)
      tpu.yield
    }) : () -> ()
    %scan3A_460 = arith.constant 0 : i32
    %scan3A_461 = arith.constant 0 : i32
    %scan3A_462 = arith.constant 69 : i32
    %scan3A_463 = arith.addi %scan3A_461, %scan3A_462 : i32
    %scan3A_464 = arith.constant 1 : i32
    %scan3A_465 = scf.for %scan3A_479 = %scan3A_461 to %scan3A_463 step %scan3A_464 iter_args(%scan3A_480 = %scan3A_460) -> (i32)  : i32 {
      %broadcast_in_dim3A_481 = arith.constant 100000 : i32
      %broadcast_in_dim3A_482 = vector.broadcast %broadcast_in_dim3A_481 : i32 to vector<16xi32>
      %mul3A_483 = arith.constant 16 : i32
      %mul3A_484 = arith.muli %scan3A_479, %mul3A_483 : i32
      %swap3A = arith.index_cast %mul3A_484 : i32 to index
      %swap3A_485 = tpu.vector_load %arg7[%swap3A] {strides = array<i32>} : memref<1104xi32, #tpu.memory_space<vmem>>, vector<16xi32>,
      tpu.vector_store %arg7[%swap3A], %broadcast_in_dim3A_482 {strides = array<i32>} : memref<1104xi32, #tpu.memory_space<vmem>>, vector<16xi32>,
      %broadcast_in_dim3A_486 = arith.constant 0 : i32
      %broadcast_in_dim3A_487 = vector.broadcast %broadcast_in_dim3A_486 : i32 to vector<16xi32>
      %mul3A_488 = arith.constant 16 : i32
      %mul3A_489 = arith.muli %scan3A_479, %mul3A_488 : i32
      %swap3A_490 = arith.index_cast %mul3A_489 : i32 to index
      %swap3A_491 = tpu.vector_load %arg8[%swap3A_490] {strides = array<i32>} : memref<1104xi32, #tpu.memory_space<vmem>>, vector<16xi32>,
      tpu.vector_store %arg8[%swap3A_490], %broadcast_in_dim3A_487 {strides = array<i32>} : memref<1104xi32, #tpu.memory_space<vmem>>, vector<16xi32>,
      %scan3A_492 = arith.constant 0 : i32
      scf.yield %scan3A_492 : i32
    }
    %scan3A_466 = arith.constant 69 : i32
    %barrier3A_467 = arith.constant 0 : index
    tpu.barrier barrier_id(%barrier3A_467)
    %lt3A_468 = arith.constant 15 : i32
    %lt3A_469 = arith.cmpi slt, %arg1, %lt3A_468 : i32
    %convert_element_type3A_470 = arith.extui %lt3A_469 : i1 to i32
    %cond3A_471 = arith.constant 0 : i32
    %cond3A_472 = arith.cmpi ne, %convert_element_type3A_470, %cond3A_471 : i32
    scf.if %cond3A_472 {
      %mul3A_479 = arith.constant 6256 : i32
      %mul3A_480 = arith.muli %arg1, %mul3A_479 : i32
      %mul3A_481 = arith.constant 6256 : i32
      %mul3A_482 = arith.muli %arg1, %mul3A_481 : i32
      %add3A_483 = arith.addi %mul3A_364, %mul3A_482 : i32
      "tpu.region"() ({
        %run_scoped3A = tpu.sem_alloc : memref<!tpu.dma_semaphore, #tpu.memory_space<semaphore_mem>>
        %dma_start3A_484 = arith.constant 0 : i32
        %dma_start3A_485 = tpu.memref_slice %arg4[%add3A_483, %dma_start3A_484] : memref<800000x16xf32, #tpu.memory_space<hbm>> -> memref<6256x16xf32, #tpu.memory_space<hbm>>
        %dma_start3A_486 = arith.constant 0 : i32
        %dma_start3A_487 = tpu.memref_slice %arg5[%mul3A_480, %dma_start3A_486] : memref<102400x16xf32, #tpu.memory_space<vmem_shared>> -> memref<6256x16xf32, #tpu.memory_space<vmem_shared>>
        tpu.enqueue_dma source(%dma_start3A_487 : memref<6256x16xf32, #tpu.memory_space<vmem_shared>>) target(%dma_start3A_485 : memref<6256x16xf32, #tpu.memory_space<hbm>>) target_semaphore(%run_scoped3A : memref<!tpu.dma_semaphore, #tpu.memory_space<semaphore_mem>>)
        %dma_wait3A_488 = arith.constant 0 : i32
        %dma_wait3A_489 = tpu.memref_slice %arg4[%add3A_483, %dma_wait3A_488] : memref<800000x16xf32, #tpu.memory_space<hbm>> -> memref<6256x16xf32, #tpu.memory_space<hbm>>
        %dma_wait3A_490 = arith.constant 0 : i32
        %dma_wait3A_491 = tpu.memref_slice %arg5[%mul3A_480, %dma_wait3A_490] : memref<102400x16xf32, #tpu.memory_space<vmem_shared>> -> memref<6256x16xf32, #tpu.memory_space<vmem_shared>>
        tpu.wait_dma2 semaphore(%run_scoped3A : memref<!tpu.dma_semaphore, #tpu.memory_space<semaphore_mem>>) src(%dma_wait3A_491 : memref<6256x16xf32, #tpu.memory_space<vmem_shared>>) dst(%dma_wait3A_489 : memref<6256x16xf32, #tpu.memory_space<hbm>>)
        tpu.yield
      }) : () -> ()
    } else {
    }
    %eq3A_473 = arith.constant 15 : i32
    %eq3A_474 = arith.cmpi eq, %arg1, %eq3A_473 : i32
    %convert_element_type3A_475 = arith.extui %eq3A_474 : i1 to i32
    %cond3A_476 = arith.constant 0 : i32
    %cond3A_477 = arith.cmpi ne, %convert_element_type3A_475, %cond3A_476 : i32
    scf.if %cond3A_477 {
      %add3A_479 = arith.constant 93840 : i32
      %add3A_480 = arith.addi %mul3A_364, %add3A_479 : i32
      "tpu.region"() ({
        %run_scoped3A = tpu.sem_alloc : memref<!tpu.dma_semaphore, #tpu.memory_space<semaphore_mem>>
        %dma_start3A_481 = arith.constant 0 : i32
        %dma_start3A_482 = tpu.memref_slice %arg4[%add3A_480, %dma_start3A_481] : memref<800000x16xf32, #tpu.memory_space<hbm>> -> memref<6160x16xf32, #tpu.memory_space<hbm>>
        %dma_start3A_483 = arith.constant 93840 : i32
        %dma_start3A_484 = arith.constant 0 : i32
        %dma_start3A_485 = tpu.memref_slice %arg5[%dma_start3A_483, %dma_start3A_484] : memref<102400x16xf32, #tpu.memory_space<vmem_shared>> -> memref<6160x16xf32, #tpu.memory_space<vmem_shared>>
        tpu.enqueue_dma source(%dma_start3A_485 : memref<6160x16xf32, #tpu.memory_space<vmem_shared>>) target(%dma_start3A_482 : memref<6160x16xf32, #tpu.memory_space<hbm>>) target_semaphore(%run_scoped3A : memref<!tpu.dma_semaphore, #tpu.memory_space<semaphore_mem>>)
        %dma_wait3A_486 = arith.constant 0 : i32
        %dma_wait3A_487 = tpu.memref_slice %arg4[%add3A_480, %dma_wait3A_486] : memref<800000x16xf32, #tpu.memory_space<hbm>> -> memref<6160x16xf32, #tpu.memory_space<hbm>>
        %dma_wait3A_488 = arith.constant 93840 : i32
        %dma_wait3A_489 = arith.constant 0 : i32
        %dma_wait3A_490 = tpu.memref_slice %arg5[%dma_wait3A_488, %dma_wait3A_489] : memref<102400x16xf32, #tpu.memory_space<vmem_shared>> -> memref<6160x16xf32, #tpu.memory_space<vmem_shared>>
        tpu.wait_dma2 semaphore(%run_scoped3A : memref<!tpu.dma_semaphore, #tpu.memory_space<semaphore_mem>>) src(%dma_wait3A_490 : memref<6160x16xf32, #tpu.memory_space<vmem_shared>>) dst(%dma_wait3A_487 : memref<6160x16xf32, #tpu.memory_space<hbm>>)
        tpu.yield
      }) : () -> ()
    } else {
    }
    %barrier3A_478 = arith.constant 0 : index
    tpu.barrier barrier_id(%barrier3A_478)
    return
  }
}

#map = affine_map<(d0, d1) -> (0, 0)>
#map1 = affine_map<(d0, d1) -> (0)>
module attributes {stable_mosaic.version = 14 : i64} {
  func.func @_gather_body(%arg0: i32, %arg1: i32, %arg2: memref<800000x16xf32, #tpu.memory_space<hbm>>, %arg3: memref<1600000xi32, #tpu.memory_space<hbm>>, %arg4: memref<1600000xi32, #tpu.memory_space<hbm>>, %arg5: memref<1600000x16xf32, #tpu.memory_space<hbm>>, %arg6: memref<1600000x16xf32, #tpu.memory_space<hbm>>, %arg7: memref<2000xi32, #tpu.memory_space<vmem>>, %arg8: memref<2000x16xf32, #tpu.memory_space<vmem>>, %arg9: memref<!tpu.dma_semaphore, #tpu.memory_space<semaphore_mem>>) attributes {dimension_semantics = [#tpu.dimension_semantics<core_parallel>, #tpu.dimension_semantics<subcore_parallel>], iteration_bounds = array<i64: 2, 16>, scalar_prefetch = 0 : i64, scratch_operands = 3 : i64, tpu.core_type = #tpu.core_type<sc_vector_subcore>, window_params = [{transform_indices = #map}, {transform_indices = #map1}, {transform_indices = #map1}, {transform_indices = #map}, {transform_indices = #map}]} {
    %mul3A = arith.constant 2 : i32
    %mul3A_0 = arith.muli %arg1, %mul3A : i32
    %add3A = arith.addi %mul3A_0, %arg0 : i32
    %mul3A_1 = arith.constant 50000 : i32
    %mul3A_2 = arith.muli %add3A, %mul3A_1 : i32
    %scan3A = arith.constant 0 : i32
    %scan3A_3 = arith.constant 0 : i32
    %scan3A_4 = arith.constant 25 : i32
    %scan3A_5 = arith.addi %scan3A_3, %scan3A_4 : i32
    %scan3A_6 = arith.constant 1 : i32
    scf.for %scan3A_8 = %scan3A_3 to %scan3A_5 step %scan3A_6  : i32 {
      %mul3A_9 = arith.constant 2000 : i32
      %mul3A_10 = arith.muli %scan3A_8, %mul3A_9 : i32
      %add3A_11 = arith.addi %mul3A_2, %mul3A_10 : i32
      "tpu.region"() ({
        %run_scoped3A = tpu.sem_alloc : memref<!tpu.dma_semaphore, #tpu.memory_space<semaphore_mem>>
        %dma_start3A_22 = tpu.memref_slice %arg3[%add3A_11] : memref<1600000xi32, #tpu.memory_space<hbm>> -> memref<2000xi32, #tpu.memory_space<hbm>>
        %dma_start3A_23 = tpu.memref_slice %arg3[%add3A_11] : memref<1600000xi32, #tpu.memory_space<hbm>> -> memref<2000xi32, #tpu.memory_space<hbm>>
        tpu.enqueue_dma source(%dma_start3A_23 : memref<2000xi32, #tpu.memory_space<hbm>>) target(%arg7 : memref<2000xi32, #tpu.memory_space<vmem>>) target_semaphore(%run_scoped3A : memref<!tpu.dma_semaphore, #tpu.memory_space<semaphore_mem>>)
        %dma_wait3A_24 = tpu.memref_slice %arg3[%add3A_11] : memref<1600000xi32, #tpu.memory_space<hbm>> -> memref<2000xi32, #tpu.memory_space<hbm>>
        %dma_wait3A_25 = tpu.memref_slice %arg3[%add3A_11] : memref<1600000xi32, #tpu.memory_space<hbm>> -> memref<2000xi32, #tpu.memory_space<hbm>>
        tpu.wait_dma2 semaphore(%run_scoped3A : memref<!tpu.dma_semaphore, #tpu.memory_space<semaphore_mem>>) src(%dma_wait3A_25 : memref<2000xi32, #tpu.memory_space<hbm>>) dst(%arg7 : memref<2000xi32, #tpu.memory_space<vmem>>)
        tpu.yield
      }) : () -> ()
      %dma_start3A = arith.constant 0 : i32
      %dma_start3A_12 = arith.constant 0 : i32
      %dma_start3A_13 = tpu.memref_slice %arg2[%dma_start3A, %dma_start3A_12] : memref<800000x16xf32, #tpu.memory_space<hbm>> -> memref<800000x16xf32, #tpu.memory_space<hbm>>
      tpu.enqueue_indirect_dma source(%dma_start3A_13 : memref<800000x16xf32, #tpu.memory_space<hbm>>) target(%arg8 : memref<2000x16xf32, #tpu.memory_space<vmem>>) offsets(%arg7 : memref<2000xi32, #tpu.memory_space<vmem>>) semaphore(%arg9 : memref<!tpu.dma_semaphore, #tpu.memory_space<semaphore_mem>>)
      %dma_wait3A = arith.constant 0 : i32
      %dma_wait3A_14 = arith.constant 0 : i32
      %dma_wait3A_15 = tpu.memref_slice %arg2[%dma_wait3A, %dma_wait3A_14] : memref<800000x16xf32, #tpu.memory_space<hbm>> -> memref<800000x16xf32, #tpu.memory_space<hbm>>
      tpu.wait_indirect_dma semaphore(%arg9 : memref<!tpu.dma_semaphore, #tpu.memory_space<semaphore_mem>>) src(%dma_wait3A_15 : memref<800000x16xf32, #tpu.memory_space<hbm>>) dst(%arg8 : memref<2000x16xf32, #tpu.memory_space<vmem>>)
      "tpu.region"() ({
        %run_scoped3A = tpu.sem_alloc : memref<!tpu.dma_semaphore, #tpu.memory_space<semaphore_mem>>
        %dma_start3A_22 = arith.constant 0 : i32
        %dma_start3A_23 = tpu.memref_slice %arg5[%add3A_11, %dma_start3A_22] : memref<1600000x16xf32, #tpu.memory_space<hbm>> -> memref<2000x16xf32, #tpu.memory_space<hbm>>
        %dma_start3A_24 = arith.constant 0 : i32
        %dma_start3A_25 = tpu.memref_slice %arg5[%add3A_11, %dma_start3A_24] : memref<1600000x16xf32, #tpu.memory_space<hbm>> -> memref<2000x16xf32, #tpu.memory_space<hbm>>
        tpu.enqueue_dma source(%arg8 : memref<2000x16xf32, #tpu.memory_space<vmem>>) target(%dma_start3A_25 : memref<2000x16xf32, #tpu.memory_space<hbm>>) target_semaphore(%run_scoped3A : memref<!tpu.dma_semaphore, #tpu.memory_space<semaphore_mem>>)
        %dma_wait3A_26 = arith.constant 0 : i32
        %dma_wait3A_27 = tpu.memref_slice %arg5[%add3A_11, %dma_wait3A_26] : memref<1600000x16xf32, #tpu.memory_space<hbm>> -> memref<2000x16xf32, #tpu.memory_space<hbm>>
        %dma_wait3A_28 = arith.constant 0 : i32
        %dma_wait3A_29 = tpu.memref_slice %arg5[%add3A_11, %dma_wait3A_28] : memref<1600000x16xf32, #tpu.memory_space<hbm>> -> memref<2000x16xf32, #tpu.memory_space<hbm>>
        tpu.wait_dma2 semaphore(%run_scoped3A : memref<!tpu.dma_semaphore, #tpu.memory_space<semaphore_mem>>) src(%arg8 : memref<2000x16xf32, #tpu.memory_space<vmem>>) dst(%dma_wait3A_29 : memref<2000x16xf32, #tpu.memory_space<hbm>>)
        tpu.yield
      }) : () -> ()
      "tpu.region"() ({
        %run_scoped3A = tpu.sem_alloc : memref<!tpu.dma_semaphore, #tpu.memory_space<semaphore_mem>>
        %dma_start3A_22 = tpu.memref_slice %arg4[%add3A_11] : memref<1600000xi32, #tpu.memory_space<hbm>> -> memref<2000xi32, #tpu.memory_space<hbm>>
        %dma_start3A_23 = tpu.memref_slice %arg4[%add3A_11] : memref<1600000xi32, #tpu.memory_space<hbm>> -> memref<2000xi32, #tpu.memory_space<hbm>>
        tpu.enqueue_dma source(%dma_start3A_23 : memref<2000xi32, #tpu.memory_space<hbm>>) target(%arg7 : memref<2000xi32, #tpu.memory_space<vmem>>) target_semaphore(%run_scoped3A : memref<!tpu.dma_semaphore, #tpu.memory_space<semaphore_mem>>)
        %dma_wait3A_24 = tpu.memref_slice %arg4[%add3A_11] : memref<1600000xi32, #tpu.memory_space<hbm>> -> memref<2000xi32, #tpu.memory_space<hbm>>
        %dma_wait3A_25 = tpu.memref_slice %arg4[%add3A_11] : memref<1600000xi32, #tpu.memory_space<hbm>> -> memref<2000xi32, #tpu.memory_space<hbm>>
        tpu.wait_dma2 semaphore(%run_scoped3A : memref<!tpu.dma_semaphore, #tpu.memory_space<semaphore_mem>>) src(%dma_wait3A_25 : memref<2000xi32, #tpu.memory_space<hbm>>) dst(%arg7 : memref<2000xi32, #tpu.memory_space<vmem>>)
        tpu.yield
      }) : () -> ()
      %dma_start3A_16 = arith.constant 0 : i32
      %dma_start3A_17 = arith.constant 0 : i32
      %dma_start3A_18 = tpu.memref_slice %arg2[%dma_start3A_16, %dma_start3A_17] : memref<800000x16xf32, #tpu.memory_space<hbm>> -> memref<800000x16xf32, #tpu.memory_space<hbm>>
      tpu.enqueue_indirect_dma source(%dma_start3A_18 : memref<800000x16xf32, #tpu.memory_space<hbm>>) target(%arg8 : memref<2000x16xf32, #tpu.memory_space<vmem>>) offsets(%arg7 : memref<2000xi32, #tpu.memory_space<vmem>>) semaphore(%arg9 : memref<!tpu.dma_semaphore, #tpu.memory_space<semaphore_mem>>)
      %dma_wait3A_19 = arith.constant 0 : i32
      %dma_wait3A_20 = arith.constant 0 : i32
      %dma_wait3A_21 = tpu.memref_slice %arg2[%dma_wait3A_19, %dma_wait3A_20] : memref<800000x16xf32, #tpu.memory_space<hbm>> -> memref<800000x16xf32, #tpu.memory_space<hbm>>
      tpu.wait_indirect_dma semaphore(%arg9 : memref<!tpu.dma_semaphore, #tpu.memory_space<semaphore_mem>>) src(%dma_wait3A_21 : memref<800000x16xf32, #tpu.memory_space<hbm>>) dst(%arg8 : memref<2000x16xf32, #tpu.memory_space<vmem>>)
      "tpu.region"() ({
        %run_scoped3A = tpu.sem_alloc : memref<!tpu.dma_semaphore, #tpu.memory_space<semaphore_mem>>
        %dma_start3A_22 = arith.constant 0 : i32
        %dma_start3A_23 = tpu.memref_slice %arg6[%add3A_11, %dma_start3A_22] : memref<1600000x16xf32, #tpu.memory_space<hbm>> -> memref<2000x16xf32, #tpu.memory_space<hbm>>
        %dma_start3A_24 = arith.constant 0 : i32
        %dma_start3A_25 = tpu.memref_slice %arg6[%add3A_11, %dma_start3A_24] : memref<1600000x16xf32, #tpu.memory_space<hbm>> -> memref<2000x16xf32, #tpu.memory_space<hbm>>
        tpu.enqueue_dma source(%arg8 : memref<2000x16xf32, #tpu.memory_space<vmem>>) target(%dma_start3A_25 : memref<2000x16xf32, #tpu.memory_space<hbm>>) target_semaphore(%run_scoped3A : memref<!tpu.dma_semaphore, #tpu.memory_space<semaphore_mem>>)
        %dma_wait3A_26 = arith.constant 0 : i32
        %dma_wait3A_27 = tpu.memref_slice %arg6[%add3A_11, %dma_wait3A_26] : memref<1600000x16xf32, #tpu.memory_space<hbm>> -> memref<2000x16xf32, #tpu.memory_space<hbm>>
        %dma_wait3A_28 = arith.constant 0 : i32
        %dma_wait3A_29 = tpu.memref_slice %arg6[%add3A_11, %dma_wait3A_28] : memref<1600000x16xf32, #tpu.memory_space<hbm>> -> memref<2000x16xf32, #tpu.memory_space<hbm>>
        tpu.wait_dma2 semaphore(%run_scoped3A : memref<!tpu.dma_semaphore, #tpu.memory_space<semaphore_mem>>) src(%arg8 : memref<2000x16xf32, #tpu.memory_space<vmem>>) dst(%dma_wait3A_29 : memref<2000x16xf32, #tpu.memory_space<hbm>>)
        tpu.yield
      }) : () -> ()
    }
    %scan3A_7 = arith.constant 25 : i32
    return
  }
}

module attributes {stable_mosaic.version = 14 : i64} {
  func.func @_mlp_body(%arg0: i32, %arg1: memref<4000x16xf32, #tpu.memory_space<vmem>>, %arg2: memref<4000x16xf32, #tpu.memory_space<vmem>>, %arg3: memref<4000x4xf32, #tpu.memory_space<vmem>>, %arg4: memref<16x64xbf16, #tpu.memory_space<vmem>>, %arg5: memref<16x64xbf16, #tpu.memory_space<vmem>>, %arg6: memref<4x64xbf16, #tpu.memory_space<vmem>>, %arg7: memref<1x64xf32, #tpu.memory_space<vmem>>, %arg8: memref<1x64xf32, #tpu.memory_space<vmem>>, %arg9: memref<1x64xf32, #tpu.memory_space<vmem>>, %arg10: memref<64x64xbf16, #tpu.memory_space<vmem>>, %arg11: memref<1x64xf32, #tpu.memory_space<vmem>>, %arg12: memref<1x64xf32, #tpu.memory_space<vmem>>, %arg13: memref<1x64xf32, #tpu.memory_space<vmem>>, %arg14: memref<64x16xbf16, #tpu.memory_space<vmem>>, %arg15: memref<4000x16xf32, #tpu.memory_space<vmem>>) attributes {dimension_semantics = [#tpu.dimension_semantics<arbitrary>], iteration_bounds = array<i64: 400>, scalar_prefetch = 0 : i64, scratch_operands = 0 : i64, tpu.core_type = #tpu.core_type<tc>, window_params = [{transform_indices = @transform_0, window_bounds = array<i64: 4000, 16>}, {transform_indices = @transform_1, window_bounds = array<i64: 4000, 16>}, {transform_indices = @transform_2, window_bounds = array<i64: 4000, 4>}, {pipeline_mode = #tpu.pipeline_mode<synchronous>, transform_indices = @transform_3, window_bounds = array<i64: 16, 64>}, {pipeline_mode = #tpu.pipeline_mode<synchronous>, transform_indices = @transform_4, window_bounds = array<i64: 16, 64>}, {pipeline_mode = #tpu.pipeline_mode<synchronous>, transform_indices = @transform_5, window_bounds = array<i64: 4, 64>}, {pipeline_mode = #tpu.pipeline_mode<synchronous>, transform_indices = @transform_6, window_bounds = array<i64: 1, 64>}, {pipeline_mode = #tpu.pipeline_mode<synchronous>, transform_indices = @transform_7, window_bounds = array<i64: 1, 64>}, {pipeline_mode = #tpu.pipeline_mode<synchronous>, transform_indices = @transform_8, window_bounds = array<i64: 1, 64>}, {pipeline_mode = #tpu.pipeline_mode<synchronous>, transform_indices = @transform_9, window_bounds = array<i64: 64, 64>}, {pipeline_mode = #tpu.pipeline_mode<synchronous>, transform_indices = @transform_10, window_bounds = array<i64: 1, 64>}, {pipeline_mode = #tpu.pipeline_mode<synchronous>, transform_indices = @transform_11, window_bounds = array<i64: 1, 64>}, {pipeline_mode = #tpu.pipeline_mode<synchronous>, transform_indices = @transform_12, window_bounds = array<i64: 1, 64>}, {pipeline_mode = #tpu.pipeline_mode<synchronous>, transform_indices = @transform_13, window_bounds = array<i64: 64, 16>}, {transform_indices = @transform_14, window_bounds = array<i64: 4000, 16>}]} {
    %get3A = arith.constant 0 : index
    %get3A_0 = arith.constant 0 : index
    %get3A_1 = vector.load %arg1[%get3A, %get3A_0] : memref<4000x16xf32, #tpu.memory_space<vmem>>, vector<4000x16xf32>
    %convert_element_type3A = arith.truncf %get3A_1 : vector<4000x16xf32> to vector<4000x16xbf16>
    %get3A_2 = arith.constant 0 : index
    %get3A_3 = arith.constant 0 : index
    %get3A_4 = vector.load %arg4[%get3A_2, %get3A_3] : memref<16x64xbf16, #tpu.memory_space<vmem>>, vector<16x64xbf16>
    %dot_general3A = arith.constant dense<0.000000e+00> : vector<4000x64xf32>
    %dot_general3A_5 = tpu.matmul %convert_element_type3A, %get3A_4, %dot_general3A {dimension_numbers = #tpu.dot_dimension_numbers<[1], [0], [0], [1], [0, 0, 1, 1], [], []>, transpose_lhs_hint = false} : vector<4000x16xbf16>, vector<16x64xbf16>, vector<4000x64xf32> -> vector<4000x64xf32>
    %get3A_6 = arith.constant 0 : index
    %get3A_7 = arith.constant 0 : index
    %get3A_8 = vector.load %arg2[%get3A_6, %get3A_7] : memref<4000x16xf32, #tpu.memory_space<vmem>>, vector<4000x16xf32>
    %convert_element_type3A_9 = arith.truncf %get3A_8 : vector<4000x16xf32> to vector<4000x16xbf16>
    %get3A_10 = arith.constant 0 : index
    %get3A_11 = arith.constant 0 : index
    %get3A_12 = vector.load %arg5[%get3A_10, %get3A_11] : memref<16x64xbf16, #tpu.memory_space<vmem>>, vector<16x64xbf16>
    %dot_general3A_13 = arith.constant dense<0.000000e+00> : vector<4000x64xf32>
    %dot_general3A_14 = tpu.matmul %convert_element_type3A_9, %get3A_12, %dot_general3A_13 {dimension_numbers = #tpu.dot_dimension_numbers<[1], [0], [0], [1], [0, 0, 1, 1], [], []>, transpose_lhs_hint = false} : vector<4000x16xbf16>, vector<16x64xbf16>, vector<4000x64xf32> -> vector<4000x64xf32>
    %add3A = arith.addf %dot_general3A_5, %dot_general3A_14 : vector<4000x64xf32>
    %get3A_15 = arith.constant 0 : index
    %get3A_16 = arith.constant 0 : index
    %get3A_17 = vector.load %arg3[%get3A_15, %get3A_16] : memref<4000x4xf32, #tpu.memory_space<vmem>>, vector<4000x4xf32>
    %convert_element_type3A_18 = arith.truncf %get3A_17 : vector<4000x4xf32> to vector<4000x4xbf16>
    %get3A_19 = arith.constant 0 : index
    %get3A_20 = arith.constant 0 : index
    %get3A_21 = vector.load %arg6[%get3A_19, %get3A_20] : memref<4x64xbf16, #tpu.memory_space<vmem>>, vector<4x64xbf16>
    %dot_general3A_22 = arith.constant dense<0.000000e+00> : vector<4000x64xf32>
    %dot_general3A_23 = tpu.matmul %convert_element_type3A_18, %get3A_21, %dot_general3A_22 {dimension_numbers = #tpu.dot_dimension_numbers<[1], [0], [0], [1], [0, 0, 1, 1], [], []>, transpose_lhs_hint = false} : vector<4000x4xbf16>, vector<4x64xbf16>, vector<4000x64xf32> -> vector<4000x64xf32>
    %add3A_24 = arith.addf %add3A, %dot_general3A_23 : vector<4000x64xf32>
    %get3A_25 = arith.constant 0 : index
    %get3A_26 = arith.constant 0 : index
    %get3A_27 = vector.load %arg7[%get3A_25, %get3A_26] : memref<1x64xf32, #tpu.memory_space<vmem>>, vector<1x64xf32>
    %add3A_28 = vector.broadcast %get3A_27 : vector<1x64xf32> to vector<4000x64xf32>
    %add3A_29 = arith.addf %add3A_24, %add3A_28 : vector<4000x64xf32>
    %logistic3A = arith.negf %add3A_29 : vector<4000x64xf32>
    %logistic3A_30 = math.exp %logistic3A : vector<4000x64xf32>
    %logistic3A_31 = arith.constant 1.000000e+00 : f32
    %logistic3A_32 = vector.broadcast %logistic3A_31 : f32 to vector<4000x64xf32>
    %logistic3A_33 = arith.addf %logistic3A_32, %logistic3A_30 : vector<4000x64xf32>
    %logistic3A_34 = arith.divf %logistic3A_32, %logistic3A_33 : vector<4000x64xf32>
    %mul3A = arith.mulf %add3A_29, %logistic3A_34 : vector<4000x64xf32>
    %get3A_35 = arith.constant 0 : index
    %get3A_36 = arith.constant 0 : index
    %get3A_37 = vector.load %arg8[%get3A_35, %get3A_36] : memref<1x64xf32, #tpu.memory_space<vmem>>, vector<1x64xf32>
    %get3A_38 = arith.constant 0 : index
    %get3A_39 = arith.constant 0 : index
    %get3A_40 = vector.load %arg9[%get3A_38, %get3A_39] : memref<1x64xf32, #tpu.memory_space<vmem>>, vector<1x64xf32>
    %broadcast_in_dim3A = arith.constant 1.562500e-02 : bf16
    %broadcast_in_dim3A_41 = vector.broadcast %broadcast_in_dim3A : bf16 to vector<64x64xbf16>
    %convert_element_type3A_42 = arith.truncf %mul3A : vector<4000x64xf32> to vector<4000x64xbf16>
    %dot_general3A_43 = arith.constant dense<0.000000e+00> : vector<4000x64xf32>
    %dot_general3A_44 = tpu.matmul %convert_element_type3A_42, %broadcast_in_dim3A_41, %dot_general3A_43 {dimension_numbers = #tpu.dot_dimension_numbers<[1], [0], [0], [1], [0, 0, 1, 1], [], []>, transpose_lhs_hint = false} : vector<4000x64xbf16>, vector<64x64xbf16>, vector<4000x64xf32> -> vector<4000x64xf32>
    %sub3A = arith.subf %mul3A, %dot_general3A_44 : vector<4000x64xf32>
    %convert_element_type3A_45 = arith.truncf %sub3A : vector<4000x64xf32> to vector<4000x64xbf16>
    %mul3A_46 = arith.mulf %convert_element_type3A_45, %convert_element_type3A_45 : vector<4000x64xbf16>
    %dot_general3A_47 = arith.constant dense<0.000000e+00> : vector<4000x64xf32>
    %dot_general3A_48 = tpu.matmul %mul3A_46, %broadcast_in_dim3A_41, %dot_general3A_47 {dimension_numbers = #tpu.dot_dimension_numbers<[1], [0], [0], [1], [0, 0, 1, 1], [], []>, transpose_lhs_hint = false} : vector<4000x64xbf16>, vector<64x64xbf16>, vector<4000x64xf32> -> vector<4000x64xf32>
    %add3A_49 = arith.constant 9.99999974E-6 : f32
    %add3A_50 = vector.broadcast %add3A_49 : f32 to vector<4000x64xf32>
    %add3A_51 = arith.addf %dot_general3A_48, %add3A_50 : vector<4000x64xf32>
    %rsqrt3A = math.rsqrt %add3A_51 : vector<4000x64xf32>
    %mul3A_52 = arith.mulf %sub3A, %rsqrt3A : vector<4000x64xf32>
    %mul3A_53 = vector.broadcast %get3A_37 : vector<1x64xf32> to vector<4000x64xf32>
    %mul3A_54 = arith.mulf %mul3A_52, %mul3A_53 : vector<4000x64xf32>
    %add3A_55 = vector.broadcast %get3A_40 : vector<1x64xf32> to vector<4000x64xf32>
    %add3A_56 = arith.addf %mul3A_54, %add3A_55 : vector<4000x64xf32>
    %convert_element_type3A_57 = arith.truncf %add3A_56 : vector<4000x64xf32> to vector<4000x64xbf16>
    %get3A_58 = arith.constant 0 : index
    %get3A_59 = arith.constant 0 : index
    %get3A_60 = vector.load %arg10[%get3A_58, %get3A_59] : memref<64x64xbf16, #tpu.memory_space<vmem>>, vector<64x64xbf16>
    %dot_general3A_61 = arith.constant dense<0.000000e+00> : vector<4000x64xf32>
    %dot_general3A_62 = tpu.matmul %convert_element_type3A_57, %get3A_60, %dot_general3A_61 {dimension_numbers = #tpu.dot_dimension_numbers<[1], [0], [0], [1], [0, 0, 1, 1], [], []>, transpose_lhs_hint = false} : vector<4000x64xbf16>, vector<64x64xbf16>, vector<4000x64xf32> -> vector<4000x64xf32>
    %get3A_63 = arith.constant 0 : index
    %get3A_64 = arith.constant 0 : index
    %get3A_65 = vector.load %arg11[%get3A_63, %get3A_64] : memref<1x64xf32, #tpu.memory_space<vmem>>, vector<1x64xf32>
    %add3A_66 = vector.broadcast %get3A_65 : vector<1x64xf32> to vector<4000x64xf32>
    %add3A_67 = arith.addf %dot_general3A_62, %add3A_66 : vector<4000x64xf32>
    %logistic3A_68 = arith.negf %add3A_67 : vector<4000x64xf32>
    %logistic3A_69 = math.exp %logistic3A_68 : vector<4000x64xf32>
    %logistic3A_70 = arith.constant 1.000000e+00 : f32
    %logistic3A_71 = vector.broadcast %logistic3A_70 : f32 to vector<4000x64xf32>
    %logistic3A_72 = arith.addf %logistic3A_71, %logistic3A_69 : vector<4000x64xf32>
    %logistic3A_73 = arith.divf %logistic3A_71, %logistic3A_72 : vector<4000x64xf32>
    %mul3A_74 = arith.mulf %add3A_67, %logistic3A_73 : vector<4000x64xf32>
    %get3A_75 = arith.constant 0 : index
    %get3A_76 = arith.constant 0 : index
    %get3A_77 = vector.load %arg12[%get3A_75, %get3A_76] : memref<1x64xf32, #tpu.memory_space<vmem>>, vector<1x64xf32>
    %get3A_78 = arith.constant 0 : index
    %get3A_79 = arith.constant 0 : index
    %get3A_80 = vector.load %arg13[%get3A_78, %get3A_79] : memref<1x64xf32, #tpu.memory_space<vmem>>, vector<1x64xf32>
    %broadcast_in_dim3A_81 = arith.constant 1.562500e-02 : bf16
    %broadcast_in_dim3A_82 = vector.broadcast %broadcast_in_dim3A_81 : bf16 to vector<64x64xbf16>
    %convert_element_type3A_83 = arith.truncf %mul3A_74 : vector<4000x64xf32> to vector<4000x64xbf16>
    %dot_general3A_84 = arith.constant dense<0.000000e+00> : vector<4000x64xf32>
    %dot_general3A_85 = tpu.matmul %convert_element_type3A_83, %broadcast_in_dim3A_82, %dot_general3A_84 {dimension_numbers = #tpu.dot_dimension_numbers<[1], [0], [0], [1], [0, 0, 1, 1], [], []>, transpose_lhs_hint = false} : vector<4000x64xbf16>, vector<64x64xbf16>, vector<4000x64xf32> -> vector<4000x64xf32>
    %sub3A_86 = arith.subf %mul3A_74, %dot_general3A_85 : vector<4000x64xf32>
    %convert_element_type3A_87 = arith.truncf %sub3A_86 : vector<4000x64xf32> to vector<4000x64xbf16>
    %mul3A_88 = arith.mulf %convert_element_type3A_87, %convert_element_type3A_87 : vector<4000x64xbf16>
    %dot_general3A_89 = arith.constant dense<0.000000e+00> : vector<4000x64xf32>
    %dot_general3A_90 = tpu.matmul %mul3A_88, %broadcast_in_dim3A_82, %dot_general3A_89 {dimension_numbers = #tpu.dot_dimension_numbers<[1], [0], [0], [1], [0, 0, 1, 1], [], []>, transpose_lhs_hint = false} : vector<4000x64xbf16>, vector<64x64xbf16>, vector<4000x64xf32> -> vector<4000x64xf32>
    %add3A_91 = arith.constant 9.99999974E-6 : f32
    %add3A_92 = vector.broadcast %add3A_91 : f32 to vector<4000x64xf32>
    %add3A_93 = arith.addf %dot_general3A_90, %add3A_92 : vector<4000x64xf32>
    %rsqrt3A_94 = math.rsqrt %add3A_93 : vector<4000x64xf32>
    %mul3A_95 = arith.mulf %sub3A_86, %rsqrt3A_94 : vector<4000x64xf32>
    %mul3A_96 = vector.broadcast %get3A_77 : vector<1x64xf32> to vector<4000x64xf32>
    %mul3A_97 = arith.mulf %mul3A_95, %mul3A_96 : vector<4000x64xf32>
    %add3A_98 = vector.broadcast %get3A_80 : vector<1x64xf32> to vector<4000x64xf32>
    %add3A_99 = arith.addf %mul3A_97, %add3A_98 : vector<4000x64xf32>
    %convert_element_type3A_100 = arith.truncf %add3A_99 : vector<4000x64xf32> to vector<4000x64xbf16>
    %get3A_101 = arith.constant 0 : index
    %get3A_102 = arith.constant 0 : index
    %get3A_103 = vector.load %arg14[%get3A_101, %get3A_102] : memref<64x16xbf16, #tpu.memory_space<vmem>>, vector<64x16xbf16>
    %dot_general3A_104 = arith.constant dense<0.000000e+00> : vector<4000x16xf32>
    %dot_general3A_105 = tpu.matmul %convert_element_type3A_100, %get3A_103, %dot_general3A_104 {dimension_numbers = #tpu.dot_dimension_numbers<[1], [0], [0], [1], [0, 0, 1, 1], [], []>, transpose_lhs_hint = false} : vector<4000x64xbf16>, vector<64x16xbf16>, vector<4000x16xf32> -> vector<4000x16xf32>
    %swap3A = arith.constant 0 : index
    %swap3A_106 = arith.constant 0 : index
    %swap3A_107 = vector.load %arg15[%swap3A, %swap3A_106] : memref<4000x16xf32, #tpu.memory_space<vmem>>, vector<4000x16xf32>
    tpu.vector_store %arg15[%swap3A, %swap3A_106], %dot_general3A_105 {strides = array<i32>} : memref<4000x16xf32, #tpu.memory_space<vmem>>, vector<4000x16xf32>,
    return
  }
  func.func @transform_0(%arg0: i32) -> (i32, i32) {
    %c0_i32 = arith.constant 0 : i32
    %c0_i32_0 = arith.constant 0 : i32
    return %arg0, %c0_i32 : i32, i32
  }
  func.func @transform_1(%arg0: i32) -> (i32, i32) {
    %c0_i32 = arith.constant 0 : i32
    %c0_i32_0 = arith.constant 0 : i32
    return %arg0, %c0_i32 : i32, i32
  }
  func.func @transform_2(%arg0: i32) -> (i32, i32) {
    %c0_i32 = arith.constant 0 : i32
    %c0_i32_0 = arith.constant 0 : i32
    return %arg0, %c0_i32 : i32, i32
  }
  func.func @transform_3(%arg0: i32) -> (i32, i32) {
    %c0_i32 = arith.constant 0 : i32
    %c0_i32_0 = arith.constant 0 : i32
    %c0_i32_1 = arith.constant 0 : i32
    return %c0_i32, %c0_i32_0 : i32, i32
  }
  func.func @transform_4(%arg0: i32) -> (i32, i32) {
    %c0_i32 = arith.constant 0 : i32
    %c0_i32_0 = arith.constant 0 : i32
    %c0_i32_1 = arith.constant 0 : i32
    return %c0_i32, %c0_i32_0 : i32, i32
  }
  func.func @transform_5(%arg0: i32) -> (i32, i32) {
    %c0_i32 = arith.constant 0 : i32
    %c0_i32_0 = arith.constant 0 : i32
    %c0_i32_1 = arith.constant 0 : i32
    return %c0_i32, %c0_i32_0 : i32, i32
  }
  func.func @transform_6(%arg0: i32) -> (i32, i32) {
    %c0_i32 = arith.constant 0 : i32
    %c0_i32_0 = arith.constant 0 : i32
    %c0_i32_1 = arith.constant 0 : i32
    return %c0_i32, %c0_i32_0 : i32, i32
  }
  func.func @transform_7(%arg0: i32) -> (i32, i32) {
    %c0_i32 = arith.constant 0 : i32
    %c0_i32_0 = arith.constant 0 : i32
    %c0_i32_1 = arith.constant 0 : i32
    return %c0_i32, %c0_i32_0 : i32, i32
  }
  func.func @transform_8(%arg0: i32) -> (i32, i32) {
    %c0_i32 = arith.constant 0 : i32
    %c0_i32_0 = arith.constant 0 : i32
    %c0_i32_1 = arith.constant 0 : i32
    return %c0_i32, %c0_i32_0 : i32, i32
  }
  func.func @transform_9(%arg0: i32) -> (i32, i32) {
    %c0_i32 = arith.constant 0 : i32
    %c0_i32_0 = arith.constant 0 : i32
    %c0_i32_1 = arith.constant 0 : i32
    return %c0_i32, %c0_i32_0 : i32, i32
  }
  func.func @transform_10(%arg0: i32) -> (i32, i32) {
    %c0_i32 = arith.constant 0 : i32
    %c0_i32_0 = arith.constant 0 : i32
    %c0_i32_1 = arith.constant 0 : i32
    return %c0_i32, %c0_i32_0 : i32, i32
  }
  func.func @transform_11(%arg0: i32) -> (i32, i32) {
    %c0_i32 = arith.constant 0 : i32
    %c0_i32_0 = arith.constant 0 : i32
    %c0_i32_1 = arith.constant 0 : i32
    return %c0_i32, %c0_i32_0 : i32, i32
  }
  func.func @transform_12(%arg0: i32) -> (i32, i32) {
    %c0_i32 = arith.constant 0 : i32
    %c0_i32_0 = arith.constant 0 : i32
    %c0_i32_1 = arith.constant 0 : i32
    return %c0_i32, %c0_i32_0 : i32, i32
  }
  func.func @transform_13(%arg0: i32) -> (i32, i32) {
    %c0_i32 = arith.constant 0 : i32
    %c0_i32_0 = arith.constant 0 : i32
    %c0_i32_1 = arith.constant 0 : i32
    return %c0_i32, %c0_i32_0 : i32, i32
  }
  func.func @transform_14(%arg0: i32) -> (i32, i32) {
    %c0_i32 = arith.constant 0 : i32
    %c0_i32_0 = arith.constant 0 : i32
    return %arg0, %c0_i32 : i32, i32
  }
}

module attributes {stable_mosaic.version = 14 : i64} {
  func.func @_final_body(%arg0: i32, %arg1: memref<4000x16xf32, #tpu.memory_space<vmem>>, %arg2: memref<4000x16xf32, #tpu.memory_space<vmem>>, %arg3: memref<4000x1xf32, #tpu.memory_space<vmem>>, %arg4: memref<4000x1xf32, #tpu.memory_space<vmem>>, %arg5: memref<1x16xf32, #tpu.memory_space<vmem>>, %arg6: memref<1x16xf32, #tpu.memory_space<vmem>>, %arg7: memref<1x16xf32, #tpu.memory_space<vmem>>, %arg8: memref<4000x16xf32, #tpu.memory_space<vmem>>) attributes {dimension_semantics = [#tpu.dimension_semantics<arbitrary>], iteration_bounds = array<i64: 200>, scalar_prefetch = 0 : i64, scratch_operands = 0 : i64, tpu.core_type = #tpu.core_type<tc>, window_params = [{transform_indices = @transform_0, window_bounds = array<i64: 4000, 16>}, {transform_indices = @transform_1, window_bounds = array<i64: 4000, 16>}, {transform_indices = @transform_2, window_bounds = array<i64: 4000, 1>}, {transform_indices = @transform_3, window_bounds = array<i64: 4000, 1>}, {pipeline_mode = #tpu.pipeline_mode<synchronous>, transform_indices = @transform_4, window_bounds = array<i64: 1, 16>}, {pipeline_mode = #tpu.pipeline_mode<synchronous>, transform_indices = @transform_5, window_bounds = array<i64: 1, 16>}, {pipeline_mode = #tpu.pipeline_mode<synchronous>, transform_indices = @transform_6, window_bounds = array<i64: 1, 16>}, {transform_indices = @transform_7, window_bounds = array<i64: 4000, 16>}]} {
    %get3A = arith.constant 0 : index
    %get3A_0 = arith.constant 0 : index
    %get3A_1 = vector.load %arg3[%get3A, %get3A_0] : memref<4000x1xf32, #tpu.memory_space<vmem>>, vector<4000x1xf32>
    %get3A_2 = arith.constant 0 : index
    %get3A_3 = arith.constant 0 : index
    %get3A_4 = vector.load %arg4[%get3A_2, %get3A_3] : memref<4000x1xf32, #tpu.memory_space<vmem>>, vector<4000x1xf32>
    %add3A = arith.addf %get3A_1, %get3A_4 : vector<4000x1xf32>
    %max3A = arith.constant 1.000000e+00 : f32
    %max3A_5 = vector.broadcast %max3A : f32 to vector<4000x1xf32>
    %max3A_6 = arith.maximumf %add3A, %max3A_5 : vector<4000x1xf32>
    %get3A_7 = arith.constant 0 : index
    %get3A_8 = arith.constant 0 : index
    %get3A_9 = vector.load %arg1[%get3A_7, %get3A_8] : memref<4000x16xf32, #tpu.memory_space<vmem>>, vector<4000x16xf32>
    %get3A_10 = arith.constant 0 : index
    %get3A_11 = arith.constant 0 : index
    %get3A_12 = vector.load %arg2[%get3A_10, %get3A_11] : memref<4000x16xf32, #tpu.memory_space<vmem>>, vector<4000x16xf32>
    %div3A = vector.broadcast %max3A_6 : vector<4000x1xf32> to vector<4000x16xf32>
    %div3A_13 = arith.divf %get3A_12, %div3A : vector<4000x16xf32>
    %add3A_14 = arith.addf %get3A_9, %div3A_13 : vector<4000x16xf32>
    %get3A_15 = arith.constant 0 : index
    %get3A_16 = arith.constant 0 : index
    %get3A_17 = vector.load %arg5[%get3A_15, %get3A_16] : memref<1x16xf32, #tpu.memory_space<vmem>>, vector<1x16xf32>
    %add3A_18 = vector.broadcast %get3A_17 : vector<1x16xf32> to vector<4000x16xf32>
    %add3A_19 = arith.addf %add3A_14, %add3A_18 : vector<4000x16xf32>
    %get3A_20 = arith.constant 0 : index
    %get3A_21 = arith.constant 0 : index
    %get3A_22 = vector.load %arg6[%get3A_20, %get3A_21] : memref<1x16xf32, #tpu.memory_space<vmem>>, vector<1x16xf32>
    %get3A_23 = arith.constant 0 : index
    %get3A_24 = arith.constant 0 : index
    %get3A_25 = vector.load %arg7[%get3A_23, %get3A_24] : memref<1x16xf32, #tpu.memory_space<vmem>>, vector<1x16xf32>
    %broadcast_in_dim3A = arith.constant 6.250000e-02 : f32
    %broadcast_in_dim3A_26 = vector.broadcast %broadcast_in_dim3A : f32 to vector<16x16xf32>
    %dot_general3A = arith.constant dense<0.000000e+00> : vector<4000x16xf32>
    %dot_general3A_27 = tpu.matmul %add3A_19, %broadcast_in_dim3A_26, %dot_general3A {dimension_numbers = #tpu.dot_dimension_numbers<[1], [0], [0], [1], [0, 0, 1, 1], [], []>, transpose_lhs_hint = false} : vector<4000x16xf32>, vector<16x16xf32>, vector<4000x16xf32> -> vector<4000x16xf32>
    %sub3A = arith.subf %add3A_19, %dot_general3A_27 : vector<4000x16xf32>
    %mul3A = arith.mulf %sub3A, %sub3A : vector<4000x16xf32>
    %dot_general3A_28 = arith.constant dense<0.000000e+00> : vector<4000x16xf32>
    %dot_general3A_29 = tpu.matmul %mul3A, %broadcast_in_dim3A_26, %dot_general3A_28 {dimension_numbers = #tpu.dot_dimension_numbers<[1], [0], [0], [1], [0, 0, 1, 1], [], []>, transpose_lhs_hint = false} : vector<4000x16xf32>, vector<16x16xf32>, vector<4000x16xf32> -> vector<4000x16xf32>
    %add3A_30 = arith.constant 9.99999974E-6 : f32
    %add3A_31 = vector.broadcast %add3A_30 : f32 to vector<4000x16xf32>
    %add3A_32 = arith.addf %dot_general3A_29, %add3A_31 : vector<4000x16xf32>
    %rsqrt3A = math.rsqrt %add3A_32 : vector<4000x16xf32>
    %mul3A_33 = arith.mulf %sub3A, %rsqrt3A : vector<4000x16xf32>
    %mul3A_34 = vector.broadcast %get3A_22 : vector<1x16xf32> to vector<4000x16xf32>
    %mul3A_35 = arith.mulf %mul3A_33, %mul3A_34 : vector<4000x16xf32>
    %add3A_36 = vector.broadcast %get3A_25 : vector<1x16xf32> to vector<4000x16xf32>
    %add3A_37 = arith.addf %mul3A_35, %add3A_36 : vector<4000x16xf32>
    %swap3A = arith.constant 0 : index
    %swap3A_38 = arith.constant 0 : index
    %swap3A_39 = vector.load %arg8[%swap3A, %swap3A_38] : memref<4000x16xf32, #tpu.memory_space<vmem>>, vector<4000x16xf32>
    tpu.vector_store %arg8[%swap3A, %swap3A_38], %add3A_37 {strides = array<i32>} : memref<4000x16xf32, #tpu.memory_space<vmem>>, vector<4000x16xf32>,
    return
  }
  func.func @transform_0(%arg0: i32) -> (i32, i32) {
    %c0_i32 = arith.constant 0 : i32
    %c0_i32_0 = arith.constant 0 : i32
    return %arg0, %c0_i32 : i32, i32
  }
  func.func @transform_1(%arg0: i32) -> (i32, i32) {
    %c0_i32 = arith.constant 0 : i32
    %c0_i32_0 = arith.constant 0 : i32
    return %arg0, %c0_i32 : i32, i32
  }
  func.func @transform_2(%arg0: i32) -> (i32, i32) {
    %c0_i32 = arith.constant 0 : i32
    %c0_i32_0 = arith.constant 0 : i32
    return %arg0, %c0_i32 : i32, i32
  }
  func.func @transform_3(%arg0: i32) -> (i32, i32) {
    %c0_i32 = arith.constant 0 : i32
    %c0_i32_0 = arith.constant 0 : i32
    return %arg0, %c0_i32 : i32, i32
  }
  func.func @transform_4(%arg0: i32) -> (i32, i32) {
    %c0_i32 = arith.constant 0 : i32
    %c0_i32_0 = arith.constant 0 : i32
    %c0_i32_1 = arith.constant 0 : i32
    return %c0_i32, %c0_i32_0 : i32, i32
  }
  func.func @transform_5(%arg0: i32) -> (i32, i32) {
    %c0_i32 = arith.constant 0 : i32
    %c0_i32_0 = arith.constant 0 : i32
    %c0_i32_1 = arith.constant 0 : i32
    return %c0_i32, %c0_i32_0 : i32, i32
  }
  func.func @transform_6(%arg0: i32) -> (i32, i32) {
    %c0_i32 = arith.constant 0 : i32
    %c0_i32_0 = arith.constant 0 : i32
    %c0_i32_1 = arith.constant 0 : i32
    return %c0_i32, %c0_i32_0 : i32, i32
  }
  func.func @transform_7(%arg0: i32) -> (i32, i32) {
    %c0_i32 = arith.constant 0 : i32
    %c0_i32_0 = arith.constant 0 : i32
    return %arg0, %c0_i32 : i32, i32
  }
}

</mosaic_0001>

<sc_bundles>
// kernel: kernel.10.cloned.1.call-start
scs
__scs_entry_jumppad:
0x0: {  	(pc) =	sbr.rel $0x88, $3  }
0x1: {  	(tag) =	ssettag $0x0;
	lr =	simm.s32 $0x1  }
0x2: {  	[smem:$0x3F93] =	sst lr;
	_ =	strace $0xD0000000  }
0x3: {  	_ = 	snop  }
0x4: {  	_ = 	snop  }
0x5: {  	_ = 	snop  }
0x6: {  	_ = 	snop  }
0x7: {  	_ = 	snop  }
__scs_overlays_trampoline_lowered:
0x8: {  	[smem:$0x3FA2] =	sst s0  }
0x9: {  	[smem:$0x3FA3] =	sst s1  }
0xa: {  	[smem:$0x3FA4] =	sst s2  }
0xb: {  	[smem:$0x3FA5] =	sst s3  }
0xc: {  	[smem:$0x3FA6] =	sst s4  }
0xd: {  	[smem:$0x3FA7] =	sst s5  }
0xe: {  	[smem:$0x3FA8] =	sst s6  }
0xf: {  	[smem:$0x3FA9] =	sst s7  }
0x10: {  	[smem:$0x3FAA] =	sst s8  }
0x11: {  	[smem:$0x3FAB] =	sst s9;
	s0 =	simm.s32 @!p0 $0x0  }
0x12: {  	s1 =	sld [smem:$0x3F91];
	s0 =	simm.s32 @p0 $0x1  }
0x13: {  	[smem:$0x3FAC] =	sst s0;
	s0 =	simm.s32 @!p1 $0x0  }
0x14: {  	s2 =	sld [smem:$0x3F90];
	s0 =	simm.s32 @p1 $0x1  }
0x15: {  	[smem:$0x3FAD] =	sst s0;
	s0 =	simm.s32 @!p2 $0x0  }
0x16: {  	s3 =	sld [smem:$0x3FDB];
	s0 =	simm.s32 @p2 $0x1  }
0x17: {  	s4 =	simm.s32 $0x1BF5;
	[smem:$0x3FAF] =	sst s0  }
0x18: {  	s0 =	sld [smem:$0x3F92];
	_ =	swait.ge [sflag:s4], $0x0  }
0x19: {  	s7 =	sld [smem:$0x3F93]  }
0x1a: {  	s8 =	sadd.s32 $0xFFFFE003, lr  }
0x1b: {  	s9 =	sadd.s32 $0xFFFFFEF7, lr;
	s5 =	simm.s32 $0xFFFFFFFF;
	p2 =	slt.u32 s8, $0xFFFFF086  }
0x1c: {  	p1 =	slt.u32 s9, $0xF7A;
	s5 =	simm.s32 @!p2 $0x0  }
0x1d: {  	s5 =	simm.s32 @p1 $0x1;
	p0 =	seq.s32 s7, s2  }
0x1e: {  	s7 =	smul.u32 @!p0 $0xF7A, s2;
	p2 =	seq.s32 @!p0 s5, $0x0  }
0x1f: {  	s9 =	smul.u32 $0xF7A, s1;
	s8 =	simm.s32 @!p0 $0x1BF5;
	p2 =	por !p2, p0  }
0x20: {  	[sflag:s8] =	ssyncset.s32 @!p0 $0xFFFFF086;
	s6 =	sadd.s32 @!p0 s3, s7;
	s7 =	simm.s32 @!p0 $0x108  }
0x21: {  	s3 =	sadd.s32 s3, s9;
	s6 =	sadd.s32 @!p0 $0x88, s6;
	s7 =	simm.s32 @p2 $0x1082  }
0x22: {  	[simem:s7], [sflag:s8] =	dma.local @!p0 [hbm:s6], $0xF7A  }
0x23: {  	s9 =	sor.u32 $0xD0000000, s2;
	s6 =	simm.s32 $0x108;
	_ =	swait.ge @!p0 [sflag:s8], $0x0  }
0x24: {  	s3 =	sadd.s32 $0x88, s3;
	s6 =	simm.s32 @!p1 $0x1082;
	[sflag:s4] =	ssyncset.s32 $0xFFFFF086  }
0x25: {  	[simem:s6], [sflag:s4] =	dma.local [hbm:s3], $0xF7A  }
0x26: {  	[smem:$0x3F93] =	sst s1;
	(tag) =	ssettag s2;
	_ =	strace s9  }
0x27: {  	s1 =	sld [smem:$0x3FA3]  }
0x28: {  	s2 =	sld [smem:$0x3FA4]  }
0x29: {  	s4 =	sld [smem:$0x3FA6]  }
0x2a: {  	p0 =	seq.s32 s5, $0x0;
	s5 =	sld [smem:$0x3FA7]  }
0x2b: {  	s6 =	sld [smem:$0x3FA8]  }
0x2c: {  	s7 =	sld [smem:$0x3FA9]  }
0x2d: {  	s3 =	simm.s32 $0x108;
	s8 =	sld [smem:$0x3FAA]  }
0x2e: {  	s3 =	simm.s32 @!p0 $0x1082;
	s9 =	sld [smem:$0x3FAB]  }
0x2f: {  	lr =	sadd.s32 s0, s3;
	s0 =	sld [smem:$0x3FA2]  }
0x30: {  	s3 =	sld [smem:$0x3FA5]  }
0x31: {  	[smem:$0x3FAE] =	sst s10  }
0x32: {  	s10 =	sld [smem:$0x3FAC];
	_ =	sdelay $0x3  }
0x33: {  	p0 =	seq.s32 s10, $0x1;
	s10 =	sld [smem:$0x3FAE];
	_ =	sdelay $0x3  }
0x34: {  	[smem:$0x3FAE] =	sst s10  }
0x35: {  	s10 =	sld [smem:$0x3FAD];
	_ =	sdelay $0x3  }
0x36: {  	p1 =	seq.s32 s10, $0x1;
	s10 =	sld [smem:$0x3FAE];
	_ =	sdelay $0x3  }
0x37: {  	[smem:$0x3FAE] =	sst s10  }
0x38: {  	s10 =	sld [smem:$0x3FAF]  }
0x39: {  	_ = 	snop;
	(pc) =	sbr.ind lr, $3  }
0x3a: {  	_ = 	snop  }
0x3b: {  	_ = 	snop  }
0x3c: {  	p2 =	seq.s32 s10, $0x1;
	s10 =	sld [smem:$0x3FAE]  }
0x3d: {  	_ =	shalt  }
0x3e: {  	_ =	shalt  }
0x3f: {  	_ =	shalt  }
0x40: {  	_ =	shalt  }
0x41: {  	_ =	shalt  }
0x42: {  	_ =	shalt  }
0x43: {  	_ =	shalt  }
0x44: {  	_ =	shalt  }
0x45: {  	_ =	shalt  }
0x46: {  	_ =	shalt  }
0x47: {  	_ =	shalt  }
0x48: {  	_ =	shalt  }
0x49: {  	_ =	shalt  }
0x4a: {  	_ =	shalt  }
0x4b: {  	_ =	shalt  }
0x4c: {  	_ =	shalt  }
0x4d: {  	_ =	shalt  }
0x4e: {  	_ =	shalt  }
0x4f: {  	_ =	shalt  }
0x50: {  	_ =	shalt  }
0x51: {  	_ =	shalt  }
0x52: {  	_ =	shalt  }
0x53: {  	_ =	shalt  }
0x54: {  	_ =	shalt  }
0x55: {  	_ =	shalt  }
0x56: {  	_ =	shalt  }
0x57: {  	_ =	shalt  }
0x58: {  	_ =	shalt  }
0x59: {  	_ =	shalt  }
0x5a: {  	_ =	shalt  }
0x5b: {  	_ =	shalt  }
0x5c: {  	_ =	shalt  }
0x5d: {  	_ =	shalt  }
0x5e: {  	_ =	shalt  }
0x5f: {  	_ =	shalt  }
0x60: {  	_ =	shalt  }
0x61: {  	_ =	shalt  }
0x62: {  	_ =	shalt  }
0x63: {  	_ =	shalt  }
0x64: {  	_ =	shalt  }
0x65: {  	_ =	shalt  }
0x66: {  	_ =	shalt  }
0x67: {  	_ =	shalt  }
0x68: {  	_ =	shalt  }
0x69: {  	_ =	shalt  }
0x6a: {  	_ =	shalt  }
0x6b: {  	_ =	shalt  }
0x6c: {  	_ =	shalt  }
0x6d: {  	_ =	shalt  }
0x6e: {  	_ =	shalt  }
0x6f: {  	_ =	shalt  }
0x70: {  	_ =	shalt  }
0x71: {  	_ =	shalt  }
0x72: {  	_ =	shalt  }
0x73: {  	_ =	shalt  }
0x74: {  	_ =	shalt  }
0x75: {  	_ =	shalt  }
0x76: {  	_ =	shalt  }
0x77: {  	_ =	shalt  }
0x78: {  	_ =	shalt  }
0x79: {  	_ =	shalt  }
0x7a: {  	_ =	shalt  }
0x7b: {  	_ =	shalt  }
0x7c: {  	_ =	shalt  }
0x7d: {  	_ =	shalt  }
0x7e: {  	_ =	shalt  }
0x7f: {  	_ =	shalt  }
0x80: {  	_ =	shalt  }
0x81: {  	_ =	shalt  }
0x82: {  	_ =	shalt  }
0x83: {  	_ =	shalt  }
0x84: {  	_ =	shalt  }
0x85: {  	_ =	shalt  }
0x86: {  	_ =	shalt  }
0x87: {  	_ =	shalt  }
.Lfunc_end0:
.L_simem_size_0:
called_computation.1_lowered:
.L_overlay_start_0:
0x88: {  	s2 =	sld [smem:$0x3FD9]  }
0x89: {  	s3 =	sld [smem:$0x3FFE];
	_ =	sdelay $0x1  }
0x8a: {  	s1 =	srdreg.scid  }
0x8b: {  	s0 =	sand.u32 $0x1, s1  }
0x8c: {  	s17 =	sshll.u32 s0, $0xA;
	s2 =	sadd.s32 s3, s2  }
0x8d: {  	s2 =	sadd.s32 s2, s17  }
0x8e: {  	[smem:$0x3FBA] =	sst s2  }
0x8f: {  	_ = 	snop  }
0x90: {  	(tm) =	ssettm $0x1  }
0x91: {  	s18 =	sld [smem:$0x3FFB];
	_ =	sdelay $0x3  }
0x92: {  	_ =	strace s18  }
0x93: {  	s2 =	sld [smem:$0x3FFC];
	_ =	sdelay $0x3  }
0x94: {  	_ =	strace s2  }
0x95: {  	s2 =	sld [smem:$0x3FFD];
	_ =	sdelay $0x3  }
0x96: {  	_ =	strace s2  }
0x97: {  	_ =	strace $0x8FFFFFFF  }
0x98: {  	s19 =	sld [smem:$0x3FDB];
	_ =	sdelay $0x1  }
0x99: {  	s20 =	simm.s32 $_scs_section_size  }
0x9a: {  	s4 =	simm.s32 $_size__tile_overlayer_lowered;
	s5 =	simm.s32 $_tile_overlayer_lowered  }
0x9b: {  	s6 =	simm.s32 $0x1BFF;
	s21 =	sshll.u32 s5, $0x1;
	s3 =	sadd.s32 s20, s19  }
0x9c: {  	s22 =	simm.s32 $0x0;
	s4 =	sshll.u32 s4, $0x1;
	s5 =	sadd.s32 s21, s3  }
0x9d: {  	[timem:s22], [sflag:s6] =	dma.local [hbm:s5], s4  }
0x9e: {  	_ =	swait.ge [sflag:s6], s4  }
0x9f: {  	s4 =	ssub.s32 $0x0, s4;
	[sflag:s6] =	ssyncset.done $0x0  }
0xa0: {  	[sflag:s6] =	ssyncadd.s32 s4;
	_ =	sdelay $0x1  }
0xa1: {  	s23 =	simm.s32 $0x1B8B  }
0xa2: {  	_ =	swait.ge [sflag:s23], $0x1  }
0xa3: {  	[sflag:s23] =	ssyncset.done $0x0  }
0xa4: {  	[sflag:s23] =	ssyncadd.s32 $0xFFFFFFFF  }
0xa5: {  	s4 =	sld [smem:$0x0]  }
0xa6: {  	s5 =	sand.u32 $0xFFFFFFFE, s1  }
0xa7: {  	p0 =	sne.s32 s1, s5  }
0xa8: {  	s5 =	sshll.u32 @p0 s5, $0xE  }
0xa9: {  	s5 =	sadd.s32 @p0 $0x11B8D, s5;
	s6 =	sshll.u32 @p0 s4, $0x11  }
0xaa: {  	s5 =	sor.u32 @p0 s6, s5  }
0xab: {  	[sflag:s5] =	ssyncadd.remote.s32 @p0 $0x1;
	_ =	sdelay $0x1  }
0xac: {  	s5 =	simm.s32 @p0 $0x1B8D  }
0xad: {  	_ =	swait.eq @p0 [sflag:s5], $0x1  }
0xae: {  	[sflag:s5] =	ssyncadd.s32 @p0 $0xFFFFFFFF  }
0xaf: {  	s6 =	sshll.u32 @!p0 s1, $0xE  }
0xb0: {  	s6 =	sor.u32 @!p0 $0x4000, s6;
	s5 =	simm.s32 @!p0 $0x1B8D  }
0xb1: {  	s4 =	sshll.u32 @!p0 s4, $0x11;
	s6 =	sadd.s32 @!p0 $0x11B8D, s6;
	_ =	swait.eq @!p0 [sflag:s5], $0x1  }
0xb2: {  	s4 =	sor.u32 @!p0 s4, s6;
	[sflag:s5] =	ssyncadd.s32 @!p0 $0xFFFFFFFF  }
0xb3: {  	s25 =	simm.s32 $0x1B8E;
	s24 =	sld [smem:$0x3FFE];
	[sflag:s4] =	ssyncadd.remote.s32 @!p0 $0x1  }
0xb4: {  	s26 =	simm.s32 $execute0_lowered;
	[smem:$0x3FD2] =	sst s25  }
0xb5: {  	s5 =	sshll.u32 s26, $0x1;
	_ =	strace $0x80000049;
	[dreg:$0x1] =	wrdreg $0xFFFFFFFF  }
0xb6: {  	s28 =	simm.s32 $_size_execute0_lowered;
	s3 =	sadd.s32 s3, s5;
	[dreg:$0x0] =	wrdreg $0x0  }
0xb7: {  	s5 =	sshll.u32 s28, $0x1;
	[dreg:$0x2] =	wrdreg s3  }
0xb8: {  	[dreg:$0x3] =	wrdreg s5  }
0xb9: {  	[dreg:$0x4] =	wrdreg $0xC0  }
0xba: {  	_ =	task [dreg:s22], $0x5FFFF  }
0xbb: {  	[dreg:$0x1] =	wrdreg $0xFFFFFFFF  }
0xbc: {  	[dreg:$0x0] =	wrdreg $0x60  }
0xbd: {  	[dreg:$0x2] =	wrdreg s24  }
0xbe: {  	[dreg:$0x3] =	wrdreg $0x36B00  }
0xbf: {  	[dreg:$0x4] =	wrdreg $0x9  }
0xc0: {  	_ =	task.clear_ibuf [dreg:s22], $0x5FFFF;
	_ =	strace $0x90000049  }
0xc1: {  	s29 =	simm.s32 $0x9;
	_ =	strace $0x8000004B  }
0xc2: {  	_ =	swait.ge [sflag:s29], $0x1  }
0xc3: {  	[sflag:s29] =	ssyncadd.s32 $0xFFFFFFFF  }
0xc4: {  	_ =	strace $0x9000004B  }
0xc5: {  	_ =	sfence  }
0xc6: {  	s30 =	sld [smem:$0x0];
	_ =	sdelay $0x2  }
0xc7: {  	s31 =	sshll.u32 s1, $0xD;
	s1 =	sshrl.u32 s1, $0x2  }
0xc8: {  	s4 =	sand.u32 $0x4000, s31;
	s1 =	sadd.s32 s1, s30  }
0xc9: {  	s0 =	sor.u32 s4, s0;
	s1 =	sshll.u32 s1, $0x11  }
0xca: {  	s0 =	sor.u32 s1, s0  }
0xcb: {  	s0 =	sadd.s32 $0x8F2B, s0  }
0xcc: {  	[sflag:s0] =	ssyncadd.remote.s32 $0x1  }
0xcd: {  	_ =	sfence.sel $0xFFFF  }
0xce: {  	[dreg:$0x0] =	wrdreg $0xFFFFFFFF;
	(pc) =	sbr.abs _section_cstart, $3  }
0xcf: {  	[dreg:$0x1] =	wrdreg $0xFFFFFFFF  }
0xd0: {  	_ =	task.clear_ibuf [dreg:s22], $0x2FFFF;
	_ =	strace $0x9FFFFFFF  }
0xd1: {  	(tm) =	ssettm $0x7FFFFFFF  }
tec
execute0_lowered:
.L_overlay_start_1:
0x0: {  	(tag) =	ssettag $0x1  }
0x1: {  	s0 =	rddreg [dreg:$0x0]  }
0x2: {  	s2 =	rddreg [dreg:$0x1];
	s1 =	srdreg.scid  }
0x3: {  	s3 =	stileid.u32;
	s9 =	simm.s32 $0x1;
	s10 =	simm.s32 $0x7D0  }
0x4: {  	s1 =	sand.u32 $0x1, s1;
	s4 =	sshll.u32 s3, $0x1;
	s5 =	smul.u32 $0xC350, s3  }
0x5: {  	s3 =	simm.s32 $0x0;
	s4 =	sor.u32 s1, s4;
	s6 =	smul.u32 $0xC3500, s1  }
0x6: {  	s11 =	simm.s32 $0x0;
	[smem:$0x7FF] =	sst s3;
	s4 =	smul.u32 $0xC350, s4  }
0x7: {  	s1 =	ssub.s32 $0x2, s1;
	_ =	strace $0x8000004A;
	s6 =	sadd.s32 s5, s6  }
0x8: {  	s7 =	sshrl.u32 s1, $0x1;
	s4 =	sshrl.u32 s4, $0x3;
	s6 =	sshrl.u32 s6, $0x3  }
0x9: {  	s1 =	ssub.s32 s1, s7;
	s8 =	sadd.s32 s4, s0;
	s0 =	sadd.s32 s6, s0  }
0xa: {  	s4 =	sadd.s32 s5, s2;
	s18 =	sadd.s32 $0x34000, s8;
	s19 =	sadd.s32 $0x340FA, s8  }
0xb: {  	s20 =	sadd.s32 $0x341F4, s8;
	s21 =	sadd.s32 $0x342EE, s8;
	s22 =	sadd.s32 $0x343E8, s8  }
0xc: {  	s23 =	sadd.s32 $0x344E2, s8;
	s24 =	sadd.s32 $0x345DC, s8;
	[dreg:$0x3] =	wrdreg s18  }
0xd: {  	s25 =	sadd.s32 $0x346D6, s8;
	s26 =	sadd.s32 $0x347D0, s8;
	[dreg:$0x4] =	wrdreg s19  }
0xe: {  	s14 =	sadd.s32 $0x348CA, s8;
	s15 =	sadd.s32 $0x349C4, s8;
	[dreg:$0x5] =	wrdreg s20  }
0xf: {  	s16 =	sadd.s32 $0x34ABE, s8;
	s17 =	sadd.s32 $0x34BB8, s8;
	[dreg:$0x6] =	wrdreg s21  }
0x10: {  	s28 =	sadd.s32 $0x3557C, s8;
	s29 =	sadd.s32 $0x35676, s8;
	[dreg:$0x7] =	wrdreg s22  }
0x11: {  	s30 =	sadd.s32 $0x35770, s8;
	s31 =	sadd.s32 $0x12B4600, s0;
	[dreg:$0x8] =	wrdreg s23  }
0x12: {  	s0 =	smax.u32 s1, $0x1;
	s1 =	sadd.s32 $0x2710, s4;
	[dreg:$0x9] =	wrdreg s24  }
0x13: {  	s5 =	sadd.s32 $0x4E20, s4;
	s6 =	sadd.s32 $0x7530, s4;
	[dreg:$0xa] =	wrdreg s25  }
0x14: {  	s7 =	sadd.s32 $0x9C40, s4;
	[dreg:$0xb] =	wrdreg s26;
	s18 =	sadd.s32 $0x34CB2, s8  }
0x15: {  	s19 =	sadd.s32 $0x34DAC, s8;
	s20 =	sadd.s32 $0x34EA6, s8;
	s21 =	sadd.s32 $0x34FA0, s8  }
0x16: {  	s22 =	sadd.s32 $0x3509A, s8;
	s23 =	sadd.s32 $0x35194, s8;
	s24 =	sadd.s32 $0x3528E, s8  }
0x17: {  	v0 =	vimm.f32 $1.000000000e+00;
	v1 =	vimm.f32 $0.0e+00;
	s25 =	sadd.s32 $0x35388, s8;
	s26 =	sadd.s32 $0x35482, s8;
	s8 =	simm.s32 $0xFA0  }
.LBB2_1:
0x18: {  	s12 =	simm.s32 $0x0  }
.LBB2_2:
0x19: {  	p0 =	sne.s32 s12, $0x1F00  }
.Ltmp0:
0x1a: {  	_ = 	snop;
	(pc) =	sbr.rel @p0 .LBB2_2-.Ltmp0, $3  }
0x1b: {  	_ =	sdelay $0x1  }
0x1c: {  	s13 =	sshra.s32 s12, $0x2  }
0x1d: {  	s12 =	sadd.s32 $0x40, s12;
	[tilespmem:s13+$0x7D0] =	vst v0  }
0x1e: {  	s12 =	simm.s32 $0x40;
	s13 =	simm.s32 $0x0  }
.LBB2_4:
0x1f: {  	p0 =	sne.s32 s12, $0x9C00;
	[tilespmem:s13+$0xFA0] =	vst v1;
	s13 =	smov.u32 s12;
	s12 =	sadd.s32 $0x40, s12  }
.Ltmp1:
0x20: {  	(pc) =	sbr.rel @p0 .LBB2_4-.Ltmp1, $2  }
0x21: {  	_ =	sdelay $0x2  }
0x22: {  	s13 =	sshra.s32 s13, $0x2  }
0x23: {  	[tilespmem:s13+$0xFA0] =	vst v1  }
0x24: {  	[spmem:s4] =	stream.linear.scatter [tilespmem:s8], [sflag:$0x1], $0x2710, $0x38;
	[tilespmem:$0xFA00] =	vst v63  }
0x25: {  	_ =	swait.ge [sflag:s9], $0x2710  }
0x26: {  	[sflag:s9] =	ssyncset.done $0x0  }
0x27: {  	[sflag:s9] =	ssyncadd.s32 $0xFFFFD8F0  }
0x28: {  	[spmem:s1] =	stream.linear.scatter [tilespmem:s8], [sflag:$0x1], $0x2710, $0x38;
	[tilespmem:$0xFA00] =	vst v63  }
0x29: {  	_ =	swait.ge [sflag:s9], $0x2710  }
0x2a: {  	[sflag:s9] =	ssyncset.done $0x0  }
0x2b: {  	[sflag:s9] =	ssyncadd.s32 $0xFFFFD8F0  }
0x2c: {  	[spmem:s5] =	stream.linear.scatter [tilespmem:s8], [sflag:$0x1], $0x2710, $0x38;
	[tilespmem:$0xFA00] =	vst v63  }
0x2d: {  	_ =	swait.ge [sflag:s9], $0x2710  }
0x2e: {  	[sflag:s9] =	ssyncset.done $0x0  }
0x2f: {  	[sflag:s9] =	ssyncadd.s32 $0xFFFFD8F0  }
0x30: {  	[spmem:s6] =	stream.linear.scatter [tilespmem:s8], [sflag:$0x1], $0x2710, $0x38;
	[tilespmem:$0xFA00] =	vst v63  }
0x31: {  	_ =	swait.ge [sflag:s9], $0x2710  }
0x32: {  	[sflag:s9] =	ssyncset.done $0x0  }
0x33: {  	[sflag:s9] =	ssyncadd.s32 $0xFFFFD8F0  }
0x34: {  	[spmem:s7] =	stream.linear.scatter [tilespmem:s8], [sflag:$0x1], $0x2710, $0x38;
	[tilespmem:$0xFA00] =	vst v63  }
0x35: {  	_ =	swait.ge [sflag:s9], $0x2710  }
0x36: {  	[sflag:s9] =	ssyncset.done $0x0  }
0x37: {  	[sflag:s9] =	ssyncadd.s32 $0xFFFFD8F0  }
0x38: {  	[bflag:$0x0] =	sbarrier.arrive $0xFFFF  }
0x39: {  	s12 =	rddreg [dreg:$0x3]  }
0x3a: {  	[tilespmem:s3], [sflag:$0x1] =	stream.linear.gather [hbm4b:s12+s3], $0x7D0, $0x38;
	[tilespmem:$0xFA00] =	vst v63  }
0x3b: {  	_ =	swait.ge [sflag:s9], $0x7D0  }
0x3c: {  	[sflag:s9] =	ssyncset.done $0x0  }
0x3d: {  	[sflag:s9] =	ssyncadd.s32 $0xFFFFF830  }
0x3e: {  	[spmem:s2] =	stream.indirect.scatter.add.f32 [tilespmem:s10], [sflag:$0x1], $0x1, s3, s10, $0xb8;
	[tilespmem:$0xFA00] =	vst v63  }
0x3f: {  	_ =	swait.ge [sflag:s9], $0x7D0  }
0x40: {  	[sflag:s9] =	ssyncset.done $0x0  }
0x41: {  	s13 =	rddreg [dreg:$0x4];
	[sflag:s9] =	ssyncadd.s32 $0xFFFFF830  }
0x42: {  	[tilespmem:s3], [sflag:$0x1] =	stream.linear.gather [hbm4b:s13+s3], $0x7D0, $0x38;
	[tilespmem:$0xFA00] =	vst v63  }
0x43: {  	_ =	swait.ge [sflag:s9], $0x7D0  }
0x44: {  	[sflag:s9] =	ssyncset.done $0x0  }
0x45: {  	[sflag:s9] =	ssyncadd.s32 $0xFFFFF830  }
0x46: {  	[spmem:s2] =	stream.indirect.scatter.add.f32 [tilespmem:s10], [sflag:$0x1], $0x1, s3, s10, $0xb8;
	[tilespmem:$0xFA00] =	vst v63  }
0x47: {  	_ =	swait.ge [sflag:s9], $0x7D0  }
0x48: {  	[sflag:s9] =	ssyncset.done $0x0  }
0x49: {  	s13 =	rddreg [dreg:$0x5];
	[sflag:s9] =	ssyncadd.s32 $0xFFFFF830  }
0x4a: {  	[tilespmem:s3], [sflag:$0x1] =	stream.linear.gather [hbm4b:s13+s3], $0x7D0, $0x38;
	[tilespmem:$0xFA00] =	vst v63  }
0x4b: {  	_ =	swait.ge [sflag:s9], $0x7D0  }
0x4c: {  	[sflag:s9] =	ssyncset.done $0x0  }
0x4d: {  	[sflag:s9] =	ssyncadd.s32 $0xFFFFF830  }
0x4e: {  	[spmem:s2] =	stream.indirect.scatter.add.f32 [tilespmem:s10], [sflag:$0x1], $0x1, s3, s10, $0xb8;
	[tilespmem:$0xFA00] =	vst v63  }
0x4f: {  	_ =	swait.ge [sflag:s9], $0x7D0  }
0x50: {  	[sflag:s9] =	ssyncset.done $0x0  }
0x51: {  	s13 =	rddreg [dreg:$0x6];
	[sflag:s9] =	ssyncadd.s32 $0xFFFFF830  }
0x52: {  	[tilespmem:s3], [sflag:$0x1] =	stream.linear.gather [hbm4b:s13+s3], $0x7D0, $0x38;
	[tilespmem:$0xFA00] =	vst v63  }
0x53: {  	_ =	swait.ge [sflag:s9], $0x7D0  }
0x54: {  	[sflag:s9] =	ssyncset.done $0x0  }
0x55: {  	[sflag:s9] =	ssyncadd.s32 $0xFFFFF830  }
0x56: {  	[spmem:s2] =	stream.indirect.scatter.add.f32 [tilespmem:s10], [sflag:$0x1], $0x1, s3, s10, $0xb8;
	[tilespmem:$0xFA00] =	vst v63  }
0x57: {  	_ =	swait.ge [sflag:s9], $0x7D0  }
0x58: {  	[sflag:s9] =	ssyncset.done $0x0  }
0x59: {  	s13 =	rddreg [dreg:$0x7];
	[sflag:s9] =	ssyncadd.s32 $0xFFFFF830  }
0x5a: {  	[tilespmem:s3], [sflag:$0x1] =	stream.linear.gather [hbm4b:s13+s3], $0x7D0, $0x38;
	[tilespmem:$0xFA00] =	vst v63  }
0x5b: {  	_ =	swait.ge [sflag:s9], $0x7D0  }
0x5c: {  	[sflag:s9] =	ssyncset.done $0x0  }
0x5d: {  	[sflag:s9] =	ssyncadd.s32 $0xFFFFF830  }
0x5e: {  	[spmem:s2] =	stream.indirect.scatter.add.f32 [tilespmem:s10], [sflag:$0x1], $0x1, s3, s10, $0xb8;
	[tilespmem:$0xFA00] =	vst v63  }
0x5f: {  	_ =	swait.ge [sflag:s9], $0x7D0  }
0x60: {  	[sflag:s9] =	ssyncset.done $0x0  }
0x61: {  	s13 =	rddreg [dreg:$0x8];
	[sflag:s9] =	ssyncadd.s32 $0xFFFFF830  }
0x62: {  	[tilespmem:s3], [sflag:$0x1] =	stream.linear.gather [hbm4b:s13+s3], $0x7D0, $0x38;
	[tilespmem:$0xFA00] =	vst v63  }
0x63: {  	_ =	swait.ge [sflag:s9], $0x7D0  }
0x64: {  	[sflag:s9] =	ssyncset.done $0x0  }
0x65: {  	[sflag:s9] =	ssyncadd.s32 $0xFFFFF830  }
0x66: {  	[spmem:s2] =	stream.indirect.scatter.add.f32 [tilespmem:s10], [sflag:$0x1], $0x1, s3, s10, $0xb8;
	[tilespmem:$0xFA00] =	vst v63  }
0x67: {  	_ =	swait.ge [sflag:s9], $0x7D0  }
0x68: {  	[sflag:s9] =	ssyncset.done $0x0  }
0x69: {  	s13 =	rddreg [dreg:$0x9];
	[sflag:s9] =	ssyncadd.s32 $0xFFFFF830  }
0x6a: {  	[tilespmem:s3], [sflag:$0x1] =	stream.linear.gather [hbm4b:s13+s3], $0x7D0, $0x38;
	[tilespmem:$0xFA00] =	vst v63  }
0x6b: {  	_ =	swait.ge [sflag:s9], $0x7D0  }
0x6c: {  	[sflag:s9] =	ssyncset.done $0x0  }
0x6d: {  	[sflag:s9] =	ssyncadd.s32 $0xFFFFF830  }
0x6e: {  	[spmem:s2] =	stream.indirect.scatter.add.f32 [tilespmem:s10], [sflag:$0x1], $0x1, s3, s10, $0xb8;
	[tilespmem:$0xFA00] =	vst v63  }
0x6f: {  	_ =	swait.ge [sflag:s9], $0x7D0  }
0x70: {  	[sflag:s9] =	ssyncset.done $0x0  }
0x71: {  	s13 =	rddreg [dreg:$0xa];
	[sflag:s9] =	ssyncadd.s32 $0xFFFFF830  }
0x72: {  	[tilespmem:s3], [sflag:$0x1] =	stream.linear.gather [hbm4b:s13+s3], $0x7D0, $0x38;
	[tilespmem:$0xFA00] =	vst v63  }
0x73: {  	_ =	swait.ge [sflag:s9], $0x7D0  }
0x74: {  	[sflag:s9] =	ssyncset.done $0x0  }
0x75: {  	[sflag:s9] =	ssyncadd.s32 $0xFFFFF830  }
0x76: {  	[spmem:s2] =	stream.indirect.scatter.add.f32 [tilespmem:s10], [sflag:$0x1], $0x1, s3, s10, $0xb8;
	[tilespmem:$0xFA00] =	vst v63  }
0x77: {  	_ =	swait.ge [sflag:s9], $0x7D0  }
0x78: {  	[sflag:s9] =	ssyncset.done $0x0  }
0x79: {  	s13 =	rddreg [dreg:$0xb];
	[sflag:s9] =	ssyncadd.s32 $0xFFFFF830  }
0x7a: {  	[tilespmem:s3], [sflag:$0x1] =	stream.linear.gather [hbm4b:s13+s3], $0x7D0, $0x38;
	[tilespmem:$0xFA00] =	vst v63  }
0x7b: {  	_ =	swait.ge [sflag:s9], $0x7D0  }
0x7c: {  	[sflag:s9] =	ssyncset.done $0x0  }
0x7d: {  	[sflag:s9] =	ssyncadd.s32 $0xFFFFF830  }
0x7e: {  	[spmem:s2] =	stream.indirect.scatter.add.f32 [tilespmem:s10], [sflag:$0x1], $0x1, s3, s10, $0xb8;
	[tilespmem:$0xFA00] =	vst v63  }
0x7f: {  	_ =	swait.ge [sflag:s9], $0x7D0  }
0x80: {  	[sflag:s9] =	ssyncset.done $0x0  }
0x81: {  	[sflag:s9] =	ssyncadd.s32 $0xFFFFF830  }
0x82: {  	[tilespmem:s3], [sflag:$0x1] =	stream.linear.gather [hbm4b:s14+s3], $0x7D0, $0x38;
	[tilespmem:$0xFA00] =	vst v63  }
0x83: {  	_ =	swait.ge [sflag:s9], $0x7D0  }
0x84: {  	[sflag:s9] =	ssyncset.done $0x0  }
0x85: {  	[sflag:s9] =	ssyncadd.s32 $0xFFFFF830  }
0x86: {  	[spmem:s2] =	stream.indirect.scatter.add.f32 [tilespmem:s10], [sflag:$0x1], $0x1, s3, s10, $0xb8;
	[tilespmem:$0xFA00] =	vst v63  }
0x87: {  	_ =	swait.ge [sflag:s9], $0x7D0  }
0x88: {  	[sflag:s9] =	ssyncset.done $0x0  }
0x89: {  	[sflag:s9] =	ssyncadd.s32 $0xFFFFF830  }
0x8a: {  	[tilespmem:s3], [sflag:$0x1] =	stream.linear.gather [hbm4b:s15+s3], $0x7D0, $0x38;
	[tilespmem:$0xFA00] =	vst v63  }
0x8b: {  	_ =	swait.ge [sflag:s9], $0x7D0  }
0x8c: {  	[sflag:s9] =	ssyncset.done $0x0  }
0x8d: {  	[sflag:s9] =	ssyncadd.s32 $0xFFFFF830  }
0x8e: {  	[spmem:s2] =	stream.indirect.scatter.add.f32 [tilespmem:s10], [sflag:$0x1], $0x1, s3, s10, $0xb8;
	[tilespmem:$0xFA00] =	vst v63  }
0x8f: {  	_ =	swait.ge [sflag:s9], $0x7D0  }
0x90: {  	[sflag:s9] =	ssyncset.done $0x0  }
0x91: {  	[sflag:s9] =	ssyncadd.s32 $0xFFFFF830  }
0x92: {  	[tilespmem:s3], [sflag:$0x1] =	stream.linear.gather [hbm4b:s16+s3], $0x7D0, $0x38;
	[tilespmem:$0xFA00] =	vst v63  }
0x93: {  	_ =	swait.ge [sflag:s9], $0x7D0  }
0x94: {  	[sflag:s9] =	ssyncset.done $0x0  }
0x95: {  	[sflag:s9] =	ssyncadd.s32 $0xFFFFF830  }
0x96: {  	[spmem:s2] =	stream.indirect.scatter.add.f32 [tilespmem:s10], [sflag:$0x1], $0x1, s3, s10, $0xb8;
	[tilespmem:$0xFA00] =	vst v63  }
0x97: {  	_ =	swait.ge [sflag:s9], $0x7D0  }
0x98: {  	[sflag:s9] =	ssyncset.done $0x0  }
0x99: {  	[sflag:s9] =	ssyncadd.s32 $0xFFFFF830  }
0x9a: {  	[tilespmem:s3], [sflag:$0x1] =	stream.linear.gather [hbm4b:s17+s3], $0x7D0, $0x38;
	[tilespmem:$0xFA00] =	vst v63  }
0x9b: {  	_ =	swait.ge [sflag:s9], $0x7D0  }
0x9c: {  	[sflag:s9] =	ssyncset.done $0x0  }
0x9d: {  	[sflag:s9] =	ssyncadd.s32 $0xFFFFF830  }
0x9e: {  	[spmem:s2] =	stream.indirect.scatter.add.f32 [tilespmem:s10], [sflag:$0x1], $0x1, s3, s10, $0xb8;
	[tilespmem:$0xFA00] =	vst v63  }
0x9f: {  	_ =	swait.ge [sflag:s9], $0x7D0  }
0xa0: {  	[sflag:s9] =	ssyncset.done $0x0  }
0xa1: {  	[sflag:s9] =	ssyncadd.s32 $0xFFFFF830  }
0xa2: {  	[tilespmem:s3], [sflag:$0x1] =	stream.linear.gather [hbm4b:s18+s3], $0x7D0, $0x38;
	[tilespmem:$0xFA00] =	vst v63  }
0xa3: {  	_ =	swait.ge [sflag:s9], $0x7D0  }
0xa4: {  	[sflag:s9] =	ssyncset.done $0x0  }
0xa5: {  	[sflag:s9] =	ssyncadd.s32 $0xFFFFF830  }
0xa6: {  	[spmem:s2] =	stream.indirect.scatter.add.f32 [tilespmem:s10], [sflag:$0x1], $0x1, s3, s10, $0xb8;
	[tilespmem:$0xFA00] =	vst v63  }
0xa7: {  	_ =	swait.ge [sflag:s9], $0x7D0  }
0xa8: {  	[sflag:s9] =	ssyncset.done $0x0  }
0xa9: {  	[sflag:s9] =	ssyncadd.s32 $0xFFFFF830  }
0xaa: {  	[tilespmem:s3], [sflag:$0x1] =	stream.linear.gather [hbm4b:s19+s3], $0x7D0, $0x38;
	[tilespmem:$0xFA00] =	vst v63  }
0xab: {  	_ =	swait.ge [sflag:s9], $0x7D0  }
0xac: {  	[sflag:s9] =	ssyncset.done $0x0  }
0xad: {  	[sflag:s9] =	ssyncadd.s32 $0xFFFFF830  }
0xae: {  	[spmem:s2] =	stream.indirect.scatter.add.f32 [tilespmem:s10], [sflag:$0x1], $0x1, s3, s10, $0xb8;
	[tilespmem:$0xFA00] =	vst v63  }
0xaf: {  	_ =	swait.ge [sflag:s9], $0x7D0  }
0xb0: {  	[sflag:s9] =	ssyncset.done $0x0  }
0xb1: {  	[sflag:s9] =	ssyncadd.s32 $0xFFFFF830  }
0xb2: {  	[tilespmem:s3], [sflag:$0x1] =	stream.linear.gather [hbm4b:s20+s3], $0x7D0, $0x38;
	[tilespmem:$0xFA00] =	vst v63  }
0xb3: {  	_ =	swait.ge [sflag:s9], $0x7D0  }
0xb4: {  	[sflag:s9] =	ssyncset.done $0x0  }
0xb5: {  	[sflag:s9] =	ssyncadd.s32 $0xFFFFF830  }
0xb6: {  	[spmem:s2] =	stream.indirect.scatter.add.f32 [tilespmem:s10], [sflag:$0x1], $0x1, s3, s10, $0xb8;
	[tilespmem:$0xFA00] =	vst v63  }
0xb7: {  	_ =	swait.ge [sflag:s9], $0x7D0  }
0xb8: {  	[sflag:s9] =	ssyncset.done $0x0  }
0xb9: {  	[sflag:s9] =	ssyncadd.s32 $0xFFFFF830  }
0xba: {  	[tilespmem:s3], [sflag:$0x1] =	stream.linear.gather [hbm4b:s21+s3], $0x7D0, $0x38;
	[tilespmem:$0xFA00] =	vst v63  }
0xbb: {  	_ =	swait.ge [sflag:s9], $0x7D0  }
0xbc: {  	[sflag:s9] =	ssyncset.done $0x0  }
0xbd: {  	[sflag:s9] =	ssyncadd.s32 $0xFFFFF830  }
0xbe: {  	[spmem:s2] =	stream.indirect.scatter.add.f32 [tilespmem:s10], [sflag:$0x1], $0x1, s3, s10, $0xb8;
	[tilespmem:$0xFA00] =	vst v63  }
0xbf: {  	_ =	swait.ge [sflag:s9], $0x7D0  }
0xc0: {  	[sflag:s9] =	ssyncset.done $0x0  }
0xc1: {  	[sflag:s9] =	ssyncadd.s32 $0xFFFFF830  }
0xc2: {  	[tilespmem:s3], [sflag:$0x1] =	stream.linear.gather [hbm4b:s22+s3], $0x7D0, $0x38;
	[tilespmem:$0xFA00] =	vst v63  }
0xc3: {  	_ =	swait.ge [sflag:s9], $0x7D0  }
0xc4: {  	[sflag:s9] =	ssyncset.done $0x0  }
0xc5: {  	[sflag:s9] =	ssyncadd.s32 $0xFFFFF830  }
0xc6: {  	[spmem:s2] =	stream.indirect.scatter.add.f32 [tilespmem:s10], [sflag:$0x1], $0x1, s3, s10, $0xb8;
	[tilespmem:$0xFA00] =	vst v63  }
0xc7: {  	_ =	swait.ge [sflag:s9], $0x7D0  }
0xc8: {  	[sflag:s9] =	ssyncset.done $0x0  }
0xc9: {  	[sflag:s9] =	ssyncadd.s32 $0xFFFFF830  }
0xca: {  	[tilespmem:s3], [sflag:$0x1] =	stream.linear.gather [hbm4b:s23+s3], $0x7D0, $0x38;
	[tilespmem:$0xFA00] =	vst v63  }
0xcb: {  	_ =	swait.ge [sflag:s9], $0x7D0  }
0xcc: {  	[sflag:s9] =	ssyncset.done $0x0  }
0xcd: {  	[sflag:s9] =	ssyncadd.s32 $0xFFFFF830  }
0xce: {  	[spmem:s2] =	stream.indirect.scatter.add.f32 [tilespmem:s10], [sflag:$0x1], $0x1, s3, s10, $0xb8;
	[tilespmem:$0xFA00] =	vst v63  }
0xcf: {  	_ =	swait.ge [sflag:s9], $0x7D0  }
0xd0: {  	[sflag:s9] =	ssyncset.done $0x0  }
0xd1: {  	[sflag:s9] =	ssyncadd.s32 $0xFFFFF830  }
0xd2: {  	[tilespmem:s3], [sflag:$0x1] =	stream.linear.gather [hbm4b:s24+s3], $0x7D0, $0x38;
	[tilespmem:$0xFA00] =	vst v63  }
0xd3: {  	_ =	swait.ge [sflag:s9], $0x7D0  }
0xd4: {  	[sflag:s9] =	ssyncset.done $0x0  }
0xd5: {  	[sflag:s9] =	ssyncadd.s32 $0xFFFFF830  }
0xd6: {  	[spmem:s2] =	stream.indirect.scatter.add.f32 [tilespmem:s10], [sflag:$0x1], $0x1, s3, s10, $0xb8;
	[tilespmem:$0xFA00] =	vst v63  }
0xd7: {  	_ =	swait.ge [sflag:s9], $0x7D0  }
0xd8: {  	[sflag:s9] =	ssyncset.done $0x0  }
0xd9: {  	[sflag:s9] =	ssyncadd.s32 $0xFFFFF830  }
0xda: {  	[tilespmem:s3], [sflag:$0x1] =	stream.linear.gather [hbm4b:s25+s3], $0x7D0, $0x38;
	[tilespmem:$0xFA00] =	vst v63  }
0xdb: {  	_ =	swait.ge [sflag:s9], $0x7D0  }
0xdc: {  	[sflag:s9] =	ssyncset.done $0x0  }
0xdd: {  	[sflag:s9] =	ssyncadd.s32 $0xFFFFF830  }
0xde: {  	[spmem:s2] =	stream.indirect.scatter.add.f32 [tilespmem:s10], [sflag:$0x1], $0x1, s3, s10, $0xb8;
	[tilespmem:$0xFA00] =	vst v63  }
0xdf: {  	_ =	swait.ge [sflag:s9], $0x7D0  }
0xe0: {  	[sflag:s9] =	ssyncset.done $0x0  }
0xe1: {  	[sflag:s9] =	ssyncadd.s32 $0xFFFFF830  }
0xe2: {  	[tilespmem:s3], [sflag:$0x1] =	stream.linear.gather [hbm4b:s26+s3], $0x7D0, $0x38;
	[tilespmem:$0xFA00] =	vst v63  }
0xe3: {  	_ =	swait.ge [sflag:s9], $0x7D0  }
0xe4: {  	[sflag:s9] =	ssyncset.done $0x0  }
0xe5: {  	[sflag:s9] =	ssyncadd.s32 $0xFFFFF830  }
0xe6: {  	[spmem:s2] =	stream.indirect.scatter.add.f32 [tilespmem:s10], [sflag:$0x1], $0x1, s3, s10, $0xb8;
	[tilespmem:$0xFA00] =	vst v63  }
0xe7: {  	_ =	swait.ge [sflag:s9], $0x7D0  }
0xe8: {  	[sflag:s9] =	ssyncset.done $0x0  }
0xe9: {  	[sflag:s9] =	ssyncadd.s32 $0xFFFFF830  }
0xea: {  	[tilespmem:s3], [sflag:$0x1] =	stream.linear.gather [hbm4b:s28+s3], $0x7D0, $0x38;
	[tilespmem:$0xFA00] =	vst v63  }
0xeb: {  	_ =	swait.ge [sflag:s9], $0x7D0  }
0xec: {  	[sflag:s9] =	ssyncset.done $0x0  }
0xed: {  	[sflag:s9] =	ssyncadd.s32 $0xFFFFF830  }
0xee: {  	[spmem:s2] =	stream.indirect.scatter.add.f32 [tilespmem:s10], [sflag:$0x1], $0x1, s3, s10, $0xb8;
	[tilespmem:$0xFA00] =	vst v63  }
0xef: {  	_ =	swait.ge [sflag:s9], $0x7D0  }
0xf0: {  	[sflag:s9] =	ssyncset.done $0x0  }
0xf1: {  	[sflag:s9] =	ssyncadd.s32 $0xFFFFF830  }
0xf2: {  	[tilespmem:s3], [sflag:$0x1] =	stream.linear.gather [hbm4b:s29+s3], $0x7D0, $0x38;
	[tilespmem:$0xFA00] =	vst v63  }
0xf3: {  	_ =	swait.ge [sflag:s9], $0x7D0  }
0xf4: {  	[sflag:s9] =	ssyncset.done $0x0  }
0xf5: {  	[sflag:s9] =	ssyncadd.s32 $0xFFFFF830  }
0xf6: {  	[spmem:s2] =	stream.indirect.scatter.add.f32 [tilespmem:s10], [sflag:$0x1], $0x1, s3, s10, $0xb8;
	[tilespmem:$0xFA00] =	vst v63  }
0xf7: {  	_ =	swait.ge [sflag:s9], $0x7D0  }
0xf8: {  	[sflag:s9] =	ssyncset.done $0x0  }
0xf9: {  	[sflag:s9] =	ssyncadd.s32 $0xFFFFF830  }
0xfa: {  	[tilespmem:s3], [sflag:$0x1] =	stream.linear.gather [hbm4b:s30+s3], $0x7D0, $0x38;
	[tilespmem:$0xFA00] =	vst v63  }
0xfb: {  	_ =	swait.ge [sflag:s9], $0x7D0  }
0xfc: {  	[sflag:s9] =	ssyncset.done $0x0  }
0xfd: {  	[sflag:s9] =	ssyncadd.s32 $0xFFFFF830  }
0xfe: {  	[spmem:s2] =	stream.indirect.scatter.add.f32 [tilespmem:s10], [sflag:$0x1], $0x1, s3, s10, $0xb8;
	[tilespmem:$0xFA00] =	vst v63  }
0xff: {  	s11 =	sadd.s32 $0x1, s11;
	_ =	swait.ge [sflag:s9], $0x7D0  }
0x100: {  	p0 =	sne.s32 s11, s0;
	s13 =	stileid.u32;
	[sflag:s9] =	ssyncset.done $0x0  }
0x101: {  	s12 =	sshll.u32 s13, $0x6;
	s13 =	sshrl.u32 s4, $0x3;
	[sflag:s9] =	ssyncadd.s32 $0xFFFFF830  }
.Ltmp2:
0x102: {  	s12 =	sor.u32 $0x1C01, s12;
	[bflag:$0x0] =	sbarrier.arrive $0xFFFF;
	(pc) =	sbr.rel @p0 .LBB2_1-.Ltmp2, $4  }
0x103: {  	[hbm:s31], [sflag:s12] =	dma.local [spmem:s13], $0x186A  }
0x104: {  	_ =	swait.ge [sflag:s9], $0x186A  }
0x105: {  	[sflag:s9] =	ssyncset.done $0x0  }
0x106: {  	[sflag:s9] =	ssyncadd.s32 $0xFFFFE796  }
0x107: {  	_ =	sfence.sel $0x180000  }
0x108: {  	[bflag:$0x0] =	sbarrier.arrive $0xFFFF  }
0x109: {  	_ =	strace $0x9000004A  }
0x10a: {  	s0 =	stileid.u32;
	[bflag:$0x2] =	sbarrier.arrive $0xFFFF  }
0x10b: {  	p0 =	sne.s32 s0, $0x0;
	s0 =	rddreg [dreg:$0x2]  }
0x10c: {  	s0 =	sadd.s32 @!p0 $0x100000, s0  }
0x10d: {  	[sflag:s0] =	ssyncadd.tile.s32 @!p0 $0x1;
	_ =	shalt  }
.Lfunc_end2:
_tile_overlayer_lowered:
.L_overlay_start_2:
0x10e: {  	(tag) =	ssettag $0x2  }
0x10f: {  	s0 =	rddreg [dreg:$0x0];
	s2 =	stileid.u32  }
0x110: {  	s1 =	rddreg [dreg:$0x1];
	p0 =	sne.s32 s2, $0x0  }
0x111: {  	s3 =	rddreg [dreg:$0x2];
	[bflag:$0x3] =	sbarrier.arrive $0xFFFF;
	s2 =	simm.s32 @!p0 $0x1C01  }
0x112: {  	[timem:s3], [sflag:s2] =	dma.local @!p0 [hbm:s0], s1  }
0x113: {  	s0 =	simm.s32 @!p0 $0x1  }
0x114: {  	_ =	swait.ge @!p0 [sflag:s0], s1  }
0x115: {  	s1 =	ssub.s32 @!p0 $0x0, s1;
	[sflag:s0] =	ssyncset.done @!p0 $0x0  }
0x116: {  	[sflag:s0] =	ssyncadd.s32 @!p0 s1  }
0x117: {  	[bflag:$0x3] =	sbarrier.arrive $0xFFFF  }
0x118: {  	_ =	shalt  }

// kernel: kernel.13.cloned.1.call-start
scs
__scs_entry_jumppad:
0x0: {  	(pc) =	sbr.rel $0x88, $3  }
0x1: {  	(tag) =	ssettag $0x0;
	lr =	simm.s32 $0x1  }
0x2: {  	[smem:$0x3F93] =	sst lr;
	_ =	strace $0xD0000000  }
0x3: {  	_ = 	snop  }
0x4: {  	_ = 	snop  }
0x5: {  	_ = 	snop  }
0x6: {  	_ = 	snop  }
0x7: {  	_ = 	snop  }
__scs_overlays_trampoline_lowered:
0x8: {  	[smem:$0x3FA2] =	sst s0  }
0x9: {  	[smem:$0x3FA3] =	sst s1  }
0xa: {  	[smem:$0x3FA4] =	sst s2  }
0xb: {  	[smem:$0x3FA5] =	sst s3  }
0xc: {  	[smem:$0x3FA6] =	sst s4  }
0xd: {  	[smem:$0x3FA7] =	sst s5  }
0xe: {  	[smem:$0x3FA8] =	sst s6  }
0xf: {  	[smem:$0x3FA9] =	sst s7  }
0x10: {  	[smem:$0x3FAA] =	sst s8  }
0x11: {  	[smem:$0x3FAB] =	sst s9;
	s0 =	simm.s32 @!p0 $0x0  }
0x12: {  	s1 =	sld [smem:$0x3F91];
	s0 =	simm.s32 @p0 $0x1  }
0x13: {  	[smem:$0x3FAC] =	sst s0;
	s0 =	simm.s32 @!p1 $0x0  }
0x14: {  	s2 =	sld [smem:$0x3F90];
	s0 =	simm.s32 @p1 $0x1  }
0x15: {  	[smem:$0x3FAD] =	sst s0;
	s0 =	simm.s32 @!p2 $0x0  }
0x16: {  	s3 =	sld [smem:$0x3FDB];
	s0 =	simm.s32 @p2 $0x1  }
0x17: {  	s4 =	simm.s32 $0x1BF5;
	[smem:$0x3FAF] =	sst s0  }
0x18: {  	s0 =	sld [smem:$0x3F92];
	_ =	swait.ge [sflag:s4], $0x0  }
0x19: {  	s7 =	sld [smem:$0x3F93]  }
0x1a: {  	s8 =	sadd.s32 $0xFFFFE003, lr  }
0x1b: {  	s9 =	sadd.s32 $0xFFFFFEF7, lr;
	s5 =	simm.s32 $0xFFFFFFFF;
	p2 =	slt.u32 s8, $0xFFFFF086  }
0x1c: {  	p1 =	slt.u32 s9, $0xF7A;
	s5 =	simm.s32 @!p2 $0x0  }
0x1d: {  	s5 =	simm.s32 @p1 $0x1;
	p0 =	seq.s32 s7, s2  }
0x1e: {  	s7 =	smul.u32 @!p0 $0xF7A, s2;
	p2 =	seq.s32 @!p0 s5, $0x0  }
0x1f: {  	s9 =	smul.u32 $0xF7A, s1;
	s8 =	simm.s32 @!p0 $0x1BF5;
	p2 =	por !p2, p0  }
0x20: {  	[sflag:s8] =	ssyncset.s32 @!p0 $0xFFFFF086;
	s6 =	sadd.s32 @!p0 s3, s7;
	s7 =	simm.s32 @!p0 $0x108  }
0x21: {  	s3 =	sadd.s32 s3, s9;
	s6 =	sadd.s32 @!p0 $0x88, s6;
	s7 =	simm.s32 @p2 $0x1082  }
0x22: {  	[simem:s7], [sflag:s8] =	dma.local @!p0 [hbm:s6], $0xF7A  }
0x23: {  	s9 =	sor.u32 $0xD0000000, s2;
	s6 =	simm.s32 $0x108;
	_ =	swait.ge @!p0 [sflag:s8], $0x0  }
0x24: {  	s3 =	sadd.s32 $0x88, s3;
	s6 =	simm.s32 @!p1 $0x1082;
	[sflag:s4] =	ssyncset.s32 $0xFFFFF086  }
0x25: {  	[simem:s6], [sflag:s4] =	dma.local [hbm:s3], $0xF7A  }
0x26: {  	[smem:$0x3F93] =	sst s1;
	(tag) =	ssettag s2;
	_ =	strace s9  }
0x27: {  	s1 =	sld [smem:$0x3FA3]  }
0x28: {  	s2 =	sld [smem:$0x3FA4]  }
0x29: {  	s4 =	sld [smem:$0x3FA6]  }
0x2a: {  	p0 =	seq.s32 s5, $0x0;
	s5 =	sld [smem:$0x3FA7]  }
0x2b: {  	s6 =	sld [smem:$0x3FA8]  }
0x2c: {  	s7 =	sld [smem:$0x3FA9]  }
0x2d: {  	s3 =	simm.s32 $0x108;
	s8 =	sld [smem:$0x3FAA]  }
0x2e: {  	s3 =	simm.s32 @!p0 $0x1082;
	s9 =	sld [smem:$0x3FAB]  }
0x2f: {  	lr =	sadd.s32 s0, s3;
	s0 =	sld [smem:$0x3FA2]  }
0x30: {  	s3 =	sld [smem:$0x3FA5]  }
0x31: {  	[smem:$0x3FAE] =	sst s10  }
0x32: {  	s10 =	sld [smem:$0x3FAC];
	_ =	sdelay $0x3  }
0x33: {  	p0 =	seq.s32 s10, $0x1;
	s10 =	sld [smem:$0x3FAE];
	_ =	sdelay $0x3  }
0x34: {  	[smem:$0x3FAE] =	sst s10  }
0x35: {  	s10 =	sld [smem:$0x3FAD];
	_ =	sdelay $0x3  }
0x36: {  	p1 =	seq.s32 s10, $0x1;
	s10 =	sld [smem:$0x3FAE];
	_ =	sdelay $0x3  }
0x37: {  	[smem:$0x3FAE] =	sst s10  }
0x38: {  	s10 =	sld [smem:$0x3FAF]  }
0x39: {  	_ = 	snop;
	(pc) =	sbr.ind lr, $3  }
0x3a: {  	_ = 	snop  }
0x3b: {  	_ = 	snop  }
0x3c: {  	p2 =	seq.s32 s10, $0x1;
	s10 =	sld [smem:$0x3FAE]  }
0x3d: {  	_ =	shalt  }
0x3e: {  	_ =	shalt  }
0x3f: {  	_ =	shalt  }
0x40: {  	_ =	shalt  }
0x41: {  	_ =	shalt  }
0x42: {  	_ =	shalt  }
0x43: {  	_ =	shalt  }
0x44: {  	_ =	shalt  }
0x45: {  	_ =	shalt  }
0x46: {  	_ =	shalt  }
0x47: {  	_ =	shalt  }
0x48: {  	_ =	shalt  }
0x49: {  	_ =	shalt  }
0x4a: {  	_ =	shalt  }
0x4b: {  	_ =	shalt  }
0x4c: {  	_ =	shalt  }
0x4d: {  	_ =	shalt  }
0x4e: {  	_ =	shalt  }
0x4f: {  	_ =	shalt  }
0x50: {  	_ =	shalt  }
0x51: {  	_ =	shalt  }
0x52: {  	_ =	shalt  }
0x53: {  	_ =	shalt  }
0x54: {  	_ =	shalt  }
0x55: {  	_ =	shalt  }
0x56: {  	_ =	shalt  }
0x57: {  	_ =	shalt  }
0x58: {  	_ =	shalt  }
0x59: {  	_ =	shalt  }
0x5a: {  	_ =	shalt  }
0x5b: {  	_ =	shalt  }
0x5c: {  	_ =	shalt  }
0x5d: {  	_ =	shalt  }
0x5e: {  	_ =	shalt  }
0x5f: {  	_ =	shalt  }
0x60: {  	_ =	shalt  }
0x61: {  	_ =	shalt  }
0x62: {  	_ =	shalt  }
0x63: {  	_ =	shalt  }
0x64: {  	_ =	shalt  }
0x65: {  	_ =	shalt  }
0x66: {  	_ =	shalt  }
0x67: {  	_ =	shalt  }
0x68: {  	_ =	shalt  }
0x69: {  	_ =	shalt  }
0x6a: {  	_ =	shalt  }
0x6b: {  	_ =	shalt  }
0x6c: {  	_ =	shalt  }
0x6d: {  	_ =	shalt  }
0x6e: {  	_ =	shalt  }
0x6f: {  	_ =	shalt  }
0x70: {  	_ =	shalt  }
0x71: {  	_ =	shalt  }
0x72: {  	_ =	shalt  }
0x73: {  	_ =	shalt  }
0x74: {  	_ =	shalt  }
0x75: {  	_ =	shalt  }
0x76: {  	_ =	shalt  }
0x77: {  	_ =	shalt  }
0x78: {  	_ =	shalt  }
0x79: {  	_ =	shalt  }
0x7a: {  	_ =	shalt  }
0x7b: {  	_ =	shalt  }
0x7c: {  	_ =	shalt  }
0x7d: {  	_ =	shalt  }
0x7e: {  	_ =	shalt  }
0x7f: {  	_ =	shalt  }
0x80: {  	_ =	shalt  }
0x81: {  	_ =	shalt  }
0x82: {  	_ =	shalt  }
0x83: {  	_ =	shalt  }
0x84: {  	_ =	shalt  }
0x85: {  	_ =	shalt  }
0x86: {  	_ =	shalt  }
0x87: {  	_ =	shalt  }
.Lfunc_end0:
.L_simem_size_0:
called_computation.2_lowered:
.L_overlay_start_0:
0x88: {  	s2 =	sld [smem:$0x3FD9]  }
0x89: {  	s3 =	sld [smem:$0x3FFE];
	_ =	sdelay $0x1  }
0x8a: {  	s1 =	srdreg.scid  }
0x8b: {  	s0 =	sand.u32 $0x1, s1  }
0x8c: {  	s17 =	sshll.u32 s0, $0xA;
	s2 =	sadd.s32 s3, s2  }
0x8d: {  	s2 =	sadd.s32 s2, s17  }
0x8e: {  	[smem:$0x3FBA] =	sst s2  }
0x8f: {  	_ = 	snop  }
0x90: {  	s18 =	sld [smem:$0x3FD0];
	(tm) =	ssettm $0x1  }
0x91: {  	s19 =	sld [smem:$0x3FFB];
	_ =	sdelay $0x3  }
0x92: {  	_ =	strace s19  }
0x93: {  	s2 =	sld [smem:$0x3FFC];
	_ =	sdelay $0x3  }
0x94: {  	_ =	strace s2  }
0x95: {  	s2 =	sld [smem:$0x3FFD];
	_ =	sdelay $0x3  }
0x96: {  	_ =	strace s2  }
0x97: {  	_ =	strace $0x8FFFFFFF  }
0x98: {  	s20 =	sld [smem:$0x3FDB];
	_ =	sdelay $0x1  }
0x99: {  	s4 =	simm.s32 $_scs_section_size  }
0x9a: {  	s5 =	simm.s32 $_size__tile_overlayer_lowered;
	s6 =	simm.s32 $_tile_overlayer_lowered  }
0x9b: {  	s7 =	simm.s32 $0x1BFF;
	s21 =	sshll.u32 s6, $0x1;
	s4 =	sadd.s32 s4, s20  }
0x9c: {  	s22 =	simm.s32 $0x0;
	s5 =	sshll.u32 s5, $0x1;
	s6 =	sadd.s32 s21, s4  }
0x9d: {  	[timem:s22], [sflag:s7] =	dma.local [hbm:s6], s5  }
0x9e: {  	_ =	swait.ge [sflag:s7], s5  }
0x9f: {  	s5 =	ssub.s32 $0x0, s5;
	[sflag:s7] =	ssyncset.done $0x0  }
0xa0: {  	[sflag:s7] =	ssyncadd.s32 s5;
	_ =	sdelay $0x1  }
0xa1: {  	s23 =	simm.s32 $0x1B8B  }
0xa2: {  	_ =	swait.ge [sflag:s23], $0x1  }
0xa3: {  	[sflag:s23] =	ssyncset.done $0x0  }
0xa4: {  	[sflag:s23] =	ssyncadd.s32 $0xFFFFFFFF  }
0xa5: {  	s5 =	sld [smem:$0x0]  }
0xa6: {  	s6 =	sand.u32 $0xFFFFFFFE, s1  }
0xa7: {  	p0 =	sne.s32 s1, s6  }
0xa8: {  	s6 =	sshll.u32 @p0 s6, $0xE  }
0xa9: {  	s6 =	sadd.s32 @p0 $0x11B8D, s6;
	s7 =	sshll.u32 @p0 s5, $0x11  }
0xaa: {  	s6 =	sor.u32 @p0 s7, s6  }
0xab: {  	[sflag:s6] =	ssyncadd.remote.s32 @p0 $0x1;
	_ =	sdelay $0x1  }
0xac: {  	s6 =	simm.s32 @p0 $0x1B8D  }
0xad: {  	_ =	swait.eq @p0 [sflag:s6], $0x1  }
0xae: {  	[sflag:s6] =	ssyncadd.s32 @p0 $0xFFFFFFFF  }
0xaf: {  	s7 =	sshll.u32 @!p0 s1, $0xE  }
0xb0: {  	s7 =	sor.u32 @!p0 $0x4000, s7;
	s6 =	simm.s32 @!p0 $0x1B8D  }
0xb1: {  	s5 =	sshll.u32 @!p0 s5, $0x11;
	s7 =	sadd.s32 @!p0 $0x11B8D, s7;
	_ =	swait.eq @!p0 [sflag:s6], $0x1  }
0xb2: {  	s5 =	sor.u32 @!p0 s5, s7;
	[sflag:s6] =	ssyncadd.s32 @!p0 $0xFFFFFFFF  }
0xb3: {  	s25 =	simm.s32 $0x1B8E;
	s24 =	sld [smem:$0x3FFE];
	[sflag:s5] =	ssyncadd.remote.s32 @!p0 $0x1  }
0xb4: {  	s26 =	simm.s32 $execute0_lowered;
	[smem:$0x3FD2] =	sst s25  }
0xb5: {  	s6 =	sshll.u32 s26, $0x1;
	_ =	strace $0x8000004C;
	[dreg:$0x1] =	wrdreg $0xFFFFFFFF  }
0xb6: {  	s28 =	simm.s32 $_size_execute0_lowered;
	s4 =	sadd.s32 s4, s6;
	[dreg:$0x0] =	wrdreg $0x0  }
0xb7: {  	s6 =	sshll.u32 s28, $0x1;
	[dreg:$0x2] =	wrdreg s4  }
0xb8: {  	[dreg:$0x3] =	wrdreg s6  }
0xb9: {  	[dreg:$0x4] =	wrdreg $0xC0  }
0xba: {  	_ =	task [dreg:s22], $0x5FFFF  }
0xbb: {  	[dreg:$0x1] =	wrdreg $0xFFFFFFFF  }
0xbc: {  	[dreg:$0x0] =	wrdreg $0x60  }
0xbd: {  	[dreg:$0x2] =	wrdreg s24  }
0xbe: {  	[dreg:$0x3] =	wrdreg s18  }
0xbf: {  	[dreg:$0x4] =	wrdreg $0x0  }
0xc0: {  	[dreg:$0x5] =	wrdreg $0xA  }
0xc1: {  	_ =	task.clear_ibuf [dreg:s22], $0x6FFFF;
	_ =	strace $0x9000004C  }
0xc2: {  	s29 =	simm.s32 $0xA;
	_ =	strace $0x8000004E  }
0xc3: {  	_ =	swait.ge [sflag:s29], $0x1  }
0xc4: {  	[sflag:s29] =	ssyncadd.s32 $0xFFFFFFFF  }
0xc5: {  	_ =	strace $0x9000004E  }
0xc6: {  	_ =	sfence  }
0xc7: {  	s30 =	sld [smem:$0x0];
	_ =	sdelay $0x2  }
0xc8: {  	s31 =	sshll.u32 s1, $0xD;
	s1 =	sshrl.u32 s1, $0x2  }
0xc9: {  	s4 =	sand.u32 $0x4000, s31;
	s1 =	sadd.s32 s1, s30  }
0xca: {  	s0 =	sor.u32 s4, s0;
	s1 =	sshll.u32 s1, $0x11  }
0xcb: {  	s0 =	sor.u32 s1, s0  }
0xcc: {  	s0 =	sadd.s32 $0x8F2B, s0  }
0xcd: {  	[sflag:s0] =	ssyncadd.remote.s32 $0x1  }
0xce: {  	_ =	sfence.sel $0xFFFF  }
0xcf: {  	[dreg:$0x0] =	wrdreg $0xFFFFFFFF;
	(pc) =	sbr.abs _section_cstart, $3  }
0xd0: {  	[dreg:$0x1] =	wrdreg $0xFFFFFFFF  }
0xd1: {  	_ =	task.clear_ibuf [dreg:s22], $0x2FFFF;
	_ =	strace $0x9FFFFFFF  }
0xd2: {  	(tm) =	ssettm $0x7FFFFFFF  }
0xd3: {  	_ =	shalt  }
tec
execute0_lowered:
.L_overlay_start_1:
0x0: {  	(tag) =	ssettag $0x1  }
0x1: {  	s0 =	rddreg [dreg:$0x0]  }
0x2: {  	s1 =	rddreg [dreg:$0x1]  }
0x3: {  	s2 =	rddreg [dreg:$0x2];
	s14 =	stileid.u32  }
0x4: {  	s3 =	simm.s32 $0x0;
	s5 =	srdreg.scid;
	s6 =	smul.u32 $0x64000, s14  }
0x5: {  	[smem:$0x7FF] =	sst s3;
	s4 =	sadd.s32 $0x34000, s0;
	s22 =	smul.u32 $0x1870, s14  }
0x6: {  	s7 =	sand.u32 $0x1, s5;
	s5 =	sadd.s32 $0xC99E00, s0;
	s11 =	smul.u32 $0x61C00, s14  }
0x7: {  	p0 =	seq.s32 s14, $0xF;
	_ =	strace $0x8000004D;
	s9 =	smul.u32 $0x61A80, s7  }
0x8: {  	s20 =	ssub.s32 $0x2, s7;
	s7 =	smul.u32 $0x61A800, s7;
	s6 =	sshrl.u32 s6, $0x2  }
0x9: {  	s8 =	sshrl.u32 s20, $0x1;
	s26 =	sshrl.u32 s11, $0x2;
	s6 =	sadd.s32 s6, s2  }
0xa: {  	s0 =	ssub.s32 s20, s8;
	s25 =	sadd.s32 s22, s9;
	s7 =	sshrl.u32 s7, $0x3  }
0xb: {  	s16 =	sadd.s32 $0x30D40, s9;
	s15 =	sadd.s32 $0x493E0, s9;
	s21 =	sadd.s32 $0x1900, s6  }
0xc: {  	s10 =	sadd.s32 $0x3200, s6;
	s23 =	sadd.s32 $0x4B00, s6;
	[dreg:$0x4] =	wrdreg s21  }
0xd: {  	s24 =	sadd.s32 $0x6400, s6;
	s12 =	sadd.s32 $0x7D00, s6;
	[dreg:$0x5] =	wrdreg s10  }
0xe: {  	s7 =	sadd.s32 s1, s7;
	s8 =	sadd.s32 s22, s15;
	[dreg:$0x6] =	wrdreg s23  }
0xf: {  	s0 =	smax.u32 s0, $0x1;
	s28 =	sadd.s32 $0x11300, s6;
	[dreg:$0x7] =	wrdreg s24  }
0x10: {  	s29 =	sadd.s32 $0x12C00, s6;
	s30 =	sadd.s32 $0x14500, s6;
	[dreg:$0x8] =	wrdreg s12  }
0x11: {  	s31 =	sadd.s32 $0x15E00, s6;
	s11 =	sadd.s32 $0x2DD20, s7;
	[dreg:$0x12] =	wrdreg s0  }
0x12: {  	v3 =	vmov s15;
	s15 =	simm.s32 $0x19000;
	s18 =	sadd.s32 $0x5EA60, s7;
	[dreg:$0xb] =	wrdreg s11  }
0x13: {  	s10 =	sshll.u32 s25, $0x1;
	s19 =	sadd.s32 $0x8F7A0, s7;
	[dreg:$0xd] =	wrdreg s18  }
0x14: {  	s12 =	sadd.s32 $0x186A0, s9;
	s20 =	sadd.s32 $0xC04E0, s7;
	[dreg:$0x10] =	wrdreg s19  }
0x15: {  	s8 =	sshll.u32 s8, $0x1;
	s21 =	sadd.s32 $0x9600, s6;
	[dreg:$0x11] =	wrdreg s20  }
0x16: {  	s23 =	sadd.s32 $0xC800, s6;
	s24 =	sadd.s32 $0xE100, s6;
	[dreg:$0x13] =	wrdreg s21  }
0x17: {  	s0 =	sadd.s32 $0x17700, s6;
	s25 =	sadd.s32 $0x16E900, s2;
	[dreg:$0x15] =	wrdreg s23  }
0x18: {  	s10 =	sadd.s32 s1, s10;
	s13 =	sadd.s32 s22, s12;
	[dreg:$0x16] =	wrdreg s24  }
0x19: {  	[dreg:$0x17] =	wrdreg s25;
	s18 =	simm.s32 $0x450;
	s19 =	simm.s32 $0x1A070  }
0x1a: {  	s20 =	simm.s32 $0x1;
	[dreg:$0x9] =	wrdreg s10;
	s10 =	sadd.s32 s26, s2  }
0x1b: {  	s11 =	sshll.u32 s13, $0x1;
	s13 =	sadd.s32 s22, s16;
	s22 =	sadd.s32 $0xAF00, s6  }
0x1c: {  	v2 =	vmov s16;
	s26 =	sadd.s32 $0xFA00, s6;
	s16 =	simm.s32 $0x197D0;
	[dreg:$0xa] =	wrdreg s10  }
0x1d: {  	s11 =	sadd.s32 s1, s11;
	s17 =	sshll.u32 s13, $0x1;
	[dreg:$0x14] =	wrdreg s22  }
0x1e: {  	v4 =	vimm.f32 $0.0e+00;
	s13 =	simm.s32 $0x1E570;
	[dreg:$0xc] =	wrdreg s11;
	s11 =	sadd.s32 s1, s17  }
0x1f: {  	v5 =	vlaneseq.u32;
	v6 =	vimm.s32 $0x186A0;
	v7 =	vimm.s32 $0x0;
	s1 =	sadd.s32 s1, s8;
	s17 =	simm.s32 $0x19C20;
	[dreg:$0xe] =	wrdreg s11  }
0x20: {  	v8 =	vmul.u32 $0x45, v5;
	v0 =	vmov s9;
	v1 =	vmov s12;
	[dreg:$0xf] =	wrdreg s1;
	s1 =	smul.u32 $0x186A0, s14;
	s14 =	simm.s32 $0x2  }
.LBB2_1:
0x21: {  	s7 =	simm.s32 $0x40;
	s8 =	simm.s32 $0x0  }
.LBB2_2:
0x22: {  	p1 =	sne.s32 s7, $0x63C0;
	[tilespmem:s8+$0x1E570] =	vst v4;
	s8 =	smov.u32 s7;
	s7 =	sadd.s32 $0x40, s7  }
.Ltmp0:
0x23: {  	(pc) =	sbr.rel @p1 .LBB2_2-.Ltmp0, $2  }
0x24: {  	_ =	sdelay $0x2  }
0x25: {  	s8 =	sshra.s32 s8, $0x2  }
0x26: {  	[tilespmem:s8+$0x1E570] =	vst v4  }
0x27: {  	[spmem:s6] =	stream.linear.scatter [tilespmem:s13], [sflag:$0x2], $0x1900, $0x38;
	[tilespmem:$0x1FE70] =	vst v63  }
0x28: {  	_ =	swait.ge [sflag:s14], $0x1900  }
0x29: {  	[sflag:s14] =	ssyncset.done $0x0  }
0x2a: {  	s7 =	rddreg [dreg:$0x4];
	[sflag:s14] =	ssyncadd.s32 $0xFFFFE700  }
0x2b: {  	[spmem:s7] =	stream.linear.scatter [tilespmem:s13], [sflag:$0x2], $0x1900, $0x38;
	[tilespmem:$0x1FE70] =	vst v63  }
0x2c: {  	_ =	swait.ge [sflag:s14], $0x1900  }
0x2d: {  	[sflag:s14] =	ssyncset.done $0x0  }
0x2e: {  	s10 =	rddreg [dreg:$0x5];
	[sflag:s14] =	ssyncadd.s32 $0xFFFFE700  }
0x2f: {  	[spmem:s10] =	stream.linear.scatter [tilespmem:s13], [sflag:$0x2], $0x1900, $0x38;
	[tilespmem:$0x1FE70] =	vst v63  }
0x30: {  	_ =	swait.ge [sflag:s14], $0x1900  }
0x31: {  	[sflag:s14] =	ssyncset.done $0x0  }
0x32: {  	s11 =	rddreg [dreg:$0x6];
	[sflag:s14] =	ssyncadd.s32 $0xFFFFE700  }
0x33: {  	[spmem:s11] =	stream.linear.scatter [tilespmem:s13], [sflag:$0x2], $0x1900, $0x38;
	[tilespmem:$0x1FE70] =	vst v63  }
0x34: {  	_ =	swait.ge [sflag:s14], $0x1900  }
0x35: {  	[sflag:s14] =	ssyncset.done $0x0  }
0x36: {  	s12 =	rddreg [dreg:$0x7];
	[sflag:s14] =	ssyncadd.s32 $0xFFFFE700  }
0x37: {  	[spmem:s12] =	stream.linear.scatter [tilespmem:s13], [sflag:$0x2], $0x1900, $0x38;
	[tilespmem:$0x1FE70] =	vst v63  }
0x38: {  	_ =	swait.ge [sflag:s14], $0x1900  }
0x39: {  	[sflag:s14] =	ssyncset.done $0x0  }
0x3a: {  	s21 =	rddreg [dreg:$0x8];
	[sflag:s14] =	ssyncadd.s32 $0xFFFFE700  }
0x3b: {  	[spmem:s21] =	stream.linear.scatter [tilespmem:s13], [sflag:$0x2], $0x1900, $0x38;
	[tilespmem:$0x1FE70] =	vst v63  }
0x3c: {  	_ =	swait.ge [sflag:s14], $0x1900  }
0x3d: {  	[sflag:s14] =	ssyncset.done $0x0  }
0x3e: {  	s22 =	rddreg [dreg:$0x13];
	[sflag:s14] =	ssyncadd.s32 $0xFFFFE700  }
0x3f: {  	[spmem:s22] =	stream.linear.scatter [tilespmem:s13], [sflag:$0x2], $0x1900, $0x38;
	[tilespmem:$0x1FE70] =	vst v63  }
0x40: {  	_ =	swait.ge [sflag:s14], $0x1900  }
0x41: {  	[sflag:s14] =	ssyncset.done $0x0  }
0x42: {  	s23 =	rddreg [dreg:$0x14];
	[sflag:s14] =	ssyncadd.s32 $0xFFFFE700  }
0x43: {  	[spmem:s23] =	stream.linear.scatter [tilespmem:s13], [sflag:$0x2], $0x1900, $0x38;
	[tilespmem:$0x1FE70] =	vst v63  }
0x44: {  	_ =	swait.ge [sflag:s14], $0x1900  }
0x45: {  	[sflag:s14] =	ssyncset.done $0x0  }
0x46: {  	s24 =	rddreg [dreg:$0x15];
	[sflag:s14] =	ssyncadd.s32 $0xFFFFE700  }
0x47: {  	[spmem:s24] =	stream.linear.scatter [tilespmem:s13], [sflag:$0x2], $0x1900, $0x38;
	[tilespmem:$0x1FE70] =	vst v63  }
0x48: {  	_ =	swait.ge [sflag:s14], $0x1900  }
0x49: {  	[sflag:s14] =	ssyncset.done $0x0  }
0x4a: {  	s25 =	rddreg [dreg:$0x16];
	[sflag:s14] =	ssyncadd.s32 $0xFFFFE700  }
0x4b: {  	[spmem:s25] =	stream.linear.scatter [tilespmem:s13], [sflag:$0x2], $0x1900, $0x38;
	[tilespmem:$0x1FE70] =	vst v63  }
0x4c: {  	_ =	swait.ge [sflag:s14], $0x1900  }
0x4d: {  	[sflag:s14] =	ssyncset.done $0x0  }
0x4e: {  	[sflag:s14] =	ssyncadd.s32 $0xFFFFE700  }
0x4f: {  	[spmem:s26] =	stream.linear.scatter [tilespmem:s13], [sflag:$0x2], $0x1900, $0x38;
	[tilespmem:$0x1FE70] =	vst v63  }
0x50: {  	_ =	swait.ge [sflag:s14], $0x1900  }
0x51: {  	[sflag:s14] =	ssyncset.done $0x0  }
0x52: {  	[sflag:s14] =	ssyncadd.s32 $0xFFFFE700  }
0x53: {  	[spmem:s28] =	stream.linear.scatter [tilespmem:s13], [sflag:$0x2], $0x1900, $0x38;
	[tilespmem:$0x1FE70] =	vst v63  }
0x54: {  	_ =	swait.ge [sflag:s14], $0x1900  }
0x55: {  	[sflag:s14] =	ssyncset.done $0x0  }
0x56: {  	[sflag:s14] =	ssyncadd.s32 $0xFFFFE700  }
0x57: {  	[spmem:s29] =	stream.linear.scatter [tilespmem:s13], [sflag:$0x2], $0x1900, $0x38;
	[tilespmem:$0x1FE70] =	vst v63  }
0x58: {  	_ =	swait.ge [sflag:s14], $0x1900  }
0x59: {  	[sflag:s14] =	ssyncset.done $0x0  }
0x5a: {  	[sflag:s14] =	ssyncadd.s32 $0xFFFFE700  }
0x5b: {  	[spmem:s30] =	stream.linear.scatter [tilespmem:s13], [sflag:$0x2], $0x1900, $0x38;
	[tilespmem:$0x1FE70] =	vst v63  }
0x5c: {  	_ =	swait.ge [sflag:s14], $0x1900  }
0x5d: {  	[sflag:s14] =	ssyncset.done $0x0  }
0x5e: {  	[sflag:s14] =	ssyncadd.s32 $0xFFFFE700  }
0x5f: {  	[spmem:s31] =	stream.linear.scatter [tilespmem:s13], [sflag:$0x2], $0x1900, $0x38;
	[tilespmem:$0x1FE70] =	vst v63  }
0x60: {  	_ =	swait.ge [sflag:s14], $0x1900  }
0x61: {  	[sflag:s14] =	ssyncset.done $0x0  }
0x62: {  	[sflag:s14] =	ssyncadd.s32 $0xFFFFE700  }
0x63: {  	[spmem:s0] =	stream.linear.scatter [tilespmem:s13], [sflag:$0x2], $0x1900, $0x38;
	[tilespmem:$0x1FE70] =	vst v63  }
0x64: {  	_ =	swait.ge [sflag:s14], $0x1900  }
0x65: {  	[sflag:s14] =	ssyncset.done $0x0  }
0x66: {  	s8 =	simm.s32 $0x0;
	s7 =	simm.s32 $0x40;
	[sflag:s14] =	ssyncadd.s32 $0xFFFFE700  }
.LBB2_4:
0x67: {  	p1 =	sne.s32 s7, $0x1100;
	[tilespmem:s8+$0x197D0] =	vst v6;
	s9 =	smov.u32 s7;
	s7 =	sadd.s32 $0x40, s7  }
.Ltmp1:
0x68: {  	[tilespmem:s8+$0x19C20] =	vst v7;
	(pc) =	sbr.rel @p1 .LBB2_4-.Ltmp1, $2  }
0x69: {  	_ =	sdelay $0x2  }
0x6a: {  	s8 =	sshra.s32 s9, $0x2  }
.Ltmp2:
0x6b: {  	(pc) =	sbr.rel .LBB2_6-.Ltmp2, $4  }
0x6c: {  	[tilespmem:s8+$0x197D0] =	vst v6  }
0x6d: {  	[tilespmem:s8+$0x19C20] =	vst v7  }
0x6e: {  	[bflag:$0x0] =	sbarrier.arrive $0xFFFF  }
0x6f: {  	s7 =	simm.s32 $0x0;
	v9 =	vimm.s32 $0x0;
	s8 =	simm.s32 $0x0  }
.LBB2_12:
0x70: {  	s8 =	sadd.s32 $0x1, s8  }
0x71: {  	p1 =	sne.s32 s8, $0x32  }
.Ltmp3:
0x72: {  	_ = 	snop;
	(pc) =	sbr.rel @!p1 .LBB2_13-.Ltmp3, $1  }
0x73: {  	_ =	sdelay $0x3  }
.LBB2_6:
0x74: {  	s9 =	smul.u32 $0x7D0, s8;
	_ =	sdelay $0x1  }
0x75: {  	s9 =	sadd.s32 s1, s9  }
0x76: {  	s10 =	sshrl.u32 s9, $0x3  }
.Ltmp4:
0x77: {  	s10 =	sadd.s32 s4, s10;
	(pc) =	sbr.rel .LBB2_7-.Ltmp4, $4  }
0x78: {  	[tilespmem:s15], [sflag:$0x2] =	stream.linear.gather [hbm4b:s10+s7], $0x7D0, $0x38;
	[tilespmem:$0x1FE70] =	vst v63  }
0x79: {  	_ =	swait.ge [sflag:s14], $0x7D0  }
0x7a: {  	[sflag:s14] =	ssyncset.done $0x0  }
0x7b: {  	s10 =	simm.s32 $0x0;
	[sflag:s14] =	ssyncadd.s32 $0xFFFFF830  }
.LBB2_10:
0x7c: {  	[tilespmem:s21+$0x197D0] =	vst v6  }
0x7d: {  	[tilespmem:s21+$0x19C20] =	vst v7  }
.LBB2_11:
0x7e: {  	s10 =	sadd.s32 $0x1, s10  }
0x7f: {  	p2 =	sne.s32 s10, $0x19  }
.Ltmp5:
0x80: {  	_ = 	snop;
	(pc) =	sbr.rel @!p2 .LBB2_12-.Ltmp5, $3  }
0x81: {  	_ =	sdelay $0x1  }
0x82: {  	p1 =	sgt.s32 s11, $0x0  }
0x83: {  	v9 =	vpsel p1, $0x0, v9  }
.LBB2_7:
0x84: {  	s11 =	smul.u32 $0x50, s10;
	_ =	sdelay $0x1  }
0x85: {  	v10 =	vld [tilespmem:s11+$0x19000];
	_ =	sdelay $0x1  }
0x86: {  	v11 =	vadd.s32 v8, v9;
	_ =	sdelay $0x2  }
0x87: {  	s12 =	sadd.s32 s9, s11;
	v10 =	vsub.s32 v10, v0  }
0x88: {  	v12 =	vor.u32 s12, v5;
	vm0 =	vlt.u32 v10, $0x186A0;
	v10 =	vmin.u32 v10, $0x186A0  }
0x89: {  	[tilespmem:v11+s16+$0x0] =	vst.idx.msk $0xffff, v10;
	v10 =	vnsel vm0, $0x0, v12  }
0x8a: {  	[tilespmem:v11+s17+$0x0] =	vst.idx.msk $0xffff, v10  }
0x8b: {  	v10 =	vsel vm0, $0x1, v7;
	v11 =	vld [tilespmem:s11+$0x19010]  }
0x8c: {  	v9 =	vadd.s32 v10, v9  }
0x8d: {  	v10 =	vadd.s32 v8, v9;
	_ =	sdelay $0x2  }
0x8e: {  	s21 =	sadd.s32 $0x10, s12;
	v11 =	vsub.s32 v11, v0  }
0x8f: {  	v59 =	vor.u32 s21, v5;
	vm12 =	vlt.u32 v11, $0x186A0;
	v11 =	vmin.u32 v11, $0x186A0  }
0x90: {  	[tilespmem:v10+s16+$0x0] =	vst.idx.msk $0xffff, v11;
	v11 =	vnsel vm12, $0x0, v59  }
0x91: {  	[tilespmem:v10+s17+$0x0] =	vst.idx.msk $0xffff, v11  }
0x92: {  	v10 =	vsel vm12, $0x1, v7;
	v11 =	vld [tilespmem:s11+$0x19020]  }
0x93: {  	v9 =	vadd.s32 v10, v9  }
0x94: {  	v10 =	vadd.s32 v8, v9;
	_ =	sdelay $0x2  }
0x95: {  	s23 =	sadd.s32 $0x20, s12;
	v11 =	vsub.s32 v11, v0  }
0x96: {  	v60 =	vor.u32 s23, v5;
	vm13 =	vlt.u32 v11, $0x186A0;
	v11 =	vmin.u32 v11, $0x186A0  }
0x97: {  	[tilespmem:v10+s16+$0x0] =	vst.idx.msk $0xffff, v11;
	v11 =	vnsel vm13, $0x0, v60  }
0x98: {  	[tilespmem:v10+s17+$0x0] =	vst.idx.msk $0xffff, v11  }
0x99: {  	v10 =	vsel vm13, $0x1, v7;
	v11 =	vld [tilespmem:s11+$0x19030]  }
0x9a: {  	v9 =	vadd.s32 v10, v9  }
0x9b: {  	v10 =	vadd.s32 v8, v9;
	_ =	sdelay $0x2  }
0x9c: {  	s24 =	sadd.s32 $0x30, s12;
	v11 =	vsub.s32 v11, v0  }
0x9d: {  	v61 =	vor.u32 s24, v5;
	vm14 =	vlt.u32 v11, $0x186A0;
	v11 =	vmin.u32 v11, $0x186A0  }
0x9e: {  	[tilespmem:v10+s16+$0x0] =	vst.idx.msk $0xffff, v11;
	v11 =	vnsel vm14, $0x0, v61  }
0x9f: {  	[tilespmem:v10+s17+$0x0] =	vst.idx.msk $0xffff, v11  }
0xa0: {  	v10 =	vld [tilespmem:s11+$0x19040];
	_ =	sdelay $0x4  }
0xa1: {  	v10 =	vsub.s32 v10, v0  }
0xa2: {  	v11 =	vsel vm14, $0x1, v7;
	vm15 =	vlt.u32 v10, $0x186A0  }
0xa3: {  	v11 =	vadd.s32 v11, v9;
	v9 =	vsel vm15, $0x1, v7  }
0xa4: {  	v9 =	vadd.s32 v9, v11  }
0xa5: {  	vm1 =	vgt.s32 v9, $0x3F  }
0xa6: {  	v62 =	vmpcnt.ones.xlane vm1;
	_ =	sdelay $0x1  }
0xa7: {  	(v2sf) =	vpush v62, $0x0;
	_ =	sdelay $0xe  }
0xa8: {  	v11 =	vadd.s32 v8, v11;
	s11 =	spop (v2sf)  }
0xa9: {  	p1 =	slt.s32 s11, $0x1  }
.Ltmp6:
0xaa: {  	_ = 	snop;
	(pc) =	sbr.rel @p1 .LBB2_11-.Ltmp6, $4  }
0xab: {  	s25 =	sadd.s32 $0x40, s12  }
0xac: {  	v63 =	vor.u32 s25, v5;
	v10 =	vmin.u32 v10, $0x186A0  }
0xad: {  	[tilespmem:v11+s16+$0x0] =	vst.idx.msk $0xffff, v10;
	v10 =	vnsel vm15, $0x0, v63  }
0xae: {  	[tilespmem:v11+s17+$0x0] =	vst.idx.msk $0xffff, v10  }
0xaf: {  	[tilespmem:s19], [sflag:$0x1] =	stream.indirect.gather [hbm4b:s5+s18], $0x10, s17, s18, $0xb8;
	[tilespmem:$0x1FE70] =	vst v63  }
0xb0: {  	_ =	swait.ge [sflag:s20], $0x4500  }
0xb1: {  	[sflag:s20] =	ssyncset.done $0x0  }
0xb2: {  	[sflag:s20] =	ssyncadd.s32 $0xFFFFBB00  }
0xb3: {  	[spmem:s2] =	stream.indirect.scatter.add.f32 [tilespmem:s19], [sflag:$0x2], $0x10, s16, s18, $0xb8;
	[tilespmem:$0x1FE70] =	vst v63  }
0xb4: {  	_ =	swait.ge [sflag:s14], $0x4500  }
0xb5: {  	[sflag:s14] =	ssyncset.done $0x0  }
0xb6: {  	s12 =	simm.s32 $0x40;
	s21 =	simm.s32 $0x0;
	[sflag:s14] =	ssyncadd.s32 $0xFFFFBB00  }
.LBB2_9:
0xb7: {  	p1 =	sne.s32 s12, $0x1100;
	[tilespmem:s21+$0x197D0] =	vst v6;
	s22 =	smov.u32 s12;
	s12 =	sadd.s32 $0x40, s12  }
.Ltmp7:
0xb8: {  	[tilespmem:s21+$0x19C20] =	vst v7;
	(pc) =	sbr.rel @p1 .LBB2_9-.Ltmp7, $2  }
0xb9: {  	_ =	sdelay $0x2  }
0xba: {  	s21 =	sshra.s32 s22, $0x2  }
.Ltmp8:
0xbb: {  	_ = 	snop;
	(pc) =	sbr.rel .LBB2_10-.Ltmp8, $1  }
0xbc: {  	_ =	sdelay $0x3  }
.LBB2_13:
0xbd: {  	[tilespmem:s19], [sflag:$0x1] =	stream.indirect.gather [hbm4b:s5+s18], $0x10, s17, s18, $0xb8;
	[tilespmem:$0x1FE70] =	vst v63  }
0xbe: {  	_ =	swait.ge [sflag:s20], $0x4500  }
0xbf: {  	[sflag:s20] =	ssyncset.done $0x0  }
0xc0: {  	[sflag:s20] =	ssyncadd.s32 $0xFFFFBB00  }
0xc1: {  	[spmem:s2] =	stream.indirect.scatter.add.f32 [tilespmem:s19], [sflag:$0x2], $0x10, s16, s18, $0xb8;
	[tilespmem:$0x1FE70] =	vst v63  }
0xc2: {  	_ =	swait.ge [sflag:s14], $0x4500  }
0xc3: {  	[sflag:s14] =	ssyncset.done $0x0  }
0xc4: {  	s7 =	simm.s32 $0x40;
	s8 =	simm.s32 $0x0;
	[sflag:s14] =	ssyncadd.s32 $0xFFFFBB00  }
.LBB2_14:
0xc5: {  	p1 =	sne.s32 s7, $0x1100;
	[tilespmem:s8+$0x197D0] =	vst v6;
	s9 =	smov.u32 s7;
	s7 =	sadd.s32 $0x40, s7  }
.Ltmp9:
0xc6: {  	[tilespmem:s8+$0x19C20] =	vst v7;
	(pc) =	sbr.rel @p1 .LBB2_14-.Ltmp9, $2  }
0xc7: {  	_ =	sdelay $0x2  }
0xc8: {  	s8 =	sshra.s32 s9, $0x2  }
0xc9: {  	[tilespmem:s8+$0x197D0] =	vst v6  }
0xca: {  	[tilespmem:s8+$0x19C20] =	vst v7  }
0xcb: {  	[bflag:$0x0] =	sbarrier.arrive $0xFFFF  }
0xcc: {  	s7 =	rddreg [dreg:$0x17]  }
0xcd: {  	s8 =	rddreg [dreg:$0xb];
	s21 =	sshrl.u32 @p0 s7, $0x3;
	s7 =	simm.s32 @p0 $0x1FC2  }
0xce: {  	[hbm:s8], [sflag:s7] =	dma.local @p0 [spmem:s21], $0x3020  }
0xcf: {  	s7 =	simm.s32 @p0 $0x2  }
0xd0: {  	_ =	swait.ge @p0 [sflag:s7], $0x3020  }
0xd1: {  	s8 =	stileid.u32;
	[sflag:s7] =	ssyncset.done @p0 $0x0  }
0xd2: {  	s8 =	sshll.u32 @!p0 s8, $0x6;
	[sflag:s7] =	ssyncadd.s32 @p0 $0xFFFFCFE0;
	s7 =	rddreg [dreg:$0xa]  }
0xd3: {  	s12 =	sor.u32 @!p0 $0x1C02, s8;
	s8 =	rddreg [dreg:$0x9];
	s7 =	sshrl.u32 @!p0 s7, $0x3  }
0xd4: {  	[hbm:s8], [sflag:s12] =	dma.local @!p0 [spmem:s7], $0x30E0  }
0xd5: {  	s8 =	simm.s32 @!p0 $0x2  }
0xd6: {  	_ =	swait.ge @!p0 [sflag:s8], $0x30E0  }
0xd7: {  	[sflag:s8] =	ssyncset.done @!p0 $0x0  }
0xd8: {  	[sflag:s8] =	ssyncadd.s32 @!p0 $0xFFFFCF20  }
0xd9: {  	[bflag:$0x0] =	sbarrier.arrive $0xFFFF  }
0xda: {  	[spmem:s6] =	stream.linear.scatter [tilespmem:s13], [sflag:$0x2], $0x1900, $0x38;
	[tilespmem:$0x1FE70] =	vst v63  }
0xdb: {  	_ =	swait.ge [sflag:s14], $0x1900  }
0xdc: {  	[sflag:s14] =	ssyncset.done $0x0  }
0xdd: {  	s24 =	rddreg [dreg:$0x4];
	[sflag:s14] =	ssyncadd.s32 $0xFFFFE700  }
0xde: {  	[spmem:s24] =	stream.linear.scatter [tilespmem:s13], [sflag:$0x2], $0x1900, $0x38;
	[tilespmem:$0x1FE70] =	vst v63  }
0xdf: {  	_ =	swait.ge [sflag:s14], $0x1900  }
0xe0: {  	[sflag:s14] =	ssyncset.done $0x0  }
0xe1: {  	s25 =	rddreg [dreg:$0x5];
	[sflag:s14] =	ssyncadd.s32 $0xFFFFE700  }
0xe2: {  	[spmem:s25] =	stream.linear.scatter [tilespmem:s13], [sflag:$0x2], $0x1900, $0x38;
	[tilespmem:$0x1FE70] =	vst v63  }
0xe3: {  	_ =	swait.ge [sflag:s14], $0x1900  }
0xe4: {  	[sflag:s14] =	ssyncset.done $0x0  }
0xe5: {  	s9 =	rddreg [dreg:$0x6];
	[sflag:s14] =	ssyncadd.s32 $0xFFFFE700  }
0xe6: {  	[spmem:s9] =	stream.linear.scatter [tilespmem:s13], [sflag:$0x2], $0x1900, $0x38;
	[tilespmem:$0x1FE70] =	vst v63  }
0xe7: {  	_ =	swait.ge [sflag:s14], $0x1900  }
0xe8: {  	[sflag:s14] =	ssyncset.done $0x0  }
0xe9: {  	s10 =	rddreg [dreg:$0x7];
	[sflag:s14] =	ssyncadd.s32 $0xFFFFE700  }
0xea: {  	[spmem:s10] =	stream.linear.scatter [tilespmem:s13], [sflag:$0x2], $0x1900, $0x38;
	[tilespmem:$0x1FE70] =	vst v63  }
0xeb: {  	_ =	swait.ge [sflag:s14], $0x1900  }
0xec: {  	[sflag:s14] =	ssyncset.done $0x0  }
0xed: {  	s11 =	rddreg [dreg:$0x8];
	[sflag:s14] =	ssyncadd.s32 $0xFFFFE700  }
0xee: {  	[spmem:s11] =	stream.linear.scatter [tilespmem:s13], [sflag:$0x2], $0x1900, $0x38;
	[tilespmem:$0x1FE70] =	vst v63  }
0xef: {  	_ =	swait.ge [sflag:s14], $0x1900  }
0xf0: {  	[sflag:s14] =	ssyncset.done $0x0  }
0xf1: {  	s22 =	rddreg [dreg:$0x13];
	[sflag:s14] =	ssyncadd.s32 $0xFFFFE700  }
0xf2: {  	[spmem:s22] =	stream.linear.scatter [tilespmem:s13], [sflag:$0x2], $0x1900, $0x38;
	[tilespmem:$0x1FE70] =	vst v63  }
0xf3: {  	_ =	swait.ge [sflag:s14], $0x1900  }
0xf4: {  	[sflag:s14] =	ssyncset.done $0x0  }
0xf5: {  	s23 =	rddreg [dreg:$0x14];
	[sflag:s14] =	ssyncadd.s32 $0xFFFFE700  }
0xf6: {  	[spmem:s23] =	stream.linear.scatter [tilespmem:s13], [sflag:$0x2], $0x1900, $0x38;
	[tilespmem:$0x1FE70] =	vst v63  }
0xf7: {  	_ =	swait.ge [sflag:s14], $0x1900  }
0xf8: {  	[sflag:s14] =	ssyncset.done $0x0  }
0xf9: {  	s24 =	rddreg [dreg:$0x15];
	[sflag:s14] =	ssyncadd.s32 $0xFFFFE700  }
0xfa: {  	[spmem:s24] =	stream.linear.scatter [tilespmem:s13], [sflag:$0x2], $0x1900, $0x38;
	[tilespmem:$0x1FE70] =	vst v63  }
0xfb: {  	_ =	swait.ge [sflag:s14], $0x1900  }
0xfc: {  	[sflag:s14] =	ssyncset.done $0x0  }
0xfd: {  	s25 =	rddreg [dreg:$0x16];
	[sflag:s14] =	ssyncadd.s32 $0xFFFFE700  }
0xfe: {  	[spmem:s25] =	stream.linear.scatter [tilespmem:s13], [sflag:$0x2], $0x1900, $0x38;
	[tilespmem:$0x1FE70] =	vst v63  }
0xff: {  	_ =	swait.ge [sflag:s14], $0x1900  }
0x100: {  	[sflag:s14] =	ssyncset.done $0x0  }
0x101: {  	[sflag:s14] =	ssyncadd.s32 $0xFFFFE700  }
0x102: {  	[spmem:s26] =	stream.linear.scatter [tilespmem:s13], [sflag:$0x2], $0x1900, $0x38;
	[tilespmem:$0x1FE70] =	vst v63  }
0x103: {  	_ =	swait.ge [sflag:s14], $0x1900  }
0x104: {  	[sflag:s14] =	ssyncset.done $0x0  }
0x105: {  	[sflag:s14] =	ssyncadd.s32 $0xFFFFE700  }
0x106: {  	[spmem:s28] =	stream.linear.scatter [tilespmem:s13], [sflag:$0x2], $0x1900, $0x38;
	[tilespmem:$0x1FE70] =	vst v63  }
0x107: {  	_ =	swait.ge [sflag:s14], $0x1900  }
0x108: {  	[sflag:s14] =	ssyncset.done $0x0  }
0x109: {  	[sflag:s14] =	ssyncadd.s32 $0xFFFFE700  }
0x10a: {  	[spmem:s29] =	stream.linear.scatter [tilespmem:s13], [sflag:$0x2], $0x1900, $0x38;
	[tilespmem:$0x1FE70] =	vst v63  }
0x10b: {  	_ =	swait.ge [sflag:s14], $0x1900  }
0x10c: {  	[sflag:s14] =	ssyncset.done $0x0  }
0x10d: {  	[sflag:s14] =	ssyncadd.s32 $0xFFFFE700  }
0x10e: {  	[spmem:s30] =	stream.linear.scatter [tilespmem:s13], [sflag:$0x2], $0x1900, $0x38;
	[tilespmem:$0x1FE70] =	vst v63  }
0x10f: {  	_ =	swait.ge [sflag:s14], $0x1900  }
0x110: {  	[sflag:s14] =	ssyncset.done $0x0  }
0x111: {  	[sflag:s14] =	ssyncadd.s32 $0xFFFFE700  }
0x112: {  	[spmem:s31] =	stream.linear.scatter [tilespmem:s13], [sflag:$0x2], $0x1900, $0x38;
	[tilespmem:$0x1FE70] =	vst v63  }
0x113: {  	_ =	swait.ge [sflag:s14], $0x1900  }
0x114: {  	[sflag:s14] =	ssyncset.done $0x0  }
0x115: {  	[sflag:s14] =	ssyncadd.s32 $0xFFFFE700  }
0x116: {  	[spmem:s0] =	stream.linear.scatter [tilespmem:s13], [sflag:$0x2], $0x1900, $0x38;
	[tilespmem:$0x1FE70] =	vst v63  }
0x117: {  	_ =	swait.ge [sflag:s14], $0x1900  }
0x118: {  	[sflag:s14] =	ssyncset.done $0x0  }
0x119: {  	s8 =	simm.s32 $0x40;
	s9 =	simm.s32 $0x0;
	[sflag:s14] =	ssyncadd.s32 $0xFFFFE700  }
.LBB2_16:
0x11a: {  	p1 =	sne.s32 s8, $0x1100;
	[tilespmem:s9+$0x197D0] =	vst v6;
	s10 =	smov.u32 s8;
	s8 =	sadd.s32 $0x40, s8  }
.Ltmp10:
0x11b: {  	[tilespmem:s9+$0x19C20] =	vst v7;
	(pc) =	sbr.rel @p1 .LBB2_16-.Ltmp10, $2  }
0x11c: {  	_ =	sdelay $0x2  }
0x11d: {  	s9 =	sshra.s32 s10, $0x2  }
.Ltmp11:
0x11e: {  	(pc) =	sbr.rel .LBB2_18-.Ltmp11, $4  }
0x11f: {  	[tilespmem:s9+$0x197D0] =	vst v6  }
0x120: {  	[tilespmem:s9+$0x19C20] =	vst v7  }
0x121: {  	[bflag:$0x0] =	sbarrier.arrive $0xFFFF  }
0x122: {  	s8 =	simm.s32 $0x0;
	v9 =	vimm.s32 $0x0;
	s9 =	simm.s32 $0x0  }
.LBB2_24:
0x123: {  	s9 =	sadd.s32 $0x1, s9  }
0x124: {  	p1 =	sne.s32 s9, $0x32  }
.Ltmp12:
0x125: {  	_ = 	snop;
	(pc) =	sbr.rel @!p1 .LBB2_25-.Ltmp12, $1  }
0x126: {  	_ =	sdelay $0x3  }
.LBB2_18:
0x127: {  	s10 =	smul.u32 $0x7D0, s9;
	_ =	sdelay $0x1  }
0x128: {  	s10 =	sadd.s32 s1, s10  }
0x129: {  	s11 =	sshrl.u32 s10, $0x3  }
.Ltmp13:
0x12a: {  	s11 =	sadd.s32 s4, s11;
	(pc) =	sbr.rel .LBB2_19-.Ltmp13, $4  }
0x12b: {  	[tilespmem:s15], [sflag:$0x2] =	stream.linear.gather [hbm4b:s11+s8], $0x7D0, $0x38;
	[tilespmem:$0x1FE70] =	vst v63  }
0x12c: {  	_ =	swait.ge [sflag:s14], $0x7D0  }
0x12d: {  	[sflag:s14] =	ssyncset.done $0x0  }
0x12e: {  	s11 =	simm.s32 $0x0;
	[sflag:s14] =	ssyncadd.s32 $0xFFFFF830  }
.LBB2_22:
0x12f: {  	[tilespmem:s24+$0x197D0] =	vst v6  }
0x130: {  	[tilespmem:s24+$0x19C20] =	vst v7  }
.LBB2_23:
0x131: {  	s11 =	sadd.s32 $0x1, s11  }
0x132: {  	p2 =	sne.s32 s11, $0x19  }
.Ltmp14:
0x133: {  	_ = 	snop;
	(pc) =	sbr.rel @!p2 .LBB2_24-.Ltmp14, $3  }
0x134: {  	_ =	sdelay $0x1  }
0x135: {  	p1 =	sgt.s32 s22, $0x0  }
0x136: {  	v9 =	vpsel p1, $0x0, v9  }
.LBB2_19:
0x137: {  	s22 =	smul.u32 $0x50, s11;
	_ =	sdelay $0x1  }
0x138: {  	v10 =	vld [tilespmem:s22+$0x19000];
	_ =	sdelay $0x1  }
0x139: {  	v11 =	vadd.s32 v8, v9;
	_ =	sdelay $0x2  }
0x13a: {  	s23 =	sadd.s32 s10, s22;
	v10 =	vsub.s32 v10, v1  }
0x13b: {  	v12 =	vor.u32 s23, v5;
	vm0 =	vlt.u32 v10, $0x186A0;
	v10 =	vmin.u32 v10, $0x186A0  }
0x13c: {  	[tilespmem:v11+s16+$0x0] =	vst.idx.msk $0xffff, v10;
	v10 =	vnsel vm0, $0x0, v12  }
0x13d: {  	[tilespmem:v11+s17+$0x0] =	vst.idx.msk $0xffff, v10  }
0x13e: {  	v10 =	vsel vm0, $0x1, v7;
	v11 =	vld [tilespmem:s22+$0x19010]  }
0x13f: {  	v9 =	vadd.s32 v10, v9  }
0x140: {  	v10 =	vadd.s32 v8, v9;
	_ =	sdelay $0x2  }
0x141: {  	s24 =	sadd.s32 $0x10, s23;
	v11 =	vsub.s32 v11, v1  }
0x142: {  	v59 =	vor.u32 s24, v5;
	vm12 =	vlt.u32 v11, $0x186A0;
	v11 =	vmin.u32 v11, $0x186A0  }
0x143: {  	[tilespmem:v10+s16+$0x0] =	vst.idx.msk $0xffff, v11;
	v11 =	vnsel vm12, $0x0, v59  }
0x144: {  	[tilespmem:v10+s17+$0x0] =	vst.idx.msk $0xffff, v11  }
0x145: {  	v10 =	vsel vm12, $0x1, v7;
	v11 =	vld [tilespmem:s22+$0x19020]  }
0x146: {  	v9 =	vadd.s32 v10, v9  }
0x147: {  	v10 =	vadd.s32 v8, v9;
	_ =	sdelay $0x2  }
0x148: {  	s25 =	sadd.s32 $0x20, s23;
	v11 =	vsub.s32 v11, v1  }
0x149: {  	v60 =	vor.u32 s25, v5;
	vm13 =	vlt.u32 v11, $0x186A0;
	v11 =	vmin.u32 v11, $0x186A0  }
0x14a: {  	[tilespmem:v10+s16+$0x0] =	vst.idx.msk $0xffff, v11;
	v11 =	vnsel vm13, $0x0, v60  }
0x14b: {  	[tilespmem:v10+s17+$0x0] =	vst.idx.msk $0xffff, v11  }
0x14c: {  	v10 =	vsel vm13, $0x1, v7;
	v11 =	vld [tilespmem:s22+$0x19030]  }
0x14d: {  	v9 =	vadd.s32 v10, v9  }
0x14e: {  	v10 =	vadd.s32 v8, v9;
	_ =	sdelay $0x2  }
0x14f: {  	s25 =	sadd.s32 $0x30, s23;
	v11 =	vsub.s32 v11, v1  }
0x150: {  	v61 =	vor.u32 s25, v5;
	vm14 =	vlt.u32 v11, $0x186A0;
	v11 =	vmin.u32 v11, $0x186A0  }
0x151: {  	[tilespmem:v10+s16+$0x0] =	vst.idx.msk $0xffff, v11;
	v11 =	vnsel vm14, $0x0, v61  }
0x152: {  	[tilespmem:v10+s17+$0x0] =	vst.idx.msk $0xffff, v11  }
0x153: {  	v10 =	vld [tilespmem:s22+$0x19040];
	_ =	sdelay $0x4  }
0x154: {  	v10 =	vsub.s32 v10, v1  }
0x155: {  	v11 =	vsel vm14, $0x1, v7;
	vm15 =	vlt.u32 v10, $0x186A0  }
0x156: {  	v11 =	vadd.s32 v11, v9;
	v9 =	vsel vm15, $0x1, v7  }
0x157: {  	v9 =	vadd.s32 v9, v11  }
0x158: {  	vm1 =	vgt.s32 v9, $0x3F  }
0x159: {  	v62 =	vmpcnt.ones.xlane vm1;
	_ =	sdelay $0x1  }
0x15a: {  	(v2sf) =	vpush v62, $0x0;
	_ =	sdelay $0xe  }
0x15b: {  	v11 =	vadd.s32 v8, v11;
	s22 =	spop (v2sf)  }
0x15c: {  	p1 =	slt.s32 s22, $0x1  }
.Ltmp15:
0x15d: {  	_ = 	snop;
	(pc) =	sbr.rel @p1 .LBB2_23-.Ltmp15, $4  }
0x15e: {  	s25 =	sadd.s32 $0x40, s23  }
0x15f: {  	v63 =	vor.u32 s25, v5;
	v10 =	vmin.u32 v10, $0x186A0  }
0x160: {  	[tilespmem:v11+s16+$0x0] =	vst.idx.msk $0xffff, v10;
	v10 =	vnsel vm15, $0x0, v63  }
0x161: {  	[tilespmem:v11+s17+$0x0] =	vst.idx.msk $0xffff, v10  }
0x162: {  	[tilespmem:s19], [sflag:$0x1] =	stream.indirect.gather [hbm4b:s5+s18], $0x10, s17, s18, $0xb8;
	[tilespmem:$0x1FE70] =	vst v63  }
0x163: {  	_ =	swait.ge [sflag:s20], $0x4500  }
0x164: {  	[sflag:s20] =	ssyncset.done $0x0  }
0x165: {  	[sflag:s20] =	ssyncadd.s32 $0xFFFFBB00  }
0x166: {  	[spmem:s2] =	stream.indirect.scatter.add.f32 [tilespmem:s19], [sflag:$0x2], $0x10, s16, s18, $0xb8;
	[tilespmem:$0x1FE70] =	vst v63  }
0x167: {  	_ =	swait.ge [sflag:s14], $0x4500  }
0x168: {  	[sflag:s14] =	ssyncset.done $0x0  }
0x169: {  	s23 =	simm.s32 $0x40;
	s24 =	simm.s32 $0x0;
	[sflag:s14] =	ssyncadd.s32 $0xFFFFBB00  }
.LBB2_21:
0x16a: {  	p1 =	sne.s32 s23, $0x1100;
	[tilespmem:s24+$0x197D0] =	vst v6;
	s25 =	smov.u32 s23;
	s23 =	sadd.s32 $0x40, s23  }
.Ltmp16:
0x16b: {  	[tilespmem:s24+$0x19C20] =	vst v7;
	(pc) =	sbr.rel @p1 .LBB2_21-.Ltmp16, $2  }
0x16c: {  	_ =	sdelay $0x2  }
0x16d: {  	s24 =	sshra.s32 s25, $0x2  }
.Ltmp17:
0x16e: {  	_ = 	snop;
	(pc) =	sbr.rel .LBB2_22-.Ltmp17, $1  }
0x16f: {  	_ =	sdelay $0x3  }
.LBB2_25:
0x170: {  	[tilespmem:s19], [sflag:$0x1] =	stream.indirect.gather [hbm4b:s5+s18], $0x10, s17, s18, $0xb8;
	[tilespmem:$0x1FE70] =	vst v63  }
0x171: {  	_ =	swait.ge [sflag:s20], $0x4500  }
0x172: {  	[sflag:s20] =	ssyncset.done $0x0  }
0x173: {  	[sflag:s20] =	ssyncadd.s32 $0xFFFFBB00  }
0x174: {  	[spmem:s2] =	stream.indirect.scatter.add.f32 [tilespmem:s19], [sflag:$0x2], $0x10, s16, s18, $0xb8;
	[tilespmem:$0x1FE70] =	vst v63  }
0x175: {  	_ =	swait.ge [sflag:s14], $0x4500  }
0x176: {  	[sflag:s14] =	ssyncset.done $0x0  }
0x177: {  	s8 =	simm.s32 $0x40;
	s9 =	simm.s32 $0x0;
	[sflag:s14] =	ssyncadd.s32 $0xFFFFBB00  }
.LBB2_26:
0x178: {  	p1 =	sne.s32 s8, $0x1100;
	[tilespmem:s9+$0x197D0] =	vst v6;
	s10 =	smov.u32 s8;
	s8 =	sadd.s32 $0x40, s8  }
.Ltmp18:
0x179: {  	[tilespmem:s9+$0x19C20] =	vst v7;
	(pc) =	sbr.rel @p1 .LBB2_26-.Ltmp18, $2  }
0x17a: {  	_ =	sdelay $0x2  }
0x17b: {  	s9 =	sshra.s32 s10, $0x2  }
0x17c: {  	[tilespmem:s9+$0x197D0] =	vst v6  }
0x17d: {  	[tilespmem:s9+$0x19C20] =	vst v7  }
0x17e: {  	[bflag:$0x0] =	sbarrier.arrive $0xFFFF  }
0x17f: {  	s8 =	simm.s32 @p0 $0x1FC2;
	s9 =	rddreg [dreg:$0xd]  }
0x180: {  	[hbm:s9], [sflag:s8] =	dma.local @p0 [spmem:s21], $0x3020  }
0x181: {  	s8 =	simm.s32 @p0 $0x2  }
0x182: {  	_ =	swait.ge @p0 [sflag:s8], $0x3020  }
0x183: {  	[sflag:s8] =	ssyncset.done @p0 $0x0  }
0x184: {  	[sflag:s8] =	ssyncadd.s32 @p0 $0xFFFFCFE0;
	s8 =	rddreg [dreg:$0xc]  }
0x185: {  	[hbm:s8], [sflag:s12] =	dma.local @!p0 [spmem:s7], $0x30E0  }
0x186: {  	s8 =	simm.s32 @!p0 $0x2  }
0x187: {  	_ =	swait.ge @!p0 [sflag:s8], $0x30E0  }
0x188: {  	[sflag:s8] =	ssyncset.done @!p0 $0x0  }
0x189: {  	[sflag:s8] =	ssyncadd.s32 @!p0 $0xFFFFCF20  }
0x18a: {  	[bflag:$0x0] =	sbarrier.arrive $0xFFFF  }
0x18b: {  	[spmem:s6] =	stream.linear.scatter [tilespmem:s13], [sflag:$0x2], $0x1900, $0x38;
	[tilespmem:$0x1FE70] =	vst v63  }
0x18c: {  	_ =	swait.ge [sflag:s14], $0x1900  }
0x18d: {  	[sflag:s14] =	ssyncset.done $0x0  }
0x18e: {  	s24 =	rddreg [dreg:$0x4];
	[sflag:s14] =	ssyncadd.s32 $0xFFFFE700  }
0x18f: {  	[spmem:s24] =	stream.linear.scatter [tilespmem:s13], [sflag:$0x2], $0x1900, $0x38;
	[tilespmem:$0x1FE70] =	vst v63  }
0x190: {  	_ =	swait.ge [sflag:s14], $0x1900  }
0x191: {  	[sflag:s14] =	ssyncset.done $0x0  }
0x192: {  	s25 =	rddreg [dreg:$0x5];
	[sflag:s14] =	ssyncadd.s32 $0xFFFFE700  }
0x193: {  	[spmem:s25] =	stream.linear.scatter [tilespmem:s13], [sflag:$0x2], $0x1900, $0x38;
	[tilespmem:$0x1FE70] =	vst v63  }
0x194: {  	_ =	swait.ge [sflag:s14], $0x1900  }
0x195: {  	[sflag:s14] =	ssyncset.done $0x0  }
0x196: {  	s9 =	rddreg [dreg:$0x6];
	[sflag:s14] =	ssyncadd.s32 $0xFFFFE700  }
0x197: {  	[spmem:s9] =	stream.linear.scatter [tilespmem:s13], [sflag:$0x2], $0x1900, $0x38;
	[tilespmem:$0x1FE70] =	vst v63  }
0x198: {  	_ =	swait.ge [sflag:s14], $0x1900  }
0x199: {  	[sflag:s14] =	ssyncset.done $0x0  }
0x19a: {  	s10 =	rddreg [dreg:$0x7];
	[sflag:s14] =	ssyncadd.s32 $0xFFFFE700  }
0x19b: {  	[spmem:s10] =	stream.linear.scatter [tilespmem:s13], [sflag:$0x2], $0x1900, $0x38;
	[tilespmem:$0x1FE70] =	vst v63  }
0x19c: {  	_ =	swait.ge [sflag:s14], $0x1900  }
0x19d: {  	[sflag:s14] =	ssyncset.done $0x0  }
0x19e: {  	s11 =	rddreg [dreg:$0x8];
	[sflag:s14] =	ssyncadd.s32 $0xFFFFE700  }
0x19f: {  	[spmem:s11] =	stream.linear.scatter [tilespmem:s13], [sflag:$0x2], $0x1900, $0x38;
	[tilespmem:$0x1FE70] =	vst v63  }
0x1a0: {  	_ =	swait.ge [sflag:s14], $0x1900  }
0x1a1: {  	[sflag:s14] =	ssyncset.done $0x0  }
0x1a2: {  	s22 =	rddreg [dreg:$0x13];
	[sflag:s14] =	ssyncadd.s32 $0xFFFFE700  }
0x1a3: {  	[spmem:s22] =	stream.linear.scatter [tilespmem:s13], [sflag:$0x2], $0x1900, $0x38;
	[tilespmem:$0x1FE70] =	vst v63  }
0x1a4: {  	_ =	swait.ge [sflag:s14], $0x1900  }
0x1a5: {  	[sflag:s14] =	ssyncset.done $0x0  }
0x1a6: {  	s23 =	rddreg [dreg:$0x14];
	[sflag:s14] =	ssyncadd.s32 $0xFFFFE700  }
0x1a7: {  	[spmem:s23] =	stream.linear.scatter [tilespmem:s13], [sflag:$0x2], $0x1900, $0x38;
	[tilespmem:$0x1FE70] =	vst v63  }
0x1a8: {  	_ =	swait.ge [sflag:s14], $0x1900  }
0x1a9: {  	[sflag:s14] =	ssyncset.done $0x0  }
0x1aa: {  	s24 =	rddreg [dreg:$0x15];
	[sflag:s14] =	ssyncadd.s32 $0xFFFFE700  }
0x1ab: {  	[spmem:s24] =	stream.linear.scatter [tilespmem:s13], [sflag:$0x2], $0x1900, $0x38;
	[tilespmem:$0x1FE70] =	vst v63  }
0x1ac: {  	_ =	swait.ge [sflag:s14], $0x1900  }
0x1ad: {  	[sflag:s14] =	ssyncset.done $0x0  }
0x1ae: {  	s25 =	rddreg [dreg:$0x16];
	[sflag:s14] =	ssyncadd.s32 $0xFFFFE700  }
0x1af: {  	[spmem:s25] =	stream.linear.scatter [tilespmem:s13], [sflag:$0x2], $0x1900, $0x38;
	[tilespmem:$0x1FE70] =	vst v63  }
0x1b0: {  	_ =	swait.ge [sflag:s14], $0x1900  }
0x1b1: {  	[sflag:s14] =	ssyncset.done $0x0  }
0x1b2: {  	[sflag:s14] =	ssyncadd.s32 $0xFFFFE700  }
0x1b3: {  	[spmem:s26] =	stream.linear.scatter [tilespmem:s13], [sflag:$0x2], $0x1900, $0x38;
	[tilespmem:$0x1FE70] =	vst v63  }
0x1b4: {  	_ =	swait.ge [sflag:s14], $0x1900  }
0x1b5: {  	[sflag:s14] =	ssyncset.done $0x0  }
0x1b6: {  	[sflag:s14] =	ssyncadd.s32 $0xFFFFE700  }
0x1b7: {  	[spmem:s28] =	stream.linear.scatter [tilespmem:s13], [sflag:$0x2], $0x1900, $0x38;
	[tilespmem:$0x1FE70] =	vst v63  }
0x1b8: {  	_ =	swait.ge [sflag:s14], $0x1900  }
0x1b9: {  	[sflag:s14] =	ssyncset.done $0x0  }
0x1ba: {  	[sflag:s14] =	ssyncadd.s32 $0xFFFFE700  }
0x1bb: {  	[spmem:s29] =	stream.linear.scatter [tilespmem:s13], [sflag:$0x2], $0x1900, $0x38;
	[tilespmem:$0x1FE70] =	vst v63  }
0x1bc: {  	_ =	swait.ge [sflag:s14], $0x1900  }
0x1bd: {  	[sflag:s14] =	ssyncset.done $0x0  }
0x1be: {  	[sflag:s14] =	ssyncadd.s32 $0xFFFFE700  }
0x1bf: {  	[spmem:s30] =	stream.linear.scatter [tilespmem:s13], [sflag:$0x2], $0x1900, $0x38;
	[tilespmem:$0x1FE70] =	vst v63  }
0x1c0: {  	_ =	swait.ge [sflag:s14], $0x1900  }
0x1c1: {  	[sflag:s14] =	ssyncset.done $0x0  }
0x1c2: {  	[sflag:s14] =	ssyncadd.s32 $0xFFFFE700  }
0x1c3: {  	[spmem:s31] =	stream.linear.scatter [tilespmem:s13], [sflag:$0x2], $0x1900, $0x38;
	[tilespmem:$0x1FE70] =	vst v63  }
0x1c4: {  	_ =	swait.ge [sflag:s14], $0x1900  }
0x1c5: {  	[sflag:s14] =	ssyncset.done $0x0  }
0x1c6: {  	[sflag:s14] =	ssyncadd.s32 $0xFFFFE700  }
0x1c7: {  	[spmem:s0] =	stream.linear.scatter [tilespmem:s13], [sflag:$0x2], $0x1900, $0x38;
	[tilespmem:$0x1FE70] =	vst v63  }
0x1c8: {  	_ =	swait.ge [sflag:s14], $0x1900  }
0x1c9: {  	[sflag:s14] =	ssyncset.done $0x0  }
0x1ca: {  	s8 =	simm.s32 $0x40;
	s9 =	simm.s32 $0x0;
	[sflag:s14] =	ssyncadd.s32 $0xFFFFE700  }
.LBB2_28:
0x1cb: {  	p1 =	sne.s32 s8, $0x1100;
	[tilespmem:s9+$0x197D0] =	vst v6;
	s10 =	smov.u32 s8;
	s8 =	sadd.s32 $0x40, s8  }
.Ltmp19:
0x1cc: {  	[tilespmem:s9+$0x19C20] =	vst v7;
	(pc) =	sbr.rel @p1 .LBB2_28-.Ltmp19, $2  }
0x1cd: {  	_ =	sdelay $0x2  }
0x1ce: {  	s9 =	sshra.s32 s10, $0x2  }
.Ltmp20:
0x1cf: {  	(pc) =	sbr.rel .LBB2_30-.Ltmp20, $4  }
0x1d0: {  	[tilespmem:s9+$0x197D0] =	vst v6  }
0x1d1: {  	[tilespmem:s9+$0x19C20] =	vst v7  }
0x1d2: {  	[bflag:$0x0] =	sbarrier.arrive $0xFFFF  }
0x1d3: {  	s8 =	simm.s32 $0x0;
	v9 =	vimm.s32 $0x0;
	s9 =	simm.s32 $0x0  }
.LBB2_36:
0x1d4: {  	s9 =	sadd.s32 $0x1, s9  }
0x1d5: {  	p1 =	sne.s32 s9, $0x32  }
.Ltmp21:
0x1d6: {  	_ = 	snop;
	(pc) =	sbr.rel @!p1 .LBB2_37-.Ltmp21, $1  }
0x1d7: {  	_ =	sdelay $0x3  }
.LBB2_30:
0x1d8: {  	s10 =	smul.u32 $0x7D0, s9;
	_ =	sdelay $0x1  }
0x1d9: {  	s10 =	sadd.s32 s1, s10  }
0x1da: {  	s11 =	sshrl.u32 s10, $0x3  }
.Ltmp22:
0x1db: {  	s11 =	sadd.s32 s4, s11;
	(pc) =	sbr.rel .LBB2_31-.Ltmp22, $4  }
0x1dc: {  	[tilespmem:s15], [sflag:$0x2] =	stream.linear.gather [hbm4b:s11+s8], $0x7D0, $0x38;
	[tilespmem:$0x1FE70] =	vst v63  }
0x1dd: {  	_ =	swait.ge [sflag:s14], $0x7D0  }
0x1de: {  	[sflag:s14] =	ssyncset.done $0x0  }
0x1df: {  	s11 =	simm.s32 $0x0;
	[sflag:s14] =	ssyncadd.s32 $0xFFFFF830  }
.LBB2_34:
0x1e0: {  	[tilespmem:s24+$0x197D0] =	vst v6  }
0x1e1: {  	[tilespmem:s24+$0x19C20] =	vst v7  }
.LBB2_35:
0x1e2: {  	s11 =	sadd.s32 $0x1, s11  }
0x1e3: {  	p2 =	sne.s32 s11, $0x19  }
.Ltmp23:
0x1e4: {  	_ = 	snop;
	(pc) =	sbr.rel @!p2 .LBB2_36-.Ltmp23, $3  }
0x1e5: {  	_ =	sdelay $0x1  }
0x1e6: {  	p1 =	sgt.s32 s22, $0x0  }
0x1e7: {  	v9 =	vpsel p1, $0x0, v9  }
.LBB2_31:
0x1e8: {  	s22 =	smul.u32 $0x50, s11;
	_ =	sdelay $0x1  }
0x1e9: {  	v10 =	vld [tilespmem:s22+$0x19000];
	_ =	sdelay $0x1  }
0x1ea: {  	v11 =	vadd.s32 v8, v9;
	_ =	sdelay $0x2  }
0x1eb: {  	s23 =	sadd.s32 s10, s22;
	v10 =	vsub.s32 v10, v2  }
0x1ec: {  	v12 =	vor.u32 s23, v5;
	vm0 =	vlt.u32 v10, $0x186A0;
	v10 =	vmin.u32 v10, $0x186A0  }
0x1ed: {  	[tilespmem:v11+s16+$0x0] =	vst.idx.msk $0xffff, v10;
	v10 =	vnsel vm0, $0x0, v12  }
0x1ee: {  	[tilespmem:v11+s17+$0x0] =	vst.idx.msk $0xffff, v10  }
0x1ef: {  	v10 =	vsel vm0, $0x1, v7;
	v11 =	vld [tilespmem:s22+$0x19010]  }
0x1f0: {  	v9 =	vadd.s32 v10, v9  }
0x1f1: {  	v10 =	vadd.s32 v8, v9;
	_ =	sdelay $0x2  }
0x1f2: {  	s24 =	sadd.s32 $0x10, s23;
	v11 =	vsub.s32 v11, v2  }
0x1f3: {  	v59 =	vor.u32 s24, v5;
	vm12 =	vlt.u32 v11, $0x186A0;
	v11 =	vmin.u32 v11, $0x186A0  }
0x1f4: {  	[tilespmem:v10+s16+$0x0] =	vst.idx.msk $0xffff, v11;
	v11 =	vnsel vm12, $0x0, v59  }
0x1f5: {  	[tilespmem:v10+s17+$0x0] =	vst.idx.msk $0xffff, v11  }
0x1f6: {  	v10 =	vsel vm12, $0x1, v7;
	v11 =	vld [tilespmem:s22+$0x19020]  }
0x1f7: {  	v9 =	vadd.s32 v10, v9  }
0x1f8: {  	v10 =	vadd.s32 v8, v9;
	_ =	sdelay $0x2  }
0x1f9: {  	s25 =	sadd.s32 $0x20, s23;
	v11 =	vsub.s32 v11, v2  }
0x1fa: {  	v60 =	vor.u32 s25, v5;
	vm13 =	vlt.u32 v11, $0x186A0;
	v11 =	vmin.u32 v11, $0x186A0  }
0x1fb: {  	[tilespmem:v10+s16+$0x0] =	vst.idx.msk $0xffff, v11;
	v11 =	vnsel vm13, $0x0, v60  }
0x1fc: {  	[tilespmem:v10+s17+$0x0] =	vst.idx.msk $0xffff, v11  }
0x1fd: {  	v10 =	vsel vm13, $0x1, v7;
	v11 =	vld [tilespmem:s22+$0x19030]  }
0x1fe: {  	v9 =	vadd.s32 v10, v9  }
0x1ff: {  	v10 =	vadd.s32 v8, v9;
	_ =	sdelay $0x2  }
0x200: {  	s25 =	sadd.s32 $0x30, s23;
	v11 =	vsub.s32 v11, v2  }
0x201: {  	v61 =	vor.u32 s25, v5;
	vm14 =	vlt.u32 v11, $0x186A0;
	v11 =	vmin.u32 v11, $0x186A0  }
0x202: {  	[tilespmem:v10+s16+$0x0] =	vst.idx.msk $0xffff, v11;
	v11 =	vnsel vm14, $0x0, v61  }
0x203: {  	[tilespmem:v10+s17+$0x0] =	vst.idx.msk $0xffff, v11  }
0x204: {  	v10 =	vld [tilespmem:s22+$0x19040];
	_ =	sdelay $0x4  }
0x205: {  	v10 =	vsub.s32 v10, v2  }
0x206: {  	v11 =	vsel vm14, $0x1, v7;
	vm15 =	vlt.u32 v10, $0x186A0  }
0x207: {  	v11 =	vadd.s32 v11, v9;
	v9 =	vsel vm15, $0x1, v7  }
0x208: {  	v9 =	vadd.s32 v9, v11  }
0x209: {  	vm1 =	vgt.s32 v9, $0x3F  }
0x20a: {  	v62 =	vmpcnt.ones.xlane vm1;
	_ =	sdelay $0x1  }
0x20b: {  	(v2sf) =	vpush v62, $0x0;
	_ =	sdelay $0xe  }
0x20c: {  	v11 =	vadd.s32 v8, v11;
	s22 =	spop (v2sf)  }
0x20d: {  	p1 =	slt.s32 s22, $0x1  }
.Ltmp24:
0x20e: {  	_ = 	snop;
	(pc) =	sbr.rel @p1 .LBB2_35-.Ltmp24, $4  }
0x20f: {  	s25 =	sadd.s32 $0x40, s23  }
0x210: {  	v63 =	vor.u32 s25, v5;
	v10 =	vmin.u32 v10, $0x186A0  }
0x211: {  	[tilespmem:v11+s16+$0x0] =	vst.idx.msk $0xffff, v10;
	v10 =	vnsel vm15, $0x0, v63  }
0x212: {  	[tilespmem:v11+s17+$0x0] =	vst.idx.msk $0xffff, v10  }
0x213: {  	[tilespmem:s19], [sflag:$0x1] =	stream.indirect.gather [hbm4b:s5+s18], $0x10, s17, s18, $0xb8;
	[tilespmem:$0x1FE70] =	vst v63  }
0x214: {  	_ =	swait.ge [sflag:s20], $0x4500  }
0x215: {  	[sflag:s20] =	ssyncset.done $0x0  }
0x216: {  	[sflag:s20] =	ssyncadd.s32 $0xFFFFBB00  }
0x217: {  	[spmem:s2] =	stream.indirect.scatter.add.f32 [tilespmem:s19], [sflag:$0x2], $0x10, s16, s18, $0xb8;
	[tilespmem:$0x1FE70] =	vst v63  }
0x218: {  	_ =	swait.ge [sflag:s14], $0x4500  }
0x219: {  	[sflag:s14] =	ssyncset.done $0x0  }
0x21a: {  	s23 =	simm.s32 $0x40;
	s24 =	simm.s32 $0x0;
	[sflag:s14] =	ssyncadd.s32 $0xFFFFBB00  }
.LBB2_33:
0x21b: {  	p1 =	sne.s32 s23, $0x1100;
	[tilespmem:s24+$0x197D0] =	vst v6;
	s25 =	smov.u32 s23;
	s23 =	sadd.s32 $0x40, s23  }
.Ltmp25:
0x21c: {  	[tilespmem:s24+$0x19C20] =	vst v7;
	(pc) =	sbr.rel @p1 .LBB2_33-.Ltmp25, $2  }
0x21d: {  	_ =	sdelay $0x2  }
0x21e: {  	s24 =	sshra.s32 s25, $0x2  }
.Ltmp26:
0x21f: {  	_ = 	snop;
	(pc) =	sbr.rel .LBB2_34-.Ltmp26, $1  }
0x220: {  	_ =	sdelay $0x3  }
.LBB2_37:
0x221: {  	[tilespmem:s19], [sflag:$0x1] =	stream.indirect.gather [hbm4b:s5+s18], $0x10, s17, s18, $0xb8;
	[tilespmem:$0x1FE70] =	vst v63  }
0x222: {  	_ =	swait.ge [sflag:s20], $0x4500  }
0x223: {  	[sflag:s20] =	ssyncset.done $0x0  }
0x224: {  	[sflag:s20] =	ssyncadd.s32 $0xFFFFBB00  }
0x225: {  	[spmem:s2] =	stream.indirect.scatter.add.f32 [tilespmem:s19], [sflag:$0x2], $0x10, s16, s18, $0xb8;
	[tilespmem:$0x1FE70] =	vst v63  }
0x226: {  	_ =	swait.ge [sflag:s14], $0x4500  }
0x227: {  	[sflag:s14] =	ssyncset.done $0x0  }
0x228: {  	s8 =	simm.s32 $0x40;
	s9 =	simm.s32 $0x0;
	[sflag:s14] =	ssyncadd.s32 $0xFFFFBB00  }
.LBB2_38:
0x229: {  	p1 =	sne.s32 s8, $0x1100;
	[tilespmem:s9+$0x197D0] =	vst v6;
	s10 =	smov.u32 s8;
	s8 =	sadd.s32 $0x40, s8  }
.Ltmp27:
0x22a: {  	[tilespmem:s9+$0x19C20] =	vst v7;
	(pc) =	sbr.rel @p1 .LBB2_38-.Ltmp27, $2  }
0x22b: {  	_ =	sdelay $0x2  }
0x22c: {  	s9 =	sshra.s32 s10, $0x2  }
0x22d: {  	[tilespmem:s9+$0x197D0] =	vst v6  }
0x22e: {  	[tilespmem:s9+$0x19C20] =	vst v7  }
0x22f: {  	[bflag:$0x0] =	sbarrier.arrive $0xFFFF  }
0x230: {  	s8 =	simm.s32 @p0 $0x1FC2;
	s9 =	rddreg [dreg:$0x10]  }
0x231: {  	[hbm:s9], [sflag:s8] =	dma.local @p0 [spmem:s21], $0x3020  }
0x232: {  	s8 =	simm.s32 @p0 $0x2  }
0x233: {  	_ =	swait.ge @p0 [sflag:s8], $0x3020  }
0x234: {  	[sflag:s8] =	ssyncset.done @p0 $0x0  }
0x235: {  	[sflag:s8] =	ssyncadd.s32 @p0 $0xFFFFCFE0;
	s8 =	rddreg [dreg:$0xe]  }
0x236: {  	[hbm:s8], [sflag:s12] =	dma.local @!p0 [spmem:s7], $0x30E0  }
0x237: {  	s8 =	simm.s32 @!p0 $0x2  }
0x238: {  	_ =	swait.ge @!p0 [sflag:s8], $0x30E0  }
0x239: {  	[sflag:s8] =	ssyncset.done @!p0 $0x0  }
0x23a: {  	[sflag:s8] =	ssyncadd.s32 @!p0 $0xFFFFCF20  }
0x23b: {  	[bflag:$0x0] =	sbarrier.arrive $0xFFFF  }
0x23c: {  	[spmem:s6] =	stream.linear.scatter [tilespmem:s13], [sflag:$0x2], $0x1900, $0x38;
	[tilespmem:$0x1FE70] =	vst v63  }
0x23d: {  	_ =	swait.ge [sflag:s14], $0x1900  }
0x23e: {  	[sflag:s14] =	ssyncset.done $0x0  }
0x23f: {  	s24 =	rddreg [dreg:$0x4];
	[sflag:s14] =	ssyncadd.s32 $0xFFFFE700  }
0x240: {  	[spmem:s24] =	stream.linear.scatter [tilespmem:s13], [sflag:$0x2], $0x1900, $0x38;
	[tilespmem:$0x1FE70] =	vst v63  }
0x241: {  	_ =	swait.ge [sflag:s14], $0x1900  }
0x242: {  	[sflag:s14] =	ssyncset.done $0x0  }
0x243: {  	s25 =	rddreg [dreg:$0x5];
	[sflag:s14] =	ssyncadd.s32 $0xFFFFE700  }
0x244: {  	[spmem:s25] =	stream.linear.scatter [tilespmem:s13], [sflag:$0x2], $0x1900, $0x38;
	[tilespmem:$0x1FE70] =	vst v63  }
0x245: {  	_ =	swait.ge [sflag:s14], $0x1900  }
0x246: {  	[sflag:s14] =	ssyncset.done $0x0  }
0x247: {  	s9 =	rddreg [dreg:$0x6];
	[sflag:s14] =	ssyncadd.s32 $0xFFFFE700  }
0x248: {  	[spmem:s9] =	stream.linear.scatter [tilespmem:s13], [sflag:$0x2], $0x1900, $0x38;
	[tilespmem:$0x1FE70] =	vst v63  }
0x249: {  	_ =	swait.ge [sflag:s14], $0x1900  }
0x24a: {  	[sflag:s14] =	ssyncset.done $0x0  }
0x24b: {  	s10 =	rddreg [dreg:$0x7];
	[sflag:s14] =	ssyncadd.s32 $0xFFFFE700  }
0x24c: {  	[spmem:s10] =	stream.linear.scatter [tilespmem:s13], [sflag:$0x2], $0x1900, $0x38;
	[tilespmem:$0x1FE70] =	vst v63  }
0x24d: {  	_ =	swait.ge [sflag:s14], $0x1900  }
0x24e: {  	[sflag:s14] =	ssyncset.done $0x0  }
0x24f: {  	s11 =	rddreg [dreg:$0x8];
	[sflag:s14] =	ssyncadd.s32 $0xFFFFE700  }
0x250: {  	[spmem:s11] =	stream.linear.scatter [tilespmem:s13], [sflag:$0x2], $0x1900, $0x38;
	[tilespmem:$0x1FE70] =	vst v63  }
0x251: {  	_ =	swait.ge [sflag:s14], $0x1900  }
0x252: {  	[sflag:s14] =	ssyncset.done $0x0  }
0x253: {  	s22 =	rddreg [dreg:$0x13];
	[sflag:s14] =	ssyncadd.s32 $0xFFFFE700  }
0x254: {  	[spmem:s22] =	stream.linear.scatter [tilespmem:s13], [sflag:$0x2], $0x1900, $0x38;
	[tilespmem:$0x1FE70] =	vst v63  }
0x255: {  	_ =	swait.ge [sflag:s14], $0x1900  }
0x256: {  	[sflag:s14] =	ssyncset.done $0x0  }
0x257: {  	s23 =	rddreg [dreg:$0x14];
	[sflag:s14] =	ssyncadd.s32 $0xFFFFE700  }
0x258: {  	[spmem:s23] =	stream.linear.scatter [tilespmem:s13], [sflag:$0x2], $0x1900, $0x38;
	[tilespmem:$0x1FE70] =	vst v63  }
0x259: {  	_ =	swait.ge [sflag:s14], $0x1900  }
0x25a: {  	[sflag:s14] =	ssyncset.done $0x0  }
0x25b: {  	s24 =	rddreg [dreg:$0x15];
	[sflag:s14] =	ssyncadd.s32 $0xFFFFE700  }
0x25c: {  	[spmem:s24] =	stream.linear.scatter [tilespmem:s13], [sflag:$0x2], $0x1900, $0x38;
	[tilespmem:$0x1FE70] =	vst v63  }
0x25d: {  	_ =	swait.ge [sflag:s14], $0x1900  }
0x25e: {  	[sflag:s14] =	ssyncset.done $0x0  }
0x25f: {  	s25 =	rddreg [dreg:$0x16];
	[sflag:s14] =	ssyncadd.s32 $0xFFFFE700  }
0x260: {  	[spmem:s25] =	stream.linear.scatter [tilespmem:s13], [sflag:$0x2], $0x1900, $0x38;
	[tilespmem:$0x1FE70] =	vst v63  }
0x261: {  	_ =	swait.ge [sflag:s14], $0x1900  }
0x262: {  	[sflag:s14] =	ssyncset.done $0x0  }
0x263: {  	[sflag:s14] =	ssyncadd.s32 $0xFFFFE700  }
0x264: {  	[spmem:s26] =	stream.linear.scatter [tilespmem:s13], [sflag:$0x2], $0x1900, $0x38;
	[tilespmem:$0x1FE70] =	vst v63  }
0x265: {  	_ =	swait.ge [sflag:s14], $0x1900  }
0x266: {  	[sflag:s14] =	ssyncset.done $0x0  }
0x267: {  	[sflag:s14] =	ssyncadd.s32 $0xFFFFE700  }
0x268: {  	[spmem:s28] =	stream.linear.scatter [tilespmem:s13], [sflag:$0x2], $0x1900, $0x38;
	[tilespmem:$0x1FE70] =	vst v63  }
0x269: {  	_ =	swait.ge [sflag:s14], $0x1900  }
0x26a: {  	[sflag:s14] =	ssyncset.done $0x0  }
0x26b: {  	[sflag:s14] =	ssyncadd.s32 $0xFFFFE700  }
0x26c: {  	[spmem:s29] =	stream.linear.scatter [tilespmem:s13], [sflag:$0x2], $0x1900, $0x38;
	[tilespmem:$0x1FE70] =	vst v63  }
0x26d: {  	_ =	swait.ge [sflag:s14], $0x1900  }
0x26e: {  	[sflag:s14] =	ssyncset.done $0x0  }
0x26f: {  	[sflag:s14] =	ssyncadd.s32 $0xFFFFE700  }
0x270: {  	[spmem:s30] =	stream.linear.scatter [tilespmem:s13], [sflag:$0x2], $0x1900, $0x38;
	[tilespmem:$0x1FE70] =	vst v63  }
0x271: {  	_ =	swait.ge [sflag:s14], $0x1900  }
0x272: {  	[sflag:s14] =	ssyncset.done $0x0  }
0x273: {  	[sflag:s14] =	ssyncadd.s32 $0xFFFFE700  }
0x274: {  	[spmem:s31] =	stream.linear.scatter [tilespmem:s13], [sflag:$0x2], $0x1900, $0x38;
	[tilespmem:$0x1FE70] =	vst v63  }
0x275: {  	_ =	swait.ge [sflag:s14], $0x1900  }
0x276: {  	[sflag:s14] =	ssyncset.done $0x0  }
0x277: {  	[sflag:s14] =	ssyncadd.s32 $0xFFFFE700  }
0x278: {  	[spmem:s0] =	stream.linear.scatter [tilespmem:s13], [sflag:$0x2], $0x1900, $0x38;
	[tilespmem:$0x1FE70] =	vst v63  }
0x279: {  	_ =	swait.ge [sflag:s14], $0x1900  }
0x27a: {  	[sflag:s14] =	ssyncset.done $0x0  }
0x27b: {  	s8 =	simm.s32 $0x40;
	s9 =	simm.s32 $0x0;
	[sflag:s14] =	ssyncadd.s32 $0xFFFFE700  }
.LBB2_40:
0x27c: {  	p1 =	sne.s32 s8, $0x1100;
	[tilespmem:s9+$0x197D0] =	vst v6;
	s10 =	smov.u32 s8;
	s8 =	sadd.s32 $0x40, s8  }
.Ltmp28:
0x27d: {  	[tilespmem:s9+$0x19C20] =	vst v7;
	(pc) =	sbr.rel @p1 .LBB2_40-.Ltmp28, $2  }
0x27e: {  	_ =	sdelay $0x2  }
0x27f: {  	s9 =	sshra.s32 s10, $0x2  }
.Ltmp29:
0x280: {  	(pc) =	sbr.rel .LBB2_42-.Ltmp29, $4  }
0x281: {  	[tilespmem:s9+$0x197D0] =	vst v6  }
0x282: {  	[tilespmem:s9+$0x19C20] =	vst v7  }
0x283: {  	[bflag:$0x0] =	sbarrier.arrive $0xFFFF  }
0x284: {  	s8 =	simm.s32 $0x0;
	v9 =	vimm.s32 $0x0;
	s9 =	simm.s32 $0x0  }
.LBB2_48:
0x285: {  	s9 =	sadd.s32 $0x1, s9  }
0x286: {  	p1 =	sne.s32 s9, $0x32  }
.Ltmp30:
0x287: {  	_ = 	snop;
	(pc) =	sbr.rel @!p1 .LBB2_49-.Ltmp30, $1  }
0x288: {  	_ =	sdelay $0x3  }
.LBB2_42:
0x289: {  	s10 =	smul.u32 $0x7D0, s9;
	_ =	sdelay $0x1  }
0x28a: {  	s10 =	sadd.s32 s1, s10  }
0x28b: {  	s11 =	sshrl.u32 s10, $0x3  }
.Ltmp31:
0x28c: {  	s11 =	sadd.s32 s4, s11;
	(pc) =	sbr.rel .LBB2_43-.Ltmp31, $4  }
0x28d: {  	[tilespmem:s15], [sflag:$0x2] =	stream.linear.gather [hbm4b:s11+s8], $0x7D0, $0x38;
	[tilespmem:$0x1FE70] =	vst v63  }
0x28e: {  	_ =	swait.ge [sflag:s14], $0x7D0  }
0x28f: {  	[sflag:s14] =	ssyncset.done $0x0  }
0x290: {  	s11 =	simm.s32 $0x0;
	[sflag:s14] =	ssyncadd.s32 $0xFFFFF830  }
.LBB2_46:
0x291: {  	[tilespmem:s24+$0x197D0] =	vst v6  }
0x292: {  	[tilespmem:s24+$0x19C20] =	vst v7  }
.LBB2_47:
0x293: {  	s11 =	sadd.s32 $0x1, s11  }
0x294: {  	p2 =	sne.s32 s11, $0x19  }
.Ltmp32:
0x295: {  	_ = 	snop;
	(pc) =	sbr.rel @!p2 .LBB2_48-.Ltmp32, $3  }
0x296: {  	_ =	sdelay $0x1  }
0x297: {  	p1 =	sgt.s32 s22, $0x0  }
0x298: {  	v9 =	vpsel p1, $0x0, v9  }
.LBB2_43:
0x299: {  	s22 =	smul.u32 $0x50, s11;
	_ =	sdelay $0x1  }
0x29a: {  	v10 =	vld [tilespmem:s22+$0x19000];
	_ =	sdelay $0x1  }
0x29b: {  	v11 =	vadd.s32 v8, v9;
	_ =	sdelay $0x2  }
0x29c: {  	s23 =	sadd.s32 s10, s22;
	v10 =	vsub.s32 v10, v3  }
0x29d: {  	v12 =	vor.u32 s23, v5;
	vm0 =	vlt.u32 v10, $0x186A0;
	v10 =	vmin.u32 v10, $0x186A0  }
0x29e: {  	[tilespmem:v11+s16+$0x0] =	vst.idx.msk $0xffff, v10;
	v10 =	vnsel vm0, $0x0, v12  }
0x29f: {  	[tilespmem:v11+s17+$0x0] =	vst.idx.msk $0xffff, v10  }
0x2a0: {  	v10 =	vsel vm0, $0x1, v7;
	v11 =	vld [tilespmem:s22+$0x19010]  }
0x2a1: {  	v9 =	vadd.s32 v10, v9  }
0x2a2: {  	v10 =	vadd.s32 v8, v9;
	_ =	sdelay $0x2  }
0x2a3: {  	s24 =	sadd.s32 $0x10, s23;
	v11 =	vsub.s32 v11, v3  }
0x2a4: {  	v59 =	vor.u32 s24, v5;
	vm12 =	vlt.u32 v11, $0x186A0;
	v11 =	vmin.u32 v11, $0x186A0  }
0x2a5: {  	[tilespmem:v10+s16+$0x0] =	vst.idx.msk $0xffff, v11;
	v11 =	vnsel vm12, $0x0, v59  }
0x2a6: {  	[tilespmem:v10+s17+$0x0] =	vst.idx.msk $0xffff, v11  }
0x2a7: {  	v10 =	vsel vm12, $0x1, v7;
	v11 =	vld [tilespmem:s22+$0x19020]  }
0x2a8: {  	v9 =	vadd.s32 v10, v9  }
0x2a9: {  	v10 =	vadd.s32 v8, v9;
	_ =	sdelay $0x2  }
0x2aa: {  	s25 =	sadd.s32 $0x20, s23;
	v11 =	vsub.s32 v11, v3  }
0x2ab: {  	v60 =	vor.u32 s25, v5;
	vm13 =	vlt.u32 v11, $0x186A0;
	v11 =	vmin.u32 v11, $0x186A0  }
0x2ac: {  	[tilespmem:v10+s16+$0x0] =	vst.idx.msk $0xffff, v11;
	v11 =	vnsel vm13, $0x0, v60  }
0x2ad: {  	[tilespmem:v10+s17+$0x0] =	vst.idx.msk $0xffff, v11  }
0x2ae: {  	v10 =	vsel vm13, $0x1, v7;
	v11 =	vld [tilespmem:s22+$0x19030]  }
0x2af: {  	v9 =	vadd.s32 v10, v9  }
0x2b0: {  	v10 =	vadd.s32 v8, v9;
	_ =	sdelay $0x2  }
0x2b1: {  	s25 =	sadd.s32 $0x30, s23;
	v11 =	vsub.s32 v11, v3  }
0x2b2: {  	v61 =	vor.u32 s25, v5;
	vm14 =	vlt.u32 v11, $0x186A0;
	v11 =	vmin.u32 v11, $0x186A0  }
0x2b3: {  	[tilespmem:v10+s16+$0x0] =	vst.idx.msk $0xffff, v11;
	v11 =	vnsel vm14, $0x0, v61  }
0x2b4: {  	[tilespmem:v10+s17+$0x0] =	vst.idx.msk $0xffff, v11  }
0x2b5: {  	v10 =	vld [tilespmem:s22+$0x19040];
	_ =	sdelay $0x4  }
0x2b6: {  	v10 =	vsub.s32 v10, v3  }
0x2b7: {  	v11 =	vsel vm14, $0x1, v7;
	vm15 =	vlt.u32 v10, $0x186A0  }
0x2b8: {  	v11 =	vadd.s32 v11, v9;
	v9 =	vsel vm15, $0x1, v7  }
0x2b9: {  	v9 =	vadd.s32 v9, v11  }
0x2ba: {  	vm1 =	vgt.s32 v9, $0x3F  }
0x2bb: {  	v62 =	vmpcnt.ones.xlane vm1;
	_ =	sdelay $0x1  }
0x2bc: {  	(v2sf) =	vpush v62, $0x0;
	_ =	sdelay $0xe  }
0x2bd: {  	v11 =	vadd.s32 v8, v11;
	s22 =	spop (v2sf)  }
0x2be: {  	p1 =	slt.s32 s22, $0x1  }
.Ltmp33:
0x2bf: {  	_ = 	snop;
	(pc) =	sbr.rel @p1 .LBB2_47-.Ltmp33, $4  }
0x2c0: {  	s25 =	sadd.s32 $0x40, s23  }
0x2c1: {  	v63 =	vor.u32 s25, v5;
	v10 =	vmin.u32 v10, $0x186A0  }
0x2c2: {  	[tilespmem:v11+s16+$0x0] =	vst.idx.msk $0xffff, v10;
	v10 =	vnsel vm15, $0x0, v63  }
0x2c3: {  	[tilespmem:v11+s17+$0x0] =	vst.idx.msk $0xffff, v10  }
0x2c4: {  	[tilespmem:s19], [sflag:$0x1] =	stream.indirect.gather [hbm4b:s5+s18], $0x10, s17, s18, $0xb8;
	[tilespmem:$0x1FE70] =	vst v63  }
0x2c5: {  	_ =	swait.ge [sflag:s20], $0x4500  }
0x2c6: {  	[sflag:s20] =	ssyncset.done $0x0  }
0x2c7: {  	[sflag:s20] =	ssyncadd.s32 $0xFFFFBB00  }
0x2c8: {  	[spmem:s2] =	stream.indirect.scatter.add.f32 [tilespmem:s19], [sflag:$0x2], $0x10, s16, s18, $0xb8;
	[tilespmem:$0x1FE70] =	vst v63  }
0x2c9: {  	_ =	swait.ge [sflag:s14], $0x4500  }
0x2ca: {  	[sflag:s14] =	ssyncset.done $0x0  }
0x2cb: {  	s23 =	simm.s32 $0x40;
	s24 =	simm.s32 $0x0;
	[sflag:s14] =	ssyncadd.s32 $0xFFFFBB00  }
.LBB2_45:
0x2cc: {  	p1 =	sne.s32 s23, $0x1100;
	[tilespmem:s24+$0x197D0] =	vst v6;
	s25 =	smov.u32 s23;
	s23 =	sadd.s32 $0x40, s23  }
.Ltmp34:
0x2cd: {  	[tilespmem:s24+$0x19C20] =	vst v7;
	(pc) =	sbr.rel @p1 .LBB2_45-.Ltmp34, $2  }
0x2ce: {  	_ =	sdelay $0x2  }
0x2cf: {  	s24 =	sshra.s32 s25, $0x2  }
.Ltmp35:
0x2d0: {  	_ = 	snop;
	(pc) =	sbr.rel .LBB2_46-.Ltmp35, $1  }
0x2d1: {  	_ =	sdelay $0x3  }
.LBB2_49:
0x2d2: {  	[tilespmem:s19], [sflag:$0x1] =	stream.indirect.gather [hbm4b:s5+s18], $0x10, s17, s18, $0xb8;
	[tilespmem:$0x1FE70] =	vst v63  }
0x2d3: {  	_ =	swait.ge [sflag:s20], $0x4500  }
0x2d4: {  	[sflag:s20] =	ssyncset.done $0x0  }
0x2d5: {  	[sflag:s20] =	ssyncadd.s32 $0xFFFFBB00  }
0x2d6: {  	[spmem:s2] =	stream.indirect.scatter.add.f32 [tilespmem:s19], [sflag:$0x2], $0x10, s16, s18, $0xb8;
	[tilespmem:$0x1FE70] =	vst v63  }
0x2d7: {  	_ =	swait.ge [sflag:s14], $0x4500  }
0x2d8: {  	[sflag:s14] =	ssyncset.done $0x0  }
0x2d9: {  	s8 =	simm.s32 $0x40;
	s9 =	simm.s32 $0x0;
	[sflag:s14] =	ssyncadd.s32 $0xFFFFBB00  }
.LBB2_50:
0x2da: {  	p1 =	sne.s32 s8, $0x1100;
	[tilespmem:s9+$0x197D0] =	vst v6;
	s10 =	smov.u32 s8;
	s8 =	sadd.s32 $0x40, s8  }
.Ltmp36:
0x2db: {  	[tilespmem:s9+$0x19C20] =	vst v7;
	(pc) =	sbr.rel @p1 .LBB2_50-.Ltmp36, $2  }
0x2dc: {  	_ =	sdelay $0x2  }
0x2dd: {  	s9 =	sshra.s32 s10, $0x2  }
0x2de: {  	[tilespmem:s9+$0x197D0] =	vst v6  }
0x2df: {  	[tilespmem:s9+$0x19C20] =	vst v7  }
0x2e0: {  	[bflag:$0x0] =	sbarrier.arrive $0xFFFF  }
0x2e1: {  	s8 =	simm.s32 @p0 $0x1FC2;
	s9 =	rddreg [dreg:$0x11]  }
0x2e2: {  	[hbm:s9], [sflag:s8] =	dma.local @p0 [spmem:s21], $0x3020  }
0x2e3: {  	s8 =	simm.s32 @p0 $0x2  }
0x2e4: {  	_ =	swait.ge @p0 [sflag:s8], $0x3020  }
0x2e5: {  	[sflag:s8] =	ssyncset.done @p0 $0x0  }
0x2e6: {  	[sflag:s8] =	ssyncadd.s32 @p0 $0xFFFFCFE0;
	s8 =	rddreg [dreg:$0xf]  }
0x2e7: {  	[hbm:s8], [sflag:s12] =	dma.local @!p0 [spmem:s7], $0x30E0  }
0x2e8: {  	s7 =	simm.s32 @!p0 $0x2  }
0x2e9: {  	_ =	swait.ge @!p0 [sflag:s7], $0x30E0  }
0x2ea: {  	s3 =	sadd.s32 $0x1, s3;
	s25 =	rddreg [dreg:$0x12]  }
0x2eb: {  	p1 =	sne.s32 s3, s25  }
.Ltmp37:
0x2ec: {  	_ = 	snop;
	(pc) =	sbr.rel @p1 .LBB2_1-.Ltmp37, $3  }
0x2ed: {  	[sflag:s7] =	ssyncset.done @!p0 $0x0  }
0x2ee: {  	[sflag:s7] =	ssyncadd.s32 @!p0 $0xFFFFCF20  }
0x2ef: {  	[bflag:$0x0] =	sbarrier.arrive $0xFFFF;
	_ =	sdelay $0x1  }
0x2f0: {  	_ =	sfence.sel $0x180000  }
0x2f1: {  	[bflag:$0x0] =	sbarrier.arrive $0xFFFF  }
0x2f2: {  	_ =	strace $0x9000004D  }
0x2f3: {  	s0 =	stileid.u32;
	[bflag:$0x2] =	sbarrier.arrive $0xFFFF  }
0x2f4: {  	p0 =	sne.s32 s0, $0x0;
	s0 =	rddreg [dreg:$0x3]  }
0x2f5: {  	s0 =	sadd.s32 @!p0 $0x100000, s0  }
0x2f6: {  	[sflag:s0] =	ssyncadd.tile.s32 @!p0 $0x1;
	_ =	shalt  }
.Lfunc_end2:
_tile_overlayer_lowered:
.L_overlay_start_2:
0x2f7: {  	(tag) =	ssettag $0x2  }
0x2f8: {  	s0 =	rddreg [dreg:$0x0];
	s2 =	stileid.u32  }
0x2f9: {  	s1 =	rddreg [dreg:$0x1];
	p0 =	sne.s32 s2, $0x0  }
0x2fa: {  	s3 =	rddreg [dreg:$0x2];
	[bflag:$0x3] =	sbarrier.arrive $0xFFFF;
	s2 =	simm.s32 @!p0 $0x1C02  }
0x2fb: {  	[timem:s3], [sflag:s2] =	dma.local @!p0 [hbm:s0], s1  }
0x2fc: {  	s0 =	simm.s32 @!p0 $0x2  }
0x2fd: {  	_ =	swait.ge @!p0 [sflag:s0], s1  }
0x2fe: {  	s1 =	ssub.s32 @!p0 $0x0, s1;
	[sflag:s0] =	ssyncset.done @!p0 $0x0  }
0x2ff: {  	[sflag:s0] =	ssyncadd.s32 @!p0 s1  }
0x300: {  	[bflag:$0x3] =	sbarrier.arrive $0xFFFF  }
0x301: {  	_ =	shalt  }

// kernel: kernel.7.cloned.1.call-start
scs
__scs_entry_jumppad:
0x0: {  	(pc) =	sbr.rel $0x88, $3  }
0x1: {  	(tag) =	ssettag $0x0;
	lr =	simm.s32 $0x1  }
0x2: {  	[smem:$0x3F93] =	sst lr;
	_ =	strace $0xD0000000  }
0x3: {  	_ = 	snop  }
0x4: {  	_ = 	snop  }
0x5: {  	_ = 	snop  }
0x6: {  	_ = 	snop  }
0x7: {  	_ = 	snop  }
__scs_overlays_trampoline_lowered:
0x8: {  	[smem:$0x3FA2] =	sst s0  }
0x9: {  	[smem:$0x3FA3] =	sst s1  }
0xa: {  	[smem:$0x3FA4] =	sst s2  }
0xb: {  	[smem:$0x3FA5] =	sst s3  }
0xc: {  	[smem:$0x3FA6] =	sst s4  }
0xd: {  	[smem:$0x3FA7] =	sst s5  }
0xe: {  	[smem:$0x3FA8] =	sst s6  }
0xf: {  	[smem:$0x3FA9] =	sst s7  }
0x10: {  	[smem:$0x3FAA] =	sst s8  }
0x11: {  	[smem:$0x3FAB] =	sst s9;
	s0 =	simm.s32 @!p0 $0x0  }
0x12: {  	s1 =	sld [smem:$0x3F91];
	s0 =	simm.s32 @p0 $0x1  }
0x13: {  	[smem:$0x3FAC] =	sst s0;
	s0 =	simm.s32 @!p1 $0x0  }
0x14: {  	s2 =	sld [smem:$0x3F90];
	s0 =	simm.s32 @p1 $0x1  }
0x15: {  	[smem:$0x3FAD] =	sst s0;
	s0 =	simm.s32 @!p2 $0x0  }
0x16: {  	s3 =	sld [smem:$0x3FDB];
	s0 =	simm.s32 @p2 $0x1  }
0x17: {  	s4 =	simm.s32 $0x1BF5;
	[smem:$0x3FAF] =	sst s0  }
0x18: {  	s0 =	sld [smem:$0x3F92];
	_ =	swait.ge [sflag:s4], $0x0  }
0x19: {  	s7 =	sld [smem:$0x3F93]  }
0x1a: {  	s8 =	sadd.s32 $0xFFFFE003, lr  }
0x1b: {  	s9 =	sadd.s32 $0xFFFFFEF7, lr;
	s5 =	simm.s32 $0xFFFFFFFF;
	p2 =	slt.u32 s8, $0xFFFFF086  }
0x1c: {  	p1 =	slt.u32 s9, $0xF7A;
	s5 =	simm.s32 @!p2 $0x0  }
0x1d: {  	s5 =	simm.s32 @p1 $0x1;
	p0 =	seq.s32 s7, s2  }
0x1e: {  	s7 =	smul.u32 @!p0 $0xF7A, s2;
	p2 =	seq.s32 @!p0 s5, $0x0  }
0x1f: {  	s9 =	smul.u32 $0xF7A, s1;
	s8 =	simm.s32 @!p0 $0x1BF5;
	p2 =	por !p2, p0  }
0x20: {  	[sflag:s8] =	ssyncset.s32 @!p0 $0xFFFFF086;
	s6 =	sadd.s32 @!p0 s3, s7;
	s7 =	simm.s32 @!p0 $0x108  }
0x21: {  	s3 =	sadd.s32 s3, s9;
	s6 =	sadd.s32 @!p0 $0x88, s6;
	s7 =	simm.s32 @p2 $0x1082  }
0x22: {  	[simem:s7], [sflag:s8] =	dma.local @!p0 [hbm:s6], $0xF7A  }
0x23: {  	s9 =	sor.u32 $0xD0000000, s2;
	s6 =	simm.s32 $0x108;
	_ =	swait.ge @!p0 [sflag:s8], $0x0  }
0x24: {  	s3 =	sadd.s32 $0x88, s3;
	s6 =	simm.s32 @!p1 $0x1082;
	[sflag:s4] =	ssyncset.s32 $0xFFFFF086  }
0x25: {  	[simem:s6], [sflag:s4] =	dma.local [hbm:s3], $0xF7A  }
0x26: {  	[smem:$0x3F93] =	sst s1;
	(tag) =	ssettag s2;
	_ =	strace s9  }
0x27: {  	s1 =	sld [smem:$0x3FA3]  }
0x28: {  	s2 =	sld [smem:$0x3FA4]  }
0x29: {  	s4 =	sld [smem:$0x3FA6]  }
0x2a: {  	p0 =	seq.s32 s5, $0x0;
	s5 =	sld [smem:$0x3FA7]  }
0x2b: {  	s6 =	sld [smem:$0x3FA8]  }
0x2c: {  	s7 =	sld [smem:$0x3FA9]  }
0x2d: {  	s3 =	simm.s32 $0x108;
	s8 =	sld [smem:$0x3FAA]  }
0x2e: {  	s3 =	simm.s32 @!p0 $0x1082;
	s9 =	sld [smem:$0x3FAB]  }
0x2f: {  	lr =	sadd.s32 s0, s3;
	s0 =	sld [smem:$0x3FA2]  }
0x30: {  	s3 =	sld [smem:$0x3FA5]  }
0x31: {  	[smem:$0x3FAE] =	sst s10  }
0x32: {  	s10 =	sld [smem:$0x3FAC];
	_ =	sdelay $0x3  }
0x33: {  	p0 =	seq.s32 s10, $0x1;
	s10 =	sld [smem:$0x3FAE];
	_ =	sdelay $0x3  }
0x34: {  	[smem:$0x3FAE] =	sst s10  }
0x35: {  	s10 =	sld [smem:$0x3FAD];
	_ =	sdelay $0x3  }
0x36: {  	p1 =	seq.s32 s10, $0x1;
	s10 =	sld [smem:$0x3FAE];
	_ =	sdelay $0x3  }
0x37: {  	[smem:$0x3FAE] =	sst s10  }
0x38: {  	s10 =	sld [smem:$0x3FAF]  }
0x39: {  	_ = 	snop;
	(pc) =	sbr.ind lr, $3  }
0x3a: {  	_ = 	snop  }
0x3b: {  	_ = 	snop  }
0x3c: {  	p2 =	seq.s32 s10, $0x1;
	s10 =	sld [smem:$0x3FAE]  }
0x3d: {  	_ =	shalt  }
0x3e: {  	_ =	shalt  }
0x3f: {  	_ =	shalt  }
0x40: {  	_ =	shalt  }
0x41: {  	_ =	shalt  }
0x42: {  	_ =	shalt  }
0x43: {  	_ =	shalt  }
0x44: {  	_ =	shalt  }
0x45: {  	_ =	shalt  }
0x46: {  	_ =	shalt  }
0x47: {  	_ =	shalt  }
0x48: {  	_ =	shalt  }
0x49: {  	_ =	shalt  }
0x4a: {  	_ =	shalt  }
0x4b: {  	_ =	shalt  }
0x4c: {  	_ =	shalt  }
0x4d: {  	_ =	shalt  }
0x4e: {  	_ =	shalt  }
0x4f: {  	_ =	shalt  }
0x50: {  	_ =	shalt  }
0x51: {  	_ =	shalt  }
0x52: {  	_ =	shalt  }
0x53: {  	_ =	shalt  }
0x54: {  	_ =	shalt  }
0x55: {  	_ =	shalt  }
0x56: {  	_ =	shalt  }
0x57: {  	_ =	shalt  }
0x58: {  	_ =	shalt  }
0x59: {  	_ =	shalt  }
0x5a: {  	_ =	shalt  }
0x5b: {  	_ =	shalt  }
0x5c: {  	_ =	shalt  }
0x5d: {  	_ =	shalt  }
0x5e: {  	_ =	shalt  }
0x5f: {  	_ =	shalt  }
0x60: {  	_ =	shalt  }
0x61: {  	_ =	shalt  }
0x62: {  	_ =	shalt  }
0x63: {  	_ =	shalt  }
0x64: {  	_ =	shalt  }
0x65: {  	_ =	shalt  }
0x66: {  	_ =	shalt  }
0x67: {  	_ =	shalt  }
0x68: {  	_ =	shalt  }
0x69: {  	_ =	shalt  }
0x6a: {  	_ =	shalt  }
0x6b: {  	_ =	shalt  }
0x6c: {  	_ =	shalt  }
0x6d: {  	_ =	shalt  }
0x6e: {  	_ =	shalt  }
0x6f: {  	_ =	shalt  }
0x70: {  	_ =	shalt  }
0x71: {  	_ =	shalt  }
0x72: {  	_ =	shalt  }
0x73: {  	_ =	shalt  }
0x74: {  	_ =	shalt  }
0x75: {  	_ =	shalt  }
0x76: {  	_ =	shalt  }
0x77: {  	_ =	shalt  }
0x78: {  	_ =	shalt  }
0x79: {  	_ =	shalt  }
0x7a: {  	_ =	shalt  }
0x7b: {  	_ =	shalt  }
0x7c: {  	_ =	shalt  }
0x7d: {  	_ =	shalt  }
0x7e: {  	_ =	shalt  }
0x7f: {  	_ =	shalt  }
0x80: {  	_ =	shalt  }
0x81: {  	_ =	shalt  }
0x82: {  	_ =	shalt  }
0x83: {  	_ =	shalt  }
0x84: {  	_ =	shalt  }
0x85: {  	_ =	shalt  }
0x86: {  	_ =	shalt  }
0x87: {  	_ =	shalt  }
.Lfunc_end0:
.L_simem_size_0:
called_computation_lowered:
.L_overlay_start_0:
0x88: {  	s2 =	sld [smem:$0x3FD9]  }
0x89: {  	s3 =	sld [smem:$0x3FFE];
	_ =	sdelay $0x1  }
0x8a: {  	s1 =	srdreg.scid  }
0x8b: {  	s0 =	sand.u32 $0x1, s1  }
0x8c: {  	s17 =	sshll.u32 s0, $0xA;
	s2 =	sadd.s32 s3, s2  }
0x8d: {  	s2 =	sadd.s32 s2, s17  }
0x8e: {  	[smem:$0x3FBA] =	sst s2  }
0x8f: {  	_ = 	snop  }
0x90: {  	s2 =	sld [smem:$0x3FD0];
	(tm) =	ssettm $0x1  }
0x91: {  	s18 =	sld [smem:$0x3FFB];
	_ =	sdelay $0x3  }
0x92: {  	_ =	strace s18  }
0x93: {  	s3 =	sld [smem:$0x3FFC];
	_ =	sdelay $0x3  }
0x94: {  	_ =	strace s3  }
0x95: {  	s3 =	sld [smem:$0x3FFD];
	_ =	sdelay $0x3  }
0x96: {  	_ =	strace s3  }
0x97: {  	_ =	strace $0x8FFFFFFF  }
0x98: {  	s19 =	sld [smem:$0x3FDB];
	_ =	sdelay $0x1  }
0x99: {  	s4 =	simm.s32 $_scs_section_size  }
0x9a: {  	s5 =	simm.s32 $_size__tile_overlayer_lowered;
	s6 =	simm.s32 $_tile_overlayer_lowered  }
0x9b: {  	s22 =	simm.s32 $0x1BFF;
	s21 =	sshll.u32 s6, $0x1;
	s3 =	sadd.s32 s4, s19  }
0x9c: {  	s7 =	simm.s32 $0x0;
	s20 =	sshll.u32 s5, $0x1;
	s5 =	sadd.s32 s21, s3  }
0x9d: {  	[timem:s7], [sflag:s22] =	dma.local [hbm:s5], s20  }
0x9e: {  	_ =	swait.ge [sflag:s22], s20  }
0x9f: {  	s4 =	ssub.s32 $0x0, s20;
	[sflag:s22] =	ssyncset.done $0x0  }
0xa0: {  	[sflag:s22] =	ssyncadd.s32 s4;
	_ =	sdelay $0x1  }
0xa1: {  	s23 =	simm.s32 $0x1B8B  }
0xa2: {  	_ =	swait.ge [sflag:s23], $0x1  }
0xa3: {  	[sflag:s23] =	ssyncset.done $0x0  }
0xa4: {  	s25 =	simm.s32 $0x1B8E;
	s24 =	sld [smem:$0x3FFE];
	[sflag:s23] =	ssyncadd.s32 $0xFFFFFFFF  }
0xa5: {  	s26 =	simm.s32 $execute0_lowered;
	[smem:$0x3FD2] =	sst s25  }
0xa6: {  	s5 =	sshll.u32 s26, $0x1;
	_ =	strace $0x80000046;
	[dreg:$0x1] =	wrdreg $0xFFFFFFFF  }
0xa7: {  	s28 =	simm.s32 $_size_execute0_lowered;
	s3 =	sadd.s32 s3, s5;
	[dreg:$0x0] =	wrdreg $0x0  }
0xa8: {  	s5 =	sshll.u32 s28, $0x1;
	[dreg:$0x2] =	wrdreg s3  }
0xa9: {  	[dreg:$0x3] =	wrdreg s5  }
0xaa: {  	[dreg:$0x4] =	wrdreg $0xC0  }
0xab: {  	_ =	task [dreg:s7], $0x5FFFF  }
0xac: {  	[dreg:$0x1] =	wrdreg $0xFFFFFFFF  }
0xad: {  	[dreg:$0x0] =	wrdreg $0x60  }
0xae: {  	[dreg:$0x2] =	wrdreg s2  }
0xaf: {  	[dreg:$0x3] =	wrdreg s24  }
0xb0: {  	[dreg:$0x4] =	wrdreg $0xA  }
0xb1: {  	_ =	task.clear_ibuf [dreg:s7], $0x5FFFF;
	_ =	strace $0x90000046  }
0xb2: {  	s29 =	simm.s32 $0xA;
	_ =	strace $0x80000048  }
0xb3: {  	_ =	swait.ge [sflag:s29], $0x1  }
0xb4: {  	[sflag:s29] =	ssyncadd.s32 $0xFFFFFFFF  }
0xb5: {  	_ =	strace $0x90000048  }
0xb6: {  	_ =	sfence  }
0xb7: {  	s30 =	sld [smem:$0x0];
	_ =	sdelay $0x2  }
0xb8: {  	s31 =	sshll.u32 s1, $0xD;
	s1 =	sshrl.u32 s1, $0x2  }
0xb9: {  	s3 =	sand.u32 $0x4000, s31;
	s1 =	sadd.s32 s1, s30  }
0xba: {  	s0 =	sor.u32 s3, s0;
	s1 =	sshll.u32 s1, $0x11  }
0xbb: {  	s0 =	sor.u32 s1, s0  }
0xbc: {  	s0 =	sadd.s32 $0x8F2B, s0  }
0xbd: {  	[sflag:s0] =	ssyncadd.remote.s32 $0x1  }
0xbe: {  	_ =	sfence.sel $0xFFFF  }
0xbf: {  	[dreg:$0x0] =	wrdreg $0xFFFFFFFF;
	(pc) =	sbr.abs _section_cstart, $3  }
0xc0: {  	[dreg:$0x1] =	wrdreg $0xFFFFFFFF  }
0xc1: {  	_ =	task.clear_ibuf [dreg:s7], $0x2FFFF;
	_ =	strace $0x9FFFFFFF  }
0xc2: {  	(tm) =	ssettm $0x7FFFFFFF  }
0xc3: {  	_ =	shalt  }
tec
execute0_lowered:
.L_overlay_start_1:
0x0: {  	(tag) =	ssettag $0x1  }
0x1: {  	s2 =	rddreg [dreg:$0x0]  }
0x2: {  	s4 =	rddreg [dreg:$0x1]  }
0x3: {  	s0 =	rddreg [dreg:$0x2];
	s1 =	stileid.u32  }
0x4: {  	s5 =	srdreg.scid;
	s6 =	smul.u32 $0x186A0, s1  }
0x5: {  	s3 =	simm.s32 $0x0;
	s5 =	sand.u32 $0x1, s5;
	s8 =	smul.u32 $0x30D40, s1  }
0x6: {  	s11 =	simm.s32 $0x1;
	s12 =	simm.s32 $0x0;
	s7 =	smul.u32 $0xC350, s5  }
0x7: {  	[smem:$0x7FF] =	sst s3;
	s29 =	ssub.s32 $0x2, s5;
	s5 =	smul.u32 $0x186A0, s5  }
0x8: {  	_ =	strace $0x80000047;
	s8 =	sadd.s32 s8, s4;
	s9 =	sshrl.u32 s29, $0x1  }
0x9: {  	s6 =	sadd.s32 s7, s6;
	s30 =	ssub.s32 s29, s9;
	s31 =	sadd.s32 s5, s8  }
0xa: {  	s9 =	simm.s32 $0x2;
	s6 =	sshrl.u32 s6, $0x3;
	s5 =	sadd.s32 $0xC99E00, s31  }
0xb: {  	s10 =	sadd.s32 s6, s4;
	s4 =	smax.u32 s30, $0x1;
	s6 =	sadd.s32 $0xFA7200, s31  }
0xc: {  	s7 =	sadd.s32 $0x3200, s10;
	s8 =	sadd.s32 $0x34000, s10;
	s10 =	simm.s32 $0x7D0  }
.LBB2_1:
0xd: {  	s13 =	sadd.s32 $0x0, s8  }
0xe: {  	[tilespmem:s3], [sflag:$0x2] =	stream.linear.gather [hbm4b:s13+s3], $0x7D0, $0x38;
	[tilespmem:$0x84D0] =	vst v63  }
0xf: {  	_ =	swait.ge [sflag:s9], $0x7D0  }
0x10: {  	[sflag:s9] =	ssyncset.done $0x0  }
0x11: {  	[sflag:s9] =	ssyncadd.s32 $0xFFFFF830  }
0x12: {  	[tilespmem:s10], [sflag:$0x1] =	stream.indirect.gather [hbm4b:s2+s10], $0x10, s3, s10, $0xb8;
	[tilespmem:$0x84D0] =	vst v63  }
0x13: {  	_ =	swait.ge [sflag:s11], $0x7D00  }
0x14: {  	[sflag:s11] =	ssyncset.done $0x0  }
0x15: {  	[sflag:s11] =	ssyncadd.s32 $0xFFFF8300  }
0x16: {  	[hbm4b:s6+s3] =	stream.linear.scatter [tilespmem:s10], [sflag:$0x2], $0x7D00, $0x38;
	[tilespmem:$0x84D0] =	vst v63  }
0x17: {  	_ =	swait.ge [sflag:s9], $0x7D00  }
0x18: {  	[sflag:s9] =	ssyncset.done $0x0  }
0x19: {  	s31 =	sadd.s32 $0x0, s7;
	[sflag:s9] =	ssyncadd.s32 $0xFFFF8300  }
0x1a: {  	[tilespmem:s3], [sflag:$0x2] =	stream.linear.gather [hbm4b:s31+s3], $0x7D0, $0x38;
	[tilespmem:$0x84D0] =	vst v63  }
0x1b: {  	_ =	swait.ge [sflag:s9], $0x7D0  }
0x1c: {  	[sflag:s9] =	ssyncset.done $0x0  }
0x1d: {  	[sflag:s9] =	ssyncadd.s32 $0xFFFFF830  }
0x1e: {  	[tilespmem:s10], [sflag:$0x1] =	stream.indirect.gather [hbm4b:s2+s10], $0x10, s3, s10, $0xb8;
	[tilespmem:$0x84D0] =	vst v63  }
0x1f: {  	_ =	swait.ge [sflag:s11], $0x7D00  }
0x20: {  	[sflag:s11] =	ssyncset.done $0x0  }
0x21: {  	[sflag:s11] =	ssyncadd.s32 $0xFFFF8300  }
0x22: {  	[hbm4b:s5+s3] =	stream.linear.scatter [tilespmem:s10], [sflag:$0x2], $0x7D00, $0x38;
	[tilespmem:$0x84D0] =	vst v63  }
0x23: {  	s14 =	simm.s32 $0xFA;
	s16 =	simm.s32 $0x1F4;
	_ =	swait.ge [sflag:s9], $0x7D00  }
0x24: {  	s15 =	sadd.s32 $0xFA0, s6;
	s13 =	sadd.s32 $0xFA0, s5;
	[sflag:s9] =	ssyncset.done $0x0  }
.LBB2_2:
0x25: {  	s17 =	sadd.s32 s14, s8  }
0x26: {  	[sflag:s9] =	ssyncadd.s32 $0xFFFF8300;
	s18 =	smov.u32 s16;
	s19 =	sadd.s32 $0xFA, s16  }
0x27: {  	[tilespmem:s3], [sflag:$0x2] =	stream.linear.gather [hbm4b:s17+s3], $0x7D0, $0x38;
	[tilespmem:$0x84D0] =	vst v63  }
0x28: {  	p0 =	sne.s32 s16, $0x1770;
	_ =	swait.ge [sflag:s9], $0x7D0  }
0x29: {  	[sflag:s9] =	ssyncset.done $0x0  }
0x2a: {  	[sflag:s9] =	ssyncadd.s32 $0xFFFFF830  }
0x2b: {  	[tilespmem:s10], [sflag:$0x1] =	stream.indirect.gather [hbm4b:s2+s10], $0x10, s3, s10, $0xb8;
	[tilespmem:$0x84D0] =	vst v63  }
0x2c: {  	_ =	swait.ge [sflag:s11], $0x7D00  }
0x2d: {  	[sflag:s11] =	ssyncset.done $0x0  }
0x2e: {  	[sflag:s11] =	ssyncadd.s32 $0xFFFF8300  }
0x2f: {  	[hbm4b:s15+s3] =	stream.linear.scatter [tilespmem:s10], [sflag:$0x2], $0x7D00, $0x38;
	[tilespmem:$0x84D0] =	vst v63  }
0x30: {  	_ =	swait.ge [sflag:s9], $0x7D00  }
0x31: {  	[sflag:s9] =	ssyncset.done $0x0  }
0x32: {  	s16 =	sadd.s32 s14, s7;
	s14 =	smov.u32 s18;
	[sflag:s9] =	ssyncadd.s32 $0xFFFF8300  }
0x33: {  	[tilespmem:s3], [sflag:$0x2] =	stream.linear.gather [hbm4b:s16+s3], $0x7D0, $0x38;
	[tilespmem:$0x84D0] =	vst v63  }
0x34: {  	_ =	swait.ge [sflag:s9], $0x7D0  }
0x35: {  	[sflag:s9] =	ssyncset.done $0x0  }
0x36: {  	[sflag:s9] =	ssyncadd.s32 $0xFFFFF830  }
0x37: {  	[tilespmem:s10], [sflag:$0x1] =	stream.indirect.gather [hbm4b:s2+s10], $0x10, s3, s10, $0xb8;
	[tilespmem:$0x84D0] =	vst v63  }
0x38: {  	_ =	swait.ge [sflag:s11], $0x7D00  }
.Ltmp0:
0x39: {  	[sflag:s11] =	ssyncset.done $0x0;
	(pc) =	sbr.rel @p0 .LBB2_2-.Ltmp0, $4  }
0x3a: {  	[sflag:s11] =	ssyncadd.s32 $0xFFFF8300  }
0x3b: {  	[hbm4b:s13+s3] =	stream.linear.scatter [tilespmem:s10], [sflag:$0x2], $0x7D00, $0x38;
	[tilespmem:$0x84D0] =	vst v63  }
0x3c: {  	s15 =	sadd.s32 $0xFA0, s15;
	_ =	swait.ge [sflag:s9], $0x7D00  }
0x3d: {  	s16 =	smov.u32 s19;
	s13 =	sadd.s32 $0xFA0, s13;
	[sflag:s9] =	ssyncset.done $0x0  }
0x3e: {  	s16 =	sadd.s32 s14, s8;
	[sflag:s9] =	ssyncadd.s32 $0xFFFF8300  }
0x3f: {  	[tilespmem:s3], [sflag:$0x2] =	stream.linear.gather [hbm4b:s16+s3], $0x7D0, $0x38;
	[tilespmem:$0x84D0] =	vst v63  }
0x40: {  	_ =	swait.ge [sflag:s9], $0x7D0  }
0x41: {  	[sflag:s9] =	ssyncset.done $0x0  }
0x42: {  	[sflag:s9] =	ssyncadd.s32 $0xFFFFF830  }
0x43: {  	[tilespmem:s10], [sflag:$0x1] =	stream.indirect.gather [hbm4b:s2+s10], $0x10, s3, s10, $0xb8;
	[tilespmem:$0x84D0] =	vst v63  }
0x44: {  	_ =	swait.ge [sflag:s11], $0x7D00  }
0x45: {  	[sflag:s11] =	ssyncset.done $0x0  }
0x46: {  	[sflag:s11] =	ssyncadd.s32 $0xFFFF8300  }
0x47: {  	[hbm4b:s15+s3] =	stream.linear.scatter [tilespmem:s10], [sflag:$0x2], $0x7D00, $0x38;
	[tilespmem:$0x84D0] =	vst v63  }
0x48: {  	_ =	swait.ge [sflag:s9], $0x7D00  }
0x49: {  	[sflag:s9] =	ssyncset.done $0x0  }
0x4a: {  	s31 =	sadd.s32 s14, s7;
	[sflag:s9] =	ssyncadd.s32 $0xFFFF8300  }
0x4b: {  	[tilespmem:s3], [sflag:$0x2] =	stream.linear.gather [hbm4b:s31+s3], $0x7D0, $0x38;
	[tilespmem:$0x84D0] =	vst v63  }
0x4c: {  	_ =	swait.ge [sflag:s9], $0x7D0  }
0x4d: {  	[sflag:s9] =	ssyncset.done $0x0  }
0x4e: {  	[sflag:s9] =	ssyncadd.s32 $0xFFFFF830  }
0x4f: {  	[tilespmem:s10], [sflag:$0x1] =	stream.indirect.gather [hbm4b:s2+s10], $0x10, s3, s10, $0xb8;
	[tilespmem:$0x84D0] =	vst v63  }
0x50: {  	s12 =	sadd.s32 $0x1, s12;
	_ =	swait.ge [sflag:s11], $0x7D00  }
0x51: {  	p0 =	sne.s32 s12, s4;
	[sflag:s11] =	ssyncset.done $0x0  }
.Ltmp1:
0x52: {  	[sflag:s11] =	ssyncadd.s32 $0xFFFF8300;
	(pc) =	sbr.rel @p0 .LBB2_1-.Ltmp1, $4  }
0x53: {  	[hbm4b:s13+s3] =	stream.linear.scatter [tilespmem:s10], [sflag:$0x2], $0x7D00, $0x38;
	[tilespmem:$0x84D0] =	vst v63  }
0x54: {  	_ =	swait.ge [sflag:s9], $0x7D00  }
0x55: {  	[sflag:s9] =	ssyncset.done $0x0  }
0x56: {  	[sflag:s9] =	ssyncadd.s32 $0xFFFF8300  }
0x57: {  	_ =	sfence.sel $0x180000  }
0x58: {  	[bflag:$0x0] =	sbarrier.arrive $0xFFFF  }
0x59: {  	p0 =	sne.s32 s1, $0x0;
	_ =	strace $0x90000047  }
0x5a: {  	s0 =	sadd.s32 @!p0 $0x100000, s0;
	[bflag:$0x2] =	sbarrier.arrive $0xFFFF  }
0x5b: {  	[sflag:s0] =	ssyncadd.tile.s32 @!p0 $0x1;
	_ =	shalt  }
.Lfunc_end2:
_tile_overlayer_lowered:
.L_overlay_start_2:
0x5c: {  	(tag) =	ssettag $0x2  }
0x5d: {  	s0 =	rddreg [dreg:$0x0];
	s2 =	stileid.u32  }
0x5e: {  	s1 =	rddreg [dreg:$0x1];
	p0 =	sne.s32 s2, $0x0  }
0x5f: {  	s3 =	rddreg [dreg:$0x2];
	[bflag:$0x3] =	sbarrier.arrive $0xFFFF;
	s2 =	simm.s32 @!p0 $0x1C02  }
0x60: {  	[timem:s3], [sflag:s2] =	dma.local @!p0 [hbm:s0], s1  }
0x61: {  	s0 =	simm.s32 @!p0 $0x2  }
0x62: {  	_ =	swait.ge @!p0 [sflag:s0], s1  }
0x63: {  	s1 =	ssub.s32 @!p0 $0x0, s1;
	[sflag:s0] =	ssyncset.done @!p0 $0x0  }
0x64: {  	[sflag:s0] =	ssyncadd.s32 @!p0 s1  }
0x65: {  	[bflag:$0x3] =	sbarrier.arrive $0xFFFF  }
0x66: {  	_ =	shalt  }

</sc_bundles>
